<compile_context>
chip_gen: v7x
topology: tpu7x:2x2x1
jax: 0.10.2.dev20260603
libtpu: 0.0.44.dev20260713+nightly
codegen_flags: <defaults>
</compile_context>

<pallas_src>
import functools

import jax
import jax.numpy as jnp
from jax import lax
from jax.experimental import pallas as pl
from jax.experimental.pallas import tpu as pltpu
from jax.experimental.pallas import tpu_sc as plsc

_NC = 2
_NS = 16
_NW = _NC * _NS
_GCHUNK = 128
_ZCHUNK = 80

N_EDGE_BLK = 1600
N_NODE_BLK = 1000
D_X = 256
D_E = 16
D_H = 544
D_U = 272
D_SLAB = 128
D_TAIL = 128


def _sc_gather(x, idx2d):
    n_chunks = idx2d.shape[0]
    d = x.shape[1]
    per_w = (n_chunks + _NW - 1) // _NW
    mesh = plsc.VectorSubcoreMesh(core_axis_name="c", subcore_axis_name="s")

    @functools.partial(
        pl.kernel,
        mesh=mesh,
        out_type=jax.ShapeDtypeStruct((n_chunks * _GCHUNK, d), jnp.float32),
        scratch_types=[
            pltpu.VMEM((_GCHUNK,), jnp.int32),
            pltpu.VMEM((_GCHUNK,), jnp.int32),
            pltpu.VMEM((_GCHUNK, d), jnp.float32),
            pltpu.VMEM((_GCHUNK, d), jnp.float32),
            pltpu.SemaphoreType.DMA,
            pltpu.SemaphoreType.DMA,
            pltpu.SemaphoreType.DMA,
            pltpu.SemaphoreType.DMA,
            pltpu.SemaphoreType.DMA,
            pltpu.SemaphoreType.DMA,
        ],
    )
    def k(x_hbm, idx_hbm, out_hbm, idx0, idx1, rows0, rows1, is0, is1, gs0, gs1, ws0, ws1):
        wid = lax.axis_index("s") * _NC + lax.axis_index("c")
        idxs = (idx0, idx1)
        rows = (rows0, rows1)
        isems = (is0, is1)
        gsems = (gs0, gs1)
        wsems = (ws0, ws1)

        def cid_of(i):
            return wid + _NW * i

        @pl.when(cid_of(0) < n_chunks)
        def _():
            pltpu.async_copy(idx_hbm.at[cid_of(0)], idx0, is0)

        def half(i, b):
            cid = cid_of(i)
            cidm1 = cid_of(i - 1)
            cidm2 = cid_of(i - 2)
            bo = 1 - b

            @pl.when(jnp.logical_and(i >= 2, cidm2 < n_chunks))
            def _():
                pltpu.make_async_copy(
                    rows[b], out_hbm.at[pl.ds(cidm2 * _GCHUNK, _GCHUNK)], wsems[b]
                ).wait()

            @pl.when(cid < n_chunks)
            def _():
                pltpu.make_async_copy(idx_hbm.at[cid], idxs[b], isems[b]).wait()
                pltpu.async_copy(x_hbm.at[idxs[b]], rows[b], gsems[b])

            @pl.when(jnp.logical_and(i >= 1, cidm1 < n_chunks))
            def _():
                pltpu.make_async_copy(x_hbm.at[idxs[bo]], rows[bo], gsems[bo]).wait()
                pltpu.async_copy(
                    rows[bo], out_hbm.at[pl.ds(cidm1 * _GCHUNK, _GCHUNK)], wsems[bo]
                )

            @pl.when(cid_of(i + 1) < n_chunks)
            def _():
                pltpu.async_copy(idx_hbm.at[cid_of(i + 1)], idxs[bo], isems[bo])

        def body(o, carry):
            half(2 * o, 0)
            half(2 * o + 1, 1)
            return carry

        lax.fori_loop(0, (per_w + 2 + 1) // 2 + 1, body, 0)

    return k(x, idx2d)


def _zero_acc(data_v, acc, sid, n_zchunks, width, zsem):

    def zrow(i, c):
        for j in range(width // 16):
            data_v[i, pl.ds(j * 16, 16)] = jnp.zeros((16,), jnp.float32)
        return c

    lax.fori_loop(0, _ZCHUNK, zrow, 0)

    def zblk(i, c):
        k = sid + _NS * i

        @pl.when(k < n_zchunks)
        def _():
            pltpu.async_copy(
                data_v.at[pl.ds(0, _ZCHUNK)], acc.at[pl.ds(k * _ZCHUNK, _ZCHUNK)], zsem
            )

        return c

    n_it = (n_zchunks + _NS - 1) // _NS
    lax.fori_loop(0, n_it, zblk, 0)

    def zdrain(i, c):
        k = sid + _NS * i

        @pl.when(k < n_zchunks)
        def _():
            pltpu.make_async_copy(
                data_v.at[pl.ds(0, _ZCHUNK)], acc.at[pl.ds(k * _ZCHUNK, _ZCHUNK)], zsem
            ).wait()

        return c

    lax.fori_loop(0, n_it, zdrain, 0)


def _sc_scatter_main(u01, col2d, n_nodes):
    n_chunks = col2d.shape[0]
    n_zchunks = n_nodes // _ZCHUNK
    mesh = plsc.VectorSubcoreMesh(core_axis_name="c", subcore_axis_name="s")

    @functools.partial(
        pl.kernel,
        mesh=mesh,
        out_type=jax.ShapeDtypeStruct((n_nodes, 2 * D_SLAB), jnp.float32),
        scratch_types=[
            pltpu.VMEM((_GCHUNK,), jnp.int32),
            pltpu.VMEM((_GCHUNK,), jnp.int32),
            pltpu.VMEM((_GCHUNK, D_SLAB), jnp.float32),
            pltpu.VMEM((_GCHUNK, D_SLAB), jnp.float32),
            pltpu.VMEM_SHARED((n_nodes, D_SLAB), jnp.float32),
            pltpu.SemaphoreType.DMA,
            pltpu.SemaphoreType.DMA,
            pltpu.SemaphoreType.DMA,
            pltpu.SemaphoreType.DMA,
        ],
    )
    def k(u_hbm, col_hbm, s_hbm, idx0, idx1, data0, data1, acc, is0, is1, ds0, ds1):
        core = lax.axis_index("c")
        sid = lax.axis_index("s")
        idxs = (idx0, idx1)
        datas = (data0, data1)
        isems = (is0, is1)
        dsems = (ds0, ds1)

        _zero_acc(data0, acc, sid, n_zchunks, D_SLAB, is0)
        plsc.subcore_barrier()

        def cid_of(i):
            return sid + _NS * i

        def u_at(cid):
            return u_hbm.at[core, pl.ds(cid * _GCHUNK, _GCHUNK)]

        @pl.when(cid_of(0) < n_chunks)
        def _():
            pltpu.async_copy(col_hbm.at[cid_of(0)], idx0, is0)
            pltpu.async_copy(u_at(cid_of(0)), data0, ds0)

        def half(i, b):
            bo = 1 - b

            @pl.when(cid_of(i + 1) < n_chunks)
            def _():
                pltpu.async_copy(col_hbm.at[cid_of(i + 1)], idxs[bo], isems[bo])
                pltpu.async_copy(u_at(cid_of(i + 1)), datas[bo], dsems[bo])

            @pl.when(cid_of(i) < n_chunks)
            def _():
                pltpu.make_async_copy(col_hbm.at[cid_of(i)], idxs[b], isems[b]).wait()
                pltpu.make_async_copy(u_at(cid_of(i)), datas[b], dsems[b]).wait()
                pltpu.sync_copy(datas[b], acc.at[idxs[b]], add=True)

        def body(o, carry):
            half(2 * o, 0)
            half(2 * o + 1, 1)
            return carry

        per_tile = (n_chunks + _NS - 1) // _NS
        lax.fori_loop(0, (per_tile + 1) // 2 + 1, body, 0)
        plsc.subcore_barrier()

        def s_dst(kk):
            return s_hbm.at[pl.ds(kk * _ZCHUNK, _ZCHUNK), pl.ds(core * D_SLAB, D_SLAB)]

        def whalf(i, b):
            k = sid + _NS * i
            km2 = sid + _NS * (i - 2)

            @pl.when(jnp.logical_and(i >= 2, km2 < n_zchunks))
            def _():
                pltpu.make_async_copy(
                    datas[b].at[pl.ds(0, _ZCHUNK)], s_dst(km2), dsems[b]
                ).wait()

            @pl.when(k < n_zchunks)
            def _():
                pltpu.sync_copy(
                    acc.at[pl.ds(k * _ZCHUNK, _ZCHUNK)], datas[b].at[pl.ds(0, _ZCHUNK)]
                )
                pltpu.async_copy(datas[b].at[pl.ds(0, _ZCHUNK)], s_dst(k), dsems[b])

            return 0

        def wbody(o, c):
            whalf(2 * o, 0)
            whalf(2 * o + 1, 1)
            return c

        n_wit = (n_zchunks + _NS - 1) // _NS
        lax.fori_loop(0, (n_wit + 2 + 1) // 2 + 1, wbody, 0)

    return k(u01, col2d)


def _sc_scatter_tail(u2, col2d, n_nodes):
    n_chunks = col2d.shape[0]
    per_core_max = (n_chunks + _NC - 1) // _NC
    n_zchunks = n_nodes // _ZCHUNK
    mesh = plsc.VectorSubcoreMesh(core_axis_name="c", subcore_axis_name="s")

    @functools.partial(
        pl.kernel,
        mesh=mesh,
        out_type=jax.ShapeDtypeStruct((_NC, n_nodes, D_TAIL), jnp.float32),
        scratch_types=[
            pltpu.VMEM((_GCHUNK,), jnp.int32),
            pltpu.VMEM((_GCHUNK,), jnp.int32),
            pltpu.VMEM((_GCHUNK, D_TAIL), jnp.float32),
            pltpu.VMEM((_GCHUNK, D_TAIL), jnp.float32),
            pltpu.VMEM_SHARED((n_nodes, D_TAIL), jnp.float32),
            pltpu.SemaphoreType.DMA,
            pltpu.SemaphoreType.DMA,
            pltpu.SemaphoreType.DMA,
            pltpu.SemaphoreType.DMA,
        ],
    )
    def k(u_hbm, col_hbm, s_hbm, idx0, idx1, data0, data1, acc, is0, is1, ds0, ds1):
        core = lax.axis_index("c")
        sid = lax.axis_index("s")
        idxs = (idx0, idx1)
        datas = (data0, data1)
        isems = (is0, is1)
        dsems = (ds0, ds1)

        _zero_acc(data0, acc, sid, n_zchunks, D_TAIL, is0)
        plsc.subcore_barrier()

        def j_of(i):
            return sid + _NS * i

        per_core = (n_chunks - core + _NC - 1) // _NC

        def cid_of(i):
            return core + _NC * j_of(i)

        def u_at(cid):
            return u_hbm.at[pl.ds(cid * _GCHUNK, _GCHUNK)]

        @pl.when(j_of(0) < per_core)
        def _():
            pltpu.async_copy(col_hbm.at[cid_of(0)], idx0, is0)
            pltpu.async_copy(u_at(cid_of(0)), data0, ds0)

        def half(i, b):
            bo = 1 - b

            @pl.when(j_of(i + 1) < per_core)
            def _():
                pltpu.async_copy(col_hbm.at[cid_of(i + 1)], idxs[bo], isems[bo])
                pltpu.async_copy(u_at(cid_of(i + 1)), datas[bo], dsems[bo])

            @pl.when(j_of(i) < per_core)
            def _():
                pltpu.make_async_copy(col_hbm.at[cid_of(i)], idxs[b], isems[b]).wait()
                pltpu.make_async_copy(u_at(cid_of(i)), datas[b], dsems[b]).wait()
                pltpu.sync_copy(datas[b], acc.at[idxs[b]], add=True)

        def body(o, carry):
            half(2 * o, 0)
            half(2 * o + 1, 1)
            return carry

        per_tile = (per_core_max + _NS - 1) // _NS
        lax.fori_loop(0, (per_tile + 1) // 2 + 1, body, 0)
        plsc.subcore_barrier()

        def s_dst(kk):
            return s_hbm.at[core, pl.ds(kk * _ZCHUNK, _ZCHUNK)]

        def whalf(i, b):
            k = sid + _NS * i
            km2 = sid + _NS * (i - 2)

            @pl.when(jnp.logical_and(i >= 2, km2 < n_zchunks))
            def _():
                pltpu.make_async_copy(
                    datas[b].at[pl.ds(0, _ZCHUNK)], s_dst(km2), dsems[b]
                ).wait()

            @pl.when(k < n_zchunks)
            def _():
                pltpu.sync_copy(
                    acc.at[pl.ds(k * _ZCHUNK, _ZCHUNK)], datas[b].at[pl.ds(0, _ZCHUNK)]
                )
                pltpu.async_copy(datas[b].at[pl.ds(0, _ZCHUNK)], s_dst(k), dsems[b])

            return 0

        def wbody(o, c):
            whalf(2 * o, 0)
            whalf(2 * o + 1, 1)
            return c

        n_wit = (n_zchunks + _NS - 1) // _NS
        lax.fori_loop(0, (n_wit + 2 + 1) // 2 + 1, wbody, 0)

    return k(u2, col2d)


def _edge_block(
    xg_ref, ea_ref, w1x_ref, w1e_ref, b1_ref, wc0_ref, wc1_ref, wc2_ref, cvec_ref,
    o01_ref, o2_ref,
):
    xb = xg_ref[...].astype(jnp.bfloat16)
    t = jnp.dot(xb, w1x_ref[...], preferred_element_type=jnp.float32)
    t += jnp.dot(
        ea_ref[...].astype(jnp.bfloat16), w1e_ref[...], preferred_element_type=jnp.float32
    )
    t = jnp.maximum(t + b1_ref[...], 0.0).astype(jnp.bfloat16)
    o01_ref[0] = jnp.dot(t, wc0_ref[...], preferred_element_type=jnp.float32)
    o01_ref[1] = jnp.dot(t, wc1_ref[...], preferred_element_type=jnp.float32)
    o2_ref[...] = (
        jnp.dot(t, wc2_ref[...], preferred_element_type=jnp.float32) + cvec_ref[...]
    )


def _edge_stage(xg, ea, ea_off_blocks, W1a_x, W1a_e, b1a, Wc0, Wc1, Wc2p, cvec2):
    n_edges = xg.shape[0]
    grid = (n_edges // N_EDGE_BLK,)
    return pl.pallas_call(
        _edge_block,
        grid=grid,
        in_specs=[
            pl.BlockSpec((N_EDGE_BLK, D_X), lambda i: (i, 0)),
            pl.BlockSpec((N_EDGE_BLK, D_E), lambda i: (i + ea_off_blocks, 0)),
            pl.BlockSpec((D_X, D_H), lambda i: (0, 0)),
            pl.BlockSpec((D_E, D_H), lambda i: (0, 0)),
            pl.BlockSpec((D_H,), lambda i: (0,)),
            pl.BlockSpec((D_H, D_SLAB), lambda i: (0, 0)),
            pl.BlockSpec((D_H, D_SLAB), lambda i: (0, 0)),
            pl.BlockSpec((D_H, D_TAIL), lambda i: (0, 0)),
            pl.BlockSpec((D_TAIL,), lambda i: (0,)),
        ],
        out_specs=[
            pl.BlockSpec((2, N_EDGE_BLK, D_SLAB), lambda i: (0, i, 0)),
            pl.BlockSpec((N_EDGE_BLK, D_TAIL), lambda i: (i, 0)),
        ],
        out_shape=[
            jax.ShapeDtypeStruct((2, n_edges, D_SLAB), jnp.float32),
            jax.ShapeDtypeStruct((n_edges, D_TAIL), jnp.float32),
        ],
    )(xg, ea, W1a_x, W1a_e, b1a, Wc0, Wc1, Wc2p, cvec2)


def _node_block(
    x_ref, sa01_ref, sb01_ref, sa2_ref, sb2_ref, w2x_ref, b2a_ref, bc_ref, w2b_ref,
    b2b_ref, o_ref,
):
    s2 = sa2_ref[0] + sa2_ref[1] + sb2_ref[0] + sb2_ref[1]
    cnt = s2[:, 16:17]
    cntc = jnp.maximum(cnt, 1.0)
    s_u = jnp.concatenate([sa01_ref[...] + sb01_ref[...], s2[:, :16]], axis=1)
    mean_u = s_u / cntc + jnp.where(cnt > 0.0, bc_ref[...][None, :], 0.0)
    h = jnp.dot(x_ref[...], w2x_ref[...], preferred_element_type=jnp.float32)
    h = jnp.maximum(h + mean_u + b2a_ref[...], 0.0)
    o_ref[...] = (
        jnp.dot(h, w2b_ref[...], preferred_element_type=jnp.float32) + b2b_ref[...]
    )


def _node_stage(x, SA01, SB01, SA2, SB2, W2a_x, b2a, bc, W2b, b2b):
    n_nodes = x.shape[0]
    grid = (n_nodes // N_NODE_BLK,)
    return pl.pallas_call(
        _node_block,
        grid=grid,
        in_specs=[
            pl.BlockSpec((N_NODE_BLK, D_X), lambda i: (i, 0)),
            pl.BlockSpec((N_NODE_BLK, 2 * D_SLAB), lambda i: (i, 0)),
            pl.BlockSpec((N_NODE_BLK, 2 * D_SLAB), lambda i: (i, 0)),
            pl.BlockSpec((2, N_NODE_BLK, D_TAIL), lambda i: (0, i, 0)),
            pl.BlockSpec((2, N_NODE_BLK, D_TAIL), lambda i: (0, i, 0)),
            pl.BlockSpec((D_X, D_U), lambda i: (0, 0)),
            pl.BlockSpec((D_U,), lambda i: (0,)),
            pl.BlockSpec((D_U,), lambda i: (0,)),
            pl.BlockSpec((D_U, D_X), lambda i: (0, 0)),
            pl.BlockSpec((D_X,), lambda i: (0,)),
        ],
        out_specs=pl.BlockSpec((N_NODE_BLK, D_X), lambda i: (i, 0)),
        out_shape=jax.ShapeDtypeStruct((n_nodes, D_X), jnp.float32),
    )(x, SA01, SB01, SA2, SB2, W2a_x, b2a, bc, W2b, b2b)


def kernel(x, edge_index, edge_attr, W1a, b1a, W1b, b1b, W2a, b2a, W2b, b2b):
    n_nodes = x.shape[0]
    row = edge_index[0].astype(jnp.int32)
    col = edge_index[1].astype(jnp.int32)

    W1a_x, W1a_e = W1a[:D_X], W1a[D_X:]
    W2a_x, W2a_m = W2a[:D_X], W2a[D_X:]
    Wc = W1b @ W2a_m
    bc = b1b @ W2a_m
    Wc0 = Wc[:, :D_SLAB].astype(jnp.bfloat16)
    Wc1 = Wc[:, D_SLAB : 2 * D_SLAB].astype(jnp.bfloat16)
    Wc2p = jnp.pad(Wc[:, 2 * D_SLAB :], ((0, 0), (0, D_TAIL - 16))).astype(jnp.bfloat16)
    cvec2 = (jnp.arange(D_TAIL) == 16).astype(jnp.float32)
    W1a_x = W1a_x.astype(jnp.bfloat16)
    W1a_e = W1a_e.astype(jnp.bfloat16)

    row2d = row.reshape(-1, _GCHUNK)
    col2d = col.reshape(-1, _GCHUNK)
    nch = row2d.shape[0]
    ha = nch // 2
    e_half = ha * _GCHUNK

    xgA = _sc_gather(x, row2d[:ha])
    xgB = _sc_gather(x, row2d[ha:])
    uA01, uA2 = _edge_stage(xgA, edge_attr, 0, W1a_x, W1a_e, b1a, Wc0, Wc1, Wc2p, cvec2)
    SA01 = _sc_scatter_main(uA01, col2d[:ha], n_nodes)
    SA2 = _sc_scatter_tail(uA2, col2d[:ha], n_nodes)
    uB01, uB2 = _edge_stage(
        xgB, edge_attr, e_half // N_EDGE_BLK, W1a_x, W1a_e, b1a, Wc0, Wc1, Wc2p, cvec2
    )
    SB01 = _sc_scatter_main(uB01, col2d[ha:], n_nodes)
    SB2 = _sc_scatter_tail(uB2, col2d[ha:], n_nodes)
    return _node_stage(x, SA01, SB01, SA2, SB2, W2a_x, b2a, bc, W2b, b2b)

# --- scband reference (transcript-rebuilt; emitter-appended) ---
"""Pipeline reference for scband-node-model-28630251995777 (READ-ONLY COPY).

The authoritative reference and input builder live on the scoring server;
editing this copy changes nothing except your own understanding.
"""

import jax, jax.numpy as jnp
import numpy as np

N_NODES = 10000
N_EDGES = 160000
D_NODE = 256
D_EDGE = 16
INPUT_SIZE = D_NODE + D_EDGE  # 272
HIDDEN = INPUT_SIZE * 2       # 544

def setup_inputs(seed: int = 0) -> dict:
    key = jax.random.key(seed)
    ks = jax.random.split(key, 12)
    x = jax.random.normal(ks[0], (N_NODES, D_NODE), dtype=jnp.float32)
    edge_index = jax.random.randint(ks[1], (2, N_EDGES), 0, N_NODES, dtype=jnp.int64)
    edge_attr = jax.random.normal(ks[2], (N_EDGES, D_EDGE), dtype=jnp.float32)
    def lin(k, fan_in, fan_out):
        bound = 1.0 / np.sqrt(fan_in)
        kw, kb = jax.random.split(k)
        W = jax.random.uniform(kw, (fan_in, fan_out), minval=-bound, maxval=bound, dtype=jnp.float32)
        b = jax.random.uniform(kb, (fan_out,), minval=-bound, maxval=bound, dtype=jnp.float32)
        return W, b
    W1a, b1a = lin(ks[3], INPUT_SIZE, HIDDEN)
    W1b, b1b = lin(ks[4], HIDDEN, HIDDEN)
    W2a, b2a = lin(ks[5], D_NODE + HIDDEN, INPUT_SIZE)
    W2b, b2b = lin(ks[6], INPUT_SIZE, D_NODE)
    return {"x": x, "edge_index": edge_index, "edge_attr": edge_attr,
            "W1a": W1a, "b1a": b1a, "W1b": W1b, "b1b": b1b,
            "W2a": W2a, "b2a": b2a, "W2b": W2b, "b2b": b2b}

def reference(x, edge_index, edge_attr, W1a, b1a, W1b, b1b, W2a, b2a, W2b, b2b):
    row = edge_index[0]
    col = edge_index[1]
    out = jnp.concatenate([x[row], edge_attr], axis=1)
    out = jnp.maximum(out @ W1a + b1a, 0.0)
    out = out @ W1b + b1b
    sums = jax.ops.segment_sum(out, col, num_segments=x.shape[0])
    counts = jax.ops.segment_sum(jnp.ones((col.shape[0],), dtype=x.dtype), col, num_segments=x.shape[0])
    mean = sums / jnp.clip(counts, 1.0)[:, None]
    out = jnp.concatenate([x, mean], axis=1)
    out = jnp.maximum(out @ W2a + b2a, 0.0)
    return out @ W2b + b2b

if __name__ == "__main__":
    import jax
    _d = setup_inputs()
    print(jax.jit(kernel)(*tuple(_d.values())))

</pallas_src>

<mosaic_0001>
#map = affine_map<(d0, d1) -> (0, 0)>
module attributes {stable_mosaic.version = 14 : i64} {
  func.func @k(%arg0: i32, %arg1: i32, %arg2: memref<10000x256xf32, #tpu.memory_space<hbm>>, %arg3: memref<625x128xi32, #tpu.memory_space<hbm>>, %arg4: memref<80000x256xf32, #tpu.memory_space<hbm>>, %arg5: memref<128xi32, #tpu.memory_space<vmem>>, %arg6: memref<128xi32, #tpu.memory_space<vmem>>, %arg7: memref<128x256xf32, #tpu.memory_space<vmem>>, %arg8: memref<128x256xf32, #tpu.memory_space<vmem>>, %arg9: memref<!tpu.dma_semaphore, #tpu.memory_space<semaphore_mem>>, %arg10: memref<!tpu.dma_semaphore, #tpu.memory_space<semaphore_mem>>, %arg11: memref<!tpu.dma_semaphore, #tpu.memory_space<semaphore_mem>>, %arg12: memref<!tpu.dma_semaphore, #tpu.memory_space<semaphore_mem>>, %arg13: memref<!tpu.dma_semaphore, #tpu.memory_space<semaphore_mem>>, %arg14: memref<!tpu.dma_semaphore, #tpu.memory_space<semaphore_mem>>) attributes {dimension_semantics = [#tpu.dimension_semantics<core_parallel>, #tpu.dimension_semantics<subcore_parallel>], iteration_bounds = array<i64: 2, 16>, scalar_prefetch = 0 : i64, scratch_operands = 10 : i64, tpu.core_type = #tpu.core_type<sc_vector_subcore>, window_params = [{transform_indices = #map}, {transform_indices = #map}, {transform_indices = #map}]} {
    %mul3A = arith.constant 2 : i32
    %mul3A_0 = arith.muli %arg1, %mul3A : i32
    %add3A = arith.addi %mul3A_0, %arg0 : i32
    %add3A_1 = arith.constant 0 : i32
    %add3A_2 = arith.addi %add3A, %add3A_1 : i32
    %lt3A = arith.constant 625 : i32
    %lt3A_3 = arith.cmpi slt, %add3A_2, %lt3A : i32
    %convert_element_type3A = arith.extui %lt3A_3 : i1 to i32
    %cond3A = arith.constant 0 : i32
    %cond3A_4 = arith.cmpi ne, %convert_element_type3A, %cond3A : i32
    scf.if %cond3A_4 {
      %add3A_10 = arith.constant 0 : i32
      %add3A_11 = arith.addi %add3A, %add3A_10 : i32
      %dma_start3A = arith.constant 0 : i32
      %dma_start3A_12 = tpu.memref_slice %arg3[%add3A_11, %dma_start3A] : memref<625x128xi32, #tpu.memory_space<hbm>> -> memref<1x128xi32, #tpu.memory_space<hbm>>
      %dma_start3A_13 = tpu.memref_squeeze %dma_start3A_12 : memref<1x128xi32, #tpu.memory_space<hbm>> -> memref<128xi32, #tpu.memory_space<hbm>>
      %dma_start3A_14 = arith.constant 0 : i32
      %dma_start3A_15 = tpu.memref_slice %arg3[%add3A_11, %dma_start3A_14] : memref<625x128xi32, #tpu.memory_space<hbm>> -> memref<1x128xi32, #tpu.memory_space<hbm>>
      %dma_start3A_16 = tpu.memref_squeeze %dma_start3A_15 : memref<1x128xi32, #tpu.memory_space<hbm>> -> memref<128xi32, #tpu.memory_space<hbm>>
      tpu.enqueue_dma source(%dma_start3A_16 : memref<128xi32, #tpu.memory_space<hbm>>) target(%arg5 : memref<128xi32, #tpu.memory_space<vmem>>) target_semaphore(%arg9 : memref<!tpu.dma_semaphore, #tpu.memory_space<semaphore_mem>>)
    } else {
    }
    %scan3A = arith.constant 0 : i32
    %scan3A_5 = arith.constant 0 : i32
    %scan3A_6 = arith.constant 12 : i32
    %scan3A_7 = arith.addi %scan3A_5, %scan3A_6 : i32
    %scan3A_8 = arith.constant 1 : i32
    scf.for %scan3A_10 = %scan3A_5 to %scan3A_7 step %scan3A_8  : i32 {
      %mul3A_11 = arith.constant 2 : i32
      %mul3A_12 = arith.muli %mul3A_11, %scan3A_10 : i32
      %mul3A_13 = arith.constant 32 : i32
      %mul3A_14 = arith.muli %mul3A_13, %mul3A_12 : i32
      %add3A_15 = arith.addi %add3A, %mul3A_14 : i32
      %sub3A = arith.constant 1 : i32
      %sub3A_16 = arith.subi %mul3A_12, %sub3A : i32
      %mul3A_17 = arith.constant 32 : i32
      %mul3A_18 = arith.muli %mul3A_17, %sub3A_16 : i32
      %add3A_19 = arith.addi %add3A, %mul3A_18 : i32
      %sub3A_20 = arith.constant 2 : i32
      %sub3A_21 = arith.subi %mul3A_12, %sub3A_20 : i32
      %mul3A_22 = arith.constant 32 : i32
      %mul3A_23 = arith.muli %mul3A_22, %sub3A_21 : i32
      %add3A_24 = arith.addi %add3A, %mul3A_23 : i32
      %ge3A = arith.constant 2 : i32
      %ge3A_25 = arith.cmpi sge, %mul3A_12, %ge3A : i32
      %lt3A_26 = arith.constant 625 : i32
      %lt3A_27 = arith.cmpi slt, %add3A_24, %lt3A_26 : i32
      %and3A = arith.andi %ge3A_25, %lt3A_27 : i1
      %convert_element_type3A_28 = arith.extui %and3A : i1 to i32
      %cond3A_29 = arith.constant 0 : i32
      %cond3A_30 = arith.cmpi ne, %convert_element_type3A_28, %cond3A_29 : i32
      scf.if %cond3A_30 {
        %mul3A_102 = arith.constant 128 : i32
        %mul3A_103 = arith.muli %add3A_24, %mul3A_102 : i32
        %dma_wait3A = arith.constant 0 : i32
        %dma_wait3A_104 = tpu.memref_slice %arg4[%mul3A_103, %dma_wait3A] : memref<80000x256xf32, #tpu.memory_space<hbm>> -> memref<128x256xf32, #tpu.memory_space<hbm>>
        %dma_wait3A_105 = arith.constant 0 : i32
        %dma_wait3A_106 = tpu.memref_slice %arg4[%mul3A_103, %dma_wait3A_105] : memref<80000x256xf32, #tpu.memory_space<hbm>> -> memref<128x256xf32, #tpu.memory_space<hbm>>
        tpu.wait_dma2 semaphore(%arg13 : memref<!tpu.dma_semaphore, #tpu.memory_space<semaphore_mem>>) src(%arg7 : memref<128x256xf32, #tpu.memory_space<vmem>>) dst(%dma_wait3A_106 : memref<128x256xf32, #tpu.memory_space<hbm>>)
      } else {
      }
      %lt3A_31 = arith.constant 625 : i32
      %lt3A_32 = arith.cmpi slt, %add3A_15, %lt3A_31 : i32
      %convert_element_type3A_33 = arith.extui %lt3A_32 : i1 to i32
      %cond3A_34 = arith.constant 0 : i32
      %cond3A_35 = arith.cmpi ne, %convert_element_type3A_33, %cond3A_34 : i32
      scf.if %cond3A_35 {
        %dma_wait3A = arith.constant 0 : i32
        %dma_wait3A_102 = tpu.memref_slice %arg3[%add3A_15, %dma_wait3A] : memref<625x128xi32, #tpu.memory_space<hbm>> -> memref<1x128xi32, #tpu.memory_space<hbm>>
        %dma_wait3A_103 = tpu.memref_squeeze %dma_wait3A_102 : memref<1x128xi32, #tpu.memory_space<hbm>> -> memref<128xi32, #tpu.memory_space<hbm>>
        %dma_wait3A_104 = arith.constant 0 : i32
        %dma_wait3A_105 = tpu.memref_slice %arg3[%add3A_15, %dma_wait3A_104] : memref<625x128xi32, #tpu.memory_space<hbm>> -> memref<1x128xi32, #tpu.memory_space<hbm>>
        %dma_wait3A_106 = tpu.memref_squeeze %dma_wait3A_105 : memref<1x128xi32, #tpu.memory_space<hbm>> -> memref<128xi32, #tpu.memory_space<hbm>>
        tpu.wait_dma2 semaphore(%arg9 : memref<!tpu.dma_semaphore, #tpu.memory_space<semaphore_mem>>) src(%dma_wait3A_106 : memref<128xi32, #tpu.memory_space<hbm>>) dst(%arg5 : memref<128xi32, #tpu.memory_space<vmem>>)
        %dma_start3A = arith.constant 0 : i32
        %dma_start3A_107 = arith.constant 0 : i32
        %dma_start3A_108 = tpu.memref_slice %arg2[%dma_start3A, %dma_start3A_107] : memref<10000x256xf32, #tpu.memory_space<hbm>> -> memref<10000x256xf32, #tpu.memory_space<hbm>>
        tpu.enqueue_indirect_dma source(%dma_start3A_108 : memref<10000x256xf32, #tpu.memory_space<hbm>>) target(%arg7 : memref<128x256xf32, #tpu.memory_space<vmem>>) offsets(%arg5 : memref<128xi32, #tpu.memory_space<vmem>>) semaphore(%arg11 : memref<!tpu.dma_semaphore, #tpu.memory_space<semaphore_mem>>)
      } else {
      }
      %ge3A_36 = arith.constant 1 : i32
      %ge3A_37 = arith.cmpi sge, %mul3A_12, %ge3A_36 : i32
      %lt3A_38 = arith.constant 625 : i32
      %lt3A_39 = arith.cmpi slt, %add3A_19, %lt3A_38 : i32
      %and3A_40 = arith.andi %ge3A_37, %lt3A_39 : i1
      %convert_element_type3A_41 = arith.extui %and3A_40 : i1 to i32
      %cond3A_42 = arith.constant 0 : i32
      %cond3A_43 = arith.cmpi ne, %convert_element_type3A_41, %cond3A_42 : i32
      scf.if %cond3A_43 {
        %dma_wait3A = arith.constant 0 : i32
        %dma_wait3A_102 = arith.constant 0 : i32
        %dma_wait3A_103 = tpu.memref_slice %arg2[%dma_wait3A, %dma_wait3A_102] : memref<10000x256xf32, #tpu.memory_space<hbm>> -> memref<10000x256xf32, #tpu.memory_space<hbm>>
        tpu.wait_indirect_dma semaphore(%arg12 : memref<!tpu.dma_semaphore, #tpu.memory_space<semaphore_mem>>) src(%dma_wait3A_103 : memref<10000x256xf32, #tpu.memory_space<hbm>>) dst(%arg8 : memref<128x256xf32, #tpu.memory_space<vmem>>)
        %mul3A_104 = arith.constant 128 : i32
        %mul3A_105 = arith.muli %add3A_19, %mul3A_104 : i32
        %dma_start3A = arith.constant 0 : i32
        %dma_start3A_106 = tpu.memref_slice %arg4[%mul3A_105, %dma_start3A] : memref<80000x256xf32, #tpu.memory_space<hbm>> -> memref<128x256xf32, #tpu.memory_space<hbm>>
        %dma_start3A_107 = arith.constant 0 : i32
        %dma_start3A_108 = tpu.memref_slice %arg4[%mul3A_105, %dma_start3A_107] : memref<80000x256xf32, #tpu.memory_space<hbm>> -> memref<128x256xf32, #tpu.memory_space<hbm>>
        tpu.enqueue_dma source(%arg8 : memref<128x256xf32, #tpu.memory_space<vmem>>) target(%dma_start3A_108 : memref<128x256xf32, #tpu.memory_space<hbm>>) target_semaphore(%arg14 : memref<!tpu.dma_semaphore, #tpu.memory_space<semaphore_mem>>)
      } else {
      }
      %add3A_44 = arith.constant 1 : i32
      %add3A_45 = arith.addi %mul3A_12, %add3A_44 : i32
      %mul3A_46 = arith.constant 32 : i32
      %mul3A_47 = arith.muli %mul3A_46, %add3A_45 : i32
      %add3A_48 = arith.addi %add3A, %mul3A_47 : i32
      %lt3A_49 = arith.constant 625 : i32
      %lt3A_50 = arith.cmpi slt, %add3A_48, %lt3A_49 : i32
      %convert_element_type3A_51 = arith.extui %lt3A_50 : i1 to i32
      %cond3A_52 = arith.constant 0 : i32
      %cond3A_53 = arith.cmpi ne, %convert_element_type3A_51, %cond3A_52 : i32
      scf.if %cond3A_53 {
        %add3A_102 = arith.constant 1 : i32
        %add3A_103 = arith.addi %mul3A_12, %add3A_102 : i32
        %mul3A_104 = arith.constant 32 : i32
        %mul3A_105 = arith.muli %mul3A_104, %add3A_103 : i32
        %add3A_106 = arith.addi %add3A, %mul3A_105 : i32
        %dma_start3A = arith.constant 0 : i32
        %dma_start3A_107 = tpu.memref_slice %arg3[%add3A_106, %dma_start3A] : memref<625x128xi32, #tpu.memory_space<hbm>> -> memref<1x128xi32, #tpu.memory_space<hbm>>
        %dma_start3A_108 = tpu.memref_squeeze %dma_start3A_107 : memref<1x128xi32, #tpu.memory_space<hbm>> -> memref<128xi32, #tpu.memory_space<hbm>>
        %dma_start3A_109 = arith.constant 0 : i32
        %dma_start3A_110 = tpu.memref_slice %arg3[%add3A_106, %dma_start3A_109] : memref<625x128xi32, #tpu.memory_space<hbm>> -> memref<1x128xi32, #tpu.memory_space<hbm>>
        %dma_start3A_111 = tpu.memref_squeeze %dma_start3A_110 : memref<1x128xi32, #tpu.memory_space<hbm>> -> memref<128xi32, #tpu.memory_space<hbm>>
        tpu.enqueue_dma source(%dma_start3A_111 : memref<128xi32, #tpu.memory_space<hbm>>) target(%arg6 : memref<128xi32, #tpu.memory_space<vmem>>) target_semaphore(%arg10 : memref<!tpu.dma_semaphore, #tpu.memory_space<semaphore_mem>>)
      } else {
      }
      %mul3A_54 = arith.constant 2 : i32
      %mul3A_55 = arith.muli %mul3A_54, %scan3A_10 : i32
      %add3A_56 = arith.constant 1 : i32
      %add3A_57 = arith.addi %mul3A_55, %add3A_56 : i32
      %mul3A_58 = arith.constant 32 : i32
      %mul3A_59 = arith.muli %mul3A_58, %add3A_57 : i32
      %add3A_60 = arith.addi %add3A, %mul3A_59 : i32
      %sub3A_61 = arith.constant 1 : i32
      %sub3A_62 = arith.subi %add3A_57, %sub3A_61 : i32
      %mul3A_63 = arith.constant 32 : i32
      %mul3A_64 = arith.muli %mul3A_63, %sub3A_62 : i32
      %add3A_65 = arith.addi %add3A, %mul3A_64 : i32
      %sub3A_66 = arith.constant 2 : i32
      %sub3A_67 = arith.subi %add3A_57, %sub3A_66 : i32
      %mul3A_68 = arith.constant 32 : i32
      %mul3A_69 = arith.muli %mul3A_68, %sub3A_67 : i32
      %add3A_70 = arith.addi %add3A, %mul3A_69 : i32
      %ge3A_71 = arith.constant 2 : i32
      %ge3A_72 = arith.cmpi sge, %add3A_57, %ge3A_71 : i32
      %lt3A_73 = arith.constant 625 : i32
      %lt3A_74 = arith.cmpi slt, %add3A_70, %lt3A_73 : i32
      %and3A_75 = arith.andi %ge3A_72, %lt3A_74 : i1
      %convert_element_type3A_76 = arith.extui %and3A_75 : i1 to i32
      %cond3A_77 = arith.constant 0 : i32
      %cond3A_78 = arith.cmpi ne, %convert_element_type3A_76, %cond3A_77 : i32
      scf.if %cond3A_78 {
        %mul3A_102 = arith.constant 128 : i32
        %mul3A_103 = arith.muli %add3A_70, %mul3A_102 : i32
        %dma_wait3A = arith.constant 0 : i32
        %dma_wait3A_104 = tpu.memref_slice %arg4[%mul3A_103, %dma_wait3A] : memref<80000x256xf32, #tpu.memory_space<hbm>> -> memref<128x256xf32, #tpu.memory_space<hbm>>
        %dma_wait3A_105 = arith.constant 0 : i32
        %dma_wait3A_106 = tpu.memref_slice %arg4[%mul3A_103, %dma_wait3A_105] : memref<80000x256xf32, #tpu.memory_space<hbm>> -> memref<128x256xf32, #tpu.memory_space<hbm>>
        tpu.wait_dma2 semaphore(%arg14 : memref<!tpu.dma_semaphore, #tpu.memory_space<semaphore_mem>>) src(%arg8 : memref<128x256xf32, #tpu.memory_space<vmem>>) dst(%dma_wait3A_106 : memref<128x256xf32, #tpu.memory_space<hbm>>)
      } else {
      }
      %lt3A_79 = arith.constant 625 : i32
      %lt3A_80 = arith.cmpi slt, %add3A_60, %lt3A_79 : i32
      %convert_element_type3A_81 = arith.extui %lt3A_80 : i1 to i32
      %cond3A_82 = arith.constant 0 : i32
      %cond3A_83 = arith.cmpi ne, %convert_element_type3A_81, %cond3A_82 : i32
      scf.if %cond3A_83 {
        %dma_wait3A = arith.constant 0 : i32
        %dma_wait3A_102 = tpu.memref_slice %arg3[%add3A_60, %dma_wait3A] : memref<625x128xi32, #tpu.memory_space<hbm>> -> memref<1x128xi32, #tpu.memory_space<hbm>>
        %dma_wait3A_103 = tpu.memref_squeeze %dma_wait3A_102 : memref<1x128xi32, #tpu.memory_space<hbm>> -> memref<128xi32, #tpu.memory_space<hbm>>
        %dma_wait3A_104 = arith.constant 0 : i32
        %dma_wait3A_105 = tpu.memref_slice %arg3[%add3A_60, %dma_wait3A_104] : memref<625x128xi32, #tpu.memory_space<hbm>> -> memref<1x128xi32, #tpu.memory_space<hbm>>
        %dma_wait3A_106 = tpu.memref_squeeze %dma_wait3A_105 : memref<1x128xi32, #tpu.memory_space<hbm>> -> memref<128xi32, #tpu.memory_space<hbm>>
        tpu.wait_dma2 semaphore(%arg10 : memref<!tpu.dma_semaphore, #tpu.memory_space<semaphore_mem>>) src(%dma_wait3A_106 : memref<128xi32, #tpu.memory_space<hbm>>) dst(%arg6 : memref<128xi32, #tpu.memory_space<vmem>>)
        %dma_start3A = arith.constant 0 : i32
        %dma_start3A_107 = arith.constant 0 : i32
        %dma_start3A_108 = tpu.memref_slice %arg2[%dma_start3A, %dma_start3A_107] : memref<10000x256xf32, #tpu.memory_space<hbm>> -> memref<10000x256xf32, #tpu.memory_space<hbm>>
        tpu.enqueue_indirect_dma source(%dma_start3A_108 : memref<10000x256xf32, #tpu.memory_space<hbm>>) target(%arg8 : memref<128x256xf32, #tpu.memory_space<vmem>>) offsets(%arg6 : memref<128xi32, #tpu.memory_space<vmem>>) semaphore(%arg12 : memref<!tpu.dma_semaphore, #tpu.memory_space<semaphore_mem>>)
      } else {
      }
      %ge3A_84 = arith.constant 1 : i32
      %ge3A_85 = arith.cmpi sge, %add3A_57, %ge3A_84 : i32
      %lt3A_86 = arith.constant 625 : i32
      %lt3A_87 = arith.cmpi slt, %add3A_65, %lt3A_86 : i32
      %and3A_88 = arith.andi %ge3A_85, %lt3A_87 : i1
      %convert_element_type3A_89 = arith.extui %and3A_88 : i1 to i32
      %cond3A_90 = arith.constant 0 : i32
      %cond3A_91 = arith.cmpi ne, %convert_element_type3A_89, %cond3A_90 : i32
      scf.if %cond3A_91 {
        %dma_wait3A = arith.constant 0 : i32
        %dma_wait3A_102 = arith.constant 0 : i32
        %dma_wait3A_103 = tpu.memref_slice %arg2[%dma_wait3A, %dma_wait3A_102] : memref<10000x256xf32, #tpu.memory_space<hbm>> -> memref<10000x256xf32, #tpu.memory_space<hbm>>
        tpu.wait_indirect_dma semaphore(%arg11 : memref<!tpu.dma_semaphore, #tpu.memory_space<semaphore_mem>>) src(%dma_wait3A_103 : memref<10000x256xf32, #tpu.memory_space<hbm>>) dst(%arg7 : memref<128x256xf32, #tpu.memory_space<vmem>>)
        %mul3A_104 = arith.constant 128 : i32
        %mul3A_105 = arith.muli %add3A_65, %mul3A_104 : i32
        %dma_start3A = arith.constant 0 : i32
        %dma_start3A_106 = tpu.memref_slice %arg4[%mul3A_105, %dma_start3A] : memref<80000x256xf32, #tpu.memory_space<hbm>> -> memref<128x256xf32, #tpu.memory_space<hbm>>
        %dma_start3A_107 = arith.constant 0 : i32
        %dma_start3A_108 = tpu.memref_slice %arg4[%mul3A_105, %dma_start3A_107] : memref<80000x256xf32, #tpu.memory_space<hbm>> -> memref<128x256xf32, #tpu.memory_space<hbm>>
        tpu.enqueue_dma source(%arg7 : memref<128x256xf32, #tpu.memory_space<vmem>>) target(%dma_start3A_108 : memref<128x256xf32, #tpu.memory_space<hbm>>) target_semaphore(%arg13 : memref<!tpu.dma_semaphore, #tpu.memory_space<semaphore_mem>>)
      } else {
      }
      %add3A_92 = arith.constant 1 : i32
      %add3A_93 = arith.addi %add3A_57, %add3A_92 : i32
      %mul3A_94 = arith.constant 32 : i32
      %mul3A_95 = arith.muli %mul3A_94, %add3A_93 : i32
      %add3A_96 = arith.addi %add3A, %mul3A_95 : i32
      %lt3A_97 = arith.constant 625 : i32
      %lt3A_98 = arith.cmpi slt, %add3A_96, %lt3A_97 : i32
      %convert_element_type3A_99 = arith.extui %lt3A_98 : i1 to i32
      %cond3A_100 = arith.constant 0 : i32
      %cond3A_101 = arith.cmpi ne, %convert_element_type3A_99, %cond3A_100 : i32
      scf.if %cond3A_101 {
        %add3A_102 = arith.constant 1 : i32
        %add3A_103 = arith.addi %add3A_57, %add3A_102 : i32
        %mul3A_104 = arith.constant 32 : i32
        %mul3A_105 = arith.muli %mul3A_104, %add3A_103 : i32
        %add3A_106 = arith.addi %add3A, %mul3A_105 : i32
        %dma_start3A = arith.constant 0 : i32
        %dma_start3A_107 = tpu.memref_slice %arg3[%add3A_106, %dma_start3A] : memref<625x128xi32, #tpu.memory_space<hbm>> -> memref<1x128xi32, #tpu.memory_space<hbm>>
        %dma_start3A_108 = tpu.memref_squeeze %dma_start3A_107 : memref<1x128xi32, #tpu.memory_space<hbm>> -> memref<128xi32, #tpu.memory_space<hbm>>
        %dma_start3A_109 = arith.constant 0 : i32
        %dma_start3A_110 = tpu.memref_slice %arg3[%add3A_106, %dma_start3A_109] : memref<625x128xi32, #tpu.memory_space<hbm>> -> memref<1x128xi32, #tpu.memory_space<hbm>>
        %dma_start3A_111 = tpu.memref_squeeze %dma_start3A_110 : memref<1x128xi32, #tpu.memory_space<hbm>> -> memref<128xi32, #tpu.memory_space<hbm>>
        tpu.enqueue_dma source(%dma_start3A_111 : memref<128xi32, #tpu.memory_space<hbm>>) target(%arg5 : memref<128xi32, #tpu.memory_space<vmem>>) target_semaphore(%arg9 : memref<!tpu.dma_semaphore, #tpu.memory_space<semaphore_mem>>)
      } else {
      }
    }
    %scan3A_9 = arith.constant 12 : i32
    return
  }
}

#map = affine_map<(d0, d1) -> (0, 0)>
module attributes {stable_mosaic.version = 14 : i64} {
  func.func @k(%arg0: i32, %arg1: i32, %arg2: memref<10000x256xf32, #tpu.memory_space<hbm>>, %arg3: memref<625x128xi32, #tpu.memory_space<hbm>>, %arg4: memref<80000x256xf32, #tpu.memory_space<hbm>>, %arg5: memref<128xi32, #tpu.memory_space<vmem>>, %arg6: memref<128xi32, #tpu.memory_space<vmem>>, %arg7: memref<128x256xf32, #tpu.memory_space<vmem>>, %arg8: memref<128x256xf32, #tpu.memory_space<vmem>>, %arg9: memref<!tpu.dma_semaphore, #tpu.memory_space<semaphore_mem>>, %arg10: memref<!tpu.dma_semaphore, #tpu.memory_space<semaphore_mem>>, %arg11: memref<!tpu.dma_semaphore, #tpu.memory_space<semaphore_mem>>, %arg12: memref<!tpu.dma_semaphore, #tpu.memory_space<semaphore_mem>>, %arg13: memref<!tpu.dma_semaphore, #tpu.memory_space<semaphore_mem>>, %arg14: memref<!tpu.dma_semaphore, #tpu.memory_space<semaphore_mem>>) attributes {dimension_semantics = [#tpu.dimension_semantics<core_parallel>, #tpu.dimension_semantics<subcore_parallel>], iteration_bounds = array<i64: 2, 16>, scalar_prefetch = 0 : i64, scratch_operands = 10 : i64, tpu.core_type = #tpu.core_type<sc_vector_subcore>, window_params = [{transform_indices = #map}, {transform_indices = #map}, {transform_indices = #map}]} {
    %mul3A = arith.constant 2 : i32
    %mul3A_0 = arith.muli %arg1, %mul3A : i32
    %add3A = arith.addi %mul3A_0, %arg0 : i32
    %add3A_1 = arith.constant 0 : i32
    %add3A_2 = arith.addi %add3A, %add3A_1 : i32
    %lt3A = arith.constant 625 : i32
    %lt3A_3 = arith.cmpi slt, %add3A_2, %lt3A : i32
    %convert_element_type3A = arith.extui %lt3A_3 : i1 to i32
    %cond3A = arith.constant 0 : i32
    %cond3A_4 = arith.cmpi ne, %convert_element_type3A, %cond3A : i32
    scf.if %cond3A_4 {
      %add3A_10 = arith.constant 0 : i32
      %add3A_11 = arith.addi %add3A, %add3A_10 : i32
      %dma_start3A = arith.constant 0 : i32
      %dma_start3A_12 = tpu.memref_slice %arg3[%add3A_11, %dma_start3A] : memref<625x128xi32, #tpu.memory_space<hbm>> -> memref<1x128xi32, #tpu.memory_space<hbm>>
      %dma_start3A_13 = tpu.memref_squeeze %dma_start3A_12 : memref<1x128xi32, #tpu.memory_space<hbm>> -> memref<128xi32, #tpu.memory_space<hbm>>
      %dma_start3A_14 = arith.constant 0 : i32
      %dma_start3A_15 = tpu.memref_slice %arg3[%add3A_11, %dma_start3A_14] : memref<625x128xi32, #tpu.memory_space<hbm>> -> memref<1x128xi32, #tpu.memory_space<hbm>>
      %dma_start3A_16 = tpu.memref_squeeze %dma_start3A_15 : memref<1x128xi32, #tpu.memory_space<hbm>> -> memref<128xi32, #tpu.memory_space<hbm>>
      tpu.enqueue_dma source(%dma_start3A_16 : memref<128xi32, #tpu.memory_space<hbm>>) target(%arg5 : memref<128xi32, #tpu.memory_space<vmem>>) target_semaphore(%arg9 : memref<!tpu.dma_semaphore, #tpu.memory_space<semaphore_mem>>)
    } else {
    }
    %scan3A = arith.constant 0 : i32
    %scan3A_5 = arith.constant 0 : i32
    %scan3A_6 = arith.constant 12 : i32
    %scan3A_7 = arith.addi %scan3A_5, %scan3A_6 : i32
    %scan3A_8 = arith.constant 1 : i32
    scf.for %scan3A_10 = %scan3A_5 to %scan3A_7 step %scan3A_8  : i32 {
      %mul3A_11 = arith.constant 2 : i32
      %mul3A_12 = arith.muli %mul3A_11, %scan3A_10 : i32
      %mul3A_13 = arith.constant 32 : i32
      %mul3A_14 = arith.muli %mul3A_13, %mul3A_12 : i32
      %add3A_15 = arith.addi %add3A, %mul3A_14 : i32
      %sub3A = arith.constant 1 : i32
      %sub3A_16 = arith.subi %mul3A_12, %sub3A : i32
      %mul3A_17 = arith.constant 32 : i32
      %mul3A_18 = arith.muli %mul3A_17, %sub3A_16 : i32
      %add3A_19 = arith.addi %add3A, %mul3A_18 : i32
      %sub3A_20 = arith.constant 2 : i32
      %sub3A_21 = arith.subi %mul3A_12, %sub3A_20 : i32
      %mul3A_22 = arith.constant 32 : i32
      %mul3A_23 = arith.muli %mul3A_22, %sub3A_21 : i32
      %add3A_24 = arith.addi %add3A, %mul3A_23 : i32
      %ge3A = arith.constant 2 : i32
      %ge3A_25 = arith.cmpi sge, %mul3A_12, %ge3A : i32
      %lt3A_26 = arith.constant 625 : i32
      %lt3A_27 = arith.cmpi slt, %add3A_24, %lt3A_26 : i32
      %and3A = arith.andi %ge3A_25, %lt3A_27 : i1
      %convert_element_type3A_28 = arith.extui %and3A : i1 to i32
      %cond3A_29 = arith.constant 0 : i32
      %cond3A_30 = arith.cmpi ne, %convert_element_type3A_28, %cond3A_29 : i32
      scf.if %cond3A_30 {
        %mul3A_102 = arith.constant 128 : i32
        %mul3A_103 = arith.muli %add3A_24, %mul3A_102 : i32
        %dma_wait3A = arith.constant 0 : i32
        %dma_wait3A_104 = tpu.memref_slice %arg4[%mul3A_103, %dma_wait3A] : memref<80000x256xf32, #tpu.memory_space<hbm>> -> memref<128x256xf32, #tpu.memory_space<hbm>>
        %dma_wait3A_105 = arith.constant 0 : i32
        %dma_wait3A_106 = tpu.memref_slice %arg4[%mul3A_103, %dma_wait3A_105] : memref<80000x256xf32, #tpu.memory_space<hbm>> -> memref<128x256xf32, #tpu.memory_space<hbm>>
        tpu.wait_dma2 semaphore(%arg13 : memref<!tpu.dma_semaphore, #tpu.memory_space<semaphore_mem>>) src(%arg7 : memref<128x256xf32, #tpu.memory_space<vmem>>) dst(%dma_wait3A_106 : memref<128x256xf32, #tpu.memory_space<hbm>>)
      } else {
      }
      %lt3A_31 = arith.constant 625 : i32
      %lt3A_32 = arith.cmpi slt, %add3A_15, %lt3A_31 : i32
      %convert_element_type3A_33 = arith.extui %lt3A_32 : i1 to i32
      %cond3A_34 = arith.constant 0 : i32
      %cond3A_35 = arith.cmpi ne, %convert_element_type3A_33, %cond3A_34 : i32
      scf.if %cond3A_35 {
        %dma_wait3A = arith.constant 0 : i32
        %dma_wait3A_102 = tpu.memref_slice %arg3[%add3A_15, %dma_wait3A] : memref<625x128xi32, #tpu.memory_space<hbm>> -> memref<1x128xi32, #tpu.memory_space<hbm>>
        %dma_wait3A_103 = tpu.memref_squeeze %dma_wait3A_102 : memref<1x128xi32, #tpu.memory_space<hbm>> -> memref<128xi32, #tpu.memory_space<hbm>>
        %dma_wait3A_104 = arith.constant 0 : i32
        %dma_wait3A_105 = tpu.memref_slice %arg3[%add3A_15, %dma_wait3A_104] : memref<625x128xi32, #tpu.memory_space<hbm>> -> memref<1x128xi32, #tpu.memory_space<hbm>>
        %dma_wait3A_106 = tpu.memref_squeeze %dma_wait3A_105 : memref<1x128xi32, #tpu.memory_space<hbm>> -> memref<128xi32, #tpu.memory_space<hbm>>
        tpu.wait_dma2 semaphore(%arg9 : memref<!tpu.dma_semaphore, #tpu.memory_space<semaphore_mem>>) src(%dma_wait3A_106 : memref<128xi32, #tpu.memory_space<hbm>>) dst(%arg5 : memref<128xi32, #tpu.memory_space<vmem>>)
        %dma_start3A = arith.constant 0 : i32
        %dma_start3A_107 = arith.constant 0 : i32
        %dma_start3A_108 = tpu.memref_slice %arg2[%dma_start3A, %dma_start3A_107] : memref<10000x256xf32, #tpu.memory_space<hbm>> -> memref<10000x256xf32, #tpu.memory_space<hbm>>
        tpu.enqueue_indirect_dma source(%dma_start3A_108 : memref<10000x256xf32, #tpu.memory_space<hbm>>) target(%arg7 : memref<128x256xf32, #tpu.memory_space<vmem>>) offsets(%arg5 : memref<128xi32, #tpu.memory_space<vmem>>) semaphore(%arg11 : memref<!tpu.dma_semaphore, #tpu.memory_space<semaphore_mem>>)
      } else {
      }
      %ge3A_36 = arith.constant 1 : i32
      %ge3A_37 = arith.cmpi sge, %mul3A_12, %ge3A_36 : i32
      %lt3A_38 = arith.constant 625 : i32
      %lt3A_39 = arith.cmpi slt, %add3A_19, %lt3A_38 : i32
      %and3A_40 = arith.andi %ge3A_37, %lt3A_39 : i1
      %convert_element_type3A_41 = arith.extui %and3A_40 : i1 to i32
      %cond3A_42 = arith.constant 0 : i32
      %cond3A_43 = arith.cmpi ne, %convert_element_type3A_41, %cond3A_42 : i32
      scf.if %cond3A_43 {
        %dma_wait3A = arith.constant 0 : i32
        %dma_wait3A_102 = arith.constant 0 : i32
        %dma_wait3A_103 = tpu.memref_slice %arg2[%dma_wait3A, %dma_wait3A_102] : memref<10000x256xf32, #tpu.memory_space<hbm>> -> memref<10000x256xf32, #tpu.memory_space<hbm>>
        tpu.wait_indirect_dma semaphore(%arg12 : memref<!tpu.dma_semaphore, #tpu.memory_space<semaphore_mem>>) src(%dma_wait3A_103 : memref<10000x256xf32, #tpu.memory_space<hbm>>) dst(%arg8 : memref<128x256xf32, #tpu.memory_space<vmem>>)
        %mul3A_104 = arith.constant 128 : i32
        %mul3A_105 = arith.muli %add3A_19, %mul3A_104 : i32
        %dma_start3A = arith.constant 0 : i32
        %dma_start3A_106 = tpu.memref_slice %arg4[%mul3A_105, %dma_start3A] : memref<80000x256xf32, #tpu.memory_space<hbm>> -> memref<128x256xf32, #tpu.memory_space<hbm>>
        %dma_start3A_107 = arith.constant 0 : i32
        %dma_start3A_108 = tpu.memref_slice %arg4[%mul3A_105, %dma_start3A_107] : memref<80000x256xf32, #tpu.memory_space<hbm>> -> memref<128x256xf32, #tpu.memory_space<hbm>>
        tpu.enqueue_dma source(%arg8 : memref<128x256xf32, #tpu.memory_space<vmem>>) target(%dma_start3A_108 : memref<128x256xf32, #tpu.memory_space<hbm>>) target_semaphore(%arg14 : memref<!tpu.dma_semaphore, #tpu.memory_space<semaphore_mem>>)
      } else {
      }
      %add3A_44 = arith.constant 1 : i32
      %add3A_45 = arith.addi %mul3A_12, %add3A_44 : i32
      %mul3A_46 = arith.constant 32 : i32
      %mul3A_47 = arith.muli %mul3A_46, %add3A_45 : i32
      %add3A_48 = arith.addi %add3A, %mul3A_47 : i32
      %lt3A_49 = arith.constant 625 : i32
      %lt3A_50 = arith.cmpi slt, %add3A_48, %lt3A_49 : i32
      %convert_element_type3A_51 = arith.extui %lt3A_50 : i1 to i32
      %cond3A_52 = arith.constant 0 : i32
      %cond3A_53 = arith.cmpi ne, %convert_element_type3A_51, %cond3A_52 : i32
      scf.if %cond3A_53 {
        %add3A_102 = arith.constant 1 : i32
        %add3A_103 = arith.addi %mul3A_12, %add3A_102 : i32
        %mul3A_104 = arith.constant 32 : i32
        %mul3A_105 = arith.muli %mul3A_104, %add3A_103 : i32
        %add3A_106 = arith.addi %add3A, %mul3A_105 : i32
        %dma_start3A = arith.constant 0 : i32
        %dma_start3A_107 = tpu.memref_slice %arg3[%add3A_106, %dma_start3A] : memref<625x128xi32, #tpu.memory_space<hbm>> -> memref<1x128xi32, #tpu.memory_space<hbm>>
        %dma_start3A_108 = tpu.memref_squeeze %dma_start3A_107 : memref<1x128xi32, #tpu.memory_space<hbm>> -> memref<128xi32, #tpu.memory_space<hbm>>
        %dma_start3A_109 = arith.constant 0 : i32
        %dma_start3A_110 = tpu.memref_slice %arg3[%add3A_106, %dma_start3A_109] : memref<625x128xi32, #tpu.memory_space<hbm>> -> memref<1x128xi32, #tpu.memory_space<hbm>>
        %dma_start3A_111 = tpu.memref_squeeze %dma_start3A_110 : memref<1x128xi32, #tpu.memory_space<hbm>> -> memref<128xi32, #tpu.memory_space<hbm>>
        tpu.enqueue_dma source(%dma_start3A_111 : memref<128xi32, #tpu.memory_space<hbm>>) target(%arg6 : memref<128xi32, #tpu.memory_space<vmem>>) target_semaphore(%arg10 : memref<!tpu.dma_semaphore, #tpu.memory_space<semaphore_mem>>)
      } else {
      }
      %mul3A_54 = arith.constant 2 : i32
      %mul3A_55 = arith.muli %mul3A_54, %scan3A_10 : i32
      %add3A_56 = arith.constant 1 : i32
      %add3A_57 = arith.addi %mul3A_55, %add3A_56 : i32
      %mul3A_58 = arith.constant 32 : i32
      %mul3A_59 = arith.muli %mul3A_58, %add3A_57 : i32
      %add3A_60 = arith.addi %add3A, %mul3A_59 : i32
      %sub3A_61 = arith.constant 1 : i32
      %sub3A_62 = arith.subi %add3A_57, %sub3A_61 : i32
      %mul3A_63 = arith.constant 32 : i32
      %mul3A_64 = arith.muli %mul3A_63, %sub3A_62 : i32
      %add3A_65 = arith.addi %add3A, %mul3A_64 : i32
      %sub3A_66 = arith.constant 2 : i32
      %sub3A_67 = arith.subi %add3A_57, %sub3A_66 : i32
      %mul3A_68 = arith.constant 32 : i32
      %mul3A_69 = arith.muli %mul3A_68, %sub3A_67 : i32
      %add3A_70 = arith.addi %add3A, %mul3A_69 : i32
      %ge3A_71 = arith.constant 2 : i32
      %ge3A_72 = arith.cmpi sge, %add3A_57, %ge3A_71 : i32
      %lt3A_73 = arith.constant 625 : i32
      %lt3A_74 = arith.cmpi slt, %add3A_70, %lt3A_73 : i32
      %and3A_75 = arith.andi %ge3A_72, %lt3A_74 : i1
      %convert_element_type3A_76 = arith.extui %and3A_75 : i1 to i32
      %cond3A_77 = arith.constant 0 : i32
      %cond3A_78 = arith.cmpi ne, %convert_element_type3A_76, %cond3A_77 : i32
      scf.if %cond3A_78 {
        %mul3A_102 = arith.constant 128 : i32
        %mul3A_103 = arith.muli %add3A_70, %mul3A_102 : i32
        %dma_wait3A = arith.constant 0 : i32
        %dma_wait3A_104 = tpu.memref_slice %arg4[%mul3A_103, %dma_wait3A] : memref<80000x256xf32, #tpu.memory_space<hbm>> -> memref<128x256xf32, #tpu.memory_space<hbm>>
        %dma_wait3A_105 = arith.constant 0 : i32
        %dma_wait3A_106 = tpu.memref_slice %arg4[%mul3A_103, %dma_wait3A_105] : memref<80000x256xf32, #tpu.memory_space<hbm>> -> memref<128x256xf32, #tpu.memory_space<hbm>>
        tpu.wait_dma2 semaphore(%arg14 : memref<!tpu.dma_semaphore, #tpu.memory_space<semaphore_mem>>) src(%arg8 : memref<128x256xf32, #tpu.memory_space<vmem>>) dst(%dma_wait3A_106 : memref<128x256xf32, #tpu.memory_space<hbm>>)
      } else {
      }
      %lt3A_79 = arith.constant 625 : i32
      %lt3A_80 = arith.cmpi slt, %add3A_60, %lt3A_79 : i32
      %convert_element_type3A_81 = arith.extui %lt3A_80 : i1 to i32
      %cond3A_82 = arith.constant 0 : i32
      %cond3A_83 = arith.cmpi ne, %convert_element_type3A_81, %cond3A_82 : i32
      scf.if %cond3A_83 {
        %dma_wait3A = arith.constant 0 : i32
        %dma_wait3A_102 = tpu.memref_slice %arg3[%add3A_60, %dma_wait3A] : memref<625x128xi32, #tpu.memory_space<hbm>> -> memref<1x128xi32, #tpu.memory_space<hbm>>
        %dma_wait3A_103 = tpu.memref_squeeze %dma_wait3A_102 : memref<1x128xi32, #tpu.memory_space<hbm>> -> memref<128xi32, #tpu.memory_space<hbm>>
        %dma_wait3A_104 = arith.constant 0 : i32
        %dma_wait3A_105 = tpu.memref_slice %arg3[%add3A_60, %dma_wait3A_104] : memref<625x128xi32, #tpu.memory_space<hbm>> -> memref<1x128xi32, #tpu.memory_space<hbm>>
        %dma_wait3A_106 = tpu.memref_squeeze %dma_wait3A_105 : memref<1x128xi32, #tpu.memory_space<hbm>> -> memref<128xi32, #tpu.memory_space<hbm>>
        tpu.wait_dma2 semaphore(%arg10 : memref<!tpu.dma_semaphore, #tpu.memory_space<semaphore_mem>>) src(%dma_wait3A_106 : memref<128xi32, #tpu.memory_space<hbm>>) dst(%arg6 : memref<128xi32, #tpu.memory_space<vmem>>)
        %dma_start3A = arith.constant 0 : i32
        %dma_start3A_107 = arith.constant 0 : i32
        %dma_start3A_108 = tpu.memref_slice %arg2[%dma_start3A, %dma_start3A_107] : memref<10000x256xf32, #tpu.memory_space<hbm>> -> memref<10000x256xf32, #tpu.memory_space<hbm>>
        tpu.enqueue_indirect_dma source(%dma_start3A_108 : memref<10000x256xf32, #tpu.memory_space<hbm>>) target(%arg8 : memref<128x256xf32, #tpu.memory_space<vmem>>) offsets(%arg6 : memref<128xi32, #tpu.memory_space<vmem>>) semaphore(%arg12 : memref<!tpu.dma_semaphore, #tpu.memory_space<semaphore_mem>>)
      } else {
      }
      %ge3A_84 = arith.constant 1 : i32
      %ge3A_85 = arith.cmpi sge, %add3A_57, %ge3A_84 : i32
      %lt3A_86 = arith.constant 625 : i32
      %lt3A_87 = arith.cmpi slt, %add3A_65, %lt3A_86 : i32
      %and3A_88 = arith.andi %ge3A_85, %lt3A_87 : i1
      %convert_element_type3A_89 = arith.extui %and3A_88 : i1 to i32
      %cond3A_90 = arith.constant 0 : i32
      %cond3A_91 = arith.cmpi ne, %convert_element_type3A_89, %cond3A_90 : i32
      scf.if %cond3A_91 {
        %dma_wait3A = arith.constant 0 : i32
        %dma_wait3A_102 = arith.constant 0 : i32
        %dma_wait3A_103 = tpu.memref_slice %arg2[%dma_wait3A, %dma_wait3A_102] : memref<10000x256xf32, #tpu.memory_space<hbm>> -> memref<10000x256xf32, #tpu.memory_space<hbm>>
        tpu.wait_indirect_dma semaphore(%arg11 : memref<!tpu.dma_semaphore, #tpu.memory_space<semaphore_mem>>) src(%dma_wait3A_103 : memref<10000x256xf32, #tpu.memory_space<hbm>>) dst(%arg7 : memref<128x256xf32, #tpu.memory_space<vmem>>)
        %mul3A_104 = arith.constant 128 : i32
        %mul3A_105 = arith.muli %add3A_65, %mul3A_104 : i32
        %dma_start3A = arith.constant 0 : i32
        %dma_start3A_106 = tpu.memref_slice %arg4[%mul3A_105, %dma_start3A] : memref<80000x256xf32, #tpu.memory_space<hbm>> -> memref<128x256xf32, #tpu.memory_space<hbm>>
        %dma_start3A_107 = arith.constant 0 : i32
        %dma_start3A_108 = tpu.memref_slice %arg4[%mul3A_105, %dma_start3A_107] : memref<80000x256xf32, #tpu.memory_space<hbm>> -> memref<128x256xf32, #tpu.memory_space<hbm>>
        tpu.enqueue_dma source(%arg7 : memref<128x256xf32, #tpu.memory_space<vmem>>) target(%dma_start3A_108 : memref<128x256xf32, #tpu.memory_space<hbm>>) target_semaphore(%arg13 : memref<!tpu.dma_semaphore, #tpu.memory_space<semaphore_mem>>)
      } else {
      }
      %add3A_92 = arith.constant 1 : i32
      %add3A_93 = arith.addi %add3A_57, %add3A_92 : i32
      %mul3A_94 = arith.constant 32 : i32
      %mul3A_95 = arith.muli %mul3A_94, %add3A_93 : i32
      %add3A_96 = arith.addi %add3A, %mul3A_95 : i32
      %lt3A_97 = arith.constant 625 : i32
      %lt3A_98 = arith.cmpi slt, %add3A_96, %lt3A_97 : i32
      %convert_element_type3A_99 = arith.extui %lt3A_98 : i1 to i32
      %cond3A_100 = arith.constant 0 : i32
      %cond3A_101 = arith.cmpi ne, %convert_element_type3A_99, %cond3A_100 : i32
      scf.if %cond3A_101 {
        %add3A_102 = arith.constant 1 : i32
        %add3A_103 = arith.addi %add3A_57, %add3A_102 : i32
        %mul3A_104 = arith.constant 32 : i32
        %mul3A_105 = arith.muli %mul3A_104, %add3A_103 : i32
        %add3A_106 = arith.addi %add3A, %mul3A_105 : i32
        %dma_start3A = arith.constant 0 : i32
        %dma_start3A_107 = tpu.memref_slice %arg3[%add3A_106, %dma_start3A] : memref<625x128xi32, #tpu.memory_space<hbm>> -> memref<1x128xi32, #tpu.memory_space<hbm>>
        %dma_start3A_108 = tpu.memref_squeeze %dma_start3A_107 : memref<1x128xi32, #tpu.memory_space<hbm>> -> memref<128xi32, #tpu.memory_space<hbm>>
        %dma_start3A_109 = arith.constant 0 : i32
        %dma_start3A_110 = tpu.memref_slice %arg3[%add3A_106, %dma_start3A_109] : memref<625x128xi32, #tpu.memory_space<hbm>> -> memref<1x128xi32, #tpu.memory_space<hbm>>
        %dma_start3A_111 = tpu.memref_squeeze %dma_start3A_110 : memref<1x128xi32, #tpu.memory_space<hbm>> -> memref<128xi32, #tpu.memory_space<hbm>>
        tpu.enqueue_dma source(%dma_start3A_111 : memref<128xi32, #tpu.memory_space<hbm>>) target(%arg5 : memref<128xi32, #tpu.memory_space<vmem>>) target_semaphore(%arg9 : memref<!tpu.dma_semaphore, #tpu.memory_space<semaphore_mem>>)
      } else {
      }
    }
    %scan3A_9 = arith.constant 12 : i32
    return
  }
}

#map = affine_map<(d0, d1) -> (0, 0, 0)>
#map1 = affine_map<(d0, d1) -> (0, 0)>
module attributes {stable_mosaic.version = 14 : i64} {
  func.func @k(%arg0: i32, %arg1: i32, %arg2: memref<2x80000x128xf32, #tpu.memory_space<hbm>>, %arg3: memref<625x128xi32, #tpu.memory_space<hbm>>, %arg4: memref<10000x256xf32, #tpu.memory_space<hbm>>, %arg5: memref<128xi32, #tpu.memory_space<vmem>>, %arg6: memref<128xi32, #tpu.memory_space<vmem>>, %arg7: memref<128x128xf32, #tpu.memory_space<vmem>>, %arg8: memref<128x128xf32, #tpu.memory_space<vmem>>, %arg9: memref<10000x128xf32, #tpu.memory_space<vmem_shared>>, %arg10: memref<!tpu.dma_semaphore, #tpu.memory_space<semaphore_mem>>, %arg11: memref<!tpu.dma_semaphore, #tpu.memory_space<semaphore_mem>>, %arg12: memref<!tpu.dma_semaphore, #tpu.memory_space<semaphore_mem>>, %arg13: memref<!tpu.dma_semaphore, #tpu.memory_space<semaphore_mem>>) attributes {dimension_semantics = [#tpu.dimension_semantics<core_parallel>, #tpu.dimension_semantics<subcore_parallel>], iteration_bounds = array<i64: 2, 16>, scalar_prefetch = 0 : i64, scratch_operands = 9 : i64, tpu.core_type = #tpu.core_type<sc_vector_subcore>, window_params = [{transform_indices = #map}, {transform_indices = #map1}, {transform_indices = #map1}]} {
    %scan3A = arith.constant 0 : i32
    %scan3A_0 = arith.constant 0 : i32
    %scan3A_1 = arith.constant 80 : i32
    %scan3A_2 = arith.addi %scan3A_0, %scan3A_1 : i32
    %scan3A_3 = arith.constant 1 : i32
    scf.for %scan3A_33 = %scan3A_0 to %scan3A_2 step %scan3A_3  : i32 {
      %broadcast_in_dim3A = arith.constant 0.000000e+00 : f32
      %broadcast_in_dim3A_34 = vector.broadcast %broadcast_in_dim3A : f32 to vector<16xf32>
      %swap3A = arith.index_cast %scan3A_33 : i32 to index
      %swap3A_35 = arith.constant 0 : index
      %swap3A_36 = tpu.vector_load %arg7[%swap3A, %swap3A_35] {strides = array<i32>} : memref<128x128xf32, #tpu.memory_space<vmem>>, vector<1x16xf32>,
      %swap3A_37 = vector.shape_cast %swap3A_36 : vector<1x16xf32> to vector<16xf32>
      %swap3A_38 = vector.shape_cast %broadcast_in_dim3A_34 : vector<16xf32> to vector<1x16xf32>
      tpu.vector_store %arg7[%swap3A, %swap3A_35], %swap3A_38 {strides = array<i32>} : memref<128x128xf32, #tpu.memory_space<vmem>>, vector<1x16xf32>,
      %broadcast_in_dim3A_39 = arith.constant 0.000000e+00 : f32
      %broadcast_in_dim3A_40 = vector.broadcast %broadcast_in_dim3A_39 : f32 to vector<16xf32>
      %swap3A_41 = arith.index_cast %scan3A_33 : i32 to index
      %swap3A_42 = arith.constant 16 : index
      %swap3A_43 = tpu.vector_load %arg7[%swap3A_41, %swap3A_42] {strides = array<i32>} : memref<128x128xf32, #tpu.memory_space<vmem>>, vector<1x16xf32>,
      %swap3A_44 = vector.shape_cast %swap3A_43 : vector<1x16xf32> to vector<16xf32>
      %swap3A_45 = vector.shape_cast %broadcast_in_dim3A_40 : vector<16xf32> to vector<1x16xf32>
      tpu.vector_store %arg7[%swap3A_41, %swap3A_42], %swap3A_45 {strides = array<i32>} : memref<128x128xf32, #tpu.memory_space<vmem>>, vector<1x16xf32>,
      %broadcast_in_dim3A_46 = arith.constant 0.000000e+00 : f32
      %broadcast_in_dim3A_47 = vector.broadcast %broadcast_in_dim3A_46 : f32 to vector<16xf32>
      %swap3A_48 = arith.index_cast %scan3A_33 : i32 to index
      %swap3A_49 = arith.constant 32 : index
      %swap3A_50 = tpu.vector_load %arg7[%swap3A_48, %swap3A_49] {strides = array<i32>} : memref<128x128xf32, #tpu.memory_space<vmem>>, vector<1x16xf32>,
      %swap3A_51 = vector.shape_cast %swap3A_50 : vector<1x16xf32> to vector<16xf32>
      %swap3A_52 = vector.shape_cast %broadcast_in_dim3A_47 : vector<16xf32> to vector<1x16xf32>
      tpu.vector_store %arg7[%swap3A_48, %swap3A_49], %swap3A_52 {strides = array<i32>} : memref<128x128xf32, #tpu.memory_space<vmem>>, vector<1x16xf32>,
      %broadcast_in_dim3A_53 = arith.constant 0.000000e+00 : f32
      %broadcast_in_dim3A_54 = vector.broadcast %broadcast_in_dim3A_53 : f32 to vector<16xf32>
      %swap3A_55 = arith.index_cast %scan3A_33 : i32 to index
      %swap3A_56 = arith.constant 48 : index
      %swap3A_57 = tpu.vector_load %arg7[%swap3A_55, %swap3A_56] {strides = array<i32>} : memref<128x128xf32, #tpu.memory_space<vmem>>, vector<1x16xf32>,
      %swap3A_58 = vector.shape_cast %swap3A_57 : vector<1x16xf32> to vector<16xf32>
      %swap3A_59 = vector.shape_cast %broadcast_in_dim3A_54 : vector<16xf32> to vector<1x16xf32>
      tpu.vector_store %arg7[%swap3A_55, %swap3A_56], %swap3A_59 {strides = array<i32>} : memref<128x128xf32, #tpu.memory_space<vmem>>, vector<1x16xf32>,
      %broadcast_in_dim3A_60 = arith.constant 0.000000e+00 : f32
      %broadcast_in_dim3A_61 = vector.broadcast %broadcast_in_dim3A_60 : f32 to vector<16xf32>
      %swap3A_62 = arith.index_cast %scan3A_33 : i32 to index
      %swap3A_63 = arith.constant 64 : index
      %swap3A_64 = tpu.vector_load %arg7[%swap3A_62, %swap3A_63] {strides = array<i32>} : memref<128x128xf32, #tpu.memory_space<vmem>>, vector<1x16xf32>,
      %swap3A_65 = vector.shape_cast %swap3A_64 : vector<1x16xf32> to vector<16xf32>
      %swap3A_66 = vector.shape_cast %broadcast_in_dim3A_61 : vector<16xf32> to vector<1x16xf32>
      tpu.vector_store %arg7[%swap3A_62, %swap3A_63], %swap3A_66 {strides = array<i32>} : memref<128x128xf32, #tpu.memory_space<vmem>>, vector<1x16xf32>,
      %broadcast_in_dim3A_67 = arith.constant 0.000000e+00 : f32
      %broadcast_in_dim3A_68 = vector.broadcast %broadcast_in_dim3A_67 : f32 to vector<16xf32>
      %swap3A_69 = arith.index_cast %scan3A_33 : i32 to index
      %swap3A_70 = arith.constant 80 : index
      %swap3A_71 = tpu.vector_load %arg7[%swap3A_69, %swap3A_70] {strides = array<i32>} : memref<128x128xf32, #tpu.memory_space<vmem>>, vector<1x16xf32>,
      %swap3A_72 = vector.shape_cast %swap3A_71 : vector<1x16xf32> to vector<16xf32>
      %swap3A_73 = vector.shape_cast %broadcast_in_dim3A_68 : vector<16xf32> to vector<1x16xf32>
      tpu.vector_store %arg7[%swap3A_69, %swap3A_70], %swap3A_73 {strides = array<i32>} : memref<128x128xf32, #tpu.memory_space<vmem>>, vector<1x16xf32>,
      %broadcast_in_dim3A_74 = arith.constant 0.000000e+00 : f32
      %broadcast_in_dim3A_75 = vector.broadcast %broadcast_in_dim3A_74 : f32 to vector<16xf32>
      %swap3A_76 = arith.index_cast %scan3A_33 : i32 to index
      %swap3A_77 = arith.constant 96 : index
      %swap3A_78 = tpu.vector_load %arg7[%swap3A_76, %swap3A_77] {strides = array<i32>} : memref<128x128xf32, #tpu.memory_space<vmem>>, vector<1x16xf32>,
      %swap3A_79 = vector.shape_cast %swap3A_78 : vector<1x16xf32> to vector<16xf32>
      %swap3A_80 = vector.shape_cast %broadcast_in_dim3A_75 : vector<16xf32> to vector<1x16xf32>
      tpu.vector_store %arg7[%swap3A_76, %swap3A_77], %swap3A_80 {strides = array<i32>} : memref<128x128xf32, #tpu.memory_space<vmem>>, vector<1x16xf32>,
      %broadcast_in_dim3A_81 = arith.constant 0.000000e+00 : f32
      %broadcast_in_dim3A_82 = vector.broadcast %broadcast_in_dim3A_81 : f32 to vector<16xf32>
      %swap3A_83 = arith.index_cast %scan3A_33 : i32 to index
      %swap3A_84 = arith.constant 112 : index
      %swap3A_85 = tpu.vector_load %arg7[%swap3A_83, %swap3A_84] {strides = array<i32>} : memref<128x128xf32, #tpu.memory_space<vmem>>, vector<1x16xf32>,
      %swap3A_86 = vector.shape_cast %swap3A_85 : vector<1x16xf32> to vector<16xf32>
      %swap3A_87 = vector.shape_cast %broadcast_in_dim3A_82 : vector<16xf32> to vector<1x16xf32>
      tpu.vector_store %arg7[%swap3A_83, %swap3A_84], %swap3A_87 {strides = array<i32>} : memref<128x128xf32, #tpu.memory_space<vmem>>, vector<1x16xf32>,
    }
    %scan3A_4 = arith.constant 80 : i32
    %scan3A_5 = arith.constant 0 : i32
    %scan3A_6 = arith.constant 0 : i32
    %scan3A_7 = arith.constant 8 : i32
    %scan3A_8 = arith.addi %scan3A_6, %scan3A_7 : i32
    %scan3A_9 = arith.constant 1 : i32
    scf.for %scan3A_33 = %scan3A_6 to %scan3A_8 step %scan3A_9  : i32 {
      %mul3A = arith.constant 16 : i32
      %mul3A_34 = arith.muli %mul3A, %scan3A_33 : i32
      %add3A_35 = arith.addi %arg1, %mul3A_34 : i32
      %lt3A_36 = arith.constant 125 : i32
      %lt3A_37 = arith.cmpi slt, %add3A_35, %lt3A_36 : i32
      %convert_element_type3A_38 = arith.extui %lt3A_37 : i1 to i32
      %cond3A_39 = arith.constant 0 : i32
      %cond3A_40 = arith.cmpi ne, %convert_element_type3A_38, %cond3A_39 : i32
      scf.if %cond3A_40 {
        %mul3A_41 = arith.constant 80 : i32
        %mul3A_42 = arith.muli %add3A_35, %mul3A_41 : i32
        %dma_start3A = arith.constant 0 : i32
        %dma_start3A_43 = arith.constant 0 : i32
        %dma_start3A_44 = tpu.memref_slice %arg7[%dma_start3A, %dma_start3A_43] : memref<128x128xf32, #tpu.memory_space<vmem>> -> memref<80x128xf32, #tpu.memory_space<vmem>>
        %dma_start3A_45 = arith.constant 0 : i32
        %dma_start3A_46 = tpu.memref_slice %arg9[%mul3A_42, %dma_start3A_45] : memref<10000x128xf32, #tpu.memory_space<vmem_shared>> -> memref<80x128xf32, #tpu.memory_space<vmem_shared>>
        %dma_start3A_47 = arith.constant 0 : i32
        %dma_start3A_48 = tpu.memref_slice %arg9[%mul3A_42, %dma_start3A_47] : memref<10000x128xf32, #tpu.memory_space<vmem_shared>> -> memref<80x128xf32, #tpu.memory_space<vmem_shared>>
        %dma_start3A_49 = arith.constant 0 : i32
        %dma_start3A_50 = arith.constant 0 : i32
        %dma_start3A_51 = tpu.memref_slice %arg7[%dma_start3A_49, %dma_start3A_50] : memref<128x128xf32, #tpu.memory_space<vmem>> -> memref<80x128xf32, #tpu.memory_space<vmem>>
        tpu.enqueue_dma source(%dma_start3A_51 : memref<80x128xf32, #tpu.memory_space<vmem>>) target(%dma_start3A_48 : memref<80x128xf32, #tpu.memory_space<vmem_shared>>) target_semaphore(%arg10 : memref<!tpu.dma_semaphore, #tpu.memory_space<semaphore_mem>>)
      } else {
      }
    }
    %scan3A_10 = arith.constant 8 : i32
    %scan3A_11 = arith.constant 0 : i32
    %scan3A_12 = arith.constant 0 : i32
    %scan3A_13 = arith.constant 8 : i32
    %scan3A_14 = arith.addi %scan3A_12, %scan3A_13 : i32
    %scan3A_15 = arith.constant 1 : i32
    scf.for %scan3A_33 = %scan3A_12 to %scan3A_14 step %scan3A_15  : i32 {
      %mul3A = arith.constant 16 : i32
      %mul3A_34 = arith.muli %mul3A, %scan3A_33 : i32
      %add3A_35 = arith.addi %arg1, %mul3A_34 : i32
      %lt3A_36 = arith.constant 125 : i32
      %lt3A_37 = arith.cmpi slt, %add3A_35, %lt3A_36 : i32
      %convert_element_type3A_38 = arith.extui %lt3A_37 : i1 to i32
      %cond3A_39 = arith.constant 0 : i32
      %cond3A_40 = arith.cmpi ne, %convert_element_type3A_38, %cond3A_39 : i32
      scf.if %cond3A_40 {
        %mul3A_41 = arith.constant 80 : i32
        %mul3A_42 = arith.muli %add3A_35, %mul3A_41 : i32
        %dma_wait3A = arith.constant 0 : i32
        %dma_wait3A_43 = arith.constant 0 : i32
        %dma_wait3A_44 = tpu.memref_slice %arg7[%dma_wait3A, %dma_wait3A_43] : memref<128x128xf32, #tpu.memory_space<vmem>> -> memref<80x128xf32, #tpu.memory_space<vmem>>
        %dma_wait3A_45 = arith.constant 0 : i32
        %dma_wait3A_46 = tpu.memref_slice %arg9[%mul3A_42, %dma_wait3A_45] : memref<10000x128xf32, #tpu.memory_space<vmem_shared>> -> memref<80x128xf32, #tpu.memory_space<vmem_shared>>
        %dma_wait3A_47 = arith.constant 0 : i32
        %dma_wait3A_48 = tpu.memref_slice %arg9[%mul3A_42, %dma_wait3A_47] : memref<10000x128xf32, #tpu.memory_space<vmem_shared>> -> memref<80x128xf32, #tpu.memory_space<vmem_shared>>
        %dma_wait3A_49 = arith.constant 0 : i32
        %dma_wait3A_50 = arith.constant 0 : i32
        %dma_wait3A_51 = tpu.memref_slice %arg7[%dma_wait3A_49, %dma_wait3A_50] : memref<128x128xf32, #tpu.memory_space<vmem>> -> memref<80x128xf32, #tpu.memory_space<vmem>>
        tpu.wait_dma2 semaphore(%arg10 : memref<!tpu.dma_semaphore, #tpu.memory_space<semaphore_mem>>) src(%dma_wait3A_51 : memref<80x128xf32, #tpu.memory_space<vmem>>) dst(%dma_wait3A_48 : memref<80x128xf32, #tpu.memory_space<vmem_shared>>)
      } else {
      }
    }
    %scan3A_16 = arith.constant 8 : i32
    %barrier3A = arith.constant 0 : index
    tpu.barrier barrier_id(%barrier3A)
    %add3A = arith.constant 0 : i32
    %add3A_17 = arith.addi %arg1, %add3A : i32
    %lt3A = arith.constant 625 : i32
    %lt3A_18 = arith.cmpi slt, %add3A_17, %lt3A : i32
    %convert_element_type3A = arith.extui %lt3A_18 : i1 to i32
    %cond3A = arith.constant 0 : i32
    %cond3A_19 = arith.cmpi ne, %convert_element_type3A, %cond3A : i32
    scf.if %cond3A_19 {
      %add3A_33 = arith.constant 0 : i32
      %add3A_34 = arith.addi %arg1, %add3A_33 : i32
      %dma_start3A = arith.constant 0 : i32
      %dma_start3A_35 = tpu.memref_slice %arg3[%add3A_34, %dma_start3A] : memref<625x128xi32, #tpu.memory_space<hbm>> -> memref<1x128xi32, #tpu.memory_space<hbm>>
      %dma_start3A_36 = tpu.memref_squeeze %dma_start3A_35 : memref<1x128xi32, #tpu.memory_space<hbm>> -> memref<128xi32, #tpu.memory_space<hbm>>
      %dma_start3A_37 = arith.constant 0 : i32
      %dma_start3A_38 = tpu.memref_slice %arg3[%add3A_34, %dma_start3A_37] : memref<625x128xi32, #tpu.memory_space<hbm>> -> memref<1x128xi32, #tpu.memory_space<hbm>>
      %dma_start3A_39 = tpu.memref_squeeze %dma_start3A_38 : memref<1x128xi32, #tpu.memory_space<hbm>> -> memref<128xi32, #tpu.memory_space<hbm>>
      tpu.enqueue_dma source(%dma_start3A_39 : memref<128xi32, #tpu.memory_space<hbm>>) target(%arg5 : memref<128xi32, #tpu.memory_space<vmem>>) target_semaphore(%arg10 : memref<!tpu.dma_semaphore, #tpu.memory_space<semaphore_mem>>)
      %add3A_40 = arith.constant 0 : i32
      %add3A_41 = arith.addi %arg1, %add3A_40 : i32
      %mul3A = arith.constant 128 : i32
      %mul3A_42 = arith.muli %add3A_41, %mul3A : i32
      %dma_start3A_43 = arith.constant 0 : i32
      %dma_start3A_44 = tpu.memref_slice %arg2[%arg0, %mul3A_42, %dma_start3A_43] : memref<2x80000x128xf32, #tpu.memory_space<hbm>> -> memref<1x128x128xf32, #tpu.memory_space<hbm>>
      %dma_start3A_45 = tpu.memref_squeeze %dma_start3A_44 : memref<1x128x128xf32, #tpu.memory_space<hbm>> -> memref<128x128xf32, #tpu.memory_space<hbm>>
      %dma_start3A_46 = arith.constant 0 : i32
      %dma_start3A_47 = tpu.memref_slice %arg2[%arg0, %mul3A_42, %dma_start3A_46] : memref<2x80000x128xf32, #tpu.memory_space<hbm>> -> memref<1x128x128xf32, #tpu.memory_space<hbm>>
      %dma_start3A_48 = tpu.memref_squeeze %dma_start3A_47 : memref<1x128x128xf32, #tpu.memory_space<hbm>> -> memref<128x128xf32, #tpu.memory_space<hbm>>
      tpu.enqueue_dma source(%dma_start3A_48 : memref<128x128xf32, #tpu.memory_space<hbm>>) target(%arg7 : memref<128x128xf32, #tpu.memory_space<vmem>>) target_semaphore(%arg12 : memref<!tpu.dma_semaphore, #tpu.memory_space<semaphore_mem>>)
    } else {
    }
    %scan3A_20 = arith.constant 0 : i32
    %scan3A_21 = arith.constant 0 : i32
    %scan3A_22 = arith.constant 21 : i32
    %scan3A_23 = arith.addi %scan3A_21, %scan3A_22 : i32
    %scan3A_24 = arith.constant 1 : i32
    scf.for %scan3A_33 = %scan3A_21 to %scan3A_23 step %scan3A_24  : i32 {
      %mul3A = arith.constant 2 : i32
      %mul3A_34 = arith.muli %mul3A, %scan3A_33 : i32
      %add3A_35 = arith.constant 1 : i32
      %add3A_36 = arith.addi %mul3A_34, %add3A_35 : i32
      %mul3A_37 = arith.constant 16 : i32
      %mul3A_38 = arith.muli %mul3A_37, %add3A_36 : i32
      %add3A_39 = arith.addi %arg1, %mul3A_38 : i32
      %lt3A_40 = arith.constant 625 : i32
      %lt3A_41 = arith.cmpi slt, %add3A_39, %lt3A_40 : i32
      %convert_element_type3A_42 = arith.extui %lt3A_41 : i1 to i32
      %cond3A_43 = arith.constant 0 : i32
      %cond3A_44 = arith.cmpi ne, %convert_element_type3A_42, %cond3A_43 : i32
      scf.if %cond3A_44 {
        %add3A_75 = arith.constant 1 : i32
        %add3A_76 = arith.addi %mul3A_34, %add3A_75 : i32
        %mul3A_77 = arith.constant 16 : i32
        %mul3A_78 = arith.muli %mul3A_77, %add3A_76 : i32
        %add3A_79 = arith.addi %arg1, %mul3A_78 : i32
        %dma_start3A = arith.constant 0 : i32
        %dma_start3A_80 = tpu.memref_slice %arg3[%add3A_79, %dma_start3A] : memref<625x128xi32, #tpu.memory_space<hbm>> -> memref<1x128xi32, #tpu.memory_space<hbm>>
        %dma_start3A_81 = tpu.memref_squeeze %dma_start3A_80 : memref<1x128xi32, #tpu.memory_space<hbm>> -> memref<128xi32, #tpu.memory_space<hbm>>
        %dma_start3A_82 = arith.constant 0 : i32
        %dma_start3A_83 = tpu.memref_slice %arg3[%add3A_79, %dma_start3A_82] : memref<625x128xi32, #tpu.memory_space<hbm>> -> memref<1x128xi32, #tpu.memory_space<hbm>>
        %dma_start3A_84 = tpu.memref_squeeze %dma_start3A_83 : memref<1x128xi32, #tpu.memory_space<hbm>> -> memref<128xi32, #tpu.memory_space<hbm>>
        tpu.enqueue_dma source(%dma_start3A_84 : memref<128xi32, #tpu.memory_space<hbm>>) target(%arg6 : memref<128xi32, #tpu.memory_space<vmem>>) target_semaphore(%arg11 : memref<!tpu.dma_semaphore, #tpu.memory_space<semaphore_mem>>)
        %add3A_85 = arith.constant 1 : i32
        %add3A_86 = arith.addi %mul3A_34, %add3A_85 : i32
        %mul3A_87 = arith.constant 16 : i32
        %mul3A_88 = arith.muli %mul3A_87, %add3A_86 : i32
        %add3A_89 = arith.addi %arg1, %mul3A_88 : i32
        %mul3A_90 = arith.constant 128 : i32
        %mul3A_91 = arith.muli %add3A_89, %mul3A_90 : i32
        %dma_start3A_92 = arith.constant 0 : i32
        %dma_start3A_93 = tpu.memref_slice %arg2[%arg0, %mul3A_91, %dma_start3A_92] : memref<2x80000x128xf32, #tpu.memory_space<hbm>> -> memref<1x128x128xf32, #tpu.memory_space<hbm>>
        %dma_start3A_94 = tpu.memref_squeeze %dma_start3A_93 : memref<1x128x128xf32, #tpu.memory_space<hbm>> -> memref<128x128xf32, #tpu.memory_space<hbm>>
        %dma_start3A_95 = arith.constant 0 : i32
        %dma_start3A_96 = tpu.memref_slice %arg2[%arg0, %mul3A_91, %dma_start3A_95] : memref<2x80000x128xf32, #tpu.memory_space<hbm>> -> memref<1x128x128xf32, #tpu.memory_space<hbm>>
        %dma_start3A_97 = tpu.memref_squeeze %dma_start3A_96 : memref<1x128x128xf32, #tpu.memory_space<hbm>> -> memref<128x128xf32, #tpu.memory_space<hbm>>
        tpu.enqueue_dma source(%dma_start3A_97 : memref<128x128xf32, #tpu.memory_space<hbm>>) target(%arg8 : memref<128x128xf32, #tpu.memory_space<vmem>>) target_semaphore(%arg13 : memref<!tpu.dma_semaphore, #tpu.memory_space<semaphore_mem>>)
      } else {
      }
      %mul3A_45 = arith.constant 16 : i32
      %mul3A_46 = arith.muli %mul3A_45, %mul3A_34 : i32
      %add3A_47 = arith.addi %arg1, %mul3A_46 : i32
      %lt3A_48 = arith.constant 625 : i32
      %lt3A_49 = arith.cmpi slt, %add3A_47, %lt3A_48 : i32
      %convert_element_type3A_50 = arith.extui %lt3A_49 : i1 to i32
      %cond3A_51 = arith.constant 0 : i32
      %cond3A_52 = arith.cmpi ne, %convert_element_type3A_50, %cond3A_51 : i32
      scf.if %cond3A_52 {
        %mul3A_75 = arith.constant 16 : i32
        %mul3A_76 = arith.muli %mul3A_75, %mul3A_34 : i32
        %add3A_77 = arith.addi %arg1, %mul3A_76 : i32
        %dma_wait3A = arith.constant 0 : i32
        %dma_wait3A_78 = tpu.memref_slice %arg3[%add3A_77, %dma_wait3A] : memref<625x128xi32, #tpu.memory_space<hbm>> -> memref<1x128xi32, #tpu.memory_space<hbm>>
        %dma_wait3A_79 = tpu.memref_squeeze %dma_wait3A_78 : memref<1x128xi32, #tpu.memory_space<hbm>> -> memref<128xi32, #tpu.memory_space<hbm>>
        %dma_wait3A_80 = arith.constant 0 : i32
        %dma_wait3A_81 = tpu.memref_slice %arg3[%add3A_77, %dma_wait3A_80] : memref<625x128xi32, #tpu.memory_space<hbm>> -> memref<1x128xi32, #tpu.memory_space<hbm>>
        %dma_wait3A_82 = tpu.memref_squeeze %dma_wait3A_81 : memref<1x128xi32, #tpu.memory_space<hbm>> -> memref<128xi32, #tpu.memory_space<hbm>>
        tpu.wait_dma2 semaphore(%arg10 : memref<!tpu.dma_semaphore, #tpu.memory_space<semaphore_mem>>) src(%dma_wait3A_82 : memref<128xi32, #tpu.memory_space<hbm>>) dst(%arg5 : memref<128xi32, #tpu.memory_space<vmem>>)
        %mul3A_83 = arith.constant 16 : i32
        %mul3A_84 = arith.muli %mul3A_83, %mul3A_34 : i32
        %add3A_85 = arith.addi %arg1, %mul3A_84 : i32
        %mul3A_86 = arith.constant 128 : i32
        %mul3A_87 = arith.muli %add3A_85, %mul3A_86 : i32
        %dma_wait3A_88 = arith.constant 0 : i32
        %dma_wait3A_89 = tpu.memref_slice %arg2[%arg0, %mul3A_87, %dma_wait3A_88] : memref<2x80000x128xf32, #tpu.memory_space<hbm>> -> memref<1x128x128xf32, #tpu.memory_space<hbm>>
        %dma_wait3A_90 = tpu.memref_squeeze %dma_wait3A_89 : memref<1x128x128xf32, #tpu.memory_space<hbm>> -> memref<128x128xf32, #tpu.memory_space<hbm>>
        %dma_wait3A_91 = arith.constant 0 : i32
        %dma_wait3A_92 = tpu.memref_slice %arg2[%arg0, %mul3A_87, %dma_wait3A_91] : memref<2x80000x128xf32, #tpu.memory_space<hbm>> -> memref<1x128x128xf32, #tpu.memory_space<hbm>>
        %dma_wait3A_93 = tpu.memref_squeeze %dma_wait3A_92 : memref<1x128x128xf32, #tpu.memory_space<hbm>> -> memref<128x128xf32, #tpu.memory_space<hbm>>
        tpu.wait_dma2 semaphore(%arg12 : memref<!tpu.dma_semaphore, #tpu.memory_space<semaphore_mem>>) src(%dma_wait3A_93 : memref<128x128xf32, #tpu.memory_space<hbm>>) dst(%arg7 : memref<128x128xf32, #tpu.memory_space<vmem>>)
        "tpu.region"() ({
          %run_scoped3A = tpu.sem_alloc : memref<!tpu.dma_semaphore, #tpu.memory_space<semaphore_mem>>
          %dma_start3A = arith.constant 0 : i32
          %dma_start3A_94 = arith.constant 0 : i32
          %dma_start3A_95 = tpu.memref_slice %arg9[%dma_start3A, %dma_start3A_94] : memref<10000x128xf32, #tpu.memory_space<vmem_shared>> -> memref<10000x128xf32, #tpu.memory_space<vmem_shared>>
          tpu.enqueue_indirect_dma source(%arg7 : memref<128x128xf32, #tpu.memory_space<vmem>>) target(%dma_start3A_95 : memref<10000x128xf32, #tpu.memory_space<vmem_shared>>) offsets(%arg5 : memref<128xi32, #tpu.memory_space<vmem>>) semaphore(%run_scoped3A : memref<!tpu.dma_semaphore, #tpu.memory_space<semaphore_mem>>) {add = true}
          %dma_wait3A_96 = arith.constant 0 : i32
          %dma_wait3A_97 = arith.constant 0 : i32
          %dma_wait3A_98 = tpu.memref_slice %arg9[%dma_wait3A_96, %dma_wait3A_97] : memref<10000x128xf32, #tpu.memory_space<vmem_shared>> -> memref<10000x128xf32, #tpu.memory_space<vmem_shared>>
          tpu.wait_indirect_dma semaphore(%run_scoped3A : memref<!tpu.dma_semaphore, #tpu.memory_space<semaphore_mem>>) src(%arg7 : memref<128x128xf32, #tpu.memory_space<vmem>>) dst(%dma_wait3A_98 : memref<10000x128xf32, #tpu.memory_space<vmem_shared>>)
          tpu.yield
        }) : () -> ()
      } else {
      }
      %mul3A_53 = arith.constant 2 : i32
      %mul3A_54 = arith.muli %mul3A_53, %scan3A_33 : i32
      %add3A_55 = arith.constant 1 : i32
      %add3A_56 = arith.addi %mul3A_54, %add3A_55 : i32
      %add3A_57 = arith.constant 1 : i32
      %add3A_58 = arith.addi %add3A_56, %add3A_57 : i32
      %mul3A_59 = arith.constant 16 : i32
      %mul3A_60 = arith.muli %mul3A_59, %add3A_58 : i32
      %add3A_61 = arith.addi %arg1, %mul3A_60 : i32
      %lt3A_62 = arith.constant 625 : i32
      %lt3A_63 = arith.cmpi slt, %add3A_61, %lt3A_62 : i32
      %convert_element_type3A_64 = arith.extui %lt3A_63 : i1 to i32
      %cond3A_65 = arith.constant 0 : i32
      %cond3A_66 = arith.cmpi ne, %convert_element_type3A_64, %cond3A_65 : i32
      scf.if %cond3A_66 {
        %add3A_75 = arith.constant 1 : i32
        %add3A_76 = arith.addi %add3A_56, %add3A_75 : i32
        %mul3A_77 = arith.constant 16 : i32
        %mul3A_78 = arith.muli %mul3A_77, %add3A_76 : i32
        %add3A_79 = arith.addi %arg1, %mul3A_78 : i32
        %dma_start3A = arith.constant 0 : i32
        %dma_start3A_80 = tpu.memref_slice %arg3[%add3A_79, %dma_start3A] : memref<625x128xi32, #tpu.memory_space<hbm>> -> memref<1x128xi32, #tpu.memory_space<hbm>>
        %dma_start3A_81 = tpu.memref_squeeze %dma_start3A_80 : memref<1x128xi32, #tpu.memory_space<hbm>> -> memref<128xi32, #tpu.memory_space<hbm>>
        %dma_start3A_82 = arith.constant 0 : i32
        %dma_start3A_83 = tpu.memref_slice %arg3[%add3A_79, %dma_start3A_82] : memref<625x128xi32, #tpu.memory_space<hbm>> -> memref<1x128xi32, #tpu.memory_space<hbm>>
        %dma_start3A_84 = tpu.memref_squeeze %dma_start3A_83 : memref<1x128xi32, #tpu.memory_space<hbm>> -> memref<128xi32, #tpu.memory_space<hbm>>
        tpu.enqueue_dma source(%dma_start3A_84 : memref<128xi32, #tpu.memory_space<hbm>>) target(%arg5 : memref<128xi32, #tpu.memory_space<vmem>>) target_semaphore(%arg10 : memref<!tpu.dma_semaphore, #tpu.memory_space<semaphore_mem>>)
        %add3A_85 = arith.constant 1 : i32
        %add3A_86 = arith.addi %add3A_56, %add3A_85 : i32
        %mul3A_87 = arith.constant 16 : i32
        %mul3A_88 = arith.muli %mul3A_87, %add3A_86 : i32
        %add3A_89 = arith.addi %arg1, %mul3A_88 : i32
        %mul3A_90 = arith.constant 128 : i32
        %mul3A_91 = arith.muli %add3A_89, %mul3A_90 : i32
        %dma_start3A_92 = arith.constant 0 : i32
        %dma_start3A_93 = tpu.memref_slice %arg2[%arg0, %mul3A_91, %dma_start3A_92] : memref<2x80000x128xf32, #tpu.memory_space<hbm>> -> memref<1x128x128xf32, #tpu.memory_space<hbm>>
        %dma_start3A_94 = tpu.memref_squeeze %dma_start3A_93 : memref<1x128x128xf32, #tpu.memory_space<hbm>> -> memref<128x128xf32, #tpu.memory_space<hbm>>
        %dma_start3A_95 = arith.constant 0 : i32
        %dma_start3A_96 = tpu.memref_slice %arg2[%arg0, %mul3A_91, %dma_start3A_95] : memref<2x80000x128xf32, #tpu.memory_space<hbm>> -> memref<1x128x128xf32, #tpu.memory_space<hbm>>
        %dma_start3A_97 = tpu.memref_squeeze %dma_start3A_96 : memref<1x128x128xf32, #tpu.memory_space<hbm>> -> memref<128x128xf32, #tpu.memory_space<hbm>>
        tpu.enqueue_dma source(%dma_start3A_97 : memref<128x128xf32, #tpu.memory_space<hbm>>) target(%arg7 : memref<128x128xf32, #tpu.memory_space<vmem>>) target_semaphore(%arg12 : memref<!tpu.dma_semaphore, #tpu.memory_space<semaphore_mem>>)
      } else {
      }
      %mul3A_67 = arith.constant 16 : i32
      %mul3A_68 = arith.muli %mul3A_67, %add3A_56 : i32
      %add3A_69 = arith.addi %arg1, %mul3A_68 : i32
      %lt3A_70 = arith.constant 625 : i32
      %lt3A_71 = arith.cmpi slt, %add3A_69, %lt3A_70 : i32
      %convert_element_type3A_72 = arith.extui %lt3A_71 : i1 to i32
      %cond3A_73 = arith.constant 0 : i32
      %cond3A_74 = arith.cmpi ne, %convert_element_type3A_72, %cond3A_73 : i32
      scf.if %cond3A_74 {
        %mul3A_75 = arith.constant 16 : i32
        %mul3A_76 = arith.muli %mul3A_75, %add3A_56 : i32
        %add3A_77 = arith.addi %arg1, %mul3A_76 : i32
        %dma_wait3A = arith.constant 0 : i32
        %dma_wait3A_78 = tpu.memref_slice %arg3[%add3A_77, %dma_wait3A] : memref<625x128xi32, #tpu.memory_space<hbm>> -> memref<1x128xi32, #tpu.memory_space<hbm>>
        %dma_wait3A_79 = tpu.memref_squeeze %dma_wait3A_78 : memref<1x128xi32, #tpu.memory_space<hbm>> -> memref<128xi32, #tpu.memory_space<hbm>>
        %dma_wait3A_80 = arith.constant 0 : i32
        %dma_wait3A_81 = tpu.memref_slice %arg3[%add3A_77, %dma_wait3A_80] : memref<625x128xi32, #tpu.memory_space<hbm>> -> memref<1x128xi32, #tpu.memory_space<hbm>>
        %dma_wait3A_82 = tpu.memref_squeeze %dma_wait3A_81 : memref<1x128xi32, #tpu.memory_space<hbm>> -> memref<128xi32, #tpu.memory_space<hbm>>
        tpu.wait_dma2 semaphore(%arg11 : memref<!tpu.dma_semaphore, #tpu.memory_space<semaphore_mem>>) src(%dma_wait3A_82 : memref<128xi32, #tpu.memory_space<hbm>>) dst(%arg6 : memref<128xi32, #tpu.memory_space<vmem>>)
        %mul3A_83 = arith.constant 16 : i32
        %mul3A_84 = arith.muli %mul3A_83, %add3A_56 : i32
        %add3A_85 = arith.addi %arg1, %mul3A_84 : i32
        %mul3A_86 = arith.constant 128 : i32
        %mul3A_87 = arith.muli %add3A_85, %mul3A_86 : i32
        %dma_wait3A_88 = arith.constant 0 : i32
        %dma_wait3A_89 = tpu.memref_slice %arg2[%arg0, %mul3A_87, %dma_wait3A_88] : memref<2x80000x128xf32, #tpu.memory_space<hbm>> -> memref<1x128x128xf32, #tpu.memory_space<hbm>>
        %dma_wait3A_90 = tpu.memref_squeeze %dma_wait3A_89 : memref<1x128x128xf32, #tpu.memory_space<hbm>> -> memref<128x128xf32, #tpu.memory_space<hbm>>
        %dma_wait3A_91 = arith.constant 0 : i32
        %dma_wait3A_92 = tpu.memref_slice %arg2[%arg0, %mul3A_87, %dma_wait3A_91] : memref<2x80000x128xf32, #tpu.memory_space<hbm>> -> memref<1x128x128xf32, #tpu.memory_space<hbm>>
        %dma_wait3A_93 = tpu.memref_squeeze %dma_wait3A_92 : memref<1x128x128xf32, #tpu.memory_space<hbm>> -> memref<128x128xf32, #tpu.memory_space<hbm>>
        tpu.wait_dma2 semaphore(%arg13 : memref<!tpu.dma_semaphore, #tpu.memory_space<semaphore_mem>>) src(%dma_wait3A_93 : memref<128x128xf32, #tpu.memory_space<hbm>>) dst(%arg8 : memref<128x128xf32, #tpu.memory_space<vmem>>)
        "tpu.region"() ({
          %run_scoped3A = tpu.sem_alloc : memref<!tpu.dma_semaphore, #tpu.memory_space<semaphore_mem>>
          %dma_start3A = arith.constant 0 : i32
          %dma_start3A_94 = arith.constant 0 : i32
          %dma_start3A_95 = tpu.memref_slice %arg9[%dma_start3A, %dma_start3A_94] : memref<10000x128xf32, #tpu.memory_space<vmem_shared>> -> memref<10000x128xf32, #tpu.memory_space<vmem_shared>>
          tpu.enqueue_indirect_dma source(%arg8 : memref<128x128xf32, #tpu.memory_space<vmem>>) target(%dma_start3A_95 : memref<10000x128xf32, #tpu.memory_space<vmem_shared>>) offsets(%arg6 : memref<128xi32, #tpu.memory_space<vmem>>) semaphore(%run_scoped3A : memref<!tpu.dma_semaphore, #tpu.memory_space<semaphore_mem>>) {add = true}
          %dma_wait3A_96 = arith.constant 0 : i32
          %dma_wait3A_97 = arith.constant 0 : i32
          %dma_wait3A_98 = tpu.memref_slice %arg9[%dma_wait3A_96, %dma_wait3A_97] : memref<10000x128xf32, #tpu.memory_space<vmem_shared>> -> memref<10000x128xf32, #tpu.memory_space<vmem_shared>>
          tpu.wait_indirect_dma semaphore(%run_scoped3A : memref<!tpu.dma_semaphore, #tpu.memory_space<semaphore_mem>>) src(%arg8 : memref<128x128xf32, #tpu.memory_space<vmem>>) dst(%dma_wait3A_98 : memref<10000x128xf32, #tpu.memory_space<vmem_shared>>)
          tpu.yield
        }) : () -> ()
      } else {
      }
    }
    %scan3A_25 = arith.constant 21 : i32
    %barrier3A_26 = arith.constant 0 : index
    tpu.barrier barrier_id(%barrier3A_26)
    %scan3A_27 = arith.constant 0 : i32
    %scan3A_28 = arith.constant 0 : i32
    %scan3A_29 = arith.constant 6 : i32
    %scan3A_30 = arith.addi %scan3A_28, %scan3A_29 : i32
    %scan3A_31 = arith.constant 1 : i32
    scf.for %scan3A_33 = %scan3A_28 to %scan3A_30 step %scan3A_31  : i32 {
      %mul3A = arith.constant 2 : i32
      %mul3A_34 = arith.muli %mul3A, %scan3A_33 : i32
      %mul3A_35 = arith.constant 16 : i32
      %mul3A_36 = arith.muli %mul3A_35, %mul3A_34 : i32
      %add3A_37 = arith.addi %arg1, %mul3A_36 : i32
      %sub3A = arith.constant 2 : i32
      %sub3A_38 = arith.subi %mul3A_34, %sub3A : i32
      %mul3A_39 = arith.constant 16 : i32
      %mul3A_40 = arith.muli %mul3A_39, %sub3A_38 : i32
      %add3A_41 = arith.addi %arg1, %mul3A_40 : i32
      %ge3A = arith.constant 2 : i32
      %ge3A_42 = arith.cmpi sge, %mul3A_34, %ge3A : i32
      %lt3A_43 = arith.constant 125 : i32
      %lt3A_44 = arith.cmpi slt, %add3A_41, %lt3A_43 : i32
      %and3A = arith.andi %ge3A_42, %lt3A_44 : i1
      %convert_element_type3A_45 = arith.extui %and3A : i1 to i32
      %cond3A_46 = arith.constant 0 : i32
      %cond3A_47 = arith.cmpi ne, %convert_element_type3A_45, %cond3A_46 : i32
      scf.if %cond3A_47 {
        %mul3A_78 = arith.constant 80 : i32
        %mul3A_79 = arith.muli %add3A_41, %mul3A_78 : i32
        %mul3A_80 = arith.constant 128 : i32
        %mul3A_81 = arith.muli %arg0, %mul3A_80 : i32
        %dma_wait3A = arith.constant 0 : i32
        %dma_wait3A_82 = arith.constant 0 : i32
        %dma_wait3A_83 = tpu.memref_slice %arg7[%dma_wait3A, %dma_wait3A_82] : memref<128x128xf32, #tpu.memory_space<vmem>> -> memref<80x128xf32, #tpu.memory_space<vmem>>
        %dma_wait3A_84 = tpu.memref_slice %arg4[%mul3A_79, %mul3A_81] : memref<10000x256xf32, #tpu.memory_space<hbm>> -> memref<80x128xf32, #tpu.memory_space<hbm>>
        %dma_wait3A_85 = tpu.memref_slice %arg4[%mul3A_79, %mul3A_81] : memref<10000x256xf32, #tpu.memory_space<hbm>> -> memref<80x128xf32, #tpu.memory_space<hbm>>
        %dma_wait3A_86 = arith.constant 0 : i32
        %dma_wait3A_87 = arith.constant 0 : i32
        %dma_wait3A_88 = tpu.memref_slice %arg7[%dma_wait3A_86, %dma_wait3A_87] : memref<128x128xf32, #tpu.memory_space<vmem>> -> memref<80x128xf32, #tpu.memory_space<vmem>>
        tpu.wait_dma2 semaphore(%arg12 : memref<!tpu.dma_semaphore, #tpu.memory_space<semaphore_mem>>) src(%dma_wait3A_88 : memref<80x128xf32, #tpu.memory_space<vmem>>) dst(%dma_wait3A_85 : memref<80x128xf32, #tpu.memory_space<hbm>>)
      } else {
      }
      %lt3A_48 = arith.constant 125 : i32
      %lt3A_49 = arith.cmpi slt, %add3A_37, %lt3A_48 : i32
      %convert_element_type3A_50 = arith.extui %lt3A_49 : i1 to i32
      %cond3A_51 = arith.constant 0 : i32
      %cond3A_52 = arith.cmpi ne, %convert_element_type3A_50, %cond3A_51 : i32
      scf.if %cond3A_52 {
        %mul3A_78 = arith.constant 80 : i32
        %mul3A_79 = arith.muli %add3A_37, %mul3A_78 : i32
        "tpu.region"() ({
          %run_scoped3A = tpu.sem_alloc : memref<!tpu.dma_semaphore, #tpu.memory_space<semaphore_mem>>
          %dma_start3A_91 = arith.constant 0 : i32
          %dma_start3A_92 = arith.constant 0 : i32
          %dma_start3A_93 = tpu.memref_slice %arg7[%dma_start3A_91, %dma_start3A_92] : memref<128x128xf32, #tpu.memory_space<vmem>> -> memref<80x128xf32, #tpu.memory_space<vmem>>
          %dma_start3A_94 = arith.constant 0 : i32
          %dma_start3A_95 = tpu.memref_slice %arg9[%mul3A_79, %dma_start3A_94] : memref<10000x128xf32, #tpu.memory_space<vmem_shared>> -> memref<80x128xf32, #tpu.memory_space<vmem_shared>>
          %dma_start3A_96 = arith.constant 0 : i32
          %dma_start3A_97 = arith.constant 0 : i32
          %dma_start3A_98 = tpu.memref_slice %arg7[%dma_start3A_96, %dma_start3A_97] : memref<128x128xf32, #tpu.memory_space<vmem>> -> memref<80x128xf32, #tpu.memory_space<vmem>>
          %dma_start3A_99 = arith.constant 0 : i32
          %dma_start3A_100 = tpu.memref_slice %arg9[%mul3A_79, %dma_start3A_99] : memref<10000x128xf32, #tpu.memory_space<vmem_shared>> -> memref<80x128xf32, #tpu.memory_space<vmem_shared>>
          tpu.enqueue_dma source(%dma_start3A_100 : memref<80x128xf32, #tpu.memory_space<vmem_shared>>) target(%dma_start3A_98 : memref<80x128xf32, #tpu.memory_space<vmem>>) target_semaphore(%run_scoped3A : memref<!tpu.dma_semaphore, #tpu.memory_space<semaphore_mem>>)
          %dma_wait3A = arith.constant 0 : i32
          %dma_wait3A_101 = arith.constant 0 : i32
          %dma_wait3A_102 = tpu.memref_slice %arg7[%dma_wait3A, %dma_wait3A_101] : memref<128x128xf32, #tpu.memory_space<vmem>> -> memref<80x128xf32, #tpu.memory_space<vmem>>
          %dma_wait3A_103 = arith.constant 0 : i32
          %dma_wait3A_104 = tpu.memref_slice %arg9[%mul3A_79, %dma_wait3A_103] : memref<10000x128xf32, #tpu.memory_space<vmem_shared>> -> memref<80x128xf32, #tpu.memory_space<vmem_shared>>
          %dma_wait3A_105 = arith.constant 0 : i32
          %dma_wait3A_106 = arith.constant 0 : i32
          %dma_wait3A_107 = tpu.memref_slice %arg7[%dma_wait3A_105, %dma_wait3A_106] : memref<128x128xf32, #tpu.memory_space<vmem>> -> memref<80x128xf32, #tpu.memory_space<vmem>>
          %dma_wait3A_108 = arith.constant 0 : i32
          %dma_wait3A_109 = tpu.memref_slice %arg9[%mul3A_79, %dma_wait3A_108] : memref<10000x128xf32, #tpu.memory_space<vmem_shared>> -> memref<80x128xf32, #tpu.memory_space<vmem_shared>>
          tpu.wait_dma2 semaphore(%run_scoped3A : memref<!tpu.dma_semaphore, #tpu.memory_space<semaphore_mem>>) src(%dma_wait3A_109 : memref<80x128xf32, #tpu.memory_space<vmem_shared>>) dst(%dma_wait3A_107 : memref<80x128xf32, #tpu.memory_space<vmem>>)
          tpu.yield
        }) : () -> ()
        %mul3A_80 = arith.constant 80 : i32
        %mul3A_81 = arith.muli %add3A_37, %mul3A_80 : i32
        %mul3A_82 = arith.constant 128 : i32
        %mul3A_83 = arith.muli %arg0, %mul3A_82 : i32
        %dma_start3A = arith.constant 0 : i32
        %dma_start3A_84 = arith.constant 0 : i32
        %dma_start3A_85 = tpu.memref_slice %arg7[%dma_start3A, %dma_start3A_84] : memref<128x128xf32, #tpu.memory_space<vmem>> -> memref<80x128xf32, #tpu.memory_space<vmem>>
        %dma_start3A_86 = tpu.memref_slice %arg4[%mul3A_81, %mul3A_83] : memref<10000x256xf32, #tpu.memory_space<hbm>> -> memref<80x128xf32, #tpu.memory_space<hbm>>
        %dma_start3A_87 = tpu.memref_slice %arg4[%mul3A_81, %mul3A_83] : memref<10000x256xf32, #tpu.memory_space<hbm>> -> memref<80x128xf32, #tpu.memory_space<hbm>>
        %dma_start3A_88 = arith.constant 0 : i32
        %dma_start3A_89 = arith.constant 0 : i32
        %dma_start3A_90 = tpu.memref_slice %arg7[%dma_start3A_88, %dma_start3A_89] : memref<128x128xf32, #tpu.memory_space<vmem>> -> memref<80x128xf32, #tpu.memory_space<vmem>>
        tpu.enqueue_dma source(%dma_start3A_90 : memref<80x128xf32, #tpu.memory_space<vmem>>) target(%dma_start3A_87 : memref<80x128xf32, #tpu.memory_space<hbm>>) target_semaphore(%arg12 : memref<!tpu.dma_semaphore, #tpu.memory_space<semaphore_mem>>)
      } else {
      }
      %mul3A_53 = arith.constant 2 : i32
      %mul3A_54 = arith.muli %mul3A_53, %scan3A_33 : i32
      %add3A_55 = arith.constant 1 : i32
      %add3A_56 = arith.addi %mul3A_54, %add3A_55 : i32
      %mul3A_57 = arith.constant 16 : i32
      %mul3A_58 = arith.muli %mul3A_57, %add3A_56 : i32
      %add3A_59 = arith.addi %arg1, %mul3A_58 : i32
      %sub3A_60 = arith.constant 2 : i32
      %sub3A_61 = arith.subi %add3A_56, %sub3A_60 : i32
      %mul3A_62 = arith.constant 16 : i32
      %mul3A_63 = arith.muli %mul3A_62, %sub3A_61 : i32
      %add3A_64 = arith.addi %arg1, %mul3A_63 : i32
      %ge3A_65 = arith.constant 2 : i32
      %ge3A_66 = arith.cmpi sge, %add3A_56, %ge3A_65 : i32
      %lt3A_67 = arith.constant 125 : i32
      %lt3A_68 = arith.cmpi slt, %add3A_64, %lt3A_67 : i32
      %and3A_69 = arith.andi %ge3A_66, %lt3A_68 : i1
      %convert_element_type3A_70 = arith.extui %and3A_69 : i1 to i32
      %cond3A_71 = arith.constant 0 : i32
      %cond3A_72 = arith.cmpi ne, %convert_element_type3A_70, %cond3A_71 : i32
      scf.if %cond3A_72 {
        %mul3A_78 = arith.constant 80 : i32
        %mul3A_79 = arith.muli %add3A_64, %mul3A_78 : i32
        %mul3A_80 = arith.constant 128 : i32
        %mul3A_81 = arith.muli %arg0, %mul3A_80 : i32
        %dma_wait3A = arith.constant 0 : i32
        %dma_wait3A_82 = arith.constant 0 : i32
        %dma_wait3A_83 = tpu.memref_slice %arg8[%dma_wait3A, %dma_wait3A_82] : memref<128x128xf32, #tpu.memory_space<vmem>> -> memref<80x128xf32, #tpu.memory_space<vmem>>
        %dma_wait3A_84 = tpu.memref_slice %arg4[%mul3A_79, %mul3A_81] : memref<10000x256xf32, #tpu.memory_space<hbm>> -> memref<80x128xf32, #tpu.memory_space<hbm>>
        %dma_wait3A_85 = tpu.memref_slice %arg4[%mul3A_79, %mul3A_81] : memref<10000x256xf32, #tpu.memory_space<hbm>> -> memref<80x128xf32, #tpu.memory_space<hbm>>
        %dma_wait3A_86 = arith.constant 0 : i32
        %dma_wait3A_87 = arith.constant 0 : i32
        %dma_wait3A_88 = tpu.memref_slice %arg8[%dma_wait3A_86, %dma_wait3A_87] : memref<128x128xf32, #tpu.memory_space<vmem>> -> memref<80x128xf32, #tpu.memory_space<vmem>>
        tpu.wait_dma2 semaphore(%arg13 : memref<!tpu.dma_semaphore, #tpu.memory_space<semaphore_mem>>) src(%dma_wait3A_88 : memref<80x128xf32, #tpu.memory_space<vmem>>) dst(%dma_wait3A_85 : memref<80x128xf32, #tpu.memory_space<hbm>>)
      } else {
      }
      %lt3A_73 = arith.constant 125 : i32
      %lt3A_74 = arith.cmpi slt, %add3A_59, %lt3A_73 : i32
      %convert_element_type3A_75 = arith.extui %lt3A_74 : i1 to i32
      %cond3A_76 = arith.constant 0 : i32
      %cond3A_77 = arith.cmpi ne, %convert_element_type3A_75, %cond3A_76 : i32
      scf.if %cond3A_77 {
        %mul3A_78 = arith.constant 80 : i32
        %mul3A_79 = arith.muli %add3A_59, %mul3A_78 : i32
        "tpu.region"() ({
          %run_scoped3A = tpu.sem_alloc : memref<!tpu.dma_semaphore, #tpu.memory_space<semaphore_mem>>
          %dma_start3A_91 = arith.constant 0 : i32
          %dma_start3A_92 = arith.constant 0 : i32
          %dma_start3A_93 = tpu.memref_slice %arg8[%dma_start3A_91, %dma_start3A_92] : memref<128x128xf32, #tpu.memory_space<vmem>> -> memref<80x128xf32, #tpu.memory_space<vmem>>
          %dma_start3A_94 = arith.constant 0 : i32
          %dma_start3A_95 = tpu.memref_slice %arg9[%mul3A_79, %dma_start3A_94] : memref<10000x128xf32, #tpu.memory_space<vmem_shared>> -> memref<80x128xf32, #tpu.memory_space<vmem_shared>>
          %dma_start3A_96 = arith.constant 0 : i32
          %dma_start3A_97 = arith.constant 0 : i32
          %dma_start3A_98 = tpu.memref_slice %arg8[%dma_start3A_96, %dma_start3A_97] : memref<128x128xf32, #tpu.memory_space<vmem>> -> memref<80x128xf32, #tpu.memory_space<vmem>>
          %dma_start3A_99 = arith.constant 0 : i32
          %dma_start3A_100 = tpu.memref_slice %arg9[%mul3A_79, %dma_start3A_99] : memref<10000x128xf32, #tpu.memory_space<vmem_shared>> -> memref<80x128xf32, #tpu.memory_space<vmem_shared>>
          tpu.enqueue_dma source(%dma_start3A_100 : memref<80x128xf32, #tpu.memory_space<vmem_shared>>) target(%dma_start3A_98 : memref<80x128xf32, #tpu.memory_space<vmem>>) target_semaphore(%run_scoped3A : memref<!tpu.dma_semaphore, #tpu.memory_space<semaphore_mem>>)
          %dma_wait3A = arith.constant 0 : i32
          %dma_wait3A_101 = arith.constant 0 : i32
          %dma_wait3A_102 = tpu.memref_slice %arg8[%dma_wait3A, %dma_wait3A_101] : memref<128x128xf32, #tpu.memory_space<vmem>> -> memref<80x128xf32, #tpu.memory_space<vmem>>
          %dma_wait3A_103 = arith.constant 0 : i32
          %dma_wait3A_104 = tpu.memref_slice %arg9[%mul3A_79, %dma_wait3A_103] : memref<10000x128xf32, #tpu.memory_space<vmem_shared>> -> memref<80x128xf32, #tpu.memory_space<vmem_shared>>
          %dma_wait3A_105 = arith.constant 0 : i32
          %dma_wait3A_106 = arith.constant 0 : i32
          %dma_wait3A_107 = tpu.memref_slice %arg8[%dma_wait3A_105, %dma_wait3A_106] : memref<128x128xf32, #tpu.memory_space<vmem>> -> memref<80x128xf32, #tpu.memory_space<vmem>>
          %dma_wait3A_108 = arith.constant 0 : i32
          %dma_wait3A_109 = tpu.memref_slice %arg9[%mul3A_79, %dma_wait3A_108] : memref<10000x128xf32, #tpu.memory_space<vmem_shared>> -> memref<80x128xf32, #tpu.memory_space<vmem_shared>>
          tpu.wait_dma2 semaphore(%run_scoped3A : memref<!tpu.dma_semaphore, #tpu.memory_space<semaphore_mem>>) src(%dma_wait3A_109 : memref<80x128xf32, #tpu.memory_space<vmem_shared>>) dst(%dma_wait3A_107 : memref<80x128xf32, #tpu.memory_space<vmem>>)
          tpu.yield
        }) : () -> ()
        %mul3A_80 = arith.constant 80 : i32
        %mul3A_81 = arith.muli %add3A_59, %mul3A_80 : i32
        %mul3A_82 = arith.constant 128 : i32
        %mul3A_83 = arith.muli %arg0, %mul3A_82 : i32
        %dma_start3A = arith.constant 0 : i32
        %dma_start3A_84 = arith.constant 0 : i32
        %dma_start3A_85 = tpu.memref_slice %arg8[%dma_start3A, %dma_start3A_84] : memref<128x128xf32, #tpu.memory_space<vmem>> -> memref<80x128xf32, #tpu.memory_space<vmem>>
        %dma_start3A_86 = tpu.memref_slice %arg4[%mul3A_81, %mul3A_83] : memref<10000x256xf32, #tpu.memory_space<hbm>> -> memref<80x128xf32, #tpu.memory_space<hbm>>
        %dma_start3A_87 = tpu.memref_slice %arg4[%mul3A_81, %mul3A_83] : memref<10000x256xf32, #tpu.memory_space<hbm>> -> memref<80x128xf32, #tpu.memory_space<hbm>>
        %dma_start3A_88 = arith.constant 0 : i32
        %dma_start3A_89 = arith.constant 0 : i32
        %dma_start3A_90 = tpu.memref_slice %arg8[%dma_start3A_88, %dma_start3A_89] : memref<128x128xf32, #tpu.memory_space<vmem>> -> memref<80x128xf32, #tpu.memory_space<vmem>>
        tpu.enqueue_dma source(%dma_start3A_90 : memref<80x128xf32, #tpu.memory_space<vmem>>) target(%dma_start3A_87 : memref<80x128xf32, #tpu.memory_space<hbm>>) target_semaphore(%arg13 : memref<!tpu.dma_semaphore, #tpu.memory_space<semaphore_mem>>)
      } else {
      }
    }
    %scan3A_32 = arith.constant 6 : i32
    return
  }
}

#map = affine_map<(d0, d1) -> (0, 0)>
#map1 = affine_map<(d0, d1) -> (0, 0, 0)>
module attributes {stable_mosaic.version = 14 : i64} {
  func.func @k(%arg0: i32, %arg1: i32, %arg2: memref<80000x128xf32, #tpu.memory_space<hbm>>, %arg3: memref<625x128xi32, #tpu.memory_space<hbm>>, %arg4: memref<2x10000x128xf32, #tpu.memory_space<hbm>>, %arg5: memref<128xi32, #tpu.memory_space<vmem>>, %arg6: memref<128xi32, #tpu.memory_space<vmem>>, %arg7: memref<128x128xf32, #tpu.memory_space<vmem>>, %arg8: memref<128x128xf32, #tpu.memory_space<vmem>>, %arg9: memref<10000x128xf32, #tpu.memory_space<vmem_shared>>, %arg10: memref<!tpu.dma_semaphore, #tpu.memory_space<semaphore_mem>>, %arg11: memref<!tpu.dma_semaphore, #tpu.memory_space<semaphore_mem>>, %arg12: memref<!tpu.dma_semaphore, #tpu.memory_space<semaphore_mem>>, %arg13: memref<!tpu.dma_semaphore, #tpu.memory_space<semaphore_mem>>) attributes {dimension_semantics = [#tpu.dimension_semantics<core_parallel>, #tpu.dimension_semantics<subcore_parallel>], iteration_bounds = array<i64: 2, 16>, scalar_prefetch = 0 : i64, scratch_operands = 9 : i64, tpu.core_type = #tpu.core_type<sc_vector_subcore>, window_params = [{transform_indices = #map}, {transform_indices = #map}, {transform_indices = #map1}]} {
    %scan3A = arith.constant 0 : i32
    %scan3A_0 = arith.constant 0 : i32
    %scan3A_1 = arith.constant 80 : i32
    %scan3A_2 = arith.addi %scan3A_0, %scan3A_1 : i32
    %scan3A_3 = arith.constant 1 : i32
    scf.for %scan3A_54 = %scan3A_0 to %scan3A_2 step %scan3A_3  : i32 {
      %broadcast_in_dim3A = arith.constant 0.000000e+00 : f32
      %broadcast_in_dim3A_55 = vector.broadcast %broadcast_in_dim3A : f32 to vector<16xf32>
      %swap3A = arith.index_cast %scan3A_54 : i32 to index
      %swap3A_56 = arith.constant 0 : index
      %swap3A_57 = tpu.vector_load %arg7[%swap3A, %swap3A_56] {strides = array<i32>} : memref<128x128xf32, #tpu.memory_space<vmem>>, vector<1x16xf32>,
      %swap3A_58 = vector.shape_cast %swap3A_57 : vector<1x16xf32> to vector<16xf32>
      %swap3A_59 = vector.shape_cast %broadcast_in_dim3A_55 : vector<16xf32> to vector<1x16xf32>
      tpu.vector_store %arg7[%swap3A, %swap3A_56], %swap3A_59 {strides = array<i32>} : memref<128x128xf32, #tpu.memory_space<vmem>>, vector<1x16xf32>,
      %broadcast_in_dim3A_60 = arith.constant 0.000000e+00 : f32
      %broadcast_in_dim3A_61 = vector.broadcast %broadcast_in_dim3A_60 : f32 to vector<16xf32>
      %swap3A_62 = arith.index_cast %scan3A_54 : i32 to index
      %swap3A_63 = arith.constant 16 : index
      %swap3A_64 = tpu.vector_load %arg7[%swap3A_62, %swap3A_63] {strides = array<i32>} : memref<128x128xf32, #tpu.memory_space<vmem>>, vector<1x16xf32>,
      %swap3A_65 = vector.shape_cast %swap3A_64 : vector<1x16xf32> to vector<16xf32>
      %swap3A_66 = vector.shape_cast %broadcast_in_dim3A_61 : vector<16xf32> to vector<1x16xf32>
      tpu.vector_store %arg7[%swap3A_62, %swap3A_63], %swap3A_66 {strides = array<i32>} : memref<128x128xf32, #tpu.memory_space<vmem>>, vector<1x16xf32>,
      %broadcast_in_dim3A_67 = arith.constant 0.000000e+00 : f32
      %broadcast_in_dim3A_68 = vector.broadcast %broadcast_in_dim3A_67 : f32 to vector<16xf32>
      %swap3A_69 = arith.index_cast %scan3A_54 : i32 to index
      %swap3A_70 = arith.constant 32 : index
      %swap3A_71 = tpu.vector_load %arg7[%swap3A_69, %swap3A_70] {strides = array<i32>} : memref<128x128xf32, #tpu.memory_space<vmem>>, vector<1x16xf32>,
      %swap3A_72 = vector.shape_cast %swap3A_71 : vector<1x16xf32> to vector<16xf32>
      %swap3A_73 = vector.shape_cast %broadcast_in_dim3A_68 : vector<16xf32> to vector<1x16xf32>
      tpu.vector_store %arg7[%swap3A_69, %swap3A_70], %swap3A_73 {strides = array<i32>} : memref<128x128xf32, #tpu.memory_space<vmem>>, vector<1x16xf32>,
      %broadcast_in_dim3A_74 = arith.constant 0.000000e+00 : f32
      %broadcast_in_dim3A_75 = vector.broadcast %broadcast_in_dim3A_74 : f32 to vector<16xf32>
      %swap3A_76 = arith.index_cast %scan3A_54 : i32 to index
      %swap3A_77 = arith.constant 48 : index
      %swap3A_78 = tpu.vector_load %arg7[%swap3A_76, %swap3A_77] {strides = array<i32>} : memref<128x128xf32, #tpu.memory_space<vmem>>, vector<1x16xf32>,
      %swap3A_79 = vector.shape_cast %swap3A_78 : vector<1x16xf32> to vector<16xf32>
      %swap3A_80 = vector.shape_cast %broadcast_in_dim3A_75 : vector<16xf32> to vector<1x16xf32>
      tpu.vector_store %arg7[%swap3A_76, %swap3A_77], %swap3A_80 {strides = array<i32>} : memref<128x128xf32, #tpu.memory_space<vmem>>, vector<1x16xf32>,
      %broadcast_in_dim3A_81 = arith.constant 0.000000e+00 : f32
      %broadcast_in_dim3A_82 = vector.broadcast %broadcast_in_dim3A_81 : f32 to vector<16xf32>
      %swap3A_83 = arith.index_cast %scan3A_54 : i32 to index
      %swap3A_84 = arith.constant 64 : index
      %swap3A_85 = tpu.vector_load %arg7[%swap3A_83, %swap3A_84] {strides = array<i32>} : memref<128x128xf32, #tpu.memory_space<vmem>>, vector<1x16xf32>,
      %swap3A_86 = vector.shape_cast %swap3A_85 : vector<1x16xf32> to vector<16xf32>
      %swap3A_87 = vector.shape_cast %broadcast_in_dim3A_82 : vector<16xf32> to vector<1x16xf32>
      tpu.vector_store %arg7[%swap3A_83, %swap3A_84], %swap3A_87 {strides = array<i32>} : memref<128x128xf32, #tpu.memory_space<vmem>>, vector<1x16xf32>,
      %broadcast_in_dim3A_88 = arith.constant 0.000000e+00 : f32
      %broadcast_in_dim3A_89 = vector.broadcast %broadcast_in_dim3A_88 : f32 to vector<16xf32>
      %swap3A_90 = arith.index_cast %scan3A_54 : i32 to index
      %swap3A_91 = arith.constant 80 : index
      %swap3A_92 = tpu.vector_load %arg7[%swap3A_90, %swap3A_91] {strides = array<i32>} : memref<128x128xf32, #tpu.memory_space<vmem>>, vector<1x16xf32>,
      %swap3A_93 = vector.shape_cast %swap3A_92 : vector<1x16xf32> to vector<16xf32>
      %swap3A_94 = vector.shape_cast %broadcast_in_dim3A_89 : vector<16xf32> to vector<1x16xf32>
      tpu.vector_store %arg7[%swap3A_90, %swap3A_91], %swap3A_94 {strides = array<i32>} : memref<128x128xf32, #tpu.memory_space<vmem>>, vector<1x16xf32>,
      %broadcast_in_dim3A_95 = arith.constant 0.000000e+00 : f32
      %broadcast_in_dim3A_96 = vector.broadcast %broadcast_in_dim3A_95 : f32 to vector<16xf32>
      %swap3A_97 = arith.index_cast %scan3A_54 : i32 to index
      %swap3A_98 = arith.constant 96 : index
      %swap3A_99 = tpu.vector_load %arg7[%swap3A_97, %swap3A_98] {strides = array<i32>} : memref<128x128xf32, #tpu.memory_space<vmem>>, vector<1x16xf32>,
      %swap3A_100 = vector.shape_cast %swap3A_99 : vector<1x16xf32> to vector<16xf32>
      %swap3A_101 = vector.shape_cast %broadcast_in_dim3A_96 : vector<16xf32> to vector<1x16xf32>
      tpu.vector_store %arg7[%swap3A_97, %swap3A_98], %swap3A_101 {strides = array<i32>} : memref<128x128xf32, #tpu.memory_space<vmem>>, vector<1x16xf32>,
      %broadcast_in_dim3A_102 = arith.constant 0.000000e+00 : f32
      %broadcast_in_dim3A_103 = vector.broadcast %broadcast_in_dim3A_102 : f32 to vector<16xf32>
      %swap3A_104 = arith.index_cast %scan3A_54 : i32 to index
      %swap3A_105 = arith.constant 112 : index
      %swap3A_106 = tpu.vector_load %arg7[%swap3A_104, %swap3A_105] {strides = array<i32>} : memref<128x128xf32, #tpu.memory_space<vmem>>, vector<1x16xf32>,
      %swap3A_107 = vector.shape_cast %swap3A_106 : vector<1x16xf32> to vector<16xf32>
      %swap3A_108 = vector.shape_cast %broadcast_in_dim3A_103 : vector<16xf32> to vector<1x16xf32>
      tpu.vector_store %arg7[%swap3A_104, %swap3A_105], %swap3A_108 {strides = array<i32>} : memref<128x128xf32, #tpu.memory_space<vmem>>, vector<1x16xf32>,
    }
    %scan3A_4 = arith.constant 80 : i32
    %scan3A_5 = arith.constant 0 : i32
    %scan3A_6 = arith.constant 0 : i32
    %scan3A_7 = arith.constant 8 : i32
    %scan3A_8 = arith.addi %scan3A_6, %scan3A_7 : i32
    %scan3A_9 = arith.constant 1 : i32
    scf.for %scan3A_54 = %scan3A_6 to %scan3A_8 step %scan3A_9  : i32 {
      %mul3A = arith.constant 16 : i32
      %mul3A_55 = arith.muli %mul3A, %scan3A_54 : i32
      %add3A_56 = arith.addi %arg1, %mul3A_55 : i32
      %lt3A_57 = arith.constant 125 : i32
      %lt3A_58 = arith.cmpi slt, %add3A_56, %lt3A_57 : i32
      %convert_element_type3A_59 = arith.extui %lt3A_58 : i1 to i32
      %cond3A_60 = arith.constant 0 : i32
      %cond3A_61 = arith.cmpi ne, %convert_element_type3A_59, %cond3A_60 : i32
      scf.if %cond3A_61 {
        %mul3A_62 = arith.constant 80 : i32
        %mul3A_63 = arith.muli %add3A_56, %mul3A_62 : i32
        %dma_start3A = arith.constant 0 : i32
        %dma_start3A_64 = arith.constant 0 : i32
        %dma_start3A_65 = tpu.memref_slice %arg7[%dma_start3A, %dma_start3A_64] : memref<128x128xf32, #tpu.memory_space<vmem>> -> memref<80x128xf32, #tpu.memory_space<vmem>>
        %dma_start3A_66 = arith.constant 0 : i32
        %dma_start3A_67 = tpu.memref_slice %arg9[%mul3A_63, %dma_start3A_66] : memref<10000x128xf32, #tpu.memory_space<vmem_shared>> -> memref<80x128xf32, #tpu.memory_space<vmem_shared>>
        %dma_start3A_68 = arith.constant 0 : i32
        %dma_start3A_69 = tpu.memref_slice %arg9[%mul3A_63, %dma_start3A_68] : memref<10000x128xf32, #tpu.memory_space<vmem_shared>> -> memref<80x128xf32, #tpu.memory_space<vmem_shared>>
        %dma_start3A_70 = arith.constant 0 : i32
        %dma_start3A_71 = arith.constant 0 : i32
        %dma_start3A_72 = tpu.memref_slice %arg7[%dma_start3A_70, %dma_start3A_71] : memref<128x128xf32, #tpu.memory_space<vmem>> -> memref<80x128xf32, #tpu.memory_space<vmem>>
        tpu.enqueue_dma source(%dma_start3A_72 : memref<80x128xf32, #tpu.memory_space<vmem>>) target(%dma_start3A_69 : memref<80x128xf32, #tpu.memory_space<vmem_shared>>) target_semaphore(%arg10 : memref<!tpu.dma_semaphore, #tpu.memory_space<semaphore_mem>>)
      } else {
      }
    }
    %scan3A_10 = arith.constant 8 : i32
    %scan3A_11 = arith.constant 0 : i32
    %scan3A_12 = arith.constant 0 : i32
    %scan3A_13 = arith.constant 8 : i32
    %scan3A_14 = arith.addi %scan3A_12, %scan3A_13 : i32
    %scan3A_15 = arith.constant 1 : i32
    scf.for %scan3A_54 = %scan3A_12 to %scan3A_14 step %scan3A_15  : i32 {
      %mul3A = arith.constant 16 : i32
      %mul3A_55 = arith.muli %mul3A, %scan3A_54 : i32
      %add3A_56 = arith.addi %arg1, %mul3A_55 : i32
      %lt3A_57 = arith.constant 125 : i32
      %lt3A_58 = arith.cmpi slt, %add3A_56, %lt3A_57 : i32
      %convert_element_type3A_59 = arith.extui %lt3A_58 : i1 to i32
      %cond3A_60 = arith.constant 0 : i32
      %cond3A_61 = arith.cmpi ne, %convert_element_type3A_59, %cond3A_60 : i32
      scf.if %cond3A_61 {
        %mul3A_62 = arith.constant 80 : i32
        %mul3A_63 = arith.muli %add3A_56, %mul3A_62 : i32
        %dma_wait3A = arith.constant 0 : i32
        %dma_wait3A_64 = arith.constant 0 : i32
        %dma_wait3A_65 = tpu.memref_slice %arg7[%dma_wait3A, %dma_wait3A_64] : memref<128x128xf32, #tpu.memory_space<vmem>> -> memref<80x128xf32, #tpu.memory_space<vmem>>
        %dma_wait3A_66 = arith.constant 0 : i32
        %dma_wait3A_67 = tpu.memref_slice %arg9[%mul3A_63, %dma_wait3A_66] : memref<10000x128xf32, #tpu.memory_space<vmem_shared>> -> memref<80x128xf32, #tpu.memory_space<vmem_shared>>
        %dma_wait3A_68 = arith.constant 0 : i32
        %dma_wait3A_69 = tpu.memref_slice %arg9[%mul3A_63, %dma_wait3A_68] : memref<10000x128xf32, #tpu.memory_space<vmem_shared>> -> memref<80x128xf32, #tpu.memory_space<vmem_shared>>
        %dma_wait3A_70 = arith.constant 0 : i32
        %dma_wait3A_71 = arith.constant 0 : i32
        %dma_wait3A_72 = tpu.memref_slice %arg7[%dma_wait3A_70, %dma_wait3A_71] : memref<128x128xf32, #tpu.memory_space<vmem>> -> memref<80x128xf32, #tpu.memory_space<vmem>>
        tpu.wait_dma2 semaphore(%arg10 : memref<!tpu.dma_semaphore, #tpu.memory_space<semaphore_mem>>) src(%dma_wait3A_72 : memref<80x128xf32, #tpu.memory_space<vmem>>) dst(%dma_wait3A_69 : memref<80x128xf32, #tpu.memory_space<vmem_shared>>)
      } else {
      }
    }
    %scan3A_16 = arith.constant 8 : i32
    %barrier3A = arith.constant 0 : index
    tpu.barrier barrier_id(%barrier3A)
    %sub3A = arith.constant 625 : i32
    %sub3A_17 = arith.subi %sub3A, %arg0 : i32
    %add3A = arith.constant 2 : i32
    %add3A_18 = arith.addi %sub3A_17, %add3A : i32
    %sub3A_19 = arith.constant 1 : i32
    %sub3A_20 = arith.subi %add3A_18, %sub3A_19 : i32
    %jit3A = arith.constant 2 : i32
    %div3A = arith.divsi %sub3A_20, %jit3A : i32
    %sign3A = arith.constant 0 : i32
    %sign3A_21 = arith.cmpi sgt, %sub3A_20, %sign3A : i32
    %sign3A_22 = arith.extui %sign3A_21 : i1 to i32
    %sign3A_23 = arith.constant 0 : i32
    %sign3A_24 = arith.cmpi slt, %sub3A_20, %sign3A_23 : i32
    %sign3A_25 = arith.extui %sign3A_24 : i1 to i32
    %sign3A_26 = arith.subi %sign3A_22, %sign3A_25 : i32
    %sign3A_27 = arith.constant 0 : i32
    %sign3A_28 = arith.cmpi sgt, %jit3A, %sign3A_27 : i32
    %sign3A_29 = arith.extui %sign3A_28 : i1 to i32
    %sign3A_30 = arith.constant 0 : i32
    %sign3A_31 = arith.cmpi slt, %jit3A, %sign3A_30 : i32
    %sign3A_32 = arith.extui %sign3A_31 : i1 to i32
    %sign3A_33 = arith.subi %sign3A_29, %sign3A_32 : i32
    %ne3A = arith.cmpi ne, %sign3A_26, %sign3A_33 : i32
    %rem3A = arith.remsi %sub3A_20, %jit3A : i32
    %ne3A_34 = arith.constant 0 : i32
    %ne3A_35 = arith.cmpi ne, %rem3A, %ne3A_34 : i32
    %and3A = arith.andi %ne3A, %ne3A_35 : i1
    %sub3A_36 = arith.constant 1 : i32
    %sub3A_37 = arith.subi %div3A, %sub3A_36 : i32
    %select_n3A = arith.select %and3A, %sub3A_37, %div3A : i32
    %add3A_38 = arith.constant 0 : i32
    %add3A_39 = arith.addi %arg1, %add3A_38 : i32
    %lt3A = arith.cmpi slt, %add3A_39, %select_n3A : i32
    %convert_element_type3A = arith.extui %lt3A : i1 to i32
    %cond3A = arith.constant 0 : i32
    %cond3A_40 = arith.cmpi ne, %convert_element_type3A, %cond3A : i32
    scf.if %cond3A_40 {
      %add3A_54 = arith.constant 0 : i32
      %add3A_55 = arith.addi %arg1, %add3A_54 : i32
      %mul3A = arith.constant 2 : i32
      %mul3A_56 = arith.muli %mul3A, %add3A_55 : i32
      %add3A_57 = arith.addi %arg0, %mul3A_56 : i32
      %dma_start3A = arith.constant 0 : i32
      %dma_start3A_58 = tpu.memref_slice %arg3[%add3A_57, %dma_start3A] : memref<625x128xi32, #tpu.memory_space<hbm>> -> memref<1x128xi32, #tpu.memory_space<hbm>>
      %dma_start3A_59 = tpu.memref_squeeze %dma_start3A_58 : memref<1x128xi32, #tpu.memory_space<hbm>> -> memref<128xi32, #tpu.memory_space<hbm>>
      %dma_start3A_60 = arith.constant 0 : i32
      %dma_start3A_61 = tpu.memref_slice %arg3[%add3A_57, %dma_start3A_60] : memref<625x128xi32, #tpu.memory_space<hbm>> -> memref<1x128xi32, #tpu.memory_space<hbm>>
      %dma_start3A_62 = tpu.memref_squeeze %dma_start3A_61 : memref<1x128xi32, #tpu.memory_space<hbm>> -> memref<128xi32, #tpu.memory_space<hbm>>
      tpu.enqueue_dma source(%dma_start3A_62 : memref<128xi32, #tpu.memory_space<hbm>>) target(%arg5 : memref<128xi32, #tpu.memory_space<vmem>>) target_semaphore(%arg10 : memref<!tpu.dma_semaphore, #tpu.memory_space<semaphore_mem>>)
      %add3A_63 = arith.constant 0 : i32
      %add3A_64 = arith.addi %arg1, %add3A_63 : i32
      %mul3A_65 = arith.constant 2 : i32
      %mul3A_66 = arith.muli %mul3A_65, %add3A_64 : i32
      %add3A_67 = arith.addi %arg0, %mul3A_66 : i32
      %mul3A_68 = arith.constant 128 : i32
      %mul3A_69 = arith.muli %add3A_67, %mul3A_68 : i32
      %dma_start3A_70 = arith.constant 0 : i32
      %dma_start3A_71 = tpu.memref_slice %arg2[%mul3A_69, %dma_start3A_70] : memref<80000x128xf32, #tpu.memory_space<hbm>> -> memref<128x128xf32, #tpu.memory_space<hbm>>
      %dma_start3A_72 = arith.constant 0 : i32
      %dma_start3A_73 = tpu.memref_slice %arg2[%mul3A_69, %dma_start3A_72] : memref<80000x128xf32, #tpu.memory_space<hbm>> -> memref<128x128xf32, #tpu.memory_space<hbm>>
      tpu.enqueue_dma source(%dma_start3A_73 : memref<128x128xf32, #tpu.memory_space<hbm>>) target(%arg7 : memref<128x128xf32, #tpu.memory_space<vmem>>) target_semaphore(%arg12 : memref<!tpu.dma_semaphore, #tpu.memory_space<semaphore_mem>>)
    } else {
    }
    %scan3A_41 = arith.constant 0 : i32
    %scan3A_42 = arith.constant 0 : i32
    %scan3A_43 = arith.constant 11 : i32
    %scan3A_44 = arith.addi %scan3A_42, %scan3A_43 : i32
    %scan3A_45 = arith.constant 1 : i32
    scf.for %scan3A_54 = %scan3A_42 to %scan3A_44 step %scan3A_45  : i32 {
      %mul3A = arith.constant 2 : i32
      %mul3A_55 = arith.muli %mul3A, %scan3A_54 : i32
      %add3A_56 = arith.constant 1 : i32
      %add3A_57 = arith.addi %mul3A_55, %add3A_56 : i32
      %mul3A_58 = arith.constant 16 : i32
      %mul3A_59 = arith.muli %mul3A_58, %add3A_57 : i32
      %add3A_60 = arith.addi %arg1, %mul3A_59 : i32
      %lt3A_61 = arith.cmpi slt, %add3A_60, %select_n3A : i32
      %convert_element_type3A_62 = arith.extui %lt3A_61 : i1 to i32
      %cond3A_63 = arith.constant 0 : i32
      %cond3A_64 = arith.cmpi ne, %convert_element_type3A_62, %cond3A_63 : i32
      scf.if %cond3A_64 {
        %add3A_92 = arith.constant 1 : i32
        %add3A_93 = arith.addi %mul3A_55, %add3A_92 : i32
        %mul3A_94 = arith.constant 16 : i32
        %mul3A_95 = arith.muli %mul3A_94, %add3A_93 : i32
        %add3A_96 = arith.addi %arg1, %mul3A_95 : i32
        %mul3A_97 = arith.constant 2 : i32
        %mul3A_98 = arith.muli %mul3A_97, %add3A_96 : i32
        %add3A_99 = arith.addi %arg0, %mul3A_98 : i32
        %dma_start3A = arith.constant 0 : i32
        %dma_start3A_100 = tpu.memref_slice %arg3[%add3A_99, %dma_start3A] : memref<625x128xi32, #tpu.memory_space<hbm>> -> memref<1x128xi32, #tpu.memory_space<hbm>>
        %dma_start3A_101 = tpu.memref_squeeze %dma_start3A_100 : memref<1x128xi32, #tpu.memory_space<hbm>> -> memref<128xi32, #tpu.memory_space<hbm>>
        %dma_start3A_102 = arith.constant 0 : i32
        %dma_start3A_103 = tpu.memref_slice %arg3[%add3A_99, %dma_start3A_102] : memref<625x128xi32, #tpu.memory_space<hbm>> -> memref<1x128xi32, #tpu.memory_space<hbm>>
        %dma_start3A_104 = tpu.memref_squeeze %dma_start3A_103 : memref<1x128xi32, #tpu.memory_space<hbm>> -> memref<128xi32, #tpu.memory_space<hbm>>
        tpu.enqueue_dma source(%dma_start3A_104 : memref<128xi32, #tpu.memory_space<hbm>>) target(%arg6 : memref<128xi32, #tpu.memory_space<vmem>>) target_semaphore(%arg11 : memref<!tpu.dma_semaphore, #tpu.memory_space<semaphore_mem>>)
        %add3A_105 = arith.constant 1 : i32
        %add3A_106 = arith.addi %mul3A_55, %add3A_105 : i32
        %mul3A_107 = arith.constant 16 : i32
        %mul3A_108 = arith.muli %mul3A_107, %add3A_106 : i32
        %add3A_109 = arith.addi %arg1, %mul3A_108 : i32
        %mul3A_110 = arith.constant 2 : i32
        %mul3A_111 = arith.muli %mul3A_110, %add3A_109 : i32
        %add3A_112 = arith.addi %arg0, %mul3A_111 : i32
        %mul3A_113 = arith.constant 128 : i32
        %mul3A_114 = arith.muli %add3A_112, %mul3A_113 : i32
        %dma_start3A_115 = arith.constant 0 : i32
        %dma_start3A_116 = tpu.memref_slice %arg2[%mul3A_114, %dma_start3A_115] : memref<80000x128xf32, #tpu.memory_space<hbm>> -> memref<128x128xf32, #tpu.memory_space<hbm>>
        %dma_start3A_117 = arith.constant 0 : i32
        %dma_start3A_118 = tpu.memref_slice %arg2[%mul3A_114, %dma_start3A_117] : memref<80000x128xf32, #tpu.memory_space<hbm>> -> memref<128x128xf32, #tpu.memory_space<hbm>>
        tpu.enqueue_dma source(%dma_start3A_118 : memref<128x128xf32, #tpu.memory_space<hbm>>) target(%arg8 : memref<128x128xf32, #tpu.memory_space<vmem>>) target_semaphore(%arg13 : memref<!tpu.dma_semaphore, #tpu.memory_space<semaphore_mem>>)
      } else {
      }
      %mul3A_65 = arith.constant 16 : i32
      %mul3A_66 = arith.muli %mul3A_65, %mul3A_55 : i32
      %add3A_67 = arith.addi %arg1, %mul3A_66 : i32
      %lt3A_68 = arith.cmpi slt, %add3A_67, %select_n3A : i32
      %convert_element_type3A_69 = arith.extui %lt3A_68 : i1 to i32
      %cond3A_70 = arith.constant 0 : i32
      %cond3A_71 = arith.cmpi ne, %convert_element_type3A_69, %cond3A_70 : i32
      scf.if %cond3A_71 {
        %mul3A_92 = arith.constant 16 : i32
        %mul3A_93 = arith.muli %mul3A_92, %mul3A_55 : i32
        %add3A_94 = arith.addi %arg1, %mul3A_93 : i32
        %mul3A_95 = arith.constant 2 : i32
        %mul3A_96 = arith.muli %mul3A_95, %add3A_94 : i32
        %add3A_97 = arith.addi %arg0, %mul3A_96 : i32
        %dma_wait3A = arith.constant 0 : i32
        %dma_wait3A_98 = tpu.memref_slice %arg3[%add3A_97, %dma_wait3A] : memref<625x128xi32, #tpu.memory_space<hbm>> -> memref<1x128xi32, #tpu.memory_space<hbm>>
        %dma_wait3A_99 = tpu.memref_squeeze %dma_wait3A_98 : memref<1x128xi32, #tpu.memory_space<hbm>> -> memref<128xi32, #tpu.memory_space<hbm>>
        %dma_wait3A_100 = arith.constant 0 : i32
        %dma_wait3A_101 = tpu.memref_slice %arg3[%add3A_97, %dma_wait3A_100] : memref<625x128xi32, #tpu.memory_space<hbm>> -> memref<1x128xi32, #tpu.memory_space<hbm>>
        %dma_wait3A_102 = tpu.memref_squeeze %dma_wait3A_101 : memref<1x128xi32, #tpu.memory_space<hbm>> -> memref<128xi32, #tpu.memory_space<hbm>>
        tpu.wait_dma2 semaphore(%arg10 : memref<!tpu.dma_semaphore, #tpu.memory_space<semaphore_mem>>) src(%dma_wait3A_102 : memref<128xi32, #tpu.memory_space<hbm>>) dst(%arg5 : memref<128xi32, #tpu.memory_space<vmem>>)
        %mul3A_103 = arith.constant 16 : i32
        %mul3A_104 = arith.muli %mul3A_103, %mul3A_55 : i32
        %add3A_105 = arith.addi %arg1, %mul3A_104 : i32
        %mul3A_106 = arith.constant 2 : i32
        %mul3A_107 = arith.muli %mul3A_106, %add3A_105 : i32
        %add3A_108 = arith.addi %arg0, %mul3A_107 : i32
        %mul3A_109 = arith.constant 128 : i32
        %mul3A_110 = arith.muli %add3A_108, %mul3A_109 : i32
        %dma_wait3A_111 = arith.constant 0 : i32
        %dma_wait3A_112 = tpu.memref_slice %arg2[%mul3A_110, %dma_wait3A_111] : memref<80000x128xf32, #tpu.memory_space<hbm>> -> memref<128x128xf32, #tpu.memory_space<hbm>>
        %dma_wait3A_113 = arith.constant 0 : i32
        %dma_wait3A_114 = tpu.memref_slice %arg2[%mul3A_110, %dma_wait3A_113] : memref<80000x128xf32, #tpu.memory_space<hbm>> -> memref<128x128xf32, #tpu.memory_space<hbm>>
        tpu.wait_dma2 semaphore(%arg12 : memref<!tpu.dma_semaphore, #tpu.memory_space<semaphore_mem>>) src(%dma_wait3A_114 : memref<128x128xf32, #tpu.memory_space<hbm>>) dst(%arg7 : memref<128x128xf32, #tpu.memory_space<vmem>>)
        "tpu.region"() ({
          %run_scoped3A = tpu.sem_alloc : memref<!tpu.dma_semaphore, #tpu.memory_space<semaphore_mem>>
          %dma_start3A = arith.constant 0 : i32
          %dma_start3A_115 = arith.constant 0 : i32
          %dma_start3A_116 = tpu.memref_slice %arg9[%dma_start3A, %dma_start3A_115] : memref<10000x128xf32, #tpu.memory_space<vmem_shared>> -> memref<10000x128xf32, #tpu.memory_space<vmem_shared>>
          tpu.enqueue_indirect_dma source(%arg7 : memref<128x128xf32, #tpu.memory_space<vmem>>) target(%dma_start3A_116 : memref<10000x128xf32, #tpu.memory_space<vmem_shared>>) offsets(%arg5 : memref<128xi32, #tpu.memory_space<vmem>>) semaphore(%run_scoped3A : memref<!tpu.dma_semaphore, #tpu.memory_space<semaphore_mem>>) {add = true}
          %dma_wait3A_117 = arith.constant 0 : i32
          %dma_wait3A_118 = arith.constant 0 : i32
          %dma_wait3A_119 = tpu.memref_slice %arg9[%dma_wait3A_117, %dma_wait3A_118] : memref<10000x128xf32, #tpu.memory_space<vmem_shared>> -> memref<10000x128xf32, #tpu.memory_space<vmem_shared>>
          tpu.wait_indirect_dma semaphore(%run_scoped3A : memref<!tpu.dma_semaphore, #tpu.memory_space<semaphore_mem>>) src(%arg7 : memref<128x128xf32, #tpu.memory_space<vmem>>) dst(%dma_wait3A_119 : memref<10000x128xf32, #tpu.memory_space<vmem_shared>>)
          tpu.yield
        }) : () -> ()
      } else {
      }
      %mul3A_72 = arith.constant 2 : i32
      %mul3A_73 = arith.muli %mul3A_72, %scan3A_54 : i32
      %add3A_74 = arith.constant 1 : i32
      %add3A_75 = arith.addi %mul3A_73, %add3A_74 : i32
      %add3A_76 = arith.constant 1 : i32
      %add3A_77 = arith.addi %add3A_75, %add3A_76 : i32
      %mul3A_78 = arith.constant 16 : i32
      %mul3A_79 = arith.muli %mul3A_78, %add3A_77 : i32
      %add3A_80 = arith.addi %arg1, %mul3A_79 : i32
      %lt3A_81 = arith.cmpi slt, %add3A_80, %select_n3A : i32
      %convert_element_type3A_82 = arith.extui %lt3A_81 : i1 to i32
      %cond3A_83 = arith.constant 0 : i32
      %cond3A_84 = arith.cmpi ne, %convert_element_type3A_82, %cond3A_83 : i32
      scf.if %cond3A_84 {
        %add3A_92 = arith.constant 1 : i32
        %add3A_93 = arith.addi %add3A_75, %add3A_92 : i32
        %mul3A_94 = arith.constant 16 : i32
        %mul3A_95 = arith.muli %mul3A_94, %add3A_93 : i32
        %add3A_96 = arith.addi %arg1, %mul3A_95 : i32
        %mul3A_97 = arith.constant 2 : i32
        %mul3A_98 = arith.muli %mul3A_97, %add3A_96 : i32
        %add3A_99 = arith.addi %arg0, %mul3A_98 : i32
        %dma_start3A = arith.constant 0 : i32
        %dma_start3A_100 = tpu.memref_slice %arg3[%add3A_99, %dma_start3A] : memref<625x128xi32, #tpu.memory_space<hbm>> -> memref<1x128xi32, #tpu.memory_space<hbm>>
        %dma_start3A_101 = tpu.memref_squeeze %dma_start3A_100 : memref<1x128xi32, #tpu.memory_space<hbm>> -> memref<128xi32, #tpu.memory_space<hbm>>
        %dma_start3A_102 = arith.constant 0 : i32
        %dma_start3A_103 = tpu.memref_slice %arg3[%add3A_99, %dma_start3A_102] : memref<625x128xi32, #tpu.memory_space<hbm>> -> memref<1x128xi32, #tpu.memory_space<hbm>>
        %dma_start3A_104 = tpu.memref_squeeze %dma_start3A_103 : memref<1x128xi32, #tpu.memory_space<hbm>> -> memref<128xi32, #tpu.memory_space<hbm>>
        tpu.enqueue_dma source(%dma_start3A_104 : memref<128xi32, #tpu.memory_space<hbm>>) target(%arg5 : memref<128xi32, #tpu.memory_space<vmem>>) target_semaphore(%arg10 : memref<!tpu.dma_semaphore, #tpu.memory_space<semaphore_mem>>)
        %add3A_105 = arith.constant 1 : i32
        %add3A_106 = arith.addi %add3A_75, %add3A_105 : i32
        %mul3A_107 = arith.constant 16 : i32
        %mul3A_108 = arith.muli %mul3A_107, %add3A_106 : i32
        %add3A_109 = arith.addi %arg1, %mul3A_108 : i32
        %mul3A_110 = arith.constant 2 : i32
        %mul3A_111 = arith.muli %mul3A_110, %add3A_109 : i32
        %add3A_112 = arith.addi %arg0, %mul3A_111 : i32
        %mul3A_113 = arith.constant 128 : i32
        %mul3A_114 = arith.muli %add3A_112, %mul3A_113 : i32
        %dma_start3A_115 = arith.constant 0 : i32
        %dma_start3A_116 = tpu.memref_slice %arg2[%mul3A_114, %dma_start3A_115] : memref<80000x128xf32, #tpu.memory_space<hbm>> -> memref<128x128xf32, #tpu.memory_space<hbm>>
        %dma_start3A_117 = arith.constant 0 : i32
        %dma_start3A_118 = tpu.memref_slice %arg2[%mul3A_114, %dma_start3A_117] : memref<80000x128xf32, #tpu.memory_space<hbm>> -> memref<128x128xf32, #tpu.memory_space<hbm>>
        tpu.enqueue_dma source(%dma_start3A_118 : memref<128x128xf32, #tpu.memory_space<hbm>>) target(%arg7 : memref<128x128xf32, #tpu.memory_space<vmem>>) target_semaphore(%arg12 : memref<!tpu.dma_semaphore, #tpu.memory_space<semaphore_mem>>)
      } else {
      }
      %mul3A_85 = arith.constant 16 : i32
      %mul3A_86 = arith.muli %mul3A_85, %add3A_75 : i32
      %add3A_87 = arith.addi %arg1, %mul3A_86 : i32
      %lt3A_88 = arith.cmpi slt, %add3A_87, %select_n3A : i32
      %convert_element_type3A_89 = arith.extui %lt3A_88 : i1 to i32
      %cond3A_90 = arith.constant 0 : i32
      %cond3A_91 = arith.cmpi ne, %convert_element_type3A_89, %cond3A_90 : i32
      scf.if %cond3A_91 {
        %mul3A_92 = arith.constant 16 : i32
        %mul3A_93 = arith.muli %mul3A_92, %add3A_75 : i32
        %add3A_94 = arith.addi %arg1, %mul3A_93 : i32
        %mul3A_95 = arith.constant 2 : i32
        %mul3A_96 = arith.muli %mul3A_95, %add3A_94 : i32
        %add3A_97 = arith.addi %arg0, %mul3A_96 : i32
        %dma_wait3A = arith.constant 0 : i32
        %dma_wait3A_98 = tpu.memref_slice %arg3[%add3A_97, %dma_wait3A] : memref<625x128xi32, #tpu.memory_space<hbm>> -> memref<1x128xi32, #tpu.memory_space<hbm>>
        %dma_wait3A_99 = tpu.memref_squeeze %dma_wait3A_98 : memref<1x128xi32, #tpu.memory_space<hbm>> -> memref<128xi32, #tpu.memory_space<hbm>>
        %dma_wait3A_100 = arith.constant 0 : i32
        %dma_wait3A_101 = tpu.memref_slice %arg3[%add3A_97, %dma_wait3A_100] : memref<625x128xi32, #tpu.memory_space<hbm>> -> memref<1x128xi32, #tpu.memory_space<hbm>>
        %dma_wait3A_102 = tpu.memref_squeeze %dma_wait3A_101 : memref<1x128xi32, #tpu.memory_space<hbm>> -> memref<128xi32, #tpu.memory_space<hbm>>
        tpu.wait_dma2 semaphore(%arg11 : memref<!tpu.dma_semaphore, #tpu.memory_space<semaphore_mem>>) src(%dma_wait3A_102 : memref<128xi32, #tpu.memory_space<hbm>>) dst(%arg6 : memref<128xi32, #tpu.memory_space<vmem>>)
        %mul3A_103 = arith.constant 16 : i32
        %mul3A_104 = arith.muli %mul3A_103, %add3A_75 : i32
        %add3A_105 = arith.addi %arg1, %mul3A_104 : i32
        %mul3A_106 = arith.constant 2 : i32
        %mul3A_107 = arith.muli %mul3A_106, %add3A_105 : i32
        %add3A_108 = arith.addi %arg0, %mul3A_107 : i32
        %mul3A_109 = arith.constant 128 : i32
        %mul3A_110 = arith.muli %add3A_108, %mul3A_109 : i32
        %dma_wait3A_111 = arith.constant 0 : i32
        %dma_wait3A_112 = tpu.memref_slice %arg2[%mul3A_110, %dma_wait3A_111] : memref<80000x128xf32, #tpu.memory_space<hbm>> -> memref<128x128xf32, #tpu.memory_space<hbm>>
        %dma_wait3A_113 = arith.constant 0 : i32
        %dma_wait3A_114 = tpu.memref_slice %arg2[%mul3A_110, %dma_wait3A_113] : memref<80000x128xf32, #tpu.memory_space<hbm>> -> memref<128x128xf32, #tpu.memory_space<hbm>>
        tpu.wait_dma2 semaphore(%arg13 : memref<!tpu.dma_semaphore, #tpu.memory_space<semaphore_mem>>) src(%dma_wait3A_114 : memref<128x128xf32, #tpu.memory_space<hbm>>) dst(%arg8 : memref<128x128xf32, #tpu.memory_space<vmem>>)
        "tpu.region"() ({
          %run_scoped3A = tpu.sem_alloc : memref<!tpu.dma_semaphore, #tpu.memory_space<semaphore_mem>>
          %dma_start3A = arith.constant 0 : i32
          %dma_start3A_115 = arith.constant 0 : i32
          %dma_start3A_116 = tpu.memref_slice %arg9[%dma_start3A, %dma_start3A_115] : memref<10000x128xf32, #tpu.memory_space<vmem_shared>> -> memref<10000x128xf32, #tpu.memory_space<vmem_shared>>
          tpu.enqueue_indirect_dma source(%arg8 : memref<128x128xf32, #tpu.memory_space<vmem>>) target(%dma_start3A_116 : memref<10000x128xf32, #tpu.memory_space<vmem_shared>>) offsets(%arg6 : memref<128xi32, #tpu.memory_space<vmem>>) semaphore(%run_scoped3A : memref<!tpu.dma_semaphore, #tpu.memory_space<semaphore_mem>>) {add = true}
          %dma_wait3A_117 = arith.constant 0 : i32
          %dma_wait3A_118 = arith.constant 0 : i32
          %dma_wait3A_119 = tpu.memref_slice %arg9[%dma_wait3A_117, %dma_wait3A_118] : memref<10000x128xf32, #tpu.memory_space<vmem_shared>> -> memref<10000x128xf32, #tpu.memory_space<vmem_shared>>
          tpu.wait_indirect_dma semaphore(%run_scoped3A : memref<!tpu.dma_semaphore, #tpu.memory_space<semaphore_mem>>) src(%arg8 : memref<128x128xf32, #tpu.memory_space<vmem>>) dst(%dma_wait3A_119 : memref<10000x128xf32, #tpu.memory_space<vmem_shared>>)
          tpu.yield
        }) : () -> ()
      } else {
      }
    }
    %scan3A_46 = arith.constant 11 : i32
    %barrier3A_47 = arith.constant 0 : index
    tpu.barrier barrier_id(%barrier3A_47)
    %scan3A_48 = arith.constant 0 : i32
    %scan3A_49 = arith.constant 0 : i32
    %scan3A_50 = arith.constant 6 : i32
    %scan3A_51 = arith.addi %scan3A_49, %scan3A_50 : i32
    %scan3A_52 = arith.constant 1 : i32
    scf.for %scan3A_54 = %scan3A_49 to %scan3A_51 step %scan3A_52  : i32 {
      %mul3A = arith.constant 2 : i32
      %mul3A_55 = arith.muli %mul3A, %scan3A_54 : i32
      %mul3A_56 = arith.constant 16 : i32
      %mul3A_57 = arith.muli %mul3A_56, %mul3A_55 : i32
      %add3A_58 = arith.addi %arg1, %mul3A_57 : i32
      %sub3A_59 = arith.constant 2 : i32
      %sub3A_60 = arith.subi %mul3A_55, %sub3A_59 : i32
      %mul3A_61 = arith.constant 16 : i32
      %mul3A_62 = arith.muli %mul3A_61, %sub3A_60 : i32
      %add3A_63 = arith.addi %arg1, %mul3A_62 : i32
      %ge3A = arith.constant 2 : i32
      %ge3A_64 = arith.cmpi sge, %mul3A_55, %ge3A : i32
      %lt3A_65 = arith.constant 125 : i32
      %lt3A_66 = arith.cmpi slt, %add3A_63, %lt3A_65 : i32
      %and3A_67 = arith.andi %ge3A_64, %lt3A_66 : i1
      %convert_element_type3A_68 = arith.extui %and3A_67 : i1 to i32
      %cond3A_69 = arith.constant 0 : i32
      %cond3A_70 = arith.cmpi ne, %convert_element_type3A_68, %cond3A_69 : i32
      scf.if %cond3A_70 {
        %mul3A_101 = arith.constant 80 : i32
        %mul3A_102 = arith.muli %add3A_63, %mul3A_101 : i32
        %dma_wait3A = arith.constant 0 : i32
        %dma_wait3A_103 = arith.constant 0 : i32
        %dma_wait3A_104 = tpu.memref_slice %arg7[%dma_wait3A, %dma_wait3A_103] : memref<128x128xf32, #tpu.memory_space<vmem>> -> memref<80x128xf32, #tpu.memory_space<vmem>>
        %dma_wait3A_105 = arith.constant 0 : i32
        %dma_wait3A_106 = tpu.memref_slice %arg4[%arg0, %mul3A_102, %dma_wait3A_105] : memref<2x10000x128xf32, #tpu.memory_space<hbm>> -> memref<1x80x128xf32, #tpu.memory_space<hbm>>
        %dma_wait3A_107 = tpu.memref_squeeze %dma_wait3A_106 : memref<1x80x128xf32, #tpu.memory_space<hbm>> -> memref<80x128xf32, #tpu.memory_space<hbm>>
        %dma_wait3A_108 = arith.constant 0 : i32
        %dma_wait3A_109 = tpu.memref_slice %arg4[%arg0, %mul3A_102, %dma_wait3A_108] : memref<2x10000x128xf32, #tpu.memory_space<hbm>> -> memref<1x80x128xf32, #tpu.memory_space<hbm>>
        %dma_wait3A_110 = tpu.memref_squeeze %dma_wait3A_109 : memref<1x80x128xf32, #tpu.memory_space<hbm>> -> memref<80x128xf32, #tpu.memory_space<hbm>>
        %dma_wait3A_111 = arith.constant 0 : i32
        %dma_wait3A_112 = arith.constant 0 : i32
        %dma_wait3A_113 = tpu.memref_slice %arg7[%dma_wait3A_111, %dma_wait3A_112] : memref<128x128xf32, #tpu.memory_space<vmem>> -> memref<80x128xf32, #tpu.memory_space<vmem>>
        tpu.wait_dma2 semaphore(%arg12 : memref<!tpu.dma_semaphore, #tpu.memory_space<semaphore_mem>>) src(%dma_wait3A_113 : memref<80x128xf32, #tpu.memory_space<vmem>>) dst(%dma_wait3A_110 : memref<80x128xf32, #tpu.memory_space<hbm>>)
      } else {
      }
      %lt3A_71 = arith.constant 125 : i32
      %lt3A_72 = arith.cmpi slt, %add3A_58, %lt3A_71 : i32
      %convert_element_type3A_73 = arith.extui %lt3A_72 : i1 to i32
      %cond3A_74 = arith.constant 0 : i32
      %cond3A_75 = arith.cmpi ne, %convert_element_type3A_73, %cond3A_74 : i32
      scf.if %cond3A_75 {
        %mul3A_101 = arith.constant 80 : i32
        %mul3A_102 = arith.muli %add3A_58, %mul3A_101 : i32
        "tpu.region"() ({
          %run_scoped3A = tpu.sem_alloc : memref<!tpu.dma_semaphore, #tpu.memory_space<semaphore_mem>>
          %dma_start3A_116 = arith.constant 0 : i32
          %dma_start3A_117 = arith.constant 0 : i32
          %dma_start3A_118 = tpu.memref_slice %arg7[%dma_start3A_116, %dma_start3A_117] : memref<128x128xf32, #tpu.memory_space<vmem>> -> memref<80x128xf32, #tpu.memory_space<vmem>>
          %dma_start3A_119 = arith.constant 0 : i32
          %dma_start3A_120 = tpu.memref_slice %arg9[%mul3A_102, %dma_start3A_119] : memref<10000x128xf32, #tpu.memory_space<vmem_shared>> -> memref<80x128xf32, #tpu.memory_space<vmem_shared>>
          %dma_start3A_121 = arith.constant 0 : i32
          %dma_start3A_122 = arith.constant 0 : i32
          %dma_start3A_123 = tpu.memref_slice %arg7[%dma_start3A_121, %dma_start3A_122] : memref<128x128xf32, #tpu.memory_space<vmem>> -> memref<80x128xf32, #tpu.memory_space<vmem>>
          %dma_start3A_124 = arith.constant 0 : i32
          %dma_start3A_125 = tpu.memref_slice %arg9[%mul3A_102, %dma_start3A_124] : memref<10000x128xf32, #tpu.memory_space<vmem_shared>> -> memref<80x128xf32, #tpu.memory_space<vmem_shared>>
          tpu.enqueue_dma source(%dma_start3A_125 : memref<80x128xf32, #tpu.memory_space<vmem_shared>>) target(%dma_start3A_123 : memref<80x128xf32, #tpu.memory_space<vmem>>) target_semaphore(%run_scoped3A : memref<!tpu.dma_semaphore, #tpu.memory_space<semaphore_mem>>)
          %dma_wait3A = arith.constant 0 : i32
          %dma_wait3A_126 = arith.constant 0 : i32
          %dma_wait3A_127 = tpu.memref_slice %arg7[%dma_wait3A, %dma_wait3A_126] : memref<128x128xf32, #tpu.memory_space<vmem>> -> memref<80x128xf32, #tpu.memory_space<vmem>>
          %dma_wait3A_128 = arith.constant 0 : i32
          %dma_wait3A_129 = tpu.memref_slice %arg9[%mul3A_102, %dma_wait3A_128] : memref<10000x128xf32, #tpu.memory_space<vmem_shared>> -> memref<80x128xf32, #tpu.memory_space<vmem_shared>>
          %dma_wait3A_130 = arith.constant 0 : i32
          %dma_wait3A_131 = arith.constant 0 : i32
          %dma_wait3A_132 = tpu.memref_slice %arg7[%dma_wait3A_130, %dma_wait3A_131] : memref<128x128xf32, #tpu.memory_space<vmem>> -> memref<80x128xf32, #tpu.memory_space<vmem>>
          %dma_wait3A_133 = arith.constant 0 : i32
          %dma_wait3A_134 = tpu.memref_slice %arg9[%mul3A_102, %dma_wait3A_133] : memref<10000x128xf32, #tpu.memory_space<vmem_shared>> -> memref<80x128xf32, #tpu.memory_space<vmem_shared>>
          tpu.wait_dma2 semaphore(%run_scoped3A : memref<!tpu.dma_semaphore, #tpu.memory_space<semaphore_mem>>) src(%dma_wait3A_134 : memref<80x128xf32, #tpu.memory_space<vmem_shared>>) dst(%dma_wait3A_132 : memref<80x128xf32, #tpu.memory_space<vmem>>)
          tpu.yield
        }) : () -> ()
        %mul3A_103 = arith.constant 80 : i32
        %mul3A_104 = arith.muli %add3A_58, %mul3A_103 : i32
        %dma_start3A = arith.constant 0 : i32
        %dma_start3A_105 = arith.constant 0 : i32
        %dma_start3A_106 = tpu.memref_slice %arg7[%dma_start3A, %dma_start3A_105] : memref<128x128xf32, #tpu.memory_space<vmem>> -> memref<80x128xf32, #tpu.memory_space<vmem>>
        %dma_start3A_107 = arith.constant 0 : i32
        %dma_start3A_108 = tpu.memref_slice %arg4[%arg0, %mul3A_104, %dma_start3A_107] : memref<2x10000x128xf32, #tpu.memory_space<hbm>> -> memref<1x80x128xf32, #tpu.memory_space<hbm>>
        %dma_start3A_109 = tpu.memref_squeeze %dma_start3A_108 : memref<1x80x128xf32, #tpu.memory_space<hbm>> -> memref<80x128xf32, #tpu.memory_space<hbm>>
        %dma_start3A_110 = arith.constant 0 : i32
        %dma_start3A_111 = tpu.memref_slice %arg4[%arg0, %mul3A_104, %dma_start3A_110] : memref<2x10000x128xf32, #tpu.memory_space<hbm>> -> memref<1x80x128xf32, #tpu.memory_space<hbm>>
        %dma_start3A_112 = tpu.memref_squeeze %dma_start3A_111 : memref<1x80x128xf32, #tpu.memory_space<hbm>> -> memref<80x128xf32, #tpu.memory_space<hbm>>
        %dma_start3A_113 = arith.constant 0 : i32
        %dma_start3A_114 = arith.constant 0 : i32
        %dma_start3A_115 = tpu.memref_slice %arg7[%dma_start3A_113, %dma_start3A_114] : memref<128x128xf32, #tpu.memory_space<vmem>> -> memref<80x128xf32, #tpu.memory_space<vmem>>
        tpu.enqueue_dma source(%dma_start3A_115 : memref<80x128xf32, #tpu.memory_space<vmem>>) target(%dma_start3A_112 : memref<80x128xf32, #tpu.memory_space<hbm>>) target_semaphore(%arg12 : memref<!tpu.dma_semaphore, #tpu.memory_space<semaphore_mem>>)
      } else {
      }
      %mul3A_76 = arith.constant 2 : i32
      %mul3A_77 = arith.muli %mul3A_76, %scan3A_54 : i32
      %add3A_78 = arith.constant 1 : i32
      %add3A_79 = arith.addi %mul3A_77, %add3A_78 : i32
      %mul3A_80 = arith.constant 16 : i32
      %mul3A_81 = arith.muli %mul3A_80, %add3A_79 : i32
      %add3A_82 = arith.addi %arg1, %mul3A_81 : i32
      %sub3A_83 = arith.constant 2 : i32
      %sub3A_84 = arith.subi %add3A_79, %sub3A_83 : i32
      %mul3A_85 = arith.constant 16 : i32
      %mul3A_86 = arith.muli %mul3A_85, %sub3A_84 : i32
      %add3A_87 = arith.addi %arg1, %mul3A_86 : i32
      %ge3A_88 = arith.constant 2 : i32
      %ge3A_89 = arith.cmpi sge, %add3A_79, %ge3A_88 : i32
      %lt3A_90 = arith.constant 125 : i32
      %lt3A_91 = arith.cmpi slt, %add3A_87, %lt3A_90 : i32
      %and3A_92 = arith.andi %ge3A_89, %lt3A_91 : i1
      %convert_element_type3A_93 = arith.extui %and3A_92 : i1 to i32
      %cond3A_94 = arith.constant 0 : i32
      %cond3A_95 = arith.cmpi ne, %convert_element_type3A_93, %cond3A_94 : i32
      scf.if %cond3A_95 {
        %mul3A_101 = arith.constant 80 : i32
        %mul3A_102 = arith.muli %add3A_87, %mul3A_101 : i32
        %dma_wait3A = arith.constant 0 : i32
        %dma_wait3A_103 = arith.constant 0 : i32
        %dma_wait3A_104 = tpu.memref_slice %arg8[%dma_wait3A, %dma_wait3A_103] : memref<128x128xf32, #tpu.memory_space<vmem>> -> memref<80x128xf32, #tpu.memory_space<vmem>>
        %dma_wait3A_105 = arith.constant 0 : i32
        %dma_wait3A_106 = tpu.memref_slice %arg4[%arg0, %mul3A_102, %dma_wait3A_105] : memref<2x10000x128xf32, #tpu.memory_space<hbm>> -> memref<1x80x128xf32, #tpu.memory_space<hbm>>
        %dma_wait3A_107 = tpu.memref_squeeze %dma_wait3A_106 : memref<1x80x128xf32, #tpu.memory_space<hbm>> -> memref<80x128xf32, #tpu.memory_space<hbm>>
        %dma_wait3A_108 = arith.constant 0 : i32
        %dma_wait3A_109 = tpu.memref_slice %arg4[%arg0, %mul3A_102, %dma_wait3A_108] : memref<2x10000x128xf32, #tpu.memory_space<hbm>> -> memref<1x80x128xf32, #tpu.memory_space<hbm>>
        %dma_wait3A_110 = tpu.memref_squeeze %dma_wait3A_109 : memref<1x80x128xf32, #tpu.memory_space<hbm>> -> memref<80x128xf32, #tpu.memory_space<hbm>>
        %dma_wait3A_111 = arith.constant 0 : i32
        %dma_wait3A_112 = arith.constant 0 : i32
        %dma_wait3A_113 = tpu.memref_slice %arg8[%dma_wait3A_111, %dma_wait3A_112] : memref<128x128xf32, #tpu.memory_space<vmem>> -> memref<80x128xf32, #tpu.memory_space<vmem>>
        tpu.wait_dma2 semaphore(%arg13 : memref<!tpu.dma_semaphore, #tpu.memory_space<semaphore_mem>>) src(%dma_wait3A_113 : memref<80x128xf32, #tpu.memory_space<vmem>>) dst(%dma_wait3A_110 : memref<80x128xf32, #tpu.memory_space<hbm>>)
      } else {
      }
      %lt3A_96 = arith.constant 125 : i32
      %lt3A_97 = arith.cmpi slt, %add3A_82, %lt3A_96 : i32
      %convert_element_type3A_98 = arith.extui %lt3A_97 : i1 to i32
      %cond3A_99 = arith.constant 0 : i32
      %cond3A_100 = arith.cmpi ne, %convert_element_type3A_98, %cond3A_99 : i32
      scf.if %cond3A_100 {
        %mul3A_101 = arith.constant 80 : i32
        %mul3A_102 = arith.muli %add3A_82, %mul3A_101 : i32
        "tpu.region"() ({
          %run_scoped3A = tpu.sem_alloc : memref<!tpu.dma_semaphore, #tpu.memory_space<semaphore_mem>>
          %dma_start3A_116 = arith.constant 0 : i32
          %dma_start3A_117 = arith.constant 0 : i32
          %dma_start3A_118 = tpu.memref_slice %arg8[%dma_start3A_116, %dma_start3A_117] : memref<128x128xf32, #tpu.memory_space<vmem>> -> memref<80x128xf32, #tpu.memory_space<vmem>>
          %dma_start3A_119 = arith.constant 0 : i32
          %dma_start3A_120 = tpu.memref_slice %arg9[%mul3A_102, %dma_start3A_119] : memref<10000x128xf32, #tpu.memory_space<vmem_shared>> -> memref<80x128xf32, #tpu.memory_space<vmem_shared>>
          %dma_start3A_121 = arith.constant 0 : i32
          %dma_start3A_122 = arith.constant 0 : i32
          %dma_start3A_123 = tpu.memref_slice %arg8[%dma_start3A_121, %dma_start3A_122] : memref<128x128xf32, #tpu.memory_space<vmem>> -> memref<80x128xf32, #tpu.memory_space<vmem>>
          %dma_start3A_124 = arith.constant 0 : i32
          %dma_start3A_125 = tpu.memref_slice %arg9[%mul3A_102, %dma_start3A_124] : memref<10000x128xf32, #tpu.memory_space<vmem_shared>> -> memref<80x128xf32, #tpu.memory_space<vmem_shared>>
          tpu.enqueue_dma source(%dma_start3A_125 : memref<80x128xf32, #tpu.memory_space<vmem_shared>>) target(%dma_start3A_123 : memref<80x128xf32, #tpu.memory_space<vmem>>) target_semaphore(%run_scoped3A : memref<!tpu.dma_semaphore, #tpu.memory_space<semaphore_mem>>)
          %dma_wait3A = arith.constant 0 : i32
          %dma_wait3A_126 = arith.constant 0 : i32
          %dma_wait3A_127 = tpu.memref_slice %arg8[%dma_wait3A, %dma_wait3A_126] : memref<128x128xf32, #tpu.memory_space<vmem>> -> memref<80x128xf32, #tpu.memory_space<vmem>>
          %dma_wait3A_128 = arith.constant 0 : i32
          %dma_wait3A_129 = tpu.memref_slice %arg9[%mul3A_102, %dma_wait3A_128] : memref<10000x128xf32, #tpu.memory_space<vmem_shared>> -> memref<80x128xf32, #tpu.memory_space<vmem_shared>>
          %dma_wait3A_130 = arith.constant 0 : i32
          %dma_wait3A_131 = arith.constant 0 : i32
          %dma_wait3A_132 = tpu.memref_slice %arg8[%dma_wait3A_130, %dma_wait3A_131] : memref<128x128xf32, #tpu.memory_space<vmem>> -> memref<80x128xf32, #tpu.memory_space<vmem>>
          %dma_wait3A_133 = arith.constant 0 : i32
          %dma_wait3A_134 = tpu.memref_slice %arg9[%mul3A_102, %dma_wait3A_133] : memref<10000x128xf32, #tpu.memory_space<vmem_shared>> -> memref<80x128xf32, #tpu.memory_space<vmem_shared>>
          tpu.wait_dma2 semaphore(%run_scoped3A : memref<!tpu.dma_semaphore, #tpu.memory_space<semaphore_mem>>) src(%dma_wait3A_134 : memref<80x128xf32, #tpu.memory_space<vmem_shared>>) dst(%dma_wait3A_132 : memref<80x128xf32, #tpu.memory_space<vmem>>)
          tpu.yield
        }) : () -> ()
        %mul3A_103 = arith.constant 80 : i32
        %mul3A_104 = arith.muli %add3A_82, %mul3A_103 : i32
        %dma_start3A = arith.constant 0 : i32
        %dma_start3A_105 = arith.constant 0 : i32
        %dma_start3A_106 = tpu.memref_slice %arg8[%dma_start3A, %dma_start3A_105] : memref<128x128xf32, #tpu.memory_space<vmem>> -> memref<80x128xf32, #tpu.memory_space<vmem>>
        %dma_start3A_107 = arith.constant 0 : i32
        %dma_start3A_108 = tpu.memref_slice %arg4[%arg0, %mul3A_104, %dma_start3A_107] : memref<2x10000x128xf32, #tpu.memory_space<hbm>> -> memref<1x80x128xf32, #tpu.memory_space<hbm>>
        %dma_start3A_109 = tpu.memref_squeeze %dma_start3A_108 : memref<1x80x128xf32, #tpu.memory_space<hbm>> -> memref<80x128xf32, #tpu.memory_space<hbm>>
        %dma_start3A_110 = arith.constant 0 : i32
        %dma_start3A_111 = tpu.memref_slice %arg4[%arg0, %mul3A_104, %dma_start3A_110] : memref<2x10000x128xf32, #tpu.memory_space<hbm>> -> memref<1x80x128xf32, #tpu.memory_space<hbm>>
        %dma_start3A_112 = tpu.memref_squeeze %dma_start3A_111 : memref<1x80x128xf32, #tpu.memory_space<hbm>> -> memref<80x128xf32, #tpu.memory_space<hbm>>
        %dma_start3A_113 = arith.constant 0 : i32
        %dma_start3A_114 = arith.constant 0 : i32
        %dma_start3A_115 = tpu.memref_slice %arg8[%dma_start3A_113, %dma_start3A_114] : memref<128x128xf32, #tpu.memory_space<vmem>> -> memref<80x128xf32, #tpu.memory_space<vmem>>
        tpu.enqueue_dma source(%dma_start3A_115 : memref<80x128xf32, #tpu.memory_space<vmem>>) target(%dma_start3A_112 : memref<80x128xf32, #tpu.memory_space<hbm>>) target_semaphore(%arg13 : memref<!tpu.dma_semaphore, #tpu.memory_space<semaphore_mem>>)
      } else {
      }
    }
    %scan3A_53 = arith.constant 6 : i32
    return
  }
}

#map = affine_map<(d0, d1) -> (0, 0)>
#map1 = affine_map<(d0, d1) -> (0, 0, 0)>
module attributes {stable_mosaic.version = 14 : i64} {
  func.func @k(%arg0: i32, %arg1: i32, %arg2: memref<80000x128xf32, #tpu.memory_space<hbm>>, %arg3: memref<625x128xi32, #tpu.memory_space<hbm>>, %arg4: memref<2x10000x128xf32, #tpu.memory_space<hbm>>, %arg5: memref<128xi32, #tpu.memory_space<vmem>>, %arg6: memref<128xi32, #tpu.memory_space<vmem>>, %arg7: memref<128x128xf32, #tpu.memory_space<vmem>>, %arg8: memref<128x128xf32, #tpu.memory_space<vmem>>, %arg9: memref<10000x128xf32, #tpu.memory_space<vmem_shared>>, %arg10: memref<!tpu.dma_semaphore, #tpu.memory_space<semaphore_mem>>, %arg11: memref<!tpu.dma_semaphore, #tpu.memory_space<semaphore_mem>>, %arg12: memref<!tpu.dma_semaphore, #tpu.memory_space<semaphore_mem>>, %arg13: memref<!tpu.dma_semaphore, #tpu.memory_space<semaphore_mem>>) attributes {dimension_semantics = [#tpu.dimension_semantics<core_parallel>, #tpu.dimension_semantics<subcore_parallel>], iteration_bounds = array<i64: 2, 16>, scalar_prefetch = 0 : i64, scratch_operands = 9 : i64, tpu.core_type = #tpu.core_type<sc_vector_subcore>, window_params = [{transform_indices = #map}, {transform_indices = #map}, {transform_indices = #map1}]} {
    %scan3A = arith.constant 0 : i32
    %scan3A_0 = arith.constant 0 : i32
    %scan3A_1 = arith.constant 80 : i32
    %scan3A_2 = arith.addi %scan3A_0, %scan3A_1 : i32
    %scan3A_3 = arith.constant 1 : i32
    scf.for %scan3A_54 = %scan3A_0 to %scan3A_2 step %scan3A_3  : i32 {
      %broadcast_in_dim3A = arith.constant 0.000000e+00 : f32
      %broadcast_in_dim3A_55 = vector.broadcast %broadcast_in_dim3A : f32 to vector<16xf32>
      %swap3A = arith.index_cast %scan3A_54 : i32 to index
      %swap3A_56 = arith.constant 0 : index
      %swap3A_57 = tpu.vector_load %arg7[%swap3A, %swap3A_56] {strides = array<i32>} : memref<128x128xf32, #tpu.memory_space<vmem>>, vector<1x16xf32>,
      %swap3A_58 = vector.shape_cast %swap3A_57 : vector<1x16xf32> to vector<16xf32>
      %swap3A_59 = vector.shape_cast %broadcast_in_dim3A_55 : vector<16xf32> to vector<1x16xf32>
      tpu.vector_store %arg7[%swap3A, %swap3A_56], %swap3A_59 {strides = array<i32>} : memref<128x128xf32, #tpu.memory_space<vmem>>, vector<1x16xf32>,
      %broadcast_in_dim3A_60 = arith.constant 0.000000e+00 : f32
      %broadcast_in_dim3A_61 = vector.broadcast %broadcast_in_dim3A_60 : f32 to vector<16xf32>
      %swap3A_62 = arith.index_cast %scan3A_54 : i32 to index
      %swap3A_63 = arith.constant 16 : index
      %swap3A_64 = tpu.vector_load %arg7[%swap3A_62, %swap3A_63] {strides = array<i32>} : memref<128x128xf32, #tpu.memory_space<vmem>>, vector<1x16xf32>,
      %swap3A_65 = vector.shape_cast %swap3A_64 : vector<1x16xf32> to vector<16xf32>
      %swap3A_66 = vector.shape_cast %broadcast_in_dim3A_61 : vector<16xf32> to vector<1x16xf32>
      tpu.vector_store %arg7[%swap3A_62, %swap3A_63], %swap3A_66 {strides = array<i32>} : memref<128x128xf32, #tpu.memory_space<vmem>>, vector<1x16xf32>,
      %broadcast_in_dim3A_67 = arith.constant 0.000000e+00 : f32
      %broadcast_in_dim3A_68 = vector.broadcast %broadcast_in_dim3A_67 : f32 to vector<16xf32>
      %swap3A_69 = arith.index_cast %scan3A_54 : i32 to index
      %swap3A_70 = arith.constant 32 : index
      %swap3A_71 = tpu.vector_load %arg7[%swap3A_69, %swap3A_70] {strides = array<i32>} : memref<128x128xf32, #tpu.memory_space<vmem>>, vector<1x16xf32>,
      %swap3A_72 = vector.shape_cast %swap3A_71 : vector<1x16xf32> to vector<16xf32>
      %swap3A_73 = vector.shape_cast %broadcast_in_dim3A_68 : vector<16xf32> to vector<1x16xf32>
      tpu.vector_store %arg7[%swap3A_69, %swap3A_70], %swap3A_73 {strides = array<i32>} : memref<128x128xf32, #tpu.memory_space<vmem>>, vector<1x16xf32>,
      %broadcast_in_dim3A_74 = arith.constant 0.000000e+00 : f32
      %broadcast_in_dim3A_75 = vector.broadcast %broadcast_in_dim3A_74 : f32 to vector<16xf32>
      %swap3A_76 = arith.index_cast %scan3A_54 : i32 to index
      %swap3A_77 = arith.constant 48 : index
      %swap3A_78 = tpu.vector_load %arg7[%swap3A_76, %swap3A_77] {strides = array<i32>} : memref<128x128xf32, #tpu.memory_space<vmem>>, vector<1x16xf32>,
      %swap3A_79 = vector.shape_cast %swap3A_78 : vector<1x16xf32> to vector<16xf32>
      %swap3A_80 = vector.shape_cast %broadcast_in_dim3A_75 : vector<16xf32> to vector<1x16xf32>
      tpu.vector_store %arg7[%swap3A_76, %swap3A_77], %swap3A_80 {strides = array<i32>} : memref<128x128xf32, #tpu.memory_space<vmem>>, vector<1x16xf32>,
      %broadcast_in_dim3A_81 = arith.constant 0.000000e+00 : f32
      %broadcast_in_dim3A_82 = vector.broadcast %broadcast_in_dim3A_81 : f32 to vector<16xf32>
      %swap3A_83 = arith.index_cast %scan3A_54 : i32 to index
      %swap3A_84 = arith.constant 64 : index
      %swap3A_85 = tpu.vector_load %arg7[%swap3A_83, %swap3A_84] {strides = array<i32>} : memref<128x128xf32, #tpu.memory_space<vmem>>, vector<1x16xf32>,
      %swap3A_86 = vector.shape_cast %swap3A_85 : vector<1x16xf32> to vector<16xf32>
      %swap3A_87 = vector.shape_cast %broadcast_in_dim3A_82 : vector<16xf32> to vector<1x16xf32>
      tpu.vector_store %arg7[%swap3A_83, %swap3A_84], %swap3A_87 {strides = array<i32>} : memref<128x128xf32, #tpu.memory_space<vmem>>, vector<1x16xf32>,
      %broadcast_in_dim3A_88 = arith.constant 0.000000e+00 : f32
      %broadcast_in_dim3A_89 = vector.broadcast %broadcast_in_dim3A_88 : f32 to vector<16xf32>
      %swap3A_90 = arith.index_cast %scan3A_54 : i32 to index
      %swap3A_91 = arith.constant 80 : index
      %swap3A_92 = tpu.vector_load %arg7[%swap3A_90, %swap3A_91] {strides = array<i32>} : memref<128x128xf32, #tpu.memory_space<vmem>>, vector<1x16xf32>,
      %swap3A_93 = vector.shape_cast %swap3A_92 : vector<1x16xf32> to vector<16xf32>
      %swap3A_94 = vector.shape_cast %broadcast_in_dim3A_89 : vector<16xf32> to vector<1x16xf32>
      tpu.vector_store %arg7[%swap3A_90, %swap3A_91], %swap3A_94 {strides = array<i32>} : memref<128x128xf32, #tpu.memory_space<vmem>>, vector<1x16xf32>,
      %broadcast_in_dim3A_95 = arith.constant 0.000000e+00 : f32
      %broadcast_in_dim3A_96 = vector.broadcast %broadcast_in_dim3A_95 : f32 to vector<16xf32>
      %swap3A_97 = arith.index_cast %scan3A_54 : i32 to index
      %swap3A_98 = arith.constant 96 : index
      %swap3A_99 = tpu.vector_load %arg7[%swap3A_97, %swap3A_98] {strides = array<i32>} : memref<128x128xf32, #tpu.memory_space<vmem>>, vector<1x16xf32>,
      %swap3A_100 = vector.shape_cast %swap3A_99 : vector<1x16xf32> to vector<16xf32>
      %swap3A_101 = vector.shape_cast %broadcast_in_dim3A_96 : vector<16xf32> to vector<1x16xf32>
      tpu.vector_store %arg7[%swap3A_97, %swap3A_98], %swap3A_101 {strides = array<i32>} : memref<128x128xf32, #tpu.memory_space<vmem>>, vector<1x16xf32>,
      %broadcast_in_dim3A_102 = arith.constant 0.000000e+00 : f32
      %broadcast_in_dim3A_103 = vector.broadcast %broadcast_in_dim3A_102 : f32 to vector<16xf32>
      %swap3A_104 = arith.index_cast %scan3A_54 : i32 to index
      %swap3A_105 = arith.constant 112 : index
      %swap3A_106 = tpu.vector_load %arg7[%swap3A_104, %swap3A_105] {strides = array<i32>} : memref<128x128xf32, #tpu.memory_space<vmem>>, vector<1x16xf32>,
      %swap3A_107 = vector.shape_cast %swap3A_106 : vector<1x16xf32> to vector<16xf32>
      %swap3A_108 = vector.shape_cast %broadcast_in_dim3A_103 : vector<16xf32> to vector<1x16xf32>
      tpu.vector_store %arg7[%swap3A_104, %swap3A_105], %swap3A_108 {strides = array<i32>} : memref<128x128xf32, #tpu.memory_space<vmem>>, vector<1x16xf32>,
    }
    %scan3A_4 = arith.constant 80 : i32
    %scan3A_5 = arith.constant 0 : i32
    %scan3A_6 = arith.constant 0 : i32
    %scan3A_7 = arith.constant 8 : i32
    %scan3A_8 = arith.addi %scan3A_6, %scan3A_7 : i32
    %scan3A_9 = arith.constant 1 : i32
    scf.for %scan3A_54 = %scan3A_6 to %scan3A_8 step %scan3A_9  : i32 {
      %mul3A = arith.constant 16 : i32
      %mul3A_55 = arith.muli %mul3A, %scan3A_54 : i32
      %add3A_56 = arith.addi %arg1, %mul3A_55 : i32
      %lt3A_57 = arith.constant 125 : i32
      %lt3A_58 = arith.cmpi slt, %add3A_56, %lt3A_57 : i32
      %convert_element_type3A_59 = arith.extui %lt3A_58 : i1 to i32
      %cond3A_60 = arith.constant 0 : i32
      %cond3A_61 = arith.cmpi ne, %convert_element_type3A_59, %cond3A_60 : i32
      scf.if %cond3A_61 {
        %mul3A_62 = arith.constant 80 : i32
        %mul3A_63 = arith.muli %add3A_56, %mul3A_62 : i32
        %dma_start3A = arith.constant 0 : i32
        %dma_start3A_64 = arith.constant 0 : i32
        %dma_start3A_65 = tpu.memref_slice %arg7[%dma_start3A, %dma_start3A_64] : memref<128x128xf32, #tpu.memory_space<vmem>> -> memref<80x128xf32, #tpu.memory_space<vmem>>
        %dma_start3A_66 = arith.constant 0 : i32
        %dma_start3A_67 = tpu.memref_slice %arg9[%mul3A_63, %dma_start3A_66] : memref<10000x128xf32, #tpu.memory_space<vmem_shared>> -> memref<80x128xf32, #tpu.memory_space<vmem_shared>>
        %dma_start3A_68 = arith.constant 0 : i32
        %dma_start3A_69 = tpu.memref_slice %arg9[%mul3A_63, %dma_start3A_68] : memref<10000x128xf32, #tpu.memory_space<vmem_shared>> -> memref<80x128xf32, #tpu.memory_space<vmem_shared>>
        %dma_start3A_70 = arith.constant 0 : i32
        %dma_start3A_71 = arith.constant 0 : i32
        %dma_start3A_72 = tpu.memref_slice %arg7[%dma_start3A_70, %dma_start3A_71] : memref<128x128xf32, #tpu.memory_space<vmem>> -> memref<80x128xf32, #tpu.memory_space<vmem>>
        tpu.enqueue_dma source(%dma_start3A_72 : memref<80x128xf32, #tpu.memory_space<vmem>>) target(%dma_start3A_69 : memref<80x128xf32, #tpu.memory_space<vmem_shared>>) target_semaphore(%arg10 : memref<!tpu.dma_semaphore, #tpu.memory_space<semaphore_mem>>)
      } else {
      }
    }
    %scan3A_10 = arith.constant 8 : i32
    %scan3A_11 = arith.constant 0 : i32
    %scan3A_12 = arith.constant 0 : i32
    %scan3A_13 = arith.constant 8 : i32
    %scan3A_14 = arith.addi %scan3A_12, %scan3A_13 : i32
    %scan3A_15 = arith.constant 1 : i32
    scf.for %scan3A_54 = %scan3A_12 to %scan3A_14 step %scan3A_15  : i32 {
      %mul3A = arith.constant 16 : i32
      %mul3A_55 = arith.muli %mul3A, %scan3A_54 : i32
      %add3A_56 = arith.addi %arg1, %mul3A_55 : i32
      %lt3A_57 = arith.constant 125 : i32
      %lt3A_58 = arith.cmpi slt, %add3A_56, %lt3A_57 : i32
      %convert_element_type3A_59 = arith.extui %lt3A_58 : i1 to i32
      %cond3A_60 = arith.constant 0 : i32
      %cond3A_61 = arith.cmpi ne, %convert_element_type3A_59, %cond3A_60 : i32
      scf.if %cond3A_61 {
        %mul3A_62 = arith.constant 80 : i32
        %mul3A_63 = arith.muli %add3A_56, %mul3A_62 : i32
        %dma_wait3A = arith.constant 0 : i32
        %dma_wait3A_64 = arith.constant 0 : i32
        %dma_wait3A_65 = tpu.memref_slice %arg7[%dma_wait3A, %dma_wait3A_64] : memref<128x128xf32, #tpu.memory_space<vmem>> -> memref<80x128xf32, #tpu.memory_space<vmem>>
        %dma_wait3A_66 = arith.constant 0 : i32
        %dma_wait3A_67 = tpu.memref_slice %arg9[%mul3A_63, %dma_wait3A_66] : memref<10000x128xf32, #tpu.memory_space<vmem_shared>> -> memref<80x128xf32, #tpu.memory_space<vmem_shared>>
        %dma_wait3A_68 = arith.constant 0 : i32
        %dma_wait3A_69 = tpu.memref_slice %arg9[%mul3A_63, %dma_wait3A_68] : memref<10000x128xf32, #tpu.memory_space<vmem_shared>> -> memref<80x128xf32, #tpu.memory_space<vmem_shared>>
        %dma_wait3A_70 = arith.constant 0 : i32
        %dma_wait3A_71 = arith.constant 0 : i32
        %dma_wait3A_72 = tpu.memref_slice %arg7[%dma_wait3A_70, %dma_wait3A_71] : memref<128x128xf32, #tpu.memory_space<vmem>> -> memref<80x128xf32, #tpu.memory_space<vmem>>
        tpu.wait_dma2 semaphore(%arg10 : memref<!tpu.dma_semaphore, #tpu.memory_space<semaphore_mem>>) src(%dma_wait3A_72 : memref<80x128xf32, #tpu.memory_space<vmem>>) dst(%dma_wait3A_69 : memref<80x128xf32, #tpu.memory_space<vmem_shared>>)
      } else {
      }
    }
    %scan3A_16 = arith.constant 8 : i32
    %barrier3A = arith.constant 0 : index
    tpu.barrier barrier_id(%barrier3A)
    %sub3A = arith.constant 625 : i32
    %sub3A_17 = arith.subi %sub3A, %arg0 : i32
    %add3A = arith.constant 2 : i32
    %add3A_18 = arith.addi %sub3A_17, %add3A : i32
    %sub3A_19 = arith.constant 1 : i32
    %sub3A_20 = arith.subi %add3A_18, %sub3A_19 : i32
    %jit3A = arith.constant 2 : i32
    %div3A = arith.divsi %sub3A_20, %jit3A : i32
    %sign3A = arith.constant 0 : i32
    %sign3A_21 = arith.cmpi sgt, %sub3A_20, %sign3A : i32
    %sign3A_22 = arith.extui %sign3A_21 : i1 to i32
    %sign3A_23 = arith.constant 0 : i32
    %sign3A_24 = arith.cmpi slt, %sub3A_20, %sign3A_23 : i32
    %sign3A_25 = arith.extui %sign3A_24 : i1 to i32
    %sign3A_26 = arith.subi %sign3A_22, %sign3A_25 : i32
    %sign3A_27 = arith.constant 0 : i32
    %sign3A_28 = arith.cmpi sgt, %jit3A, %sign3A_27 : i32
    %sign3A_29 = arith.extui %sign3A_28 : i1 to i32
    %sign3A_30 = arith.constant 0 : i32
    %sign3A_31 = arith.cmpi slt, %jit3A, %sign3A_30 : i32
    %sign3A_32 = arith.extui %sign3A_31 : i1 to i32
    %sign3A_33 = arith.subi %sign3A_29, %sign3A_32 : i32
    %ne3A = arith.cmpi ne, %sign3A_26, %sign3A_33 : i32
    %rem3A = arith.remsi %sub3A_20, %jit3A : i32
    %ne3A_34 = arith.constant 0 : i32
    %ne3A_35 = arith.cmpi ne, %rem3A, %ne3A_34 : i32
    %and3A = arith.andi %ne3A, %ne3A_35 : i1
    %sub3A_36 = arith.constant 1 : i32
    %sub3A_37 = arith.subi %div3A, %sub3A_36 : i32
    %select_n3A = arith.select %and3A, %sub3A_37, %div3A : i32
    %add3A_38 = arith.constant 0 : i32
    %add3A_39 = arith.addi %arg1, %add3A_38 : i32
    %lt3A = arith.cmpi slt, %add3A_39, %select_n3A : i32
    %convert_element_type3A = arith.extui %lt3A : i1 to i32
    %cond3A = arith.constant 0 : i32
    %cond3A_40 = arith.cmpi ne, %convert_element_type3A, %cond3A : i32
    scf.if %cond3A_40 {
      %add3A_54 = arith.constant 0 : i32
      %add3A_55 = arith.addi %arg1, %add3A_54 : i32
      %mul3A = arith.constant 2 : i32
      %mul3A_56 = arith.muli %mul3A, %add3A_55 : i32
      %add3A_57 = arith.addi %arg0, %mul3A_56 : i32
      %dma_start3A = arith.constant 0 : i32
      %dma_start3A_58 = tpu.memref_slice %arg3[%add3A_57, %dma_start3A] : memref<625x128xi32, #tpu.memory_space<hbm>> -> memref<1x128xi32, #tpu.memory_space<hbm>>
      %dma_start3A_59 = tpu.memref_squeeze %dma_start3A_58 : memref<1x128xi32, #tpu.memory_space<hbm>> -> memref<128xi32, #tpu.memory_space<hbm>>
      %dma_start3A_60 = arith.constant 0 : i32
      %dma_start3A_61 = tpu.memref_slice %arg3[%add3A_57, %dma_start3A_60] : memref<625x128xi32, #tpu.memory_space<hbm>> -> memref<1x128xi32, #tpu.memory_space<hbm>>
      %dma_start3A_62 = tpu.memref_squeeze %dma_start3A_61 : memref<1x128xi32, #tpu.memory_space<hbm>> -> memref<128xi32, #tpu.memory_space<hbm>>
      tpu.enqueue_dma source(%dma_start3A_62 : memref<128xi32, #tpu.memory_space<hbm>>) target(%arg5 : memref<128xi32, #tpu.memory_space<vmem>>) target_semaphore(%arg10 : memref<!tpu.dma_semaphore, #tpu.memory_space<semaphore_mem>>)
      %add3A_63 = arith.constant 0 : i32
      %add3A_64 = arith.addi %arg1, %add3A_63 : i32
      %mul3A_65 = arith.constant 2 : i32
      %mul3A_66 = arith.muli %mul3A_65, %add3A_64 : i32
      %add3A_67 = arith.addi %arg0, %mul3A_66 : i32
      %mul3A_68 = arith.constant 128 : i32
      %mul3A_69 = arith.muli %add3A_67, %mul3A_68 : i32
      %dma_start3A_70 = arith.constant 0 : i32
      %dma_start3A_71 = tpu.memref_slice %arg2[%mul3A_69, %dma_start3A_70] : memref<80000x128xf32, #tpu.memory_space<hbm>> -> memref<128x128xf32, #tpu.memory_space<hbm>>
      %dma_start3A_72 = arith.constant 0 : i32
      %dma_start3A_73 = tpu.memref_slice %arg2[%mul3A_69, %dma_start3A_72] : memref<80000x128xf32, #tpu.memory_space<hbm>> -> memref<128x128xf32, #tpu.memory_space<hbm>>
      tpu.enqueue_dma source(%dma_start3A_73 : memref<128x128xf32, #tpu.memory_space<hbm>>) target(%arg7 : memref<128x128xf32, #tpu.memory_space<vmem>>) target_semaphore(%arg12 : memref<!tpu.dma_semaphore, #tpu.memory_space<semaphore_mem>>)
    } else {
    }
    %scan3A_41 = arith.constant 0 : i32
    %scan3A_42 = arith.constant 0 : i32
    %scan3A_43 = arith.constant 11 : i32
    %scan3A_44 = arith.addi %scan3A_42, %scan3A_43 : i32
    %scan3A_45 = arith.constant 1 : i32
    scf.for %scan3A_54 = %scan3A_42 to %scan3A_44 step %scan3A_45  : i32 {
      %mul3A = arith.constant 2 : i32
      %mul3A_55 = arith.muli %mul3A, %scan3A_54 : i32
      %add3A_56 = arith.constant 1 : i32
      %add3A_57 = arith.addi %mul3A_55, %add3A_56 : i32
      %mul3A_58 = arith.constant 16 : i32
      %mul3A_59 = arith.muli %mul3A_58, %add3A_57 : i32
      %add3A_60 = arith.addi %arg1, %mul3A_59 : i32
      %lt3A_61 = arith.cmpi slt, %add3A_60, %select_n3A : i32
      %convert_element_type3A_62 = arith.extui %lt3A_61 : i1 to i32
      %cond3A_63 = arith.constant 0 : i32
      %cond3A_64 = arith.cmpi ne, %convert_element_type3A_62, %cond3A_63 : i32
      scf.if %cond3A_64 {
        %add3A_92 = arith.constant 1 : i32
        %add3A_93 = arith.addi %mul3A_55, %add3A_92 : i32
        %mul3A_94 = arith.constant 16 : i32
        %mul3A_95 = arith.muli %mul3A_94, %add3A_93 : i32
        %add3A_96 = arith.addi %arg1, %mul3A_95 : i32
        %mul3A_97 = arith.constant 2 : i32
        %mul3A_98 = arith.muli %mul3A_97, %add3A_96 : i32
        %add3A_99 = arith.addi %arg0, %mul3A_98 : i32
        %dma_start3A = arith.constant 0 : i32
        %dma_start3A_100 = tpu.memref_slice %arg3[%add3A_99, %dma_start3A] : memref<625x128xi32, #tpu.memory_space<hbm>> -> memref<1x128xi32, #tpu.memory_space<hbm>>
        %dma_start3A_101 = tpu.memref_squeeze %dma_start3A_100 : memref<1x128xi32, #tpu.memory_space<hbm>> -> memref<128xi32, #tpu.memory_space<hbm>>
        %dma_start3A_102 = arith.constant 0 : i32
        %dma_start3A_103 = tpu.memref_slice %arg3[%add3A_99, %dma_start3A_102] : memref<625x128xi32, #tpu.memory_space<hbm>> -> memref<1x128xi32, #tpu.memory_space<hbm>>
        %dma_start3A_104 = tpu.memref_squeeze %dma_start3A_103 : memref<1x128xi32, #tpu.memory_space<hbm>> -> memref<128xi32, #tpu.memory_space<hbm>>
        tpu.enqueue_dma source(%dma_start3A_104 : memref<128xi32, #tpu.memory_space<hbm>>) target(%arg6 : memref<128xi32, #tpu.memory_space<vmem>>) target_semaphore(%arg11 : memref<!tpu.dma_semaphore, #tpu.memory_space<semaphore_mem>>)
        %add3A_105 = arith.constant 1 : i32
        %add3A_106 = arith.addi %mul3A_55, %add3A_105 : i32
        %mul3A_107 = arith.constant 16 : i32
        %mul3A_108 = arith.muli %mul3A_107, %add3A_106 : i32
        %add3A_109 = arith.addi %arg1, %mul3A_108 : i32
        %mul3A_110 = arith.constant 2 : i32
        %mul3A_111 = arith.muli %mul3A_110, %add3A_109 : i32
        %add3A_112 = arith.addi %arg0, %mul3A_111 : i32
        %mul3A_113 = arith.constant 128 : i32
        %mul3A_114 = arith.muli %add3A_112, %mul3A_113 : i32
        %dma_start3A_115 = arith.constant 0 : i32
        %dma_start3A_116 = tpu.memref_slice %arg2[%mul3A_114, %dma_start3A_115] : memref<80000x128xf32, #tpu.memory_space<hbm>> -> memref<128x128xf32, #tpu.memory_space<hbm>>
        %dma_start3A_117 = arith.constant 0 : i32
        %dma_start3A_118 = tpu.memref_slice %arg2[%mul3A_114, %dma_start3A_117] : memref<80000x128xf32, #tpu.memory_space<hbm>> -> memref<128x128xf32, #tpu.memory_space<hbm>>
        tpu.enqueue_dma source(%dma_start3A_118 : memref<128x128xf32, #tpu.memory_space<hbm>>) target(%arg8 : memref<128x128xf32, #tpu.memory_space<vmem>>) target_semaphore(%arg13 : memref<!tpu.dma_semaphore, #tpu.memory_space<semaphore_mem>>)
      } else {
      }
      %mul3A_65 = arith.constant 16 : i32
      %mul3A_66 = arith.muli %mul3A_65, %mul3A_55 : i32
      %add3A_67 = arith.addi %arg1, %mul3A_66 : i32
      %lt3A_68 = arith.cmpi slt, %add3A_67, %select_n3A : i32
      %convert_element_type3A_69 = arith.extui %lt3A_68 : i1 to i32
      %cond3A_70 = arith.constant 0 : i32
      %cond3A_71 = arith.cmpi ne, %convert_element_type3A_69, %cond3A_70 : i32
      scf.if %cond3A_71 {
        %mul3A_92 = arith.constant 16 : i32
        %mul3A_93 = arith.muli %mul3A_92, %mul3A_55 : i32
        %add3A_94 = arith.addi %arg1, %mul3A_93 : i32
        %mul3A_95 = arith.constant 2 : i32
        %mul3A_96 = arith.muli %mul3A_95, %add3A_94 : i32
        %add3A_97 = arith.addi %arg0, %mul3A_96 : i32
        %dma_wait3A = arith.constant 0 : i32
        %dma_wait3A_98 = tpu.memref_slice %arg3[%add3A_97, %dma_wait3A] : memref<625x128xi32, #tpu.memory_space<hbm>> -> memref<1x128xi32, #tpu.memory_space<hbm>>
        %dma_wait3A_99 = tpu.memref_squeeze %dma_wait3A_98 : memref<1x128xi32, #tpu.memory_space<hbm>> -> memref<128xi32, #tpu.memory_space<hbm>>
        %dma_wait3A_100 = arith.constant 0 : i32
        %dma_wait3A_101 = tpu.memref_slice %arg3[%add3A_97, %dma_wait3A_100] : memref<625x128xi32, #tpu.memory_space<hbm>> -> memref<1x128xi32, #tpu.memory_space<hbm>>
        %dma_wait3A_102 = tpu.memref_squeeze %dma_wait3A_101 : memref<1x128xi32, #tpu.memory_space<hbm>> -> memref<128xi32, #tpu.memory_space<hbm>>
        tpu.wait_dma2 semaphore(%arg10 : memref<!tpu.dma_semaphore, #tpu.memory_space<semaphore_mem>>) src(%dma_wait3A_102 : memref<128xi32, #tpu.memory_space<hbm>>) dst(%arg5 : memref<128xi32, #tpu.memory_space<vmem>>)
        %mul3A_103 = arith.constant 16 : i32
        %mul3A_104 = arith.muli %mul3A_103, %mul3A_55 : i32
        %add3A_105 = arith.addi %arg1, %mul3A_104 : i32
        %mul3A_106 = arith.constant 2 : i32
        %mul3A_107 = arith.muli %mul3A_106, %add3A_105 : i32
        %add3A_108 = arith.addi %arg0, %mul3A_107 : i32
        %mul3A_109 = arith.constant 128 : i32
        %mul3A_110 = arith.muli %add3A_108, %mul3A_109 : i32
        %dma_wait3A_111 = arith.constant 0 : i32
        %dma_wait3A_112 = tpu.memref_slice %arg2[%mul3A_110, %dma_wait3A_111] : memref<80000x128xf32, #tpu.memory_space<hbm>> -> memref<128x128xf32, #tpu.memory_space<hbm>>
        %dma_wait3A_113 = arith.constant 0 : i32
        %dma_wait3A_114 = tpu.memref_slice %arg2[%mul3A_110, %dma_wait3A_113] : memref<80000x128xf32, #tpu.memory_space<hbm>> -> memref<128x128xf32, #tpu.memory_space<hbm>>
        tpu.wait_dma2 semaphore(%arg12 : memref<!tpu.dma_semaphore, #tpu.memory_space<semaphore_mem>>) src(%dma_wait3A_114 : memref<128x128xf32, #tpu.memory_space<hbm>>) dst(%arg7 : memref<128x128xf32, #tpu.memory_space<vmem>>)
        "tpu.region"() ({
          %run_scoped3A = tpu.sem_alloc : memref<!tpu.dma_semaphore, #tpu.memory_space<semaphore_mem>>
          %dma_start3A = arith.constant 0 : i32
          %dma_start3A_115 = arith.constant 0 : i32
          %dma_start3A_116 = tpu.memref_slice %arg9[%dma_start3A, %dma_start3A_115] : memref<10000x128xf32, #tpu.memory_space<vmem_shared>> -> memref<10000x128xf32, #tpu.memory_space<vmem_shared>>
          tpu.enqueue_indirect_dma source(%arg7 : memref<128x128xf32, #tpu.memory_space<vmem>>) target(%dma_start3A_116 : memref<10000x128xf32, #tpu.memory_space<vmem_shared>>) offsets(%arg5 : memref<128xi32, #tpu.memory_space<vmem>>) semaphore(%run_scoped3A : memref<!tpu.dma_semaphore, #tpu.memory_space<semaphore_mem>>) {add = true}
          %dma_wait3A_117 = arith.constant 0 : i32
          %dma_wait3A_118 = arith.constant 0 : i32
          %dma_wait3A_119 = tpu.memref_slice %arg9[%dma_wait3A_117, %dma_wait3A_118] : memref<10000x128xf32, #tpu.memory_space<vmem_shared>> -> memref<10000x128xf32, #tpu.memory_space<vmem_shared>>
          tpu.wait_indirect_dma semaphore(%run_scoped3A : memref<!tpu.dma_semaphore, #tpu.memory_space<semaphore_mem>>) src(%arg7 : memref<128x128xf32, #tpu.memory_space<vmem>>) dst(%dma_wait3A_119 : memref<10000x128xf32, #tpu.memory_space<vmem_shared>>)
          tpu.yield
        }) : () -> ()
      } else {
      }
      %mul3A_72 = arith.constant 2 : i32
      %mul3A_73 = arith.muli %mul3A_72, %scan3A_54 : i32
      %add3A_74 = arith.constant 1 : i32
      %add3A_75 = arith.addi %mul3A_73, %add3A_74 : i32
      %add3A_76 = arith.constant 1 : i32
      %add3A_77 = arith.addi %add3A_75, %add3A_76 : i32
      %mul3A_78 = arith.constant 16 : i32
      %mul3A_79 = arith.muli %mul3A_78, %add3A_77 : i32
      %add3A_80 = arith.addi %arg1, %mul3A_79 : i32
      %lt3A_81 = arith.cmpi slt, %add3A_80, %select_n3A : i32
      %convert_element_type3A_82 = arith.extui %lt3A_81 : i1 to i32
      %cond3A_83 = arith.constant 0 : i32
      %cond3A_84 = arith.cmpi ne, %convert_element_type3A_82, %cond3A_83 : i32
      scf.if %cond3A_84 {
        %add3A_92 = arith.constant 1 : i32
        %add3A_93 = arith.addi %add3A_75, %add3A_92 : i32
        %mul3A_94 = arith.constant 16 : i32
        %mul3A_95 = arith.muli %mul3A_94, %add3A_93 : i32
        %add3A_96 = arith.addi %arg1, %mul3A_95 : i32
        %mul3A_97 = arith.constant 2 : i32
        %mul3A_98 = arith.muli %mul3A_97, %add3A_96 : i32
        %add3A_99 = arith.addi %arg0, %mul3A_98 : i32
        %dma_start3A = arith.constant 0 : i32
        %dma_start3A_100 = tpu.memref_slice %arg3[%add3A_99, %dma_start3A] : memref<625x128xi32, #tpu.memory_space<hbm>> -> memref<1x128xi32, #tpu.memory_space<hbm>>
        %dma_start3A_101 = tpu.memref_squeeze %dma_start3A_100 : memref<1x128xi32, #tpu.memory_space<hbm>> -> memref<128xi32, #tpu.memory_space<hbm>>
        %dma_start3A_102 = arith.constant 0 : i32
        %dma_start3A_103 = tpu.memref_slice %arg3[%add3A_99, %dma_start3A_102] : memref<625x128xi32, #tpu.memory_space<hbm>> -> memref<1x128xi32, #tpu.memory_space<hbm>>
        %dma_start3A_104 = tpu.memref_squeeze %dma_start3A_103 : memref<1x128xi32, #tpu.memory_space<hbm>> -> memref<128xi32, #tpu.memory_space<hbm>>
        tpu.enqueue_dma source(%dma_start3A_104 : memref<128xi32, #tpu.memory_space<hbm>>) target(%arg5 : memref<128xi32, #tpu.memory_space<vmem>>) target_semaphore(%arg10 : memref<!tpu.dma_semaphore, #tpu.memory_space<semaphore_mem>>)
        %add3A_105 = arith.constant 1 : i32
        %add3A_106 = arith.addi %add3A_75, %add3A_105 : i32
        %mul3A_107 = arith.constant 16 : i32
        %mul3A_108 = arith.muli %mul3A_107, %add3A_106 : i32
        %add3A_109 = arith.addi %arg1, %mul3A_108 : i32
        %mul3A_110 = arith.constant 2 : i32
        %mul3A_111 = arith.muli %mul3A_110, %add3A_109 : i32
        %add3A_112 = arith.addi %arg0, %mul3A_111 : i32
        %mul3A_113 = arith.constant 128 : i32
        %mul3A_114 = arith.muli %add3A_112, %mul3A_113 : i32
        %dma_start3A_115 = arith.constant 0 : i32
        %dma_start3A_116 = tpu.memref_slice %arg2[%mul3A_114, %dma_start3A_115] : memref<80000x128xf32, #tpu.memory_space<hbm>> -> memref<128x128xf32, #tpu.memory_space<hbm>>
        %dma_start3A_117 = arith.constant 0 : i32
        %dma_start3A_118 = tpu.memref_slice %arg2[%mul3A_114, %dma_start3A_117] : memref<80000x128xf32, #tpu.memory_space<hbm>> -> memref<128x128xf32, #tpu.memory_space<hbm>>
        tpu.enqueue_dma source(%dma_start3A_118 : memref<128x128xf32, #tpu.memory_space<hbm>>) target(%arg7 : memref<128x128xf32, #tpu.memory_space<vmem>>) target_semaphore(%arg12 : memref<!tpu.dma_semaphore, #tpu.memory_space<semaphore_mem>>)
      } else {
      }
      %mul3A_85 = arith.constant 16 : i32
      %mul3A_86 = arith.muli %mul3A_85, %add3A_75 : i32
      %add3A_87 = arith.addi %arg1, %mul3A_86 : i32
      %lt3A_88 = arith.cmpi slt, %add3A_87, %select_n3A : i32
      %convert_element_type3A_89 = arith.extui %lt3A_88 : i1 to i32
      %cond3A_90 = arith.constant 0 : i32
      %cond3A_91 = arith.cmpi ne, %convert_element_type3A_89, %cond3A_90 : i32
      scf.if %cond3A_91 {
        %mul3A_92 = arith.constant 16 : i32
        %mul3A_93 = arith.muli %mul3A_92, %add3A_75 : i32
        %add3A_94 = arith.addi %arg1, %mul3A_93 : i32
        %mul3A_95 = arith.constant 2 : i32
        %mul3A_96 = arith.muli %mul3A_95, %add3A_94 : i32
        %add3A_97 = arith.addi %arg0, %mul3A_96 : i32
        %dma_wait3A = arith.constant 0 : i32
        %dma_wait3A_98 = tpu.memref_slice %arg3[%add3A_97, %dma_wait3A] : memref<625x128xi32, #tpu.memory_space<hbm>> -> memref<1x128xi32, #tpu.memory_space<hbm>>
        %dma_wait3A_99 = tpu.memref_squeeze %dma_wait3A_98 : memref<1x128xi32, #tpu.memory_space<hbm>> -> memref<128xi32, #tpu.memory_space<hbm>>
        %dma_wait3A_100 = arith.constant 0 : i32
        %dma_wait3A_101 = tpu.memref_slice %arg3[%add3A_97, %dma_wait3A_100] : memref<625x128xi32, #tpu.memory_space<hbm>> -> memref<1x128xi32, #tpu.memory_space<hbm>>
        %dma_wait3A_102 = tpu.memref_squeeze %dma_wait3A_101 : memref<1x128xi32, #tpu.memory_space<hbm>> -> memref<128xi32, #tpu.memory_space<hbm>>
        tpu.wait_dma2 semaphore(%arg11 : memref<!tpu.dma_semaphore, #tpu.memory_space<semaphore_mem>>) src(%dma_wait3A_102 : memref<128xi32, #tpu.memory_space<hbm>>) dst(%arg6 : memref<128xi32, #tpu.memory_space<vmem>>)
        %mul3A_103 = arith.constant 16 : i32
        %mul3A_104 = arith.muli %mul3A_103, %add3A_75 : i32
        %add3A_105 = arith.addi %arg1, %mul3A_104 : i32
        %mul3A_106 = arith.constant 2 : i32
        %mul3A_107 = arith.muli %mul3A_106, %add3A_105 : i32
        %add3A_108 = arith.addi %arg0, %mul3A_107 : i32
        %mul3A_109 = arith.constant 128 : i32
        %mul3A_110 = arith.muli %add3A_108, %mul3A_109 : i32
        %dma_wait3A_111 = arith.constant 0 : i32
        %dma_wait3A_112 = tpu.memref_slice %arg2[%mul3A_110, %dma_wait3A_111] : memref<80000x128xf32, #tpu.memory_space<hbm>> -> memref<128x128xf32, #tpu.memory_space<hbm>>
        %dma_wait3A_113 = arith.constant 0 : i32
        %dma_wait3A_114 = tpu.memref_slice %arg2[%mul3A_110, %dma_wait3A_113] : memref<80000x128xf32, #tpu.memory_space<hbm>> -> memref<128x128xf32, #tpu.memory_space<hbm>>
        tpu.wait_dma2 semaphore(%arg13 : memref<!tpu.dma_semaphore, #tpu.memory_space<semaphore_mem>>) src(%dma_wait3A_114 : memref<128x128xf32, #tpu.memory_space<hbm>>) dst(%arg8 : memref<128x128xf32, #tpu.memory_space<vmem>>)
        "tpu.region"() ({
          %run_scoped3A = tpu.sem_alloc : memref<!tpu.dma_semaphore, #tpu.memory_space<semaphore_mem>>
          %dma_start3A = arith.constant 0 : i32
          %dma_start3A_115 = arith.constant 0 : i32
          %dma_start3A_116 = tpu.memref_slice %arg9[%dma_start3A, %dma_start3A_115] : memref<10000x128xf32, #tpu.memory_space<vmem_shared>> -> memref<10000x128xf32, #tpu.memory_space<vmem_shared>>
          tpu.enqueue_indirect_dma source(%arg8 : memref<128x128xf32, #tpu.memory_space<vmem>>) target(%dma_start3A_116 : memref<10000x128xf32, #tpu.memory_space<vmem_shared>>) offsets(%arg6 : memref<128xi32, #tpu.memory_space<vmem>>) semaphore(%run_scoped3A : memref<!tpu.dma_semaphore, #tpu.memory_space<semaphore_mem>>) {add = true}
          %dma_wait3A_117 = arith.constant 0 : i32
          %dma_wait3A_118 = arith.constant 0 : i32
          %dma_wait3A_119 = tpu.memref_slice %arg9[%dma_wait3A_117, %dma_wait3A_118] : memref<10000x128xf32, #tpu.memory_space<vmem_shared>> -> memref<10000x128xf32, #tpu.memory_space<vmem_shared>>
          tpu.wait_indirect_dma semaphore(%run_scoped3A : memref<!tpu.dma_semaphore, #tpu.memory_space<semaphore_mem>>) src(%arg8 : memref<128x128xf32, #tpu.memory_space<vmem>>) dst(%dma_wait3A_119 : memref<10000x128xf32, #tpu.memory_space<vmem_shared>>)
          tpu.yield
        }) : () -> ()
      } else {
      }
    }
    %scan3A_46 = arith.constant 11 : i32
    %barrier3A_47 = arith.constant 0 : index
    tpu.barrier barrier_id(%barrier3A_47)
    %scan3A_48 = arith.constant 0 : i32
    %scan3A_49 = arith.constant 0 : i32
    %scan3A_50 = arith.constant 6 : i32
    %scan3A_51 = arith.addi %scan3A_49, %scan3A_50 : i32
    %scan3A_52 = arith.constant 1 : i32
    scf.for %scan3A_54 = %scan3A_49 to %scan3A_51 step %scan3A_52  : i32 {
      %mul3A = arith.constant 2 : i32
      %mul3A_55 = arith.muli %mul3A, %scan3A_54 : i32
      %mul3A_56 = arith.constant 16 : i32
      %mul3A_57 = arith.muli %mul3A_56, %mul3A_55 : i32
      %add3A_58 = arith.addi %arg1, %mul3A_57 : i32
      %sub3A_59 = arith.constant 2 : i32
      %sub3A_60 = arith.subi %mul3A_55, %sub3A_59 : i32
      %mul3A_61 = arith.constant 16 : i32
      %mul3A_62 = arith.muli %mul3A_61, %sub3A_60 : i32
      %add3A_63 = arith.addi %arg1, %mul3A_62 : i32
      %ge3A = arith.constant 2 : i32
      %ge3A_64 = arith.cmpi sge, %mul3A_55, %ge3A : i32
      %lt3A_65 = arith.constant 125 : i32
      %lt3A_66 = arith.cmpi slt, %add3A_63, %lt3A_65 : i32
      %and3A_67 = arith.andi %ge3A_64, %lt3A_66 : i1
      %convert_element_type3A_68 = arith.extui %and3A_67 : i1 to i32
      %cond3A_69 = arith.constant 0 : i32
      %cond3A_70 = arith.cmpi ne, %convert_element_type3A_68, %cond3A_69 : i32
      scf.if %cond3A_70 {
        %mul3A_101 = arith.constant 80 : i32
        %mul3A_102 = arith.muli %add3A_63, %mul3A_101 : i32
        %dma_wait3A = arith.constant 0 : i32
        %dma_wait3A_103 = arith.constant 0 : i32
        %dma_wait3A_104 = tpu.memref_slice %arg7[%dma_wait3A, %dma_wait3A_103] : memref<128x128xf32, #tpu.memory_space<vmem>> -> memref<80x128xf32, #tpu.memory_space<vmem>>
        %dma_wait3A_105 = arith.constant 0 : i32
        %dma_wait3A_106 = tpu.memref_slice %arg4[%arg0, %mul3A_102, %dma_wait3A_105] : memref<2x10000x128xf32, #tpu.memory_space<hbm>> -> memref<1x80x128xf32, #tpu.memory_space<hbm>>
        %dma_wait3A_107 = tpu.memref_squeeze %dma_wait3A_106 : memref<1x80x128xf32, #tpu.memory_space<hbm>> -> memref<80x128xf32, #tpu.memory_space<hbm>>
        %dma_wait3A_108 = arith.constant 0 : i32
        %dma_wait3A_109 = tpu.memref_slice %arg4[%arg0, %mul3A_102, %dma_wait3A_108] : memref<2x10000x128xf32, #tpu.memory_space<hbm>> -> memref<1x80x128xf32, #tpu.memory_space<hbm>>
        %dma_wait3A_110 = tpu.memref_squeeze %dma_wait3A_109 : memref<1x80x128xf32, #tpu.memory_space<hbm>> -> memref<80x128xf32, #tpu.memory_space<hbm>>
        %dma_wait3A_111 = arith.constant 0 : i32
        %dma_wait3A_112 = arith.constant 0 : i32
        %dma_wait3A_113 = tpu.memref_slice %arg7[%dma_wait3A_111, %dma_wait3A_112] : memref<128x128xf32, #tpu.memory_space<vmem>> -> memref<80x128xf32, #tpu.memory_space<vmem>>
        tpu.wait_dma2 semaphore(%arg12 : memref<!tpu.dma_semaphore, #tpu.memory_space<semaphore_mem>>) src(%dma_wait3A_113 : memref<80x128xf32, #tpu.memory_space<vmem>>) dst(%dma_wait3A_110 : memref<80x128xf32, #tpu.memory_space<hbm>>)
      } else {
      }
      %lt3A_71 = arith.constant 125 : i32
      %lt3A_72 = arith.cmpi slt, %add3A_58, %lt3A_71 : i32
      %convert_element_type3A_73 = arith.extui %lt3A_72 : i1 to i32
      %cond3A_74 = arith.constant 0 : i32
      %cond3A_75 = arith.cmpi ne, %convert_element_type3A_73, %cond3A_74 : i32
      scf.if %cond3A_75 {
        %mul3A_101 = arith.constant 80 : i32
        %mul3A_102 = arith.muli %add3A_58, %mul3A_101 : i32
        "tpu.region"() ({
          %run_scoped3A = tpu.sem_alloc : memref<!tpu.dma_semaphore, #tpu.memory_space<semaphore_mem>>
          %dma_start3A_116 = arith.constant 0 : i32
          %dma_start3A_117 = arith.constant 0 : i32
          %dma_start3A_118 = tpu.memref_slice %arg7[%dma_start3A_116, %dma_start3A_117] : memref<128x128xf32, #tpu.memory_space<vmem>> -> memref<80x128xf32, #tpu.memory_space<vmem>>
          %dma_start3A_119 = arith.constant 0 : i32
          %dma_start3A_120 = tpu.memref_slice %arg9[%mul3A_102, %dma_start3A_119] : memref<10000x128xf32, #tpu.memory_space<vmem_shared>> -> memref<80x128xf32, #tpu.memory_space<vmem_shared>>
          %dma_start3A_121 = arith.constant 0 : i32
          %dma_start3A_122 = arith.constant 0 : i32
          %dma_start3A_123 = tpu.memref_slice %arg7[%dma_start3A_121, %dma_start3A_122] : memref<128x128xf32, #tpu.memory_space<vmem>> -> memref<80x128xf32, #tpu.memory_space<vmem>>
          %dma_start3A_124 = arith.constant 0 : i32
          %dma_start3A_125 = tpu.memref_slice %arg9[%mul3A_102, %dma_start3A_124] : memref<10000x128xf32, #tpu.memory_space<vmem_shared>> -> memref<80x128xf32, #tpu.memory_space<vmem_shared>>
          tpu.enqueue_dma source(%dma_start3A_125 : memref<80x128xf32, #tpu.memory_space<vmem_shared>>) target(%dma_start3A_123 : memref<80x128xf32, #tpu.memory_space<vmem>>) target_semaphore(%run_scoped3A : memref<!tpu.dma_semaphore, #tpu.memory_space<semaphore_mem>>)
          %dma_wait3A = arith.constant 0 : i32
          %dma_wait3A_126 = arith.constant 0 : i32
          %dma_wait3A_127 = tpu.memref_slice %arg7[%dma_wait3A, %dma_wait3A_126] : memref<128x128xf32, #tpu.memory_space<vmem>> -> memref<80x128xf32, #tpu.memory_space<vmem>>
          %dma_wait3A_128 = arith.constant 0 : i32
          %dma_wait3A_129 = tpu.memref_slice %arg9[%mul3A_102, %dma_wait3A_128] : memref<10000x128xf32, #tpu.memory_space<vmem_shared>> -> memref<80x128xf32, #tpu.memory_space<vmem_shared>>
          %dma_wait3A_130 = arith.constant 0 : i32
          %dma_wait3A_131 = arith.constant 0 : i32
          %dma_wait3A_132 = tpu.memref_slice %arg7[%dma_wait3A_130, %dma_wait3A_131] : memref<128x128xf32, #tpu.memory_space<vmem>> -> memref<80x128xf32, #tpu.memory_space<vmem>>
          %dma_wait3A_133 = arith.constant 0 : i32
          %dma_wait3A_134 = tpu.memref_slice %arg9[%mul3A_102, %dma_wait3A_133] : memref<10000x128xf32, #tpu.memory_space<vmem_shared>> -> memref<80x128xf32, #tpu.memory_space<vmem_shared>>
          tpu.wait_dma2 semaphore(%run_scoped3A : memref<!tpu.dma_semaphore, #tpu.memory_space<semaphore_mem>>) src(%dma_wait3A_134 : memref<80x128xf32, #tpu.memory_space<vmem_shared>>) dst(%dma_wait3A_132 : memref<80x128xf32, #tpu.memory_space<vmem>>)
          tpu.yield
        }) : () -> ()
        %mul3A_103 = arith.constant 80 : i32
        %mul3A_104 = arith.muli %add3A_58, %mul3A_103 : i32
        %dma_start3A = arith.constant 0 : i32
        %dma_start3A_105 = arith.constant 0 : i32
        %dma_start3A_106 = tpu.memref_slice %arg7[%dma_start3A, %dma_start3A_105] : memref<128x128xf32, #tpu.memory_space<vmem>> -> memref<80x128xf32, #tpu.memory_space<vmem>>
        %dma_start3A_107 = arith.constant 0 : i32
        %dma_start3A_108 = tpu.memref_slice %arg4[%arg0, %mul3A_104, %dma_start3A_107] : memref<2x10000x128xf32, #tpu.memory_space<hbm>> -> memref<1x80x128xf32, #tpu.memory_space<hbm>>
        %dma_start3A_109 = tpu.memref_squeeze %dma_start3A_108 : memref<1x80x128xf32, #tpu.memory_space<hbm>> -> memref<80x128xf32, #tpu.memory_space<hbm>>
        %dma_start3A_110 = arith.constant 0 : i32
        %dma_start3A_111 = tpu.memref_slice %arg4[%arg0, %mul3A_104, %dma_start3A_110] : memref<2x10000x128xf32, #tpu.memory_space<hbm>> -> memref<1x80x128xf32, #tpu.memory_space<hbm>>
        %dma_start3A_112 = tpu.memref_squeeze %dma_start3A_111 : memref<1x80x128xf32, #tpu.memory_space<hbm>> -> memref<80x128xf32, #tpu.memory_space<hbm>>
        %dma_start3A_113 = arith.constant 0 : i32
        %dma_start3A_114 = arith.constant 0 : i32
        %dma_start3A_115 = tpu.memref_slice %arg7[%dma_start3A_113, %dma_start3A_114] : memref<128x128xf32, #tpu.memory_space<vmem>> -> memref<80x128xf32, #tpu.memory_space<vmem>>
        tpu.enqueue_dma source(%dma_start3A_115 : memref<80x128xf32, #tpu.memory_space<vmem>>) target(%dma_start3A_112 : memref<80x128xf32, #tpu.memory_space<hbm>>) target_semaphore(%arg12 : memref<!tpu.dma_semaphore, #tpu.memory_space<semaphore_mem>>)
      } else {
      }
      %mul3A_76 = arith.constant 2 : i32
      %mul3A_77 = arith.muli %mul3A_76, %scan3A_54 : i32
      %add3A_78 = arith.constant 1 : i32
      %add3A_79 = arith.addi %mul3A_77, %add3A_78 : i32
      %mul3A_80 = arith.constant 16 : i32
      %mul3A_81 = arith.muli %mul3A_80, %add3A_79 : i32
      %add3A_82 = arith.addi %arg1, %mul3A_81 : i32
      %sub3A_83 = arith.constant 2 : i32
      %sub3A_84 = arith.subi %add3A_79, %sub3A_83 : i32
      %mul3A_85 = arith.constant 16 : i32
      %mul3A_86 = arith.muli %mul3A_85, %sub3A_84 : i32
      %add3A_87 = arith.addi %arg1, %mul3A_86 : i32
      %ge3A_88 = arith.constant 2 : i32
      %ge3A_89 = arith.cmpi sge, %add3A_79, %ge3A_88 : i32
      %lt3A_90 = arith.constant 125 : i32
      %lt3A_91 = arith.cmpi slt, %add3A_87, %lt3A_90 : i32
      %and3A_92 = arith.andi %ge3A_89, %lt3A_91 : i1
      %convert_element_type3A_93 = arith.extui %and3A_92 : i1 to i32
      %cond3A_94 = arith.constant 0 : i32
      %cond3A_95 = arith.cmpi ne, %convert_element_type3A_93, %cond3A_94 : i32
      scf.if %cond3A_95 {
        %mul3A_101 = arith.constant 80 : i32
        %mul3A_102 = arith.muli %add3A_87, %mul3A_101 : i32
        %dma_wait3A = arith.constant 0 : i32
        %dma_wait3A_103 = arith.constant 0 : i32
        %dma_wait3A_104 = tpu.memref_slice %arg8[%dma_wait3A, %dma_wait3A_103] : memref<128x128xf32, #tpu.memory_space<vmem>> -> memref<80x128xf32, #tpu.memory_space<vmem>>
        %dma_wait3A_105 = arith.constant 0 : i32
        %dma_wait3A_106 = tpu.memref_slice %arg4[%arg0, %mul3A_102, %dma_wait3A_105] : memref<2x10000x128xf32, #tpu.memory_space<hbm>> -> memref<1x80x128xf32, #tpu.memory_space<hbm>>
        %dma_wait3A_107 = tpu.memref_squeeze %dma_wait3A_106 : memref<1x80x128xf32, #tpu.memory_space<hbm>> -> memref<80x128xf32, #tpu.memory_space<hbm>>
        %dma_wait3A_108 = arith.constant 0 : i32
        %dma_wait3A_109 = tpu.memref_slice %arg4[%arg0, %mul3A_102, %dma_wait3A_108] : memref<2x10000x128xf32, #tpu.memory_space<hbm>> -> memref<1x80x128xf32, #tpu.memory_space<hbm>>
        %dma_wait3A_110 = tpu.memref_squeeze %dma_wait3A_109 : memref<1x80x128xf32, #tpu.memory_space<hbm>> -> memref<80x128xf32, #tpu.memory_space<hbm>>
        %dma_wait3A_111 = arith.constant 0 : i32
        %dma_wait3A_112 = arith.constant 0 : i32
        %dma_wait3A_113 = tpu.memref_slice %arg8[%dma_wait3A_111, %dma_wait3A_112] : memref<128x128xf32, #tpu.memory_space<vmem>> -> memref<80x128xf32, #tpu.memory_space<vmem>>
        tpu.wait_dma2 semaphore(%arg13 : memref<!tpu.dma_semaphore, #tpu.memory_space<semaphore_mem>>) src(%dma_wait3A_113 : memref<80x128xf32, #tpu.memory_space<vmem>>) dst(%dma_wait3A_110 : memref<80x128xf32, #tpu.memory_space<hbm>>)
      } else {
      }
      %lt3A_96 = arith.constant 125 : i32
      %lt3A_97 = arith.cmpi slt, %add3A_82, %lt3A_96 : i32
      %convert_element_type3A_98 = arith.extui %lt3A_97 : i1 to i32
      %cond3A_99 = arith.constant 0 : i32
      %cond3A_100 = arith.cmpi ne, %convert_element_type3A_98, %cond3A_99 : i32
      scf.if %cond3A_100 {
        %mul3A_101 = arith.constant 80 : i32
        %mul3A_102 = arith.muli %add3A_82, %mul3A_101 : i32
        "tpu.region"() ({
          %run_scoped3A = tpu.sem_alloc : memref<!tpu.dma_semaphore, #tpu.memory_space<semaphore_mem>>
          %dma_start3A_116 = arith.constant 0 : i32
          %dma_start3A_117 = arith.constant 0 : i32
          %dma_start3A_118 = tpu.memref_slice %arg8[%dma_start3A_116, %dma_start3A_117] : memref<128x128xf32, #tpu.memory_space<vmem>> -> memref<80x128xf32, #tpu.memory_space<vmem>>
          %dma_start3A_119 = arith.constant 0 : i32
          %dma_start3A_120 = tpu.memref_slice %arg9[%mul3A_102, %dma_start3A_119] : memref<10000x128xf32, #tpu.memory_space<vmem_shared>> -> memref<80x128xf32, #tpu.memory_space<vmem_shared>>
          %dma_start3A_121 = arith.constant 0 : i32
          %dma_start3A_122 = arith.constant 0 : i32
          %dma_start3A_123 = tpu.memref_slice %arg8[%dma_start3A_121, %dma_start3A_122] : memref<128x128xf32, #tpu.memory_space<vmem>> -> memref<80x128xf32, #tpu.memory_space<vmem>>
          %dma_start3A_124 = arith.constant 0 : i32
          %dma_start3A_125 = tpu.memref_slice %arg9[%mul3A_102, %dma_start3A_124] : memref<10000x128xf32, #tpu.memory_space<vmem_shared>> -> memref<80x128xf32, #tpu.memory_space<vmem_shared>>
          tpu.enqueue_dma source(%dma_start3A_125 : memref<80x128xf32, #tpu.memory_space<vmem_shared>>) target(%dma_start3A_123 : memref<80x128xf32, #tpu.memory_space<vmem>>) target_semaphore(%run_scoped3A : memref<!tpu.dma_semaphore, #tpu.memory_space<semaphore_mem>>)
          %dma_wait3A = arith.constant 0 : i32
          %dma_wait3A_126 = arith.constant 0 : i32
          %dma_wait3A_127 = tpu.memref_slice %arg8[%dma_wait3A, %dma_wait3A_126] : memref<128x128xf32, #tpu.memory_space<vmem>> -> memref<80x128xf32, #tpu.memory_space<vmem>>
          %dma_wait3A_128 = arith.constant 0 : i32
          %dma_wait3A_129 = tpu.memref_slice %arg9[%mul3A_102, %dma_wait3A_128] : memref<10000x128xf32, #tpu.memory_space<vmem_shared>> -> memref<80x128xf32, #tpu.memory_space<vmem_shared>>
          %dma_wait3A_130 = arith.constant 0 : i32
          %dma_wait3A_131 = arith.constant 0 : i32
          %dma_wait3A_132 = tpu.memref_slice %arg8[%dma_wait3A_130, %dma_wait3A_131] : memref<128x128xf32, #tpu.memory_space<vmem>> -> memref<80x128xf32, #tpu.memory_space<vmem>>
          %dma_wait3A_133 = arith.constant 0 : i32
          %dma_wait3A_134 = tpu.memref_slice %arg9[%mul3A_102, %dma_wait3A_133] : memref<10000x128xf32, #tpu.memory_space<vmem_shared>> -> memref<80x128xf32, #tpu.memory_space<vmem_shared>>
          tpu.wait_dma2 semaphore(%run_scoped3A : memref<!tpu.dma_semaphore, #tpu.memory_space<semaphore_mem>>) src(%dma_wait3A_134 : memref<80x128xf32, #tpu.memory_space<vmem_shared>>) dst(%dma_wait3A_132 : memref<80x128xf32, #tpu.memory_space<vmem>>)
          tpu.yield
        }) : () -> ()
        %mul3A_103 = arith.constant 80 : i32
        %mul3A_104 = arith.muli %add3A_82, %mul3A_103 : i32
        %dma_start3A = arith.constant 0 : i32
        %dma_start3A_105 = arith.constant 0 : i32
        %dma_start3A_106 = tpu.memref_slice %arg8[%dma_start3A, %dma_start3A_105] : memref<128x128xf32, #tpu.memory_space<vmem>> -> memref<80x128xf32, #tpu.memory_space<vmem>>
        %dma_start3A_107 = arith.constant 0 : i32
        %dma_start3A_108 = tpu.memref_slice %arg4[%arg0, %mul3A_104, %dma_start3A_107] : memref<2x10000x128xf32, #tpu.memory_space<hbm>> -> memref<1x80x128xf32, #tpu.memory_space<hbm>>
        %dma_start3A_109 = tpu.memref_squeeze %dma_start3A_108 : memref<1x80x128xf32, #tpu.memory_space<hbm>> -> memref<80x128xf32, #tpu.memory_space<hbm>>
        %dma_start3A_110 = arith.constant 0 : i32
        %dma_start3A_111 = tpu.memref_slice %arg4[%arg0, %mul3A_104, %dma_start3A_110] : memref<2x10000x128xf32, #tpu.memory_space<hbm>> -> memref<1x80x128xf32, #tpu.memory_space<hbm>>
        %dma_start3A_112 = tpu.memref_squeeze %dma_start3A_111 : memref<1x80x128xf32, #tpu.memory_space<hbm>> -> memref<80x128xf32, #tpu.memory_space<hbm>>
        %dma_start3A_113 = arith.constant 0 : i32
        %dma_start3A_114 = arith.constant 0 : i32
        %dma_start3A_115 = tpu.memref_slice %arg8[%dma_start3A_113, %dma_start3A_114] : memref<128x128xf32, #tpu.memory_space<vmem>> -> memref<80x128xf32, #tpu.memory_space<vmem>>
        tpu.enqueue_dma source(%dma_start3A_115 : memref<80x128xf32, #tpu.memory_space<vmem>>) target(%dma_start3A_112 : memref<80x128xf32, #tpu.memory_space<hbm>>) target_semaphore(%arg13 : memref<!tpu.dma_semaphore, #tpu.memory_space<semaphore_mem>>)
      } else {
      }
    }
    %scan3A_53 = arith.constant 6 : i32
    return
  }
}

#map = affine_map<(d0, d1) -> (0, 0, 0)>
#map1 = affine_map<(d0, d1) -> (0, 0)>
module attributes {stable_mosaic.version = 14 : i64} {
  func.func @k(%arg0: i32, %arg1: i32, %arg2: memref<2x80000x128xf32, #tpu.memory_space<hbm>>, %arg3: memref<625x128xi32, #tpu.memory_space<hbm>>, %arg4: memref<10000x256xf32, #tpu.memory_space<hbm>>, %arg5: memref<128xi32, #tpu.memory_space<vmem>>, %arg6: memref<128xi32, #tpu.memory_space<vmem>>, %arg7: memref<128x128xf32, #tpu.memory_space<vmem>>, %arg8: memref<128x128xf32, #tpu.memory_space<vmem>>, %arg9: memref<10000x128xf32, #tpu.memory_space<vmem_shared>>, %arg10: memref<!tpu.dma_semaphore, #tpu.memory_space<semaphore_mem>>, %arg11: memref<!tpu.dma_semaphore, #tpu.memory_space<semaphore_mem>>, %arg12: memref<!tpu.dma_semaphore, #tpu.memory_space<semaphore_mem>>, %arg13: memref<!tpu.dma_semaphore, #tpu.memory_space<semaphore_mem>>) attributes {dimension_semantics = [#tpu.dimension_semantics<core_parallel>, #tpu.dimension_semantics<subcore_parallel>], iteration_bounds = array<i64: 2, 16>, scalar_prefetch = 0 : i64, scratch_operands = 9 : i64, tpu.core_type = #tpu.core_type<sc_vector_subcore>, window_params = [{transform_indices = #map}, {transform_indices = #map1}, {transform_indices = #map1}]} {
    %scan3A = arith.constant 0 : i32
    %scan3A_0 = arith.constant 0 : i32
    %scan3A_1 = arith.constant 80 : i32
    %scan3A_2 = arith.addi %scan3A_0, %scan3A_1 : i32
    %scan3A_3 = arith.constant 1 : i32
    scf.for %scan3A_33 = %scan3A_0 to %scan3A_2 step %scan3A_3  : i32 {
      %broadcast_in_dim3A = arith.constant 0.000000e+00 : f32
      %broadcast_in_dim3A_34 = vector.broadcast %broadcast_in_dim3A : f32 to vector<16xf32>
      %swap3A = arith.index_cast %scan3A_33 : i32 to index
      %swap3A_35 = arith.constant 0 : index
      %swap3A_36 = tpu.vector_load %arg7[%swap3A, %swap3A_35] {strides = array<i32>} : memref<128x128xf32, #tpu.memory_space<vmem>>, vector<1x16xf32>,
      %swap3A_37 = vector.shape_cast %swap3A_36 : vector<1x16xf32> to vector<16xf32>
      %swap3A_38 = vector.shape_cast %broadcast_in_dim3A_34 : vector<16xf32> to vector<1x16xf32>
      tpu.vector_store %arg7[%swap3A, %swap3A_35], %swap3A_38 {strides = array<i32>} : memref<128x128xf32, #tpu.memory_space<vmem>>, vector<1x16xf32>,
      %broadcast_in_dim3A_39 = arith.constant 0.000000e+00 : f32
      %broadcast_in_dim3A_40 = vector.broadcast %broadcast_in_dim3A_39 : f32 to vector<16xf32>
      %swap3A_41 = arith.index_cast %scan3A_33 : i32 to index
      %swap3A_42 = arith.constant 16 : index
      %swap3A_43 = tpu.vector_load %arg7[%swap3A_41, %swap3A_42] {strides = array<i32>} : memref<128x128xf32, #tpu.memory_space<vmem>>, vector<1x16xf32>,
      %swap3A_44 = vector.shape_cast %swap3A_43 : vector<1x16xf32> to vector<16xf32>
      %swap3A_45 = vector.shape_cast %broadcast_in_dim3A_40 : vector<16xf32> to vector<1x16xf32>
      tpu.vector_store %arg7[%swap3A_41, %swap3A_42], %swap3A_45 {strides = array<i32>} : memref<128x128xf32, #tpu.memory_space<vmem>>, vector<1x16xf32>,
      %broadcast_in_dim3A_46 = arith.constant 0.000000e+00 : f32
      %broadcast_in_dim3A_47 = vector.broadcast %broadcast_in_dim3A_46 : f32 to vector<16xf32>
      %swap3A_48 = arith.index_cast %scan3A_33 : i32 to index
      %swap3A_49 = arith.constant 32 : index
      %swap3A_50 = tpu.vector_load %arg7[%swap3A_48, %swap3A_49] {strides = array<i32>} : memref<128x128xf32, #tpu.memory_space<vmem>>, vector<1x16xf32>,
      %swap3A_51 = vector.shape_cast %swap3A_50 : vector<1x16xf32> to vector<16xf32>
      %swap3A_52 = vector.shape_cast %broadcast_in_dim3A_47 : vector<16xf32> to vector<1x16xf32>
      tpu.vector_store %arg7[%swap3A_48, %swap3A_49], %swap3A_52 {strides = array<i32>} : memref<128x128xf32, #tpu.memory_space<vmem>>, vector<1x16xf32>,
      %broadcast_in_dim3A_53 = arith.constant 0.000000e+00 : f32
      %broadcast_in_dim3A_54 = vector.broadcast %broadcast_in_dim3A_53 : f32 to vector<16xf32>
      %swap3A_55 = arith.index_cast %scan3A_33 : i32 to index
      %swap3A_56 = arith.constant 48 : index
      %swap3A_57 = tpu.vector_load %arg7[%swap3A_55, %swap3A_56] {strides = array<i32>} : memref<128x128xf32, #tpu.memory_space<vmem>>, vector<1x16xf32>,
      %swap3A_58 = vector.shape_cast %swap3A_57 : vector<1x16xf32> to vector<16xf32>
      %swap3A_59 = vector.shape_cast %broadcast_in_dim3A_54 : vector<16xf32> to vector<1x16xf32>
      tpu.vector_store %arg7[%swap3A_55, %swap3A_56], %swap3A_59 {strides = array<i32>} : memref<128x128xf32, #tpu.memory_space<vmem>>, vector<1x16xf32>,
      %broadcast_in_dim3A_60 = arith.constant 0.000000e+00 : f32
      %broadcast_in_dim3A_61 = vector.broadcast %broadcast_in_dim3A_60 : f32 to vector<16xf32>
      %swap3A_62 = arith.index_cast %scan3A_33 : i32 to index
      %swap3A_63 = arith.constant 64 : index
      %swap3A_64 = tpu.vector_load %arg7[%swap3A_62, %swap3A_63] {strides = array<i32>} : memref<128x128xf32, #tpu.memory_space<vmem>>, vector<1x16xf32>,
      %swap3A_65 = vector.shape_cast %swap3A_64 : vector<1x16xf32> to vector<16xf32>
      %swap3A_66 = vector.shape_cast %broadcast_in_dim3A_61 : vector<16xf32> to vector<1x16xf32>
      tpu.vector_store %arg7[%swap3A_62, %swap3A_63], %swap3A_66 {strides = array<i32>} : memref<128x128xf32, #tpu.memory_space<vmem>>, vector<1x16xf32>,
      %broadcast_in_dim3A_67 = arith.constant 0.000000e+00 : f32
      %broadcast_in_dim3A_68 = vector.broadcast %broadcast_in_dim3A_67 : f32 to vector<16xf32>
      %swap3A_69 = arith.index_cast %scan3A_33 : i32 to index
      %swap3A_70 = arith.constant 80 : index
      %swap3A_71 = tpu.vector_load %arg7[%swap3A_69, %swap3A_70] {strides = array<i32>} : memref<128x128xf32, #tpu.memory_space<vmem>>, vector<1x16xf32>,
      %swap3A_72 = vector.shape_cast %swap3A_71 : vector<1x16xf32> to vector<16xf32>
      %swap3A_73 = vector.shape_cast %broadcast_in_dim3A_68 : vector<16xf32> to vector<1x16xf32>
      tpu.vector_store %arg7[%swap3A_69, %swap3A_70], %swap3A_73 {strides = array<i32>} : memref<128x128xf32, #tpu.memory_space<vmem>>, vector<1x16xf32>,
      %broadcast_in_dim3A_74 = arith.constant 0.000000e+00 : f32
      %broadcast_in_dim3A_75 = vector.broadcast %broadcast_in_dim3A_74 : f32 to vector<16xf32>
      %swap3A_76 = arith.index_cast %scan3A_33 : i32 to index
      %swap3A_77 = arith.constant 96 : index
      %swap3A_78 = tpu.vector_load %arg7[%swap3A_76, %swap3A_77] {strides = array<i32>} : memref<128x128xf32, #tpu.memory_space<vmem>>, vector<1x16xf32>,
      %swap3A_79 = vector.shape_cast %swap3A_78 : vector<1x16xf32> to vector<16xf32>
      %swap3A_80 = vector.shape_cast %broadcast_in_dim3A_75 : vector<16xf32> to vector<1x16xf32>
      tpu.vector_store %arg7[%swap3A_76, %swap3A_77], %swap3A_80 {strides = array<i32>} : memref<128x128xf32, #tpu.memory_space<vmem>>, vector<1x16xf32>,
      %broadcast_in_dim3A_81 = arith.constant 0.000000e+00 : f32
      %broadcast_in_dim3A_82 = vector.broadcast %broadcast_in_dim3A_81 : f32 to vector<16xf32>
      %swap3A_83 = arith.index_cast %scan3A_33 : i32 to index
      %swap3A_84 = arith.constant 112 : index
      %swap3A_85 = tpu.vector_load %arg7[%swap3A_83, %swap3A_84] {strides = array<i32>} : memref<128x128xf32, #tpu.memory_space<vmem>>, vector<1x16xf32>,
      %swap3A_86 = vector.shape_cast %swap3A_85 : vector<1x16xf32> to vector<16xf32>
      %swap3A_87 = vector.shape_cast %broadcast_in_dim3A_82 : vector<16xf32> to vector<1x16xf32>
      tpu.vector_store %arg7[%swap3A_83, %swap3A_84], %swap3A_87 {strides = array<i32>} : memref<128x128xf32, #tpu.memory_space<vmem>>, vector<1x16xf32>,
    }
    %scan3A_4 = arith.constant 80 : i32
    %scan3A_5 = arith.constant 0 : i32
    %scan3A_6 = arith.constant 0 : i32
    %scan3A_7 = arith.constant 8 : i32
    %scan3A_8 = arith.addi %scan3A_6, %scan3A_7 : i32
    %scan3A_9 = arith.constant 1 : i32
    scf.for %scan3A_33 = %scan3A_6 to %scan3A_8 step %scan3A_9  : i32 {
      %mul3A = arith.constant 16 : i32
      %mul3A_34 = arith.muli %mul3A, %scan3A_33 : i32
      %add3A_35 = arith.addi %arg1, %mul3A_34 : i32
      %lt3A_36 = arith.constant 125 : i32
      %lt3A_37 = arith.cmpi slt, %add3A_35, %lt3A_36 : i32
      %convert_element_type3A_38 = arith.extui %lt3A_37 : i1 to i32
      %cond3A_39 = arith.constant 0 : i32
      %cond3A_40 = arith.cmpi ne, %convert_element_type3A_38, %cond3A_39 : i32
      scf.if %cond3A_40 {
        %mul3A_41 = arith.constant 80 : i32
        %mul3A_42 = arith.muli %add3A_35, %mul3A_41 : i32
        %dma_start3A = arith.constant 0 : i32
        %dma_start3A_43 = arith.constant 0 : i32
        %dma_start3A_44 = tpu.memref_slice %arg7[%dma_start3A, %dma_start3A_43] : memref<128x128xf32, #tpu.memory_space<vmem>> -> memref<80x128xf32, #tpu.memory_space<vmem>>
        %dma_start3A_45 = arith.constant 0 : i32
        %dma_start3A_46 = tpu.memref_slice %arg9[%mul3A_42, %dma_start3A_45] : memref<10000x128xf32, #tpu.memory_space<vmem_shared>> -> memref<80x128xf32, #tpu.memory_space<vmem_shared>>
        %dma_start3A_47 = arith.constant 0 : i32
        %dma_start3A_48 = tpu.memref_slice %arg9[%mul3A_42, %dma_start3A_47] : memref<10000x128xf32, #tpu.memory_space<vmem_shared>> -> memref<80x128xf32, #tpu.memory_space<vmem_shared>>
        %dma_start3A_49 = arith.constant 0 : i32
        %dma_start3A_50 = arith.constant 0 : i32
        %dma_start3A_51 = tpu.memref_slice %arg7[%dma_start3A_49, %dma_start3A_50] : memref<128x128xf32, #tpu.memory_space<vmem>> -> memref<80x128xf32, #tpu.memory_space<vmem>>
        tpu.enqueue_dma source(%dma_start3A_51 : memref<80x128xf32, #tpu.memory_space<vmem>>) target(%dma_start3A_48 : memref<80x128xf32, #tpu.memory_space<vmem_shared>>) target_semaphore(%arg10 : memref<!tpu.dma_semaphore, #tpu.memory_space<semaphore_mem>>)
      } else {
      }
    }
    %scan3A_10 = arith.constant 8 : i32
    %scan3A_11 = arith.constant 0 : i32
    %scan3A_12 = arith.constant 0 : i32
    %scan3A_13 = arith.constant 8 : i32
    %scan3A_14 = arith.addi %scan3A_12, %scan3A_13 : i32
    %scan3A_15 = arith.constant 1 : i32
    scf.for %scan3A_33 = %scan3A_12 to %scan3A_14 step %scan3A_15  : i32 {
      %mul3A = arith.constant 16 : i32
      %mul3A_34 = arith.muli %mul3A, %scan3A_33 : i32
      %add3A_35 = arith.addi %arg1, %mul3A_34 : i32
      %lt3A_36 = arith.constant 125 : i32
      %lt3A_37 = arith.cmpi slt, %add3A_35, %lt3A_36 : i32
      %convert_element_type3A_38 = arith.extui %lt3A_37 : i1 to i32
      %cond3A_39 = arith.constant 0 : i32
      %cond3A_40 = arith.cmpi ne, %convert_element_type3A_38, %cond3A_39 : i32
      scf.if %cond3A_40 {
        %mul3A_41 = arith.constant 80 : i32
        %mul3A_42 = arith.muli %add3A_35, %mul3A_41 : i32
        %dma_wait3A = arith.constant 0 : i32
        %dma_wait3A_43 = arith.constant 0 : i32
        %dma_wait3A_44 = tpu.memref_slice %arg7[%dma_wait3A, %dma_wait3A_43] : memref<128x128xf32, #tpu.memory_space<vmem>> -> memref<80x128xf32, #tpu.memory_space<vmem>>
        %dma_wait3A_45 = arith.constant 0 : i32
        %dma_wait3A_46 = tpu.memref_slice %arg9[%mul3A_42, %dma_wait3A_45] : memref<10000x128xf32, #tpu.memory_space<vmem_shared>> -> memref<80x128xf32, #tpu.memory_space<vmem_shared>>
        %dma_wait3A_47 = arith.constant 0 : i32
        %dma_wait3A_48 = tpu.memref_slice %arg9[%mul3A_42, %dma_wait3A_47] : memref<10000x128xf32, #tpu.memory_space<vmem_shared>> -> memref<80x128xf32, #tpu.memory_space<vmem_shared>>
        %dma_wait3A_49 = arith.constant 0 : i32
        %dma_wait3A_50 = arith.constant 0 : i32
        %dma_wait3A_51 = tpu.memref_slice %arg7[%dma_wait3A_49, %dma_wait3A_50] : memref<128x128xf32, #tpu.memory_space<vmem>> -> memref<80x128xf32, #tpu.memory_space<vmem>>
        tpu.wait_dma2 semaphore(%arg10 : memref<!tpu.dma_semaphore, #tpu.memory_space<semaphore_mem>>) src(%dma_wait3A_51 : memref<80x128xf32, #tpu.memory_space<vmem>>) dst(%dma_wait3A_48 : memref<80x128xf32, #tpu.memory_space<vmem_shared>>)
      } else {
      }
    }
    %scan3A_16 = arith.constant 8 : i32
    %barrier3A = arith.constant 0 : index
    tpu.barrier barrier_id(%barrier3A)
    %add3A = arith.constant 0 : i32
    %add3A_17 = arith.addi %arg1, %add3A : i32
    %lt3A = arith.constant 625 : i32
    %lt3A_18 = arith.cmpi slt, %add3A_17, %lt3A : i32
    %convert_element_type3A = arith.extui %lt3A_18 : i1 to i32
    %cond3A = arith.constant 0 : i32
    %cond3A_19 = arith.cmpi ne, %convert_element_type3A, %cond3A : i32
    scf.if %cond3A_19 {
      %add3A_33 = arith.constant 0 : i32
      %add3A_34 = arith.addi %arg1, %add3A_33 : i32
      %dma_start3A = arith.constant 0 : i32
      %dma_start3A_35 = tpu.memref_slice %arg3[%add3A_34, %dma_start3A] : memref<625x128xi32, #tpu.memory_space<hbm>> -> memref<1x128xi32, #tpu.memory_space<hbm>>
      %dma_start3A_36 = tpu.memref_squeeze %dma_start3A_35 : memref<1x128xi32, #tpu.memory_space<hbm>> -> memref<128xi32, #tpu.memory_space<hbm>>
      %dma_start3A_37 = arith.constant 0 : i32
      %dma_start3A_38 = tpu.memref_slice %arg3[%add3A_34, %dma_start3A_37] : memref<625x128xi32, #tpu.memory_space<hbm>> -> memref<1x128xi32, #tpu.memory_space<hbm>>
      %dma_start3A_39 = tpu.memref_squeeze %dma_start3A_38 : memref<1x128xi32, #tpu.memory_space<hbm>> -> memref<128xi32, #tpu.memory_space<hbm>>
      tpu.enqueue_dma source(%dma_start3A_39 : memref<128xi32, #tpu.memory_space<hbm>>) target(%arg5 : memref<128xi32, #tpu.memory_space<vmem>>) target_semaphore(%arg10 : memref<!tpu.dma_semaphore, #tpu.memory_space<semaphore_mem>>)
      %add3A_40 = arith.constant 0 : i32
      %add3A_41 = arith.addi %arg1, %add3A_40 : i32
      %mul3A = arith.constant 128 : i32
      %mul3A_42 = arith.muli %add3A_41, %mul3A : i32
      %dma_start3A_43 = arith.constant 0 : i32
      %dma_start3A_44 = tpu.memref_slice %arg2[%arg0, %mul3A_42, %dma_start3A_43] : memref<2x80000x128xf32, #tpu.memory_space<hbm>> -> memref<1x128x128xf32, #tpu.memory_space<hbm>>
      %dma_start3A_45 = tpu.memref_squeeze %dma_start3A_44 : memref<1x128x128xf32, #tpu.memory_space<hbm>> -> memref<128x128xf32, #tpu.memory_space<hbm>>
      %dma_start3A_46 = arith.constant 0 : i32
      %dma_start3A_47 = tpu.memref_slice %arg2[%arg0, %mul3A_42, %dma_start3A_46] : memref<2x80000x128xf32, #tpu.memory_space<hbm>> -> memref<1x128x128xf32, #tpu.memory_space<hbm>>
      %dma_start3A_48 = tpu.memref_squeeze %dma_start3A_47 : memref<1x128x128xf32, #tpu.memory_space<hbm>> -> memref<128x128xf32, #tpu.memory_space<hbm>>
      tpu.enqueue_dma source(%dma_start3A_48 : memref<128x128xf32, #tpu.memory_space<hbm>>) target(%arg7 : memref<128x128xf32, #tpu.memory_space<vmem>>) target_semaphore(%arg12 : memref<!tpu.dma_semaphore, #tpu.memory_space<semaphore_mem>>)
    } else {
    }
    %scan3A_20 = arith.constant 0 : i32
    %scan3A_21 = arith.constant 0 : i32
    %scan3A_22 = arith.constant 21 : i32
    %scan3A_23 = arith.addi %scan3A_21, %scan3A_22 : i32
    %scan3A_24 = arith.constant 1 : i32
    scf.for %scan3A_33 = %scan3A_21 to %scan3A_23 step %scan3A_24  : i32 {
      %mul3A = arith.constant 2 : i32
      %mul3A_34 = arith.muli %mul3A, %scan3A_33 : i32
      %add3A_35 = arith.constant 1 : i32
      %add3A_36 = arith.addi %mul3A_34, %add3A_35 : i32
      %mul3A_37 = arith.constant 16 : i32
      %mul3A_38 = arith.muli %mul3A_37, %add3A_36 : i32
      %add3A_39 = arith.addi %arg1, %mul3A_38 : i32
      %lt3A_40 = arith.constant 625 : i32
      %lt3A_41 = arith.cmpi slt, %add3A_39, %lt3A_40 : i32
      %convert_element_type3A_42 = arith.extui %lt3A_41 : i1 to i32
      %cond3A_43 = arith.constant 0 : i32
      %cond3A_44 = arith.cmpi ne, %convert_element_type3A_42, %cond3A_43 : i32
      scf.if %cond3A_44 {
        %add3A_75 = arith.constant 1 : i32
        %add3A_76 = arith.addi %mul3A_34, %add3A_75 : i32
        %mul3A_77 = arith.constant 16 : i32
        %mul3A_78 = arith.muli %mul3A_77, %add3A_76 : i32
        %add3A_79 = arith.addi %arg1, %mul3A_78 : i32
        %dma_start3A = arith.constant 0 : i32
        %dma_start3A_80 = tpu.memref_slice %arg3[%add3A_79, %dma_start3A] : memref<625x128xi32, #tpu.memory_space<hbm>> -> memref<1x128xi32, #tpu.memory_space<hbm>>
        %dma_start3A_81 = tpu.memref_squeeze %dma_start3A_80 : memref<1x128xi32, #tpu.memory_space<hbm>> -> memref<128xi32, #tpu.memory_space<hbm>>
        %dma_start3A_82 = arith.constant 0 : i32
        %dma_start3A_83 = tpu.memref_slice %arg3[%add3A_79, %dma_start3A_82] : memref<625x128xi32, #tpu.memory_space<hbm>> -> memref<1x128xi32, #tpu.memory_space<hbm>>
        %dma_start3A_84 = tpu.memref_squeeze %dma_start3A_83 : memref<1x128xi32, #tpu.memory_space<hbm>> -> memref<128xi32, #tpu.memory_space<hbm>>
        tpu.enqueue_dma source(%dma_start3A_84 : memref<128xi32, #tpu.memory_space<hbm>>) target(%arg6 : memref<128xi32, #tpu.memory_space<vmem>>) target_semaphore(%arg11 : memref<!tpu.dma_semaphore, #tpu.memory_space<semaphore_mem>>)
        %add3A_85 = arith.constant 1 : i32
        %add3A_86 = arith.addi %mul3A_34, %add3A_85 : i32
        %mul3A_87 = arith.constant 16 : i32
        %mul3A_88 = arith.muli %mul3A_87, %add3A_86 : i32
        %add3A_89 = arith.addi %arg1, %mul3A_88 : i32
        %mul3A_90 = arith.constant 128 : i32
        %mul3A_91 = arith.muli %add3A_89, %mul3A_90 : i32
        %dma_start3A_92 = arith.constant 0 : i32
        %dma_start3A_93 = tpu.memref_slice %arg2[%arg0, %mul3A_91, %dma_start3A_92] : memref<2x80000x128xf32, #tpu.memory_space<hbm>> -> memref<1x128x128xf32, #tpu.memory_space<hbm>>
        %dma_start3A_94 = tpu.memref_squeeze %dma_start3A_93 : memref<1x128x128xf32, #tpu.memory_space<hbm>> -> memref<128x128xf32, #tpu.memory_space<hbm>>
        %dma_start3A_95 = arith.constant 0 : i32
        %dma_start3A_96 = tpu.memref_slice %arg2[%arg0, %mul3A_91, %dma_start3A_95] : memref<2x80000x128xf32, #tpu.memory_space<hbm>> -> memref<1x128x128xf32, #tpu.memory_space<hbm>>
        %dma_start3A_97 = tpu.memref_squeeze %dma_start3A_96 : memref<1x128x128xf32, #tpu.memory_space<hbm>> -> memref<128x128xf32, #tpu.memory_space<hbm>>
        tpu.enqueue_dma source(%dma_start3A_97 : memref<128x128xf32, #tpu.memory_space<hbm>>) target(%arg8 : memref<128x128xf32, #tpu.memory_space<vmem>>) target_semaphore(%arg13 : memref<!tpu.dma_semaphore, #tpu.memory_space<semaphore_mem>>)
      } else {
      }
      %mul3A_45 = arith.constant 16 : i32
      %mul3A_46 = arith.muli %mul3A_45, %mul3A_34 : i32
      %add3A_47 = arith.addi %arg1, %mul3A_46 : i32
      %lt3A_48 = arith.constant 625 : i32
      %lt3A_49 = arith.cmpi slt, %add3A_47, %lt3A_48 : i32
      %convert_element_type3A_50 = arith.extui %lt3A_49 : i1 to i32
      %cond3A_51 = arith.constant 0 : i32
      %cond3A_52 = arith.cmpi ne, %convert_element_type3A_50, %cond3A_51 : i32
      scf.if %cond3A_52 {
        %mul3A_75 = arith.constant 16 : i32
        %mul3A_76 = arith.muli %mul3A_75, %mul3A_34 : i32
        %add3A_77 = arith.addi %arg1, %mul3A_76 : i32
        %dma_wait3A = arith.constant 0 : i32
        %dma_wait3A_78 = tpu.memref_slice %arg3[%add3A_77, %dma_wait3A] : memref<625x128xi32, #tpu.memory_space<hbm>> -> memref<1x128xi32, #tpu.memory_space<hbm>>
        %dma_wait3A_79 = tpu.memref_squeeze %dma_wait3A_78 : memref<1x128xi32, #tpu.memory_space<hbm>> -> memref<128xi32, #tpu.memory_space<hbm>>
        %dma_wait3A_80 = arith.constant 0 : i32
        %dma_wait3A_81 = tpu.memref_slice %arg3[%add3A_77, %dma_wait3A_80] : memref<625x128xi32, #tpu.memory_space<hbm>> -> memref<1x128xi32, #tpu.memory_space<hbm>>
        %dma_wait3A_82 = tpu.memref_squeeze %dma_wait3A_81 : memref<1x128xi32, #tpu.memory_space<hbm>> -> memref<128xi32, #tpu.memory_space<hbm>>
        tpu.wait_dma2 semaphore(%arg10 : memref<!tpu.dma_semaphore, #tpu.memory_space<semaphore_mem>>) src(%dma_wait3A_82 : memref<128xi32, #tpu.memory_space<hbm>>) dst(%arg5 : memref<128xi32, #tpu.memory_space<vmem>>)
        %mul3A_83 = arith.constant 16 : i32
        %mul3A_84 = arith.muli %mul3A_83, %mul3A_34 : i32
        %add3A_85 = arith.addi %arg1, %mul3A_84 : i32
        %mul3A_86 = arith.constant 128 : i32
        %mul3A_87 = arith.muli %add3A_85, %mul3A_86 : i32
        %dma_wait3A_88 = arith.constant 0 : i32
        %dma_wait3A_89 = tpu.memref_slice %arg2[%arg0, %mul3A_87, %dma_wait3A_88] : memref<2x80000x128xf32, #tpu.memory_space<hbm>> -> memref<1x128x128xf32, #tpu.memory_space<hbm>>
        %dma_wait3A_90 = tpu.memref_squeeze %dma_wait3A_89 : memref<1x128x128xf32, #tpu.memory_space<hbm>> -> memref<128x128xf32, #tpu.memory_space<hbm>>
        %dma_wait3A_91 = arith.constant 0 : i32
        %dma_wait3A_92 = tpu.memref_slice %arg2[%arg0, %mul3A_87, %dma_wait3A_91] : memref<2x80000x128xf32, #tpu.memory_space<hbm>> -> memref<1x128x128xf32, #tpu.memory_space<hbm>>
        %dma_wait3A_93 = tpu.memref_squeeze %dma_wait3A_92 : memref<1x128x128xf32, #tpu.memory_space<hbm>> -> memref<128x128xf32, #tpu.memory_space<hbm>>
        tpu.wait_dma2 semaphore(%arg12 : memref<!tpu.dma_semaphore, #tpu.memory_space<semaphore_mem>>) src(%dma_wait3A_93 : memref<128x128xf32, #tpu.memory_space<hbm>>) dst(%arg7 : memref<128x128xf32, #tpu.memory_space<vmem>>)
        "tpu.region"() ({
          %run_scoped3A = tpu.sem_alloc : memref<!tpu.dma_semaphore, #tpu.memory_space<semaphore_mem>>
          %dma_start3A = arith.constant 0 : i32
          %dma_start3A_94 = arith.constant 0 : i32
          %dma_start3A_95 = tpu.memref_slice %arg9[%dma_start3A, %dma_start3A_94] : memref<10000x128xf32, #tpu.memory_space<vmem_shared>> -> memref<10000x128xf32, #tpu.memory_space<vmem_shared>>
          tpu.enqueue_indirect_dma source(%arg7 : memref<128x128xf32, #tpu.memory_space<vmem>>) target(%dma_start3A_95 : memref<10000x128xf32, #tpu.memory_space<vmem_shared>>) offsets(%arg5 : memref<128xi32, #tpu.memory_space<vmem>>) semaphore(%run_scoped3A : memref<!tpu.dma_semaphore, #tpu.memory_space<semaphore_mem>>) {add = true}
          %dma_wait3A_96 = arith.constant 0 : i32
          %dma_wait3A_97 = arith.constant 0 : i32
          %dma_wait3A_98 = tpu.memref_slice %arg9[%dma_wait3A_96, %dma_wait3A_97] : memref<10000x128xf32, #tpu.memory_space<vmem_shared>> -> memref<10000x128xf32, #tpu.memory_space<vmem_shared>>
          tpu.wait_indirect_dma semaphore(%run_scoped3A : memref<!tpu.dma_semaphore, #tpu.memory_space<semaphore_mem>>) src(%arg7 : memref<128x128xf32, #tpu.memory_space<vmem>>) dst(%dma_wait3A_98 : memref<10000x128xf32, #tpu.memory_space<vmem_shared>>)
          tpu.yield
        }) : () -> ()
      } else {
      }
      %mul3A_53 = arith.constant 2 : i32
      %mul3A_54 = arith.muli %mul3A_53, %scan3A_33 : i32
      %add3A_55 = arith.constant 1 : i32
      %add3A_56 = arith.addi %mul3A_54, %add3A_55 : i32
      %add3A_57 = arith.constant 1 : i32
      %add3A_58 = arith.addi %add3A_56, %add3A_57 : i32
      %mul3A_59 = arith.constant 16 : i32
      %mul3A_60 = arith.muli %mul3A_59, %add3A_58 : i32
      %add3A_61 = arith.addi %arg1, %mul3A_60 : i32
      %lt3A_62 = arith.constant 625 : i32
      %lt3A_63 = arith.cmpi slt, %add3A_61, %lt3A_62 : i32
      %convert_element_type3A_64 = arith.extui %lt3A_63 : i1 to i32
      %cond3A_65 = arith.constant 0 : i32
      %cond3A_66 = arith.cmpi ne, %convert_element_type3A_64, %cond3A_65 : i32
      scf.if %cond3A_66 {
        %add3A_75 = arith.constant 1 : i32
        %add3A_76 = arith.addi %add3A_56, %add3A_75 : i32
        %mul3A_77 = arith.constant 16 : i32
        %mul3A_78 = arith.muli %mul3A_77, %add3A_76 : i32
        %add3A_79 = arith.addi %arg1, %mul3A_78 : i32
        %dma_start3A = arith.constant 0 : i32
        %dma_start3A_80 = tpu.memref_slice %arg3[%add3A_79, %dma_start3A] : memref<625x128xi32, #tpu.memory_space<hbm>> -> memref<1x128xi32, #tpu.memory_space<hbm>>
        %dma_start3A_81 = tpu.memref_squeeze %dma_start3A_80 : memref<1x128xi32, #tpu.memory_space<hbm>> -> memref<128xi32, #tpu.memory_space<hbm>>
        %dma_start3A_82 = arith.constant 0 : i32
        %dma_start3A_83 = tpu.memref_slice %arg3[%add3A_79, %dma_start3A_82] : memref<625x128xi32, #tpu.memory_space<hbm>> -> memref<1x128xi32, #tpu.memory_space<hbm>>
        %dma_start3A_84 = tpu.memref_squeeze %dma_start3A_83 : memref<1x128xi32, #tpu.memory_space<hbm>> -> memref<128xi32, #tpu.memory_space<hbm>>
        tpu.enqueue_dma source(%dma_start3A_84 : memref<128xi32, #tpu.memory_space<hbm>>) target(%arg5 : memref<128xi32, #tpu.memory_space<vmem>>) target_semaphore(%arg10 : memref<!tpu.dma_semaphore, #tpu.memory_space<semaphore_mem>>)
        %add3A_85 = arith.constant 1 : i32
        %add3A_86 = arith.addi %add3A_56, %add3A_85 : i32
        %mul3A_87 = arith.constant 16 : i32
        %mul3A_88 = arith.muli %mul3A_87, %add3A_86 : i32
        %add3A_89 = arith.addi %arg1, %mul3A_88 : i32
        %mul3A_90 = arith.constant 128 : i32
        %mul3A_91 = arith.muli %add3A_89, %mul3A_90 : i32
        %dma_start3A_92 = arith.constant 0 : i32
        %dma_start3A_93 = tpu.memref_slice %arg2[%arg0, %mul3A_91, %dma_start3A_92] : memref<2x80000x128xf32, #tpu.memory_space<hbm>> -> memref<1x128x128xf32, #tpu.memory_space<hbm>>
        %dma_start3A_94 = tpu.memref_squeeze %dma_start3A_93 : memref<1x128x128xf32, #tpu.memory_space<hbm>> -> memref<128x128xf32, #tpu.memory_space<hbm>>
        %dma_start3A_95 = arith.constant 0 : i32
        %dma_start3A_96 = tpu.memref_slice %arg2[%arg0, %mul3A_91, %dma_start3A_95] : memref<2x80000x128xf32, #tpu.memory_space<hbm>> -> memref<1x128x128xf32, #tpu.memory_space<hbm>>
        %dma_start3A_97 = tpu.memref_squeeze %dma_start3A_96 : memref<1x128x128xf32, #tpu.memory_space<hbm>> -> memref<128x128xf32, #tpu.memory_space<hbm>>
        tpu.enqueue_dma source(%dma_start3A_97 : memref<128x128xf32, #tpu.memory_space<hbm>>) target(%arg7 : memref<128x128xf32, #tpu.memory_space<vmem>>) target_semaphore(%arg12 : memref<!tpu.dma_semaphore, #tpu.memory_space<semaphore_mem>>)
      } else {
      }
      %mul3A_67 = arith.constant 16 : i32
      %mul3A_68 = arith.muli %mul3A_67, %add3A_56 : i32
      %add3A_69 = arith.addi %arg1, %mul3A_68 : i32
      %lt3A_70 = arith.constant 625 : i32
      %lt3A_71 = arith.cmpi slt, %add3A_69, %lt3A_70 : i32
      %convert_element_type3A_72 = arith.extui %lt3A_71 : i1 to i32
      %cond3A_73 = arith.constant 0 : i32
      %cond3A_74 = arith.cmpi ne, %convert_element_type3A_72, %cond3A_73 : i32
      scf.if %cond3A_74 {
        %mul3A_75 = arith.constant 16 : i32
        %mul3A_76 = arith.muli %mul3A_75, %add3A_56 : i32
        %add3A_77 = arith.addi %arg1, %mul3A_76 : i32
        %dma_wait3A = arith.constant 0 : i32
        %dma_wait3A_78 = tpu.memref_slice %arg3[%add3A_77, %dma_wait3A] : memref<625x128xi32, #tpu.memory_space<hbm>> -> memref<1x128xi32, #tpu.memory_space<hbm>>
        %dma_wait3A_79 = tpu.memref_squeeze %dma_wait3A_78 : memref<1x128xi32, #tpu.memory_space<hbm>> -> memref<128xi32, #tpu.memory_space<hbm>>
        %dma_wait3A_80 = arith.constant 0 : i32
        %dma_wait3A_81 = tpu.memref_slice %arg3[%add3A_77, %dma_wait3A_80] : memref<625x128xi32, #tpu.memory_space<hbm>> -> memref<1x128xi32, #tpu.memory_space<hbm>>
        %dma_wait3A_82 = tpu.memref_squeeze %dma_wait3A_81 : memref<1x128xi32, #tpu.memory_space<hbm>> -> memref<128xi32, #tpu.memory_space<hbm>>
        tpu.wait_dma2 semaphore(%arg11 : memref<!tpu.dma_semaphore, #tpu.memory_space<semaphore_mem>>) src(%dma_wait3A_82 : memref<128xi32, #tpu.memory_space<hbm>>) dst(%arg6 : memref<128xi32, #tpu.memory_space<vmem>>)
        %mul3A_83 = arith.constant 16 : i32
        %mul3A_84 = arith.muli %mul3A_83, %add3A_56 : i32
        %add3A_85 = arith.addi %arg1, %mul3A_84 : i32
        %mul3A_86 = arith.constant 128 : i32
        %mul3A_87 = arith.muli %add3A_85, %mul3A_86 : i32
        %dma_wait3A_88 = arith.constant 0 : i32
        %dma_wait3A_89 = tpu.memref_slice %arg2[%arg0, %mul3A_87, %dma_wait3A_88] : memref<2x80000x128xf32, #tpu.memory_space<hbm>> -> memref<1x128x128xf32, #tpu.memory_space<hbm>>
        %dma_wait3A_90 = tpu.memref_squeeze %dma_wait3A_89 : memref<1x128x128xf32, #tpu.memory_space<hbm>> -> memref<128x128xf32, #tpu.memory_space<hbm>>
        %dma_wait3A_91 = arith.constant 0 : i32
        %dma_wait3A_92 = tpu.memref_slice %arg2[%arg0, %mul3A_87, %dma_wait3A_91] : memref<2x80000x128xf32, #tpu.memory_space<hbm>> -> memref<1x128x128xf32, #tpu.memory_space<hbm>>
        %dma_wait3A_93 = tpu.memref_squeeze %dma_wait3A_92 : memref<1x128x128xf32, #tpu.memory_space<hbm>> -> memref<128x128xf32, #tpu.memory_space<hbm>>
        tpu.wait_dma2 semaphore(%arg13 : memref<!tpu.dma_semaphore, #tpu.memory_space<semaphore_mem>>) src(%dma_wait3A_93 : memref<128x128xf32, #tpu.memory_space<hbm>>) dst(%arg8 : memref<128x128xf32, #tpu.memory_space<vmem>>)
        "tpu.region"() ({
          %run_scoped3A = tpu.sem_alloc : memref<!tpu.dma_semaphore, #tpu.memory_space<semaphore_mem>>
          %dma_start3A = arith.constant 0 : i32
          %dma_start3A_94 = arith.constant 0 : i32
          %dma_start3A_95 = tpu.memref_slice %arg9[%dma_start3A, %dma_start3A_94] : memref<10000x128xf32, #tpu.memory_space<vmem_shared>> -> memref<10000x128xf32, #tpu.memory_space<vmem_shared>>
          tpu.enqueue_indirect_dma source(%arg8 : memref<128x128xf32, #tpu.memory_space<vmem>>) target(%dma_start3A_95 : memref<10000x128xf32, #tpu.memory_space<vmem_shared>>) offsets(%arg6 : memref<128xi32, #tpu.memory_space<vmem>>) semaphore(%run_scoped3A : memref<!tpu.dma_semaphore, #tpu.memory_space<semaphore_mem>>) {add = true}
          %dma_wait3A_96 = arith.constant 0 : i32
          %dma_wait3A_97 = arith.constant 0 : i32
          %dma_wait3A_98 = tpu.memref_slice %arg9[%dma_wait3A_96, %dma_wait3A_97] : memref<10000x128xf32, #tpu.memory_space<vmem_shared>> -> memref<10000x128xf32, #tpu.memory_space<vmem_shared>>
          tpu.wait_indirect_dma semaphore(%run_scoped3A : memref<!tpu.dma_semaphore, #tpu.memory_space<semaphore_mem>>) src(%arg8 : memref<128x128xf32, #tpu.memory_space<vmem>>) dst(%dma_wait3A_98 : memref<10000x128xf32, #tpu.memory_space<vmem_shared>>)
          tpu.yield
        }) : () -> ()
      } else {
      }
    }
    %scan3A_25 = arith.constant 21 : i32
    %barrier3A_26 = arith.constant 0 : index
    tpu.barrier barrier_id(%barrier3A_26)
    %scan3A_27 = arith.constant 0 : i32
    %scan3A_28 = arith.constant 0 : i32
    %scan3A_29 = arith.constant 6 : i32
    %scan3A_30 = arith.addi %scan3A_28, %scan3A_29 : i32
    %scan3A_31 = arith.constant 1 : i32
    scf.for %scan3A_33 = %scan3A_28 to %scan3A_30 step %scan3A_31  : i32 {
      %mul3A = arith.constant 2 : i32
      %mul3A_34 = arith.muli %mul3A, %scan3A_33 : i32
      %mul3A_35 = arith.constant 16 : i32
      %mul3A_36 = arith.muli %mul3A_35, %mul3A_34 : i32
      %add3A_37 = arith.addi %arg1, %mul3A_36 : i32
      %sub3A = arith.constant 2 : i32
      %sub3A_38 = arith.subi %mul3A_34, %sub3A : i32
      %mul3A_39 = arith.constant 16 : i32
      %mul3A_40 = arith.muli %mul3A_39, %sub3A_38 : i32
      %add3A_41 = arith.addi %arg1, %mul3A_40 : i32
      %ge3A = arith.constant 2 : i32
      %ge3A_42 = arith.cmpi sge, %mul3A_34, %ge3A : i32
      %lt3A_43 = arith.constant 125 : i32
      %lt3A_44 = arith.cmpi slt, %add3A_41, %lt3A_43 : i32
      %and3A = arith.andi %ge3A_42, %lt3A_44 : i1
      %convert_element_type3A_45 = arith.extui %and3A : i1 to i32
      %cond3A_46 = arith.constant 0 : i32
      %cond3A_47 = arith.cmpi ne, %convert_element_type3A_45, %cond3A_46 : i32
      scf.if %cond3A_47 {
        %mul3A_78 = arith.constant 80 : i32
        %mul3A_79 = arith.muli %add3A_41, %mul3A_78 : i32
        %mul3A_80 = arith.constant 128 : i32
        %mul3A_81 = arith.muli %arg0, %mul3A_80 : i32
        %dma_wait3A = arith.constant 0 : i32
        %dma_wait3A_82 = arith.constant 0 : i32
        %dma_wait3A_83 = tpu.memref_slice %arg7[%dma_wait3A, %dma_wait3A_82] : memref<128x128xf32, #tpu.memory_space<vmem>> -> memref<80x128xf32, #tpu.memory_space<vmem>>
        %dma_wait3A_84 = tpu.memref_slice %arg4[%mul3A_79, %mul3A_81] : memref<10000x256xf32, #tpu.memory_space<hbm>> -> memref<80x128xf32, #tpu.memory_space<hbm>>
        %dma_wait3A_85 = tpu.memref_slice %arg4[%mul3A_79, %mul3A_81] : memref<10000x256xf32, #tpu.memory_space<hbm>> -> memref<80x128xf32, #tpu.memory_space<hbm>>
        %dma_wait3A_86 = arith.constant 0 : i32
        %dma_wait3A_87 = arith.constant 0 : i32
        %dma_wait3A_88 = tpu.memref_slice %arg7[%dma_wait3A_86, %dma_wait3A_87] : memref<128x128xf32, #tpu.memory_space<vmem>> -> memref<80x128xf32, #tpu.memory_space<vmem>>
        tpu.wait_dma2 semaphore(%arg12 : memref<!tpu.dma_semaphore, #tpu.memory_space<semaphore_mem>>) src(%dma_wait3A_88 : memref<80x128xf32, #tpu.memory_space<vmem>>) dst(%dma_wait3A_85 : memref<80x128xf32, #tpu.memory_space<hbm>>)
      } else {
      }
      %lt3A_48 = arith.constant 125 : i32
      %lt3A_49 = arith.cmpi slt, %add3A_37, %lt3A_48 : i32
      %convert_element_type3A_50 = arith.extui %lt3A_49 : i1 to i32
      %cond3A_51 = arith.constant 0 : i32
      %cond3A_52 = arith.cmpi ne, %convert_element_type3A_50, %cond3A_51 : i32
      scf.if %cond3A_52 {
        %mul3A_78 = arith.constant 80 : i32
        %mul3A_79 = arith.muli %add3A_37, %mul3A_78 : i32
        "tpu.region"() ({
          %run_scoped3A = tpu.sem_alloc : memref<!tpu.dma_semaphore, #tpu.memory_space<semaphore_mem>>
          %dma_start3A_91 = arith.constant 0 : i32
          %dma_start3A_92 = arith.constant 0 : i32
          %dma_start3A_93 = tpu.memref_slice %arg7[%dma_start3A_91, %dma_start3A_92] : memref<128x128xf32, #tpu.memory_space<vmem>> -> memref<80x128xf32, #tpu.memory_space<vmem>>
          %dma_start3A_94 = arith.constant 0 : i32
          %dma_start3A_95 = tpu.memref_slice %arg9[%mul3A_79, %dma_start3A_94] : memref<10000x128xf32, #tpu.memory_space<vmem_shared>> -> memref<80x128xf32, #tpu.memory_space<vmem_shared>>
          %dma_start3A_96 = arith.constant 0 : i32
          %dma_start3A_97 = arith.constant 0 : i32
          %dma_start3A_98 = tpu.memref_slice %arg7[%dma_start3A_96, %dma_start3A_97] : memref<128x128xf32, #tpu.memory_space<vmem>> -> memref<80x128xf32, #tpu.memory_space<vmem>>
          %dma_start3A_99 = arith.constant 0 : i32
          %dma_start3A_100 = tpu.memref_slice %arg9[%mul3A_79, %dma_start3A_99] : memref<10000x128xf32, #tpu.memory_space<vmem_shared>> -> memref<80x128xf32, #tpu.memory_space<vmem_shared>>
          tpu.enqueue_dma source(%dma_start3A_100 : memref<80x128xf32, #tpu.memory_space<vmem_shared>>) target(%dma_start3A_98 : memref<80x128xf32, #tpu.memory_space<vmem>>) target_semaphore(%run_scoped3A : memref<!tpu.dma_semaphore, #tpu.memory_space<semaphore_mem>>)
          %dma_wait3A = arith.constant 0 : i32
          %dma_wait3A_101 = arith.constant 0 : i32
          %dma_wait3A_102 = tpu.memref_slice %arg7[%dma_wait3A, %dma_wait3A_101] : memref<128x128xf32, #tpu.memory_space<vmem>> -> memref<80x128xf32, #tpu.memory_space<vmem>>
          %dma_wait3A_103 = arith.constant 0 : i32
          %dma_wait3A_104 = tpu.memref_slice %arg9[%mul3A_79, %dma_wait3A_103] : memref<10000x128xf32, #tpu.memory_space<vmem_shared>> -> memref<80x128xf32, #tpu.memory_space<vmem_shared>>
          %dma_wait3A_105 = arith.constant 0 : i32
          %dma_wait3A_106 = arith.constant 0 : i32
          %dma_wait3A_107 = tpu.memref_slice %arg7[%dma_wait3A_105, %dma_wait3A_106] : memref<128x128xf32, #tpu.memory_space<vmem>> -> memref<80x128xf32, #tpu.memory_space<vmem>>
          %dma_wait3A_108 = arith.constant 0 : i32
          %dma_wait3A_109 = tpu.memref_slice %arg9[%mul3A_79, %dma_wait3A_108] : memref<10000x128xf32, #tpu.memory_space<vmem_shared>> -> memref<80x128xf32, #tpu.memory_space<vmem_shared>>
          tpu.wait_dma2 semaphore(%run_scoped3A : memref<!tpu.dma_semaphore, #tpu.memory_space<semaphore_mem>>) src(%dma_wait3A_109 : memref<80x128xf32, #tpu.memory_space<vmem_shared>>) dst(%dma_wait3A_107 : memref<80x128xf32, #tpu.memory_space<vmem>>)
          tpu.yield
        }) : () -> ()
        %mul3A_80 = arith.constant 80 : i32
        %mul3A_81 = arith.muli %add3A_37, %mul3A_80 : i32
        %mul3A_82 = arith.constant 128 : i32
        %mul3A_83 = arith.muli %arg0, %mul3A_82 : i32
        %dma_start3A = arith.constant 0 : i32
        %dma_start3A_84 = arith.constant 0 : i32
        %dma_start3A_85 = tpu.memref_slice %arg7[%dma_start3A, %dma_start3A_84] : memref<128x128xf32, #tpu.memory_space<vmem>> -> memref<80x128xf32, #tpu.memory_space<vmem>>
        %dma_start3A_86 = tpu.memref_slice %arg4[%mul3A_81, %mul3A_83] : memref<10000x256xf32, #tpu.memory_space<hbm>> -> memref<80x128xf32, #tpu.memory_space<hbm>>
        %dma_start3A_87 = tpu.memref_slice %arg4[%mul3A_81, %mul3A_83] : memref<10000x256xf32, #tpu.memory_space<hbm>> -> memref<80x128xf32, #tpu.memory_space<hbm>>
        %dma_start3A_88 = arith.constant 0 : i32
        %dma_start3A_89 = arith.constant 0 : i32
        %dma_start3A_90 = tpu.memref_slice %arg7[%dma_start3A_88, %dma_start3A_89] : memref<128x128xf32, #tpu.memory_space<vmem>> -> memref<80x128xf32, #tpu.memory_space<vmem>>
        tpu.enqueue_dma source(%dma_start3A_90 : memref<80x128xf32, #tpu.memory_space<vmem>>) target(%dma_start3A_87 : memref<80x128xf32, #tpu.memory_space<hbm>>) target_semaphore(%arg12 : memref<!tpu.dma_semaphore, #tpu.memory_space<semaphore_mem>>)
      } else {
      }
      %mul3A_53 = arith.constant 2 : i32
      %mul3A_54 = arith.muli %mul3A_53, %scan3A_33 : i32
      %add3A_55 = arith.constant 1 : i32
      %add3A_56 = arith.addi %mul3A_54, %add3A_55 : i32
      %mul3A_57 = arith.constant 16 : i32
      %mul3A_58 = arith.muli %mul3A_57, %add3A_56 : i32
      %add3A_59 = arith.addi %arg1, %mul3A_58 : i32
      %sub3A_60 = arith.constant 2 : i32
      %sub3A_61 = arith.subi %add3A_56, %sub3A_60 : i32
      %mul3A_62 = arith.constant 16 : i32
      %mul3A_63 = arith.muli %mul3A_62, %sub3A_61 : i32
      %add3A_64 = arith.addi %arg1, %mul3A_63 : i32
      %ge3A_65 = arith.constant 2 : i32
      %ge3A_66 = arith.cmpi sge, %add3A_56, %ge3A_65 : i32
      %lt3A_67 = arith.constant 125 : i32
      %lt3A_68 = arith.cmpi slt, %add3A_64, %lt3A_67 : i32
      %and3A_69 = arith.andi %ge3A_66, %lt3A_68 : i1
      %convert_element_type3A_70 = arith.extui %and3A_69 : i1 to i32
      %cond3A_71 = arith.constant 0 : i32
      %cond3A_72 = arith.cmpi ne, %convert_element_type3A_70, %cond3A_71 : i32
      scf.if %cond3A_72 {
        %mul3A_78 = arith.constant 80 : i32
        %mul3A_79 = arith.muli %add3A_64, %mul3A_78 : i32
        %mul3A_80 = arith.constant 128 : i32
        %mul3A_81 = arith.muli %arg0, %mul3A_80 : i32
        %dma_wait3A = arith.constant 0 : i32
        %dma_wait3A_82 = arith.constant 0 : i32
        %dma_wait3A_83 = tpu.memref_slice %arg8[%dma_wait3A, %dma_wait3A_82] : memref<128x128xf32, #tpu.memory_space<vmem>> -> memref<80x128xf32, #tpu.memory_space<vmem>>
        %dma_wait3A_84 = tpu.memref_slice %arg4[%mul3A_79, %mul3A_81] : memref<10000x256xf32, #tpu.memory_space<hbm>> -> memref<80x128xf32, #tpu.memory_space<hbm>>
        %dma_wait3A_85 = tpu.memref_slice %arg4[%mul3A_79, %mul3A_81] : memref<10000x256xf32, #tpu.memory_space<hbm>> -> memref<80x128xf32, #tpu.memory_space<hbm>>
        %dma_wait3A_86 = arith.constant 0 : i32
        %dma_wait3A_87 = arith.constant 0 : i32
        %dma_wait3A_88 = tpu.memref_slice %arg8[%dma_wait3A_86, %dma_wait3A_87] : memref<128x128xf32, #tpu.memory_space<vmem>> -> memref<80x128xf32, #tpu.memory_space<vmem>>
        tpu.wait_dma2 semaphore(%arg13 : memref<!tpu.dma_semaphore, #tpu.memory_space<semaphore_mem>>) src(%dma_wait3A_88 : memref<80x128xf32, #tpu.memory_space<vmem>>) dst(%dma_wait3A_85 : memref<80x128xf32, #tpu.memory_space<hbm>>)
      } else {
      }
      %lt3A_73 = arith.constant 125 : i32
      %lt3A_74 = arith.cmpi slt, %add3A_59, %lt3A_73 : i32
      %convert_element_type3A_75 = arith.extui %lt3A_74 : i1 to i32
      %cond3A_76 = arith.constant 0 : i32
      %cond3A_77 = arith.cmpi ne, %convert_element_type3A_75, %cond3A_76 : i32
      scf.if %cond3A_77 {
        %mul3A_78 = arith.constant 80 : i32
        %mul3A_79 = arith.muli %add3A_59, %mul3A_78 : i32
        "tpu.region"() ({
          %run_scoped3A = tpu.sem_alloc : memref<!tpu.dma_semaphore, #tpu.memory_space<semaphore_mem>>
          %dma_start3A_91 = arith.constant 0 : i32
          %dma_start3A_92 = arith.constant 0 : i32
          %dma_start3A_93 = tpu.memref_slice %arg8[%dma_start3A_91, %dma_start3A_92] : memref<128x128xf32, #tpu.memory_space<vmem>> -> memref<80x128xf32, #tpu.memory_space<vmem>>
          %dma_start3A_94 = arith.constant 0 : i32
          %dma_start3A_95 = tpu.memref_slice %arg9[%mul3A_79, %dma_start3A_94] : memref<10000x128xf32, #tpu.memory_space<vmem_shared>> -> memref<80x128xf32, #tpu.memory_space<vmem_shared>>
          %dma_start3A_96 = arith.constant 0 : i32
          %dma_start3A_97 = arith.constant 0 : i32
          %dma_start3A_98 = tpu.memref_slice %arg8[%dma_start3A_96, %dma_start3A_97] : memref<128x128xf32, #tpu.memory_space<vmem>> -> memref<80x128xf32, #tpu.memory_space<vmem>>
          %dma_start3A_99 = arith.constant 0 : i32
          %dma_start3A_100 = tpu.memref_slice %arg9[%mul3A_79, %dma_start3A_99] : memref<10000x128xf32, #tpu.memory_space<vmem_shared>> -> memref<80x128xf32, #tpu.memory_space<vmem_shared>>
          tpu.enqueue_dma source(%dma_start3A_100 : memref<80x128xf32, #tpu.memory_space<vmem_shared>>) target(%dma_start3A_98 : memref<80x128xf32, #tpu.memory_space<vmem>>) target_semaphore(%run_scoped3A : memref<!tpu.dma_semaphore, #tpu.memory_space<semaphore_mem>>)
          %dma_wait3A = arith.constant 0 : i32
          %dma_wait3A_101 = arith.constant 0 : i32
          %dma_wait3A_102 = tpu.memref_slice %arg8[%dma_wait3A, %dma_wait3A_101] : memref<128x128xf32, #tpu.memory_space<vmem>> -> memref<80x128xf32, #tpu.memory_space<vmem>>
          %dma_wait3A_103 = arith.constant 0 : i32
          %dma_wait3A_104 = tpu.memref_slice %arg9[%mul3A_79, %dma_wait3A_103] : memref<10000x128xf32, #tpu.memory_space<vmem_shared>> -> memref<80x128xf32, #tpu.memory_space<vmem_shared>>
          %dma_wait3A_105 = arith.constant 0 : i32
          %dma_wait3A_106 = arith.constant 0 : i32
          %dma_wait3A_107 = tpu.memref_slice %arg8[%dma_wait3A_105, %dma_wait3A_106] : memref<128x128xf32, #tpu.memory_space<vmem>> -> memref<80x128xf32, #tpu.memory_space<vmem>>
          %dma_wait3A_108 = arith.constant 0 : i32
          %dma_wait3A_109 = tpu.memref_slice %arg9[%mul3A_79, %dma_wait3A_108] : memref<10000x128xf32, #tpu.memory_space<vmem_shared>> -> memref<80x128xf32, #tpu.memory_space<vmem_shared>>
          tpu.wait_dma2 semaphore(%run_scoped3A : memref<!tpu.dma_semaphore, #tpu.memory_space<semaphore_mem>>) src(%dma_wait3A_109 : memref<80x128xf32, #tpu.memory_space<vmem_shared>>) dst(%dma_wait3A_107 : memref<80x128xf32, #tpu.memory_space<vmem>>)
          tpu.yield
        }) : () -> ()
        %mul3A_80 = arith.constant 80 : i32
        %mul3A_81 = arith.muli %add3A_59, %mul3A_80 : i32
        %mul3A_82 = arith.constant 128 : i32
        %mul3A_83 = arith.muli %arg0, %mul3A_82 : i32
        %dma_start3A = arith.constant 0 : i32
        %dma_start3A_84 = arith.constant 0 : i32
        %dma_start3A_85 = tpu.memref_slice %arg8[%dma_start3A, %dma_start3A_84] : memref<128x128xf32, #tpu.memory_space<vmem>> -> memref<80x128xf32, #tpu.memory_space<vmem>>
        %dma_start3A_86 = tpu.memref_slice %arg4[%mul3A_81, %mul3A_83] : memref<10000x256xf32, #tpu.memory_space<hbm>> -> memref<80x128xf32, #tpu.memory_space<hbm>>
        %dma_start3A_87 = tpu.memref_slice %arg4[%mul3A_81, %mul3A_83] : memref<10000x256xf32, #tpu.memory_space<hbm>> -> memref<80x128xf32, #tpu.memory_space<hbm>>
        %dma_start3A_88 = arith.constant 0 : i32
        %dma_start3A_89 = arith.constant 0 : i32
        %dma_start3A_90 = tpu.memref_slice %arg8[%dma_start3A_88, %dma_start3A_89] : memref<128x128xf32, #tpu.memory_space<vmem>> -> memref<80x128xf32, #tpu.memory_space<vmem>>
        tpu.enqueue_dma source(%dma_start3A_90 : memref<80x128xf32, #tpu.memory_space<vmem>>) target(%dma_start3A_87 : memref<80x128xf32, #tpu.memory_space<hbm>>) target_semaphore(%arg13 : memref<!tpu.dma_semaphore, #tpu.memory_space<semaphore_mem>>)
      } else {
      }
    }
    %scan3A_32 = arith.constant 6 : i32
    return
  }
}

module attributes {stable_mosaic.version = 14 : i64} {
  func.func @_edge_block(%arg0: i32, %arg1: memref<1600x256xf32, #tpu.memory_space<vmem>>, %arg2: memref<1600x16xf32, #tpu.memory_space<vmem>>, %arg3: memref<256x544xbf16, #tpu.memory_space<vmem>>, %arg4: memref<16x544xbf16, #tpu.memory_space<vmem>>, %arg5: memref<544xf32, #tpu.memory_space<vmem>>, %arg6: memref<544x128xbf16, #tpu.memory_space<vmem>>, %arg7: memref<544x128xbf16, #tpu.memory_space<vmem>>, %arg8: memref<544x128xbf16, #tpu.memory_space<vmem>>, %arg9: memref<128xf32, #tpu.memory_space<vmem>>, %arg10: memref<2x1600x128xf32, #tpu.memory_space<vmem>>, %arg11: memref<1600x128xf32, #tpu.memory_space<vmem>>) attributes {dimension_semantics = [#tpu.dimension_semantics<arbitrary>], iteration_bounds = array<i64: 50>, scalar_prefetch = 0 : i64, scratch_operands = 0 : i64, tpu.core_type = #tpu.core_type<tc>, window_params = [{transform_indices = @transform_0, window_bounds = array<i64: 1600, 256>}, {transform_indices = @transform_1, window_bounds = array<i64: 1600, 16>}, {pipeline_mode = #tpu.pipeline_mode<synchronous>, transform_indices = @transform_2, window_bounds = array<i64: 256, 544>}, {pipeline_mode = #tpu.pipeline_mode<synchronous>, transform_indices = @transform_3, window_bounds = array<i64: 16, 544>}, {pipeline_mode = #tpu.pipeline_mode<synchronous>, transform_indices = @transform_4, window_bounds = array<i64: 544>}, {pipeline_mode = #tpu.pipeline_mode<synchronous>, transform_indices = @transform_5, window_bounds = array<i64: 544, 128>}, {pipeline_mode = #tpu.pipeline_mode<synchronous>, transform_indices = @transform_6, window_bounds = array<i64: 544, 128>}, {pipeline_mode = #tpu.pipeline_mode<synchronous>, transform_indices = @transform_7, window_bounds = array<i64: 544, 128>}, {pipeline_mode = #tpu.pipeline_mode<synchronous>, transform_indices = @transform_8, window_bounds = array<i64: 128>}, {transform_indices = @transform_9, window_bounds = array<i64: 2, 1600, 128>}, {transform_indices = @transform_10, window_bounds = array<i64: 1600, 128>}]} {
    %get3A = arith.constant 0 : index
    %get3A_0 = arith.constant 0 : index
    %get3A_1 = vector.load %arg1[%get3A, %get3A_0] : memref<1600x256xf32, #tpu.memory_space<vmem>>, vector<1600x256xf32>
    %convert_element_type3A = arith.truncf %get3A_1 : vector<1600x256xf32> to vector<1600x256xbf16>
    %get3A_2 = arith.constant 0 : index
    %get3A_3 = arith.constant 0 : index
    %get3A_4 = vector.load %arg3[%get3A_2, %get3A_3] : memref<256x544xbf16, #tpu.memory_space<vmem>>, vector<256x544xbf16>
    %dot_general3A = arith.constant dense<0.000000e+00> : vector<1600x544xf32>
    %dot_general3A_5 = tpu.matmul %convert_element_type3A, %get3A_4, %dot_general3A {dimension_numbers = #tpu.dot_dimension_numbers<[1], [0], [0], [1], [0, 0, 1, 1], [], []>, transpose_lhs_hint = false} : vector<1600x256xbf16>, vector<256x544xbf16>, vector<1600x544xf32> -> vector<1600x544xf32>
    %get3A_6 = arith.constant 0 : index
    %get3A_7 = arith.constant 0 : index
    %get3A_8 = vector.load %arg2[%get3A_6, %get3A_7] : memref<1600x16xf32, #tpu.memory_space<vmem>>, vector<1600x16xf32>
    %convert_element_type3A_9 = arith.truncf %get3A_8 : vector<1600x16xf32> to vector<1600x16xbf16>
    %get3A_10 = arith.constant 0 : index
    %get3A_11 = arith.constant 0 : index
    %get3A_12 = vector.load %arg4[%get3A_10, %get3A_11] : memref<16x544xbf16, #tpu.memory_space<vmem>>, vector<16x544xbf16>
    %dot_general3A_13 = arith.constant dense<0.000000e+00> : vector<1600x544xf32>
    %dot_general3A_14 = tpu.matmul %convert_element_type3A_9, %get3A_12, %dot_general3A_13 {dimension_numbers = #tpu.dot_dimension_numbers<[1], [0], [0], [1], [0, 0, 1, 1], [], []>, transpose_lhs_hint = false} : vector<1600x16xbf16>, vector<16x544xbf16>, vector<1600x544xf32> -> vector<1600x544xf32>
    %add3A = arith.addf %dot_general3A_5, %dot_general3A_14 : vector<1600x544xf32>
    %get3A_15 = arith.constant 0 : index
    %get3A_16 = vector.load %arg5[%get3A_15] : memref<544xf32, #tpu.memory_space<vmem>>, vector<544xf32>
    %broadcast_in_dim3A = vector.shape_cast %get3A_16 : vector<544xf32> to vector<1x544xf32>
    %add3A_17 = vector.broadcast %broadcast_in_dim3A : vector<1x544xf32> to vector<1600x544xf32>
    %add3A_18 = arith.addf %add3A, %add3A_17 : vector<1600x544xf32>
    %max3A = arith.constant 0.000000e+00 : f32
    %max3A_19 = vector.broadcast %max3A : f32 to vector<1600x544xf32>
    %max3A_20 = arith.maximumf %add3A_18, %max3A_19 : vector<1600x544xf32>
    %convert_element_type3A_21 = arith.truncf %max3A_20 : vector<1600x544xf32> to vector<1600x544xbf16>
    %get3A_22 = arith.constant 0 : index
    %get3A_23 = arith.constant 0 : index
    %get3A_24 = vector.load %arg6[%get3A_22, %get3A_23] : memref<544x128xbf16, #tpu.memory_space<vmem>>, vector<544x128xbf16>
    %dot_general3A_25 = arith.constant dense<0.000000e+00> : vector<1600x128xf32>
    %dot_general3A_26 = tpu.matmul %convert_element_type3A_21, %get3A_24, %dot_general3A_25 {dimension_numbers = #tpu.dot_dimension_numbers<[1], [0], [0], [1], [0, 0, 1, 1], [], []>, transpose_lhs_hint = false} : vector<1600x544xbf16>, vector<544x128xbf16>, vector<1600x128xf32> -> vector<1600x128xf32>
    %swap3A = arith.constant 0 : index
    %swap3A_27 = arith.constant 0 : index
    %swap3A_28 = arith.constant 0 : index
    %swap3A_29 = vector.load %arg10[%swap3A, %swap3A_27, %swap3A_28] : memref<2x1600x128xf32, #tpu.memory_space<vmem>>, vector<1x1600x128xf32>
    %swap3A_30 = vector.shape_cast %swap3A_29 : vector<1x1600x128xf32> to vector<1600x128xf32>
    %swap3A_31 = vector.shape_cast %dot_general3A_26 : vector<1600x128xf32> to vector<1x1600x128xf32>
    tpu.vector_store %arg10[%swap3A, %swap3A_27, %swap3A_28], %swap3A_31 {strides = array<i32>} : memref<2x1600x128xf32, #tpu.memory_space<vmem>>, vector<1x1600x128xf32>,
    %get3A_32 = arith.constant 0 : index
    %get3A_33 = arith.constant 0 : index
    %get3A_34 = vector.load %arg7[%get3A_32, %get3A_33] : memref<544x128xbf16, #tpu.memory_space<vmem>>, vector<544x128xbf16>
    %dot_general3A_35 = arith.constant dense<0.000000e+00> : vector<1600x128xf32>
    %dot_general3A_36 = tpu.matmul %convert_element_type3A_21, %get3A_34, %dot_general3A_35 {dimension_numbers = #tpu.dot_dimension_numbers<[1], [0], [0], [1], [0, 0, 1, 1], [], []>, transpose_lhs_hint = false} : vector<1600x544xbf16>, vector<544x128xbf16>, vector<1600x128xf32> -> vector<1600x128xf32>
    %swap3A_37 = arith.constant 1 : index
    %swap3A_38 = arith.constant 0 : index
    %swap3A_39 = arith.constant 0 : index
    %swap3A_40 = vector.load %arg10[%swap3A_37, %swap3A_38, %swap3A_39] : memref<2x1600x128xf32, #tpu.memory_space<vmem>>, vector<1x1600x128xf32>
    %swap3A_41 = vector.shape_cast %swap3A_40 : vector<1x1600x128xf32> to vector<1600x128xf32>
    %swap3A_42 = vector.shape_cast %dot_general3A_36 : vector<1600x128xf32> to vector<1x1600x128xf32>
    tpu.vector_store %arg10[%swap3A_37, %swap3A_38, %swap3A_39], %swap3A_42 {strides = array<i32>} : memref<2x1600x128xf32, #tpu.memory_space<vmem>>, vector<1x1600x128xf32>,
    %get3A_43 = arith.constant 0 : index
    %get3A_44 = arith.constant 0 : index
    %get3A_45 = vector.load %arg8[%get3A_43, %get3A_44] : memref<544x128xbf16, #tpu.memory_space<vmem>>, vector<544x128xbf16>
    %dot_general3A_46 = arith.constant dense<0.000000e+00> : vector<1600x128xf32>
    %dot_general3A_47 = tpu.matmul %convert_element_type3A_21, %get3A_45, %dot_general3A_46 {dimension_numbers = #tpu.dot_dimension_numbers<[1], [0], [0], [1], [0, 0, 1, 1], [], []>, transpose_lhs_hint = false} : vector<1600x544xbf16>, vector<544x128xbf16>, vector<1600x128xf32> -> vector<1600x128xf32>
    %get3A_48 = arith.constant 0 : index
    %get3A_49 = vector.load %arg9[%get3A_48] : memref<128xf32, #tpu.memory_space<vmem>>, vector<128xf32>
    %broadcast_in_dim3A_50 = vector.shape_cast %get3A_49 : vector<128xf32> to vector<1x128xf32>
    %add3A_51 = vector.broadcast %broadcast_in_dim3A_50 : vector<1x128xf32> to vector<1600x128xf32>
    %add3A_52 = arith.addf %dot_general3A_47, %add3A_51 : vector<1600x128xf32>
    %swap3A_53 = arith.constant 0 : index
    %swap3A_54 = arith.constant 0 : index
    %swap3A_55 = vector.load %arg11[%swap3A_53, %swap3A_54] : memref<1600x128xf32, #tpu.memory_space<vmem>>, vector<1600x128xf32>
    tpu.vector_store %arg11[%swap3A_53, %swap3A_54], %add3A_52 {strides = array<i32>} : memref<1600x128xf32, #tpu.memory_space<vmem>>, vector<1600x128xf32>,
    return
  }
  func.func @transform_0(%arg0: i32) -> (i32, i32) {
    %c0_i32 = arith.constant 0 : i32
    %c0_i32_0 = arith.constant 0 : i32
    return %arg0, %c0_i32 : i32, i32
  }
  func.func @transform_1(%arg0: i32) -> (i32, i32) {
    %add3A = arith.constant 50 : i32
    %add3A_0 = arith.addi %arg0, %add3A : i32
    %c0_i32 = arith.constant 0 : i32
    %c0_i32_1 = arith.constant 0 : i32
    return %add3A_0, %c0_i32 : i32, i32
  }
  func.func @transform_2(%arg0: i32) -> (i32, i32) {
    %c0_i32 = arith.constant 0 : i32
    %c0_i32_0 = arith.constant 0 : i32
    %c0_i32_1 = arith.constant 0 : i32
    return %c0_i32, %c0_i32_0 : i32, i32
  }
  func.func @transform_3(%arg0: i32) -> (i32, i32) {
    %c0_i32 = arith.constant 0 : i32
    %c0_i32_0 = arith.constant 0 : i32
    %c0_i32_1 = arith.constant 0 : i32
    return %c0_i32, %c0_i32_0 : i32, i32
  }
  func.func @transform_4(%arg0: i32) -> i32 {
    %c0_i32 = arith.constant 0 : i32
    %c0_i32_0 = arith.constant 0 : i32
    return %c0_i32 : i32
  }
  func.func @transform_5(%arg0: i32) -> (i32, i32) {
    %c0_i32 = arith.constant 0 : i32
    %c0_i32_0 = arith.constant 0 : i32
    %c0_i32_1 = arith.constant 0 : i32
    return %c0_i32, %c0_i32_0 : i32, i32
  }
  func.func @transform_6(%arg0: i32) -> (i32, i32) {
    %c0_i32 = arith.constant 0 : i32
    %c0_i32_0 = arith.constant 0 : i32
    %c0_i32_1 = arith.constant 0 : i32
    return %c0_i32, %c0_i32_0 : i32, i32
  }
  func.func @transform_7(%arg0: i32) -> (i32, i32) {
    %c0_i32 = arith.constant 0 : i32
    %c0_i32_0 = arith.constant 0 : i32
    %c0_i32_1 = arith.constant 0 : i32
    return %c0_i32, %c0_i32_0 : i32, i32
  }
  func.func @transform_8(%arg0: i32) -> i32 {
    %c0_i32 = arith.constant 0 : i32
    %c0_i32_0 = arith.constant 0 : i32
    return %c0_i32 : i32
  }
  func.func @transform_9(%arg0: i32) -> (i32, i32, i32) {
    %c0_i32 = arith.constant 0 : i32
    %c0_i32_0 = arith.constant 0 : i32
    %c0_i32_1 = arith.constant 0 : i32
    return %c0_i32, %arg0, %c0_i32_0 : i32, i32, i32
  }
  func.func @transform_10(%arg0: i32) -> (i32, i32) {
    %c0_i32 = arith.constant 0 : i32
    %c0_i32_0 = arith.constant 0 : i32
    return %arg0, %c0_i32 : i32, i32
  }
}

module attributes {stable_mosaic.version = 14 : i64} {
  func.func @_edge_block(%arg0: i32, %arg1: memref<1600x256xf32, #tpu.memory_space<vmem>>, %arg2: memref<1600x16xf32, #tpu.memory_space<vmem>>, %arg3: memref<256x544xbf16, #tpu.memory_space<vmem>>, %arg4: memref<16x544xbf16, #tpu.memory_space<vmem>>, %arg5: memref<544xf32, #tpu.memory_space<vmem>>, %arg6: memref<544x128xbf16, #tpu.memory_space<vmem>>, %arg7: memref<544x128xbf16, #tpu.memory_space<vmem>>, %arg8: memref<544x128xbf16, #tpu.memory_space<vmem>>, %arg9: memref<128xf32, #tpu.memory_space<vmem>>, %arg10: memref<2x1600x128xf32, #tpu.memory_space<vmem>>, %arg11: memref<1600x128xf32, #tpu.memory_space<vmem>>) attributes {dimension_semantics = [#tpu.dimension_semantics<arbitrary>], iteration_bounds = array<i64: 50>, scalar_prefetch = 0 : i64, scratch_operands = 0 : i64, tpu.core_type = #tpu.core_type<tc>, window_params = [{transform_indices = @transform_0, window_bounds = array<i64: 1600, 256>}, {transform_indices = @transform_1, window_bounds = array<i64: 1600, 16>}, {pipeline_mode = #tpu.pipeline_mode<synchronous>, transform_indices = @transform_2, window_bounds = array<i64: 256, 544>}, {pipeline_mode = #tpu.pipeline_mode<synchronous>, transform_indices = @transform_3, window_bounds = array<i64: 16, 544>}, {pipeline_mode = #tpu.pipeline_mode<synchronous>, transform_indices = @transform_4, window_bounds = array<i64: 544>}, {pipeline_mode = #tpu.pipeline_mode<synchronous>, transform_indices = @transform_5, window_bounds = array<i64: 544, 128>}, {pipeline_mode = #tpu.pipeline_mode<synchronous>, transform_indices = @transform_6, window_bounds = array<i64: 544, 128>}, {pipeline_mode = #tpu.pipeline_mode<synchronous>, transform_indices = @transform_7, window_bounds = array<i64: 544, 128>}, {pipeline_mode = #tpu.pipeline_mode<synchronous>, transform_indices = @transform_8, window_bounds = array<i64: 128>}, {transform_indices = @transform_9, window_bounds = array<i64: 2, 1600, 128>}, {transform_indices = @transform_10, window_bounds = array<i64: 1600, 128>}]} {
    %get3A = arith.constant 0 : index
    %get3A_0 = arith.constant 0 : index
    %get3A_1 = vector.load %arg1[%get3A, %get3A_0] : memref<1600x256xf32, #tpu.memory_space<vmem>>, vector<1600x256xf32>
    %convert_element_type3A = arith.truncf %get3A_1 : vector<1600x256xf32> to vector<1600x256xbf16>
    %get3A_2 = arith.constant 0 : index
    %get3A_3 = arith.constant 0 : index
    %get3A_4 = vector.load %arg3[%get3A_2, %get3A_3] : memref<256x544xbf16, #tpu.memory_space<vmem>>, vector<256x544xbf16>
    %dot_general3A = arith.constant dense<0.000000e+00> : vector<1600x544xf32>
    %dot_general3A_5 = tpu.matmul %convert_element_type3A, %get3A_4, %dot_general3A {dimension_numbers = #tpu.dot_dimension_numbers<[1], [0], [0], [1], [0, 0, 1, 1], [], []>, transpose_lhs_hint = false} : vector<1600x256xbf16>, vector<256x544xbf16>, vector<1600x544xf32> -> vector<1600x544xf32>
    %get3A_6 = arith.constant 0 : index
    %get3A_7 = arith.constant 0 : index
    %get3A_8 = vector.load %arg2[%get3A_6, %get3A_7] : memref<1600x16xf32, #tpu.memory_space<vmem>>, vector<1600x16xf32>
    %convert_element_type3A_9 = arith.truncf %get3A_8 : vector<1600x16xf32> to vector<1600x16xbf16>
    %get3A_10 = arith.constant 0 : index
    %get3A_11 = arith.constant 0 : index
    %get3A_12 = vector.load %arg4[%get3A_10, %get3A_11] : memref<16x544xbf16, #tpu.memory_space<vmem>>, vector<16x544xbf16>
    %dot_general3A_13 = arith.constant dense<0.000000e+00> : vector<1600x544xf32>
    %dot_general3A_14 = tpu.matmul %convert_element_type3A_9, %get3A_12, %dot_general3A_13 {dimension_numbers = #tpu.dot_dimension_numbers<[1], [0], [0], [1], [0, 0, 1, 1], [], []>, transpose_lhs_hint = false} : vector<1600x16xbf16>, vector<16x544xbf16>, vector<1600x544xf32> -> vector<1600x544xf32>
    %add3A = arith.addf %dot_general3A_5, %dot_general3A_14 : vector<1600x544xf32>
    %get3A_15 = arith.constant 0 : index
    %get3A_16 = vector.load %arg5[%get3A_15] : memref<544xf32, #tpu.memory_space<vmem>>, vector<544xf32>
    %broadcast_in_dim3A = vector.shape_cast %get3A_16 : vector<544xf32> to vector<1x544xf32>
    %add3A_17 = vector.broadcast %broadcast_in_dim3A : vector<1x544xf32> to vector<1600x544xf32>
    %add3A_18 = arith.addf %add3A, %add3A_17 : vector<1600x544xf32>
    %max3A = arith.constant 0.000000e+00 : f32
    %max3A_19 = vector.broadcast %max3A : f32 to vector<1600x544xf32>
    %max3A_20 = arith.maximumf %add3A_18, %max3A_19 : vector<1600x544xf32>
    %convert_element_type3A_21 = arith.truncf %max3A_20 : vector<1600x544xf32> to vector<1600x544xbf16>
    %get3A_22 = arith.constant 0 : index
    %get3A_23 = arith.constant 0 : index
    %get3A_24 = vector.load %arg6[%get3A_22, %get3A_23] : memref<544x128xbf16, #tpu.memory_space<vmem>>, vector<544x128xbf16>
    %dot_general3A_25 = arith.constant dense<0.000000e+00> : vector<1600x128xf32>
    %dot_general3A_26 = tpu.matmul %convert_element_type3A_21, %get3A_24, %dot_general3A_25 {dimension_numbers = #tpu.dot_dimension_numbers<[1], [0], [0], [1], [0, 0, 1, 1], [], []>, transpose_lhs_hint = false} : vector<1600x544xbf16>, vector<544x128xbf16>, vector<1600x128xf32> -> vector<1600x128xf32>
    %swap3A = arith.constant 0 : index
    %swap3A_27 = arith.constant 0 : index
    %swap3A_28 = arith.constant 0 : index
    %swap3A_29 = vector.load %arg10[%swap3A, %swap3A_27, %swap3A_28] : memref<2x1600x128xf32, #tpu.memory_space<vmem>>, vector<1x1600x128xf32>
    %swap3A_30 = vector.shape_cast %swap3A_29 : vector<1x1600x128xf32> to vector<1600x128xf32>
    %swap3A_31 = vector.shape_cast %dot_general3A_26 : vector<1600x128xf32> to vector<1x1600x128xf32>
    tpu.vector_store %arg10[%swap3A, %swap3A_27, %swap3A_28], %swap3A_31 {strides = array<i32>} : memref<2x1600x128xf32, #tpu.memory_space<vmem>>, vector<1x1600x128xf32>,
    %get3A_32 = arith.constant 0 : index
    %get3A_33 = arith.constant 0 : index
    %get3A_34 = vector.load %arg7[%get3A_32, %get3A_33] : memref<544x128xbf16, #tpu.memory_space<vmem>>, vector<544x128xbf16>
    %dot_general3A_35 = arith.constant dense<0.000000e+00> : vector<1600x128xf32>
    %dot_general3A_36 = tpu.matmul %convert_element_type3A_21, %get3A_34, %dot_general3A_35 {dimension_numbers = #tpu.dot_dimension_numbers<[1], [0], [0], [1], [0, 0, 1, 1], [], []>, transpose_lhs_hint = false} : vector<1600x544xbf16>, vector<544x128xbf16>, vector<1600x128xf32> -> vector<1600x128xf32>
    %swap3A_37 = arith.constant 1 : index
    %swap3A_38 = arith.constant 0 : index
    %swap3A_39 = arith.constant 0 : index
    %swap3A_40 = vector.load %arg10[%swap3A_37, %swap3A_38, %swap3A_39] : memref<2x1600x128xf32, #tpu.memory_space<vmem>>, vector<1x1600x128xf32>
    %swap3A_41 = vector.shape_cast %swap3A_40 : vector<1x1600x128xf32> to vector<1600x128xf32>
    %swap3A_42 = vector.shape_cast %dot_general3A_36 : vector<1600x128xf32> to vector<1x1600x128xf32>
    tpu.vector_store %arg10[%swap3A_37, %swap3A_38, %swap3A_39], %swap3A_42 {strides = array<i32>} : memref<2x1600x128xf32, #tpu.memory_space<vmem>>, vector<1x1600x128xf32>,
    %get3A_43 = arith.constant 0 : index
    %get3A_44 = arith.constant 0 : index
    %get3A_45 = vector.load %arg8[%get3A_43, %get3A_44] : memref<544x128xbf16, #tpu.memory_space<vmem>>, vector<544x128xbf16>
    %dot_general3A_46 = arith.constant dense<0.000000e+00> : vector<1600x128xf32>
    %dot_general3A_47 = tpu.matmul %convert_element_type3A_21, %get3A_45, %dot_general3A_46 {dimension_numbers = #tpu.dot_dimension_numbers<[1], [0], [0], [1], [0, 0, 1, 1], [], []>, transpose_lhs_hint = false} : vector<1600x544xbf16>, vector<544x128xbf16>, vector<1600x128xf32> -> vector<1600x128xf32>
    %get3A_48 = arith.constant 0 : index
    %get3A_49 = vector.load %arg9[%get3A_48] : memref<128xf32, #tpu.memory_space<vmem>>, vector<128xf32>
    %broadcast_in_dim3A_50 = vector.shape_cast %get3A_49 : vector<128xf32> to vector<1x128xf32>
    %add3A_51 = vector.broadcast %broadcast_in_dim3A_50 : vector<1x128xf32> to vector<1600x128xf32>
    %add3A_52 = arith.addf %dot_general3A_47, %add3A_51 : vector<1600x128xf32>
    %swap3A_53 = arith.constant 0 : index
    %swap3A_54 = arith.constant 0 : index
    %swap3A_55 = vector.load %arg11[%swap3A_53, %swap3A_54] : memref<1600x128xf32, #tpu.memory_space<vmem>>, vector<1600x128xf32>
    tpu.vector_store %arg11[%swap3A_53, %swap3A_54], %add3A_52 {strides = array<i32>} : memref<1600x128xf32, #tpu.memory_space<vmem>>, vector<1600x128xf32>,
    return
  }
  func.func @transform_0(%arg0: i32) -> (i32, i32) {
    %c0_i32 = arith.constant 0 : i32
    %c0_i32_0 = arith.constant 0 : i32
    return %arg0, %c0_i32 : i32, i32
  }
  func.func @transform_1(%arg0: i32) -> (i32, i32) {
    %add3A = arith.constant 0 : i32
    %add3A_0 = arith.addi %arg0, %add3A : i32
    %c0_i32 = arith.constant 0 : i32
    %c0_i32_1 = arith.constant 0 : i32
    return %add3A_0, %c0_i32 : i32, i32
  }
  func.func @transform_2(%arg0: i32) -> (i32, i32) {
    %c0_i32 = arith.constant 0 : i32
    %c0_i32_0 = arith.constant 0 : i32
    %c0_i32_1 = arith.constant 0 : i32
    return %c0_i32, %c0_i32_0 : i32, i32
  }
  func.func @transform_3(%arg0: i32) -> (i32, i32) {
    %c0_i32 = arith.constant 0 : i32
    %c0_i32_0 = arith.constant 0 : i32
    %c0_i32_1 = arith.constant 0 : i32
    return %c0_i32, %c0_i32_0 : i32, i32
  }
  func.func @transform_4(%arg0: i32) -> i32 {
    %c0_i32 = arith.constant 0 : i32
    %c0_i32_0 = arith.constant 0 : i32
    return %c0_i32 : i32
  }
  func.func @transform_5(%arg0: i32) -> (i32, i32) {
    %c0_i32 = arith.constant 0 : i32
    %c0_i32_0 = arith.constant 0 : i32
    %c0_i32_1 = arith.constant 0 : i32
    return %c0_i32, %c0_i32_0 : i32, i32
  }
  func.func @transform_6(%arg0: i32) -> (i32, i32) {
    %c0_i32 = arith.constant 0 : i32
    %c0_i32_0 = arith.constant 0 : i32
    %c0_i32_1 = arith.constant 0 : i32
    return %c0_i32, %c0_i32_0 : i32, i32
  }
  func.func @transform_7(%arg0: i32) -> (i32, i32) {
    %c0_i32 = arith.constant 0 : i32
    %c0_i32_0 = arith.constant 0 : i32
    %c0_i32_1 = arith.constant 0 : i32
    return %c0_i32, %c0_i32_0 : i32, i32
  }
  func.func @transform_8(%arg0: i32) -> i32 {
    %c0_i32 = arith.constant 0 : i32
    %c0_i32_0 = arith.constant 0 : i32
    return %c0_i32 : i32
  }
  func.func @transform_9(%arg0: i32) -> (i32, i32, i32) {
    %c0_i32 = arith.constant 0 : i32
    %c0_i32_0 = arith.constant 0 : i32
    %c0_i32_1 = arith.constant 0 : i32
    return %c0_i32, %arg0, %c0_i32_0 : i32, i32, i32
  }
  func.func @transform_10(%arg0: i32) -> (i32, i32) {
    %c0_i32 = arith.constant 0 : i32
    %c0_i32_0 = arith.constant 0 : i32
    return %arg0, %c0_i32 : i32, i32
  }
}

module attributes {stable_mosaic.version = 14 : i64} {
  func.func @_node_block(%arg0: i32, %arg1: memref<1000x256xf32, #tpu.memory_space<vmem>>, %arg2: memref<1000x256xf32, #tpu.memory_space<vmem>>, %arg3: memref<1000x256xf32, #tpu.memory_space<vmem>>, %arg4: memref<2x1000x128xf32, #tpu.memory_space<vmem>>, %arg5: memref<2x1000x128xf32, #tpu.memory_space<vmem>>, %arg6: memref<256x272xf32, #tpu.memory_space<vmem>>, %arg7: memref<272xf32, #tpu.memory_space<vmem>>, %arg8: memref<272xf32, #tpu.memory_space<vmem>>, %arg9: memref<272x256xf32, #tpu.memory_space<vmem>>, %arg10: memref<256xf32, #tpu.memory_space<vmem>>, %arg11: memref<1000x256xf32, #tpu.memory_space<vmem>>) attributes {dimension_semantics = [#tpu.dimension_semantics<arbitrary>], iteration_bounds = array<i64: 10>, scalar_prefetch = 0 : i64, scratch_operands = 0 : i64, tpu.core_type = #tpu.core_type<tc>, window_params = [{transform_indices = @transform_0, window_bounds = array<i64: 1000, 256>}, {transform_indices = @transform_1, window_bounds = array<i64: 1000, 256>}, {transform_indices = @transform_2, window_bounds = array<i64: 1000, 256>}, {transform_indices = @transform_3, window_bounds = array<i64: 2, 1000, 128>}, {transform_indices = @transform_4, window_bounds = array<i64: 2, 1000, 128>}, {pipeline_mode = #tpu.pipeline_mode<synchronous>, transform_indices = @transform_5, window_bounds = array<i64: 256, 272>}, {pipeline_mode = #tpu.pipeline_mode<synchronous>, transform_indices = @transform_6, window_bounds = array<i64: 272>}, {pipeline_mode = #tpu.pipeline_mode<synchronous>, transform_indices = @transform_7, window_bounds = array<i64: 272>}, {pipeline_mode = #tpu.pipeline_mode<synchronous>, transform_indices = @transform_8, window_bounds = array<i64: 272, 256>}, {pipeline_mode = #tpu.pipeline_mode<synchronous>, transform_indices = @transform_9, window_bounds = array<i64: 256>}, {transform_indices = @transform_10, window_bounds = array<i64: 1000, 256>}]} {
    %get3A = arith.constant 0 : index
    %get3A_0 = arith.constant 0 : index
    %get3A_1 = arith.constant 0 : index
    %get3A_2 = vector.load %arg4[%get3A, %get3A_0, %get3A_1] : memref<2x1000x128xf32, #tpu.memory_space<vmem>>, vector<1x1000x128xf32>
    %get3A_3 = vector.shape_cast %get3A_2 : vector<1x1000x128xf32> to vector<1000x128xf32>
    %get3A_4 = arith.constant 1 : index
    %get3A_5 = arith.constant 0 : index
    %get3A_6 = arith.constant 0 : index
    %get3A_7 = vector.load %arg4[%get3A_4, %get3A_5, %get3A_6] : memref<2x1000x128xf32, #tpu.memory_space<vmem>>, vector<1x1000x128xf32>
    %get3A_8 = vector.shape_cast %get3A_7 : vector<1x1000x128xf32> to vector<1000x128xf32>
    %add3A = arith.addf %get3A_3, %get3A_8 : vector<1000x128xf32>
    %get3A_9 = arith.constant 0 : index
    %get3A_10 = arith.constant 0 : index
    %get3A_11 = arith.constant 0 : index
    %get3A_12 = vector.load %arg5[%get3A_9, %get3A_10, %get3A_11] : memref<2x1000x128xf32, #tpu.memory_space<vmem>>, vector<1x1000x128xf32>
    %get3A_13 = vector.shape_cast %get3A_12 : vector<1x1000x128xf32> to vector<1000x128xf32>
    %add3A_14 = arith.addf %add3A, %get3A_13 : vector<1000x128xf32>
    %get3A_15 = arith.constant 1 : index
    %get3A_16 = arith.constant 0 : index
    %get3A_17 = arith.constant 0 : index
    %get3A_18 = vector.load %arg5[%get3A_15, %get3A_16, %get3A_17] : memref<2x1000x128xf32, #tpu.memory_space<vmem>>, vector<1x1000x128xf32>
    %get3A_19 = vector.shape_cast %get3A_18 : vector<1x1000x128xf32> to vector<1000x128xf32>
    %add3A_20 = arith.addf %add3A_14, %get3A_19 : vector<1000x128xf32>
    %slice3A = vector.extract_strided_slice %add3A_20 {offsets = [0, 16], sizes = [1000, 1], strides = [1, 1]} : vector<1000x128xf32> to vector<1000x1xf32>
    %max3A = arith.constant 1.000000e+00 : f32
    %max3A_21 = vector.broadcast %max3A : f32 to vector<1000x1xf32>
    %max3A_22 = arith.maximumf %slice3A, %max3A_21 : vector<1000x1xf32>
    %get3A_23 = arith.constant 0 : index
    %get3A_24 = arith.constant 0 : index
    %get3A_25 = vector.load %arg2[%get3A_23, %get3A_24] : memref<1000x256xf32, #tpu.memory_space<vmem>>, vector<1000x256xf32>
    %get3A_26 = arith.constant 0 : index
    %get3A_27 = arith.constant 0 : index
    %get3A_28 = vector.load %arg3[%get3A_26, %get3A_27] : memref<1000x256xf32, #tpu.memory_space<vmem>>, vector<1000x256xf32>
    %add3A_29 = arith.addf %get3A_25, %get3A_28 : vector<1000x256xf32>
    %slice3A_30 = vector.extract_strided_slice %add3A_20 {offsets = [0, 0], sizes = [1000, 16], strides = [1, 1]} : vector<1000x128xf32> to vector<1000x16xf32>
    %concatenate3A = tpu.concatenate %add3A_29, %slice3A_30 in 1 : vector<1000x256xf32>, vector<1000x16xf32> -> vector<1000x272xf32>
    %div3A = vector.broadcast %max3A_22 : vector<1000x1xf32> to vector<1000x272xf32>
    %div3A_31 = arith.divf %concatenate3A, %div3A : vector<1000x272xf32>
    %gt3A = arith.constant 0.000000e+00 : f32
    %gt3A_32 = vector.broadcast %gt3A : f32 to vector<1000x1xf32>
    %gt3A_33 = arith.cmpf ogt, %slice3A, %gt3A_32 : vector<1000x1xf32>
    %get3A_34 = arith.constant 0 : index
    %get3A_35 = vector.load %arg8[%get3A_34] : memref<272xf32, #tpu.memory_space<vmem>>, vector<272xf32>
    %broadcast_in_dim3A = vector.shape_cast %get3A_35 : vector<272xf32> to vector<1x272xf32>
    %jit3A = arith.constant 0.000000e+00 : f32
    %broadcast_in_dim3A_36 = vector.shape_cast %gt3A_33 : vector<1000x1xi1> to vector<1000x1xi1>
    %broadcast_in_dim3A_37 = vector.broadcast %broadcast_in_dim3A_36 : vector<1000x1xi1> to vector<1000x272xi1>
    %broadcast_in_dim3A_38 = vector.shape_cast %broadcast_in_dim3A : vector<1x272xf32> to vector<1x272xf32>
    %broadcast_in_dim3A_39 = vector.broadcast %broadcast_in_dim3A_38 : vector<1x272xf32> to vector<1000x272xf32>
    %broadcast_in_dim3A_40 = vector.broadcast %jit3A : f32 to vector<1000x272xf32>
    %select_n3A = arith.select %broadcast_in_dim3A_37, %broadcast_in_dim3A_39, %broadcast_in_dim3A_40 : vector<1000x272xi1>, vector<1000x272xf32>
    %add3A_41 = arith.addf %div3A_31, %select_n3A : vector<1000x272xf32>
    %get3A_42 = arith.constant 0 : index
    %get3A_43 = arith.constant 0 : index
    %get3A_44 = vector.load %arg1[%get3A_42, %get3A_43] : memref<1000x256xf32, #tpu.memory_space<vmem>>, vector<1000x256xf32>
    %get3A_45 = arith.constant 0 : index
    %get3A_46 = arith.constant 0 : index
    %get3A_47 = vector.load %arg6[%get3A_45, %get3A_46] : memref<256x272xf32, #tpu.memory_space<vmem>>, vector<256x272xf32>
    %dot_general3A = arith.constant dense<0.000000e+00> : vector<1000x272xf32>
    %dot_general3A_48 = tpu.matmul %get3A_44, %get3A_47, %dot_general3A {dimension_numbers = #tpu.dot_dimension_numbers<[1], [0], [0], [1], [0, 0, 1, 1], [], []>, transpose_lhs_hint = false} : vector<1000x256xf32>, vector<256x272xf32>, vector<1000x272xf32> -> vector<1000x272xf32>
    %add3A_49 = arith.addf %dot_general3A_48, %add3A_41 : vector<1000x272xf32>
    %get3A_50 = arith.constant 0 : index
    %get3A_51 = vector.load %arg7[%get3A_50] : memref<272xf32, #tpu.memory_space<vmem>>, vector<272xf32>
    %broadcast_in_dim3A_52 = vector.shape_cast %get3A_51 : vector<272xf32> to vector<1x272xf32>
    %add3A_53 = vector.broadcast %broadcast_in_dim3A_52 : vector<1x272xf32> to vector<1000x272xf32>
    %add3A_54 = arith.addf %add3A_49, %add3A_53 : vector<1000x272xf32>
    %max3A_55 = arith.constant 0.000000e+00 : f32
    %max3A_56 = vector.broadcast %max3A_55 : f32 to vector<1000x272xf32>
    %max3A_57 = arith.maximumf %add3A_54, %max3A_56 : vector<1000x272xf32>
    %get3A_58 = arith.constant 0 : index
    %get3A_59 = arith.constant 0 : index
    %get3A_60 = vector.load %arg9[%get3A_58, %get3A_59] : memref<272x256xf32, #tpu.memory_space<vmem>>, vector<272x256xf32>
    %dot_general3A_61 = arith.constant dense<0.000000e+00> : vector<1000x256xf32>
    %dot_general3A_62 = tpu.matmul %max3A_57, %get3A_60, %dot_general3A_61 {dimension_numbers = #tpu.dot_dimension_numbers<[1], [0], [0], [1], [0, 0, 1, 1], [], []>, transpose_lhs_hint = false} : vector<1000x272xf32>, vector<272x256xf32>, vector<1000x256xf32> -> vector<1000x256xf32>
    %get3A_63 = arith.constant 0 : index
    %get3A_64 = vector.load %arg10[%get3A_63] : memref<256xf32, #tpu.memory_space<vmem>>, vector<256xf32>
    %broadcast_in_dim3A_65 = vector.shape_cast %get3A_64 : vector<256xf32> to vector<1x256xf32>
    %add3A_66 = vector.broadcast %broadcast_in_dim3A_65 : vector<1x256xf32> to vector<1000x256xf32>
    %add3A_67 = arith.addf %dot_general3A_62, %add3A_66 : vector<1000x256xf32>
    %swap3A = arith.constant 0 : index
    %swap3A_68 = arith.constant 0 : index
    %swap3A_69 = vector.load %arg11[%swap3A, %swap3A_68] : memref<1000x256xf32, #tpu.memory_space<vmem>>, vector<1000x256xf32>
    tpu.vector_store %arg11[%swap3A, %swap3A_68], %add3A_67 {strides = array<i32>} : memref<1000x256xf32, #tpu.memory_space<vmem>>, vector<1000x256xf32>,
    return
  }
  func.func @transform_0(%arg0: i32) -> (i32, i32) {
    %c0_i32 = arith.constant 0 : i32
    %c0_i32_0 = arith.constant 0 : i32
    return %arg0, %c0_i32 : i32, i32
  }
  func.func @transform_1(%arg0: i32) -> (i32, i32) {
    %c0_i32 = arith.constant 0 : i32
    %c0_i32_0 = arith.constant 0 : i32
    return %arg0, %c0_i32 : i32, i32
  }
  func.func @transform_2(%arg0: i32) -> (i32, i32) {
    %c0_i32 = arith.constant 0 : i32
    %c0_i32_0 = arith.constant 0 : i32
    return %arg0, %c0_i32 : i32, i32
  }
  func.func @transform_3(%arg0: i32) -> (i32, i32, i32) {
    %c0_i32 = arith.constant 0 : i32
    %c0_i32_0 = arith.constant 0 : i32
    %c0_i32_1 = arith.constant 0 : i32
    return %c0_i32, %arg0, %c0_i32_0 : i32, i32, i32
  }
  func.func @transform_4(%arg0: i32) -> (i32, i32, i32) {
    %c0_i32 = arith.constant 0 : i32
    %c0_i32_0 = arith.constant 0 : i32
    %c0_i32_1 = arith.constant 0 : i32
    return %c0_i32, %arg0, %c0_i32_0 : i32, i32, i32
  }
  func.func @transform_5(%arg0: i32) -> (i32, i32) {
    %c0_i32 = arith.constant 0 : i32
    %c0_i32_0 = arith.constant 0 : i32
    %c0_i32_1 = arith.constant 0 : i32
    return %c0_i32, %c0_i32_0 : i32, i32
  }
  func.func @transform_6(%arg0: i32) -> i32 {
    %c0_i32 = arith.constant 0 : i32
    %c0_i32_0 = arith.constant 0 : i32
    return %c0_i32 : i32
  }
  func.func @transform_7(%arg0: i32) -> i32 {
    %c0_i32 = arith.constant 0 : i32
    %c0_i32_0 = arith.constant 0 : i32
    return %c0_i32 : i32
  }
  func.func @transform_8(%arg0: i32) -> (i32, i32) {
    %c0_i32 = arith.constant 0 : i32
    %c0_i32_0 = arith.constant 0 : i32
    %c0_i32_1 = arith.constant 0 : i32
    return %c0_i32, %c0_i32_0 : i32, i32
  }
  func.func @transform_9(%arg0: i32) -> i32 {
    %c0_i32 = arith.constant 0 : i32
    %c0_i32_0 = arith.constant 0 : i32
    return %c0_i32 : i32
  }
  func.func @transform_10(%arg0: i32) -> (i32, i32) {
    %c0_i32 = arith.constant 0 : i32
    %c0_i32_0 = arith.constant 0 : i32
    return %arg0, %c0_i32 : i32, i32
  }
}

</mosaic_0001>

<sc_bundles>
// kernel: kernel.11.cloned.1.call-start
scs
__scs_entry_jumppad:
0x0: {  	(pc) =	sbr.rel $0x88, $3  }
0x1: {  	(tag) =	ssettag $0x0;
	lr =	simm.s32 $0x1  }
0x2: {  	[smem:$0x3F96] =	sst lr;
	_ =	strace $0xD0000000  }
0x3: {  	_ = 	snop  }
0x4: {  	_ = 	snop  }
0x5: {  	_ = 	snop  }
0x6: {  	_ = 	snop  }
0x7: {  	_ = 	snop  }
__scs_overlays_trampoline_lowered:
0x8: {  	[smem:$0x3FA5] =	sst s0  }
0x9: {  	[smem:$0x3FA6] =	sst s1  }
0xa: {  	[smem:$0x3FA7] =	sst s2  }
0xb: {  	[smem:$0x3FA8] =	sst s3  }
0xc: {  	[smem:$0x3FA9] =	sst s4  }
0xd: {  	[smem:$0x3FAA] =	sst s5  }
0xe: {  	[smem:$0x3FAB] =	sst s6  }
0xf: {  	[smem:$0x3FAC] =	sst s7  }
0x10: {  	[smem:$0x3FAD] =	sst s8  }
0x11: {  	[smem:$0x3FAE] =	sst s9;
	s0 =	simm.s32 @!p0 $0x0  }
0x12: {  	s1 =	sld [smem:$0x3F94];
	s0 =	simm.s32 @p0 $0x1  }
0x13: {  	[smem:$0x3FAF] =	sst s0;
	s0 =	simm.s32 @!p1 $0x0  }
0x14: {  	s2 =	sld [smem:$0x3F93];
	s0 =	simm.s32 @p1 $0x1  }
0x15: {  	[smem:$0x3FB0] =	sst s0;
	s0 =	simm.s32 @!p2 $0x0  }
0x16: {  	s3 =	sld [smem:$0x3FDB];
	s0 =	simm.s32 @p2 $0x1  }
0x17: {  	s4 =	simm.s32 $0x1BF5;
	[smem:$0x3FB2] =	sst s0  }
0x18: {  	s0 =	sld [smem:$0x3F95];
	_ =	swait.ge [sflag:s4], $0x0  }
0x19: {  	s7 =	sld [smem:$0x3F96]  }
0x1a: {  	s8 =	sadd.s32 $0xFFFFE003, lr  }
0x1b: {  	s9 =	sadd.s32 $0xFFFFFEF7, lr;
	s5 =	simm.s32 $0xFFFFFFFF;
	p2 =	slt.u32 s8, $0xFFFFF086  }
0x1c: {  	p1 =	slt.u32 s9, $0xF7A;
	s5 =	simm.s32 @!p2 $0x0  }
0x1d: {  	s5 =	simm.s32 @p1 $0x1;
	p0 =	seq.s32 s7, s2  }
0x1e: {  	s7 =	smul.u32 @!p0 $0xF7A, s2;
	p2 =	seq.s32 @!p0 s5, $0x0  }
0x1f: {  	s9 =	smul.u32 $0xF7A, s1;
	s8 =	simm.s32 @!p0 $0x1BF5;
	p2 =	por !p2, p0  }
0x20: {  	[sflag:s8] =	ssyncset.s32 @!p0 $0xFFFFF086;
	s6 =	sadd.s32 @!p0 s3, s7;
	s7 =	simm.s32 @!p0 $0x108  }
0x21: {  	s3 =	sadd.s32 s3, s9;
	s6 =	sadd.s32 @!p0 $0x88, s6;
	s7 =	simm.s32 @p2 $0x1082  }
0x22: {  	[simem:s7], [sflag:s8] =	dma.local @!p0 [hbm:s6], $0xF7A  }
0x23: {  	s9 =	sor.u32 $0xD0000000, s2;
	s6 =	simm.s32 $0x108;
	_ =	swait.ge @!p0 [sflag:s8], $0x0  }
0x24: {  	s3 =	sadd.s32 $0x88, s3;
	s6 =	simm.s32 @!p1 $0x1082;
	[sflag:s4] =	ssyncset.s32 $0xFFFFF086  }
0x25: {  	[simem:s6], [sflag:s4] =	dma.local [hbm:s3], $0xF7A  }
0x26: {  	[smem:$0x3F96] =	sst s1;
	(tag) =	ssettag s2;
	_ =	strace s9  }
0x27: {  	s1 =	sld [smem:$0x3FA6]  }
0x28: {  	s2 =	sld [smem:$0x3FA7]  }
0x29: {  	s4 =	sld [smem:$0x3FA9]  }
0x2a: {  	p0 =	seq.s32 s5, $0x0;
	s5 =	sld [smem:$0x3FAA]  }
0x2b: {  	s6 =	sld [smem:$0x3FAB]  }
0x2c: {  	s7 =	sld [smem:$0x3FAC]  }
0x2d: {  	s3 =	simm.s32 $0x108;
	s8 =	sld [smem:$0x3FAD]  }
0x2e: {  	s3 =	simm.s32 @!p0 $0x1082;
	s9 =	sld [smem:$0x3FAE]  }
0x2f: {  	lr =	sadd.s32 s0, s3;
	s0 =	sld [smem:$0x3FA5]  }
0x30: {  	s3 =	sld [smem:$0x3FA8]  }
0x31: {  	[smem:$0x3FB1] =	sst s10  }
0x32: {  	s10 =	sld [smem:$0x3FAF];
	_ =	sdelay $0x3  }
0x33: {  	p0 =	seq.s32 s10, $0x1;
	s10 =	sld [smem:$0x3FB1];
	_ =	sdelay $0x3  }
0x34: {  	[smem:$0x3FB1] =	sst s10  }
0x35: {  	s10 =	sld [smem:$0x3FB0];
	_ =	sdelay $0x3  }
0x36: {  	p1 =	seq.s32 s10, $0x1;
	s10 =	sld [smem:$0x3FB1];
	_ =	sdelay $0x3  }
0x37: {  	[smem:$0x3FB1] =	sst s10  }
0x38: {  	s10 =	sld [smem:$0x3FB2]  }
0x39: {  	_ = 	snop;
	(pc) =	sbr.ind lr, $3  }
0x3a: {  	_ = 	snop  }
0x3b: {  	_ = 	snop  }
0x3c: {  	p2 =	seq.s32 s10, $0x1;
	s10 =	sld [smem:$0x3FB1]  }
0x3d: {  	_ =	shalt  }
0x3e: {  	_ =	shalt  }
0x3f: {  	_ =	shalt  }
0x40: {  	_ =	shalt  }
0x41: {  	_ =	shalt  }
0x42: {  	_ =	shalt  }
0x43: {  	_ =	shalt  }
0x44: {  	_ =	shalt  }
0x45: {  	_ =	shalt  }
0x46: {  	_ =	shalt  }
0x47: {  	_ =	shalt  }
0x48: {  	_ =	shalt  }
0x49: {  	_ =	shalt  }
0x4a: {  	_ =	shalt  }
0x4b: {  	_ =	shalt  }
0x4c: {  	_ =	shalt  }
0x4d: {  	_ =	shalt  }
0x4e: {  	_ =	shalt  }
0x4f: {  	_ =	shalt  }
0x50: {  	_ =	shalt  }
0x51: {  	_ =	shalt  }
0x52: {  	_ =	shalt  }
0x53: {  	_ =	shalt  }
0x54: {  	_ =	shalt  }
0x55: {  	_ =	shalt  }
0x56: {  	_ =	shalt  }
0x57: {  	_ =	shalt  }
0x58: {  	_ =	shalt  }
0x59: {  	_ =	shalt  }
0x5a: {  	_ =	shalt  }
0x5b: {  	_ =	shalt  }
0x5c: {  	_ =	shalt  }
0x5d: {  	_ =	shalt  }
0x5e: {  	_ =	shalt  }
0x5f: {  	_ =	shalt  }
0x60: {  	_ =	shalt  }
0x61: {  	_ =	shalt  }
0x62: {  	_ =	shalt  }
0x63: {  	_ =	shalt  }
0x64: {  	_ =	shalt  }
0x65: {  	_ =	shalt  }
0x66: {  	_ =	shalt  }
0x67: {  	_ =	shalt  }
0x68: {  	_ =	shalt  }
0x69: {  	_ =	shalt  }
0x6a: {  	_ =	shalt  }
0x6b: {  	_ =	shalt  }
0x6c: {  	_ =	shalt  }
0x6d: {  	_ =	shalt  }
0x6e: {  	_ =	shalt  }
0x6f: {  	_ =	shalt  }
0x70: {  	_ =	shalt  }
0x71: {  	_ =	shalt  }
0x72: {  	_ =	shalt  }
0x73: {  	_ =	shalt  }
0x74: {  	_ =	shalt  }
0x75: {  	_ =	shalt  }
0x76: {  	_ =	shalt  }
0x77: {  	_ =	shalt  }
0x78: {  	_ =	shalt  }
0x79: {  	_ =	shalt  }
0x7a: {  	_ =	shalt  }
0x7b: {  	_ =	shalt  }
0x7c: {  	_ =	shalt  }
0x7d: {  	_ =	shalt  }
0x7e: {  	_ =	shalt  }
0x7f: {  	_ =	shalt  }
0x80: {  	_ =	shalt  }
0x81: {  	_ =	shalt  }
0x82: {  	_ =	shalt  }
0x83: {  	_ =	shalt  }
0x84: {  	_ =	shalt  }
0x85: {  	_ =	shalt  }
0x86: {  	_ =	shalt  }
0x87: {  	_ =	shalt  }
.Lfunc_end0:
.L_simem_size_0:
called_computation_lowered:
.L_overlay_start_0:
0x88: {  	s2 =	sld [smem:$0x3FD9]  }
0x89: {  	s3 =	sld [smem:$0x3FFE];
	_ =	sdelay $0x1  }
0x8a: {  	s1 =	srdreg.scid  }
0x8b: {  	s0 =	sand.u32 $0x1, s1  }
0x8c: {  	s17 =	sshll.u32 s0, $0xA;
	s2 =	sadd.s32 s3, s2  }
0x8d: {  	s2 =	sadd.s32 s2, s17  }
0x8e: {  	[smem:$0x3FBD] =	sst s2  }
0x8f: {  	_ = 	snop  }
0x90: {  	s18 =	sld [smem:$0x3FC9];
	(tm) =	ssettm $0x1  }
0x91: {  	s19 =	sld [smem:$0x3FFB];
	_ =	sdelay $0x3  }
0x92: {  	_ =	strace s19  }
0x93: {  	s2 =	sld [smem:$0x3FFC];
	_ =	sdelay $0x3  }
0x94: {  	_ =	strace s2  }
0x95: {  	s2 =	sld [smem:$0x3FFD];
	_ =	sdelay $0x3  }
0x96: {  	_ =	strace s2  }
0x97: {  	_ =	strace $0x8FFFFFFF  }
0x98: {  	s20 =	sld [smem:$0x3FDB];
	_ =	sdelay $0x1  }
0x99: {  	s4 =	simm.s32 $_scs_section_size  }
0x9a: {  	s5 =	simm.s32 $_size__tile_overlayer_lowered;
	s6 =	simm.s32 $_tile_overlayer_lowered  }
0x9b: {  	s7 =	simm.s32 $0x1BFF;
	s21 =	sshll.u32 s6, $0x1;
	s4 =	sadd.s32 s4, s20  }
0x9c: {  	s22 =	simm.s32 $0x0;
	s5 =	sshll.u32 s5, $0x1;
	s6 =	sadd.s32 s21, s4  }
0x9d: {  	[timem:s22], [sflag:s7] =	dma.local [hbm:s6], s5  }
0x9e: {  	_ =	swait.ge [sflag:s7], s5  }
0x9f: {  	s5 =	ssub.s32 $0x0, s5;
	[sflag:s7] =	ssyncset.done $0x0  }
0xa0: {  	[sflag:s7] =	ssyncadd.s32 s5;
	_ =	sdelay $0x1  }
0xa1: {  	s23 =	simm.s32 $0x1B8B  }
0xa2: {  	_ =	swait.ge [sflag:s23], $0x1  }
0xa3: {  	[sflag:s23] =	ssyncset.done $0x0  }
0xa4: {  	[sflag:s23] =	ssyncadd.s32 $0xFFFFFFFF  }
0xa5: {  	s5 =	sld [smem:$0x0]  }
0xa6: {  	s6 =	sand.u32 $0xFFFFFFFE, s1  }
0xa7: {  	p0 =	sne.s32 s1, s6  }
0xa8: {  	s6 =	sshll.u32 @p0 s6, $0xE  }
0xa9: {  	s6 =	sadd.s32 @p0 $0x11B8D, s6;
	s7 =	sshll.u32 @p0 s5, $0x11  }
0xaa: {  	s6 =	sor.u32 @p0 s7, s6  }
0xab: {  	[sflag:s6] =	ssyncadd.remote.s32 @p0 $0x1;
	_ =	sdelay $0x1  }
0xac: {  	s6 =	simm.s32 @p0 $0x1B8D  }
0xad: {  	_ =	swait.eq @p0 [sflag:s6], $0x1  }
0xae: {  	[sflag:s6] =	ssyncadd.s32 @p0 $0xFFFFFFFF  }
0xaf: {  	s7 =	sshll.u32 @!p0 s1, $0xE  }
0xb0: {  	s7 =	sor.u32 @!p0 $0x4000, s7;
	s6 =	simm.s32 @!p0 $0x1B8D  }
0xb1: {  	s5 =	sshll.u32 @!p0 s5, $0x11;
	s7 =	sadd.s32 @!p0 $0x11B8D, s7;
	_ =	swait.eq @!p0 [sflag:s6], $0x1  }
0xb2: {  	s5 =	sor.u32 @!p0 s5, s7;
	[sflag:s6] =	ssyncadd.s32 @!p0 $0xFFFFFFFF  }
0xb3: {  	s25 =	simm.s32 $0x1B8E;
	s24 =	sld [smem:$0x3FFE];
	[sflag:s5] =	ssyncadd.remote.s32 @!p0 $0x1  }
0xb4: {  	s26 =	simm.s32 $execute0_lowered;
	[smem:$0x3FD2] =	sst s25  }
0xb5: {  	s6 =	sshll.u32 s26, $0x1;
	_ =	strace $0x80000049;
	[dreg:$0x1] =	wrdreg $0xFFFFFFFF  }
0xb6: {  	s28 =	simm.s32 $_size_execute0_lowered;
	s4 =	sadd.s32 s4, s6;
	[dreg:$0x0] =	wrdreg $0x0  }
0xb7: {  	s6 =	sshll.u32 s28, $0x1;
	[dreg:$0x2] =	wrdreg s4  }
0xb8: {  	[dreg:$0x3] =	wrdreg s6  }
0xb9: {  	[dreg:$0x4] =	wrdreg $0xC0  }
0xba: {  	_ =	task [dreg:s22], $0x5FFFF  }
0xbb: {  	[dreg:$0x1] =	wrdreg $0xFFFFFFFF  }
0xbc: {  	[dreg:$0x0] =	wrdreg $0x60  }
0xbd: {  	[dreg:$0x2] =	wrdreg s18  }
0xbe: {  	[dreg:$0x3] =	wrdreg s24  }
0xbf: {  	[dreg:$0x4] =	wrdreg $0xB  }
0xc0: {  	_ =	task.clear_ibuf [dreg:s22], $0x5FFFF;
	_ =	strace $0x90000049  }
0xc1: {  	s29 =	simm.s32 $0xB;
	_ =	strace $0x8000004B  }
0xc2: {  	_ =	swait.ge [sflag:s29], $0x1  }
0xc3: {  	[sflag:s29] =	ssyncadd.s32 $0xFFFFFFFF  }
0xc4: {  	_ =	strace $0x9000004B  }
0xc5: {  	_ =	sfence  }
0xc6: {  	s30 =	sld [smem:$0x0];
	_ =	sdelay $0x2  }
0xc7: {  	s31 =	sshll.u32 s1, $0xD;
	s1 =	sshrl.u32 s1, $0x2  }
0xc8: {  	s4 =	sand.u32 $0x4000, s31;
	s1 =	sadd.s32 s1, s30  }
0xc9: {  	s0 =	sor.u32 s4, s0;
	s1 =	sshll.u32 s1, $0x11  }
0xca: {  	s0 =	sor.u32 s1, s0  }
0xcb: {  	s0 =	sadd.s32 $0x8F2B, s0  }
0xcc: {  	[sflag:s0] =	ssyncadd.remote.s32 $0x1  }
0xcd: {  	_ =	sfence.sel $0xFFFF  }
0xce: {  	[dreg:$0x0] =	wrdreg $0xFFFFFFFF;
	(pc) =	sbr.abs _section_cstart, $3  }
0xcf: {  	[dreg:$0x1] =	wrdreg $0xFFFFFFFF  }
0xd0: {  	_ =	task.clear_ibuf [dreg:s22], $0x2FFFF;
	_ =	strace $0x9FFFFFFF  }
0xd1: {  	(tm) =	ssettm $0x7FFFFFFF  }
tec
execute0_lowered:
.L_overlay_start_1:
0x0: {  	(tag) =	ssettag $0x1  }
0x1: {  	s1 =	rddreg [dreg:$0x0]  }
0x2: {  	s0 =	rddreg [dreg:$0x1]  }
0x3: {  	s2 =	srdreg.scid;
	s3 =	simm.s32 $0x0;
	s11 =	stileid.u32  }
0x4: {  	s12 =	simm.s32 $0x1;
	s30 =	simm.s32 $0x2;
	s31 =	simm.s32 $0x8100  }
0x5: {  	s13 =	simm.s32 $0xC100;
	s14 =	simm.s32 $0xC900;
	s15 =	simm.s32 $0xD100  }
0x6: {  	s16 =	simm.s32 $0xD900;
	s17 =	simm.s32 $0xE100;
	s18 =	simm.s32 $0xE900  }
0x7: {  	s19 =	simm.s32 $0xF100;
	s20 =	simm.s32 $0xF900;
	s2 =	sand.u32 $0x1, s2  }
0x8: {  	[smem:$0x7FF] =	sst s3;
	s4 =	sshll.u32 s11, $0x1;
	s7 =	sadd.s32 $0x277200, s0  }
0x9: {  	s25 =	sshll.u32 s11, $0x5;
	s26 =	sshll.u32 s11, $0xD;
	s11 =	simm.s32 $0xB900  }
0xa: {  	s5 =	ssub.s32 $0x2, s2;
	_ =	strace $0x8000004A;
	s4 =	sor.u32 s2, s4  }
0xb: {  	s10 =	sshll.u32 s2, $0x4;
	s2 =	sshll.u32 s2, $0xC;
	s6 =	sshrl.u32 s5, $0x1  }
0xc: {  	s9 =	sshll.u32 s4, $0x4;
	s8 =	ssub.s32 $0x2B1, s4;
	s28 =	sor.u32 s2, s26  }
0xd: {  	s2 =	simm.s32 $0x9100;
	s6 =	ssub.s32 s5, s6;
	s5 =	sadd.s32 $0x27C200, s0  }
0xe: {  	s22 =	sadd.s32 s7, s9;
	s24 =	sor.u32 $0x400, s9;
	[dreg:$0x6] =	wrdreg s28  }
0xf: {  	s9 =	sor.u32 $0x200, s9;
	[dreg:$0x3] =	wrdreg s22;
	s23 =	smax.u32 s6, $0x1  }
0x10: {  	s0 =	sand.u32 $0x580, s24;
	s6 =	sor.u32 s10, s25;
	s9 =	sand.u32 $0x380, s9  }
.Ltmp0:
0x11: {  	s10 =	simm.s32 $0xB100;
	s22 =	simm.s32 $0x0;
	(pc) =	sbr.rel .LBB2_1-.Ltmp0, $4  }
0x12: {  	[dreg:$0x4] =	wrdreg s23;
	s0 =	sadd.s32 s0, s7;
	s6 =	sand.u32 $0x70, s6  }
0x13: {  	v2 =	vlaneseq.u32;
	s29 =	sadd.s32 s9, s7;
	s7 =	simm.s32 $0xA100;
	s0 =	sadd.s32 s6, s0  }
0x14: {  	vm0 =	vmmov $0xffff;
	v1 =	vshrl.u32 v2, $0x3;
	s9 =	simm.s32 $0xA900;
	[dreg:$0x5] =	wrdreg s0;
	s0 =	sadd.s32 s6, s29  }
0x15: {  	v0 =	vand.u32 $0x7, v2;
	v2 =	vor.u32 $0x8, v2;
	v1 =	vmul.u32 $0x8, v1;
	s6 =	simm.s32 $0x9900;
	[dreg:$0x7] =	wrdreg s0;
	s0 =	simm.s32 $0x8900  }
.LBB2_7:
0x16: {  	s22 =	rddreg [dreg:$0x8]  }
0x17: {  	s21 =	rddreg [dreg:$0x4];
	s22 =	sadd.s32 $0x1, s22  }
0x18: {  	p0 =	sne.s32 s22, s21  }
.Ltmp1:
0x19: {  	_ = 	snop;
	(pc) =	sbr.rel @!p0 .LBB2_8-.Ltmp1, $1  }
0x1a: {  	_ =	sdelay $0x3  }
.LBB2_1:
0x1b: {  	[dreg:$0x8] =	wrdreg s22  }
.Ltmp2:
0x1c: {  	s21 =	rddreg [dreg:$0x3];
	(pc) =	sbr.rel .LBB2_2-.Ltmp2, $4  }
0x1d: {  	s22 =	rddreg [dreg:$0x6]  }
0x1e: {  	s23 =	rddreg [dreg:$0x5]  }
0x1f: {  	[tilespmem:s3], [sflag:$0x1] =	stream.linear.gather [hbm4b:s21+s3], $0x80, $0x38;
	[tilespmem:$0x10100] =	vst v63  }
0x20: {  	s24 =	simm.s32 $0x0;
	s21 =	rddreg [dreg:$0x7]  }
.LBB2_6:
0x21: {  	s26 =	simm.s32 @!p0 $0x3  }
0x22: {  	_ =	swait.ge @!p0 [sflag:s26], $0x8000  }
0x23: {  	s28 =	simm.s32 @!p0 $0x0;
	s29 =	simm.s32 @!p0 $0x100;
	[sflag:s26] =	ssyncset.done @!p0 $0x0  }
0x24: {  	s25 =	sadd.s32 $0x40, s25;
	[sflag:s26] =	ssyncadd.s32 @!p0 $0xFFFF8000;
	s26 =	sadd.s32 @!p0 s22, s5  }
0x25: {  	[hbm4b:s26+s28] =	stream.linear.scatter @!p0 [tilespmem:s29], [sflag:$0x5], $0x8000, $0x38;
	[tilespmem:$0x10100] =	vst v63  }
0x26: {  	p0 =	sgt.u32 s25, $0x270  }
0x27: {  	s24 =	sadd.s32 $0x40, s24;
	s25 =	simm.s32 @!p0 $0x0  }
0x28: {  	[tilespmem:s25], [sflag:$0x1] =	stream.linear.gather @!p0 [hbm4b:s23+s25], $0x80, $0x38;
	[tilespmem:$0x10100] =	vst v63  }
0x29: {  	p0 =	sne.s32 s24, $0x300  }
.Ltmp3:
0x2a: {  	_ = 	snop;
	(pc) =	sbr.rel @!p0 .LBB2_7-.Ltmp3, $2  }
0x2b: {  	_ =	sdelay $0x2  }
0x2c: {  	s21 =	sadd.s32 $0x400, s21;
	s22 =	sadd.s32 $0x40000, s22;
	s23 =	sadd.s32 $0x400, s23  }
.LBB2_2:
0x2d: {  	p0 =	seq.s32 s24, $0x0  }
0x2e: {  	s25 =	sadd.s32 s24, s4;
	p1 =	sge.u32 @!p0 s24, s8  }
0x2f: {  	p1 =	por p1, p0;
	p0 =	sgt.u32 s25, $0x270  }
.Ltmp4:
0x30: {  	_ = 	snop;
	(pc) =	sbr.rel @p0 .LBB2_4-.Ltmp4, $4  }
0x31: {  	s26 =	simm.s32 @!p1 $0x5  }
0x32: {  	_ =	swait.ge @!p1 [sflag:s26], $0x8000  }
0x33: {  	[sflag:s26] =	ssyncset.done @!p1 $0x0  }
0x34: {  	[sflag:s26] =	ssyncadd.s32 @!p1 $0xFFFF8000  }
0x35: {  	_ =	swait.ge [sflag:s12], $0x80  }
0x36: {  	[sflag:s12] =	ssyncset.done $0x0  }
0x37: {  	[sflag:s12] =	ssyncadd.s32 $0xFFFFFF80  }
0x38: {  	v3 =	vld [tilespmem:$0x0];
	_ =	sdelay $0x4  }
0x39: {  	v4 =	vshll.u32 v3, $0x1  }
0x3a: {  	v3 =	vand.u32 $0x7, v3;
	v4 =	vand.u32 $0xFFFFFFF0, v4  }
0x3b: {  	v3 =	vor.u32 v3, v4  }
0x3c: {  	v4 =	vperm.xlane v3, v0;
	_ =	sdelay $0x1  }
0x3d: {  	v3 =	vperm.xlane v3, v2;
	v4 =	vadd.s32 v1, v4;
	_ =	sdelay $0x1  }
0x3e: {  	v3 =	vadd.s32 v1, v3;
	_ =	sdelay $0x1  }
0x3f: {  	s26 =	simm.s32 $0x100  }
0x40: {  	[tilespmem:s26], [sflag:$0x3] =	stream.indirect_vreg.gather [hbm4b:s1+s3], $0x80, v4, vm0, $0xb8;
	[tilespmem:$0x10100] =	vst v63  }
0x41: {  	s29 =	simm.s32 $0x900  }
0x42: {  	[tilespmem:s29], [sflag:$0x3] =	stream.indirect_vreg.gather [hbm4b:s1+s3], $0x80, v3, vm0, $0xb8;
	[tilespmem:$0x10100] =	vst v63  }
0x43: {  	v3 =	vld [tilespmem:$0x10];
	_ =	sdelay $0x4  }
0x44: {  	v57 =	vshll.u32 v3, $0x1  }
0x45: {  	v3 =	vand.u32 $0x7, v3;
	v4 =	vand.u32 $0xFFFFFFF0, v57  }
0x46: {  	v3 =	vor.u32 v3, v4  }
0x47: {  	v4 =	vperm.xlane v3, v0;
	_ =	sdelay $0x1  }
0x48: {  	v3 =	vperm.xlane v3, v2;
	v4 =	vadd.s32 v1, v4;
	_ =	sdelay $0x1  }
0x49: {  	v3 =	vadd.s32 v1, v3;
	_ =	sdelay $0x1  }
0x4a: {  	s28 =	simm.s32 $0x1100  }
0x4b: {  	[tilespmem:s28], [sflag:$0x3] =	stream.indirect_vreg.gather [hbm4b:s1+s3], $0x80, v4, vm0, $0xb8;
	[tilespmem:$0x10100] =	vst v63  }
0x4c: {  	s29 =	simm.s32 $0x1900  }
0x4d: {  	[tilespmem:s29], [sflag:$0x3] =	stream.indirect_vreg.gather [hbm4b:s1+s3], $0x80, v3, vm0, $0xb8;
	[tilespmem:$0x10100] =	vst v63  }
0x4e: {  	v3 =	vld [tilespmem:$0x20];
	_ =	sdelay $0x4  }
0x4f: {  	v58 =	vshll.u32 v3, $0x1  }
0x50: {  	v3 =	vand.u32 $0x7, v3;
	v4 =	vand.u32 $0xFFFFFFF0, v58  }
0x51: {  	v3 =	vor.u32 v3, v4  }
0x52: {  	v4 =	vperm.xlane v3, v0;
	_ =	sdelay $0x1  }
0x53: {  	v3 =	vperm.xlane v3, v2;
	v4 =	vadd.s32 v1, v4;
	_ =	sdelay $0x1  }
0x54: {  	v3 =	vadd.s32 v1, v3;
	_ =	sdelay $0x1  }
0x55: {  	s28 =	simm.s32 $0x2100  }
0x56: {  	[tilespmem:s28], [sflag:$0x3] =	stream.indirect_vreg.gather [hbm4b:s1+s3], $0x80, v4, vm0, $0xb8;
	[tilespmem:$0x10100] =	vst v63  }
0x57: {  	s29 =	simm.s32 $0x2900  }
0x58: {  	[tilespmem:s29], [sflag:$0x3] =	stream.indirect_vreg.gather [hbm4b:s1+s3], $0x80, v3, vm0, $0xb8;
	[tilespmem:$0x10100] =	vst v63  }
0x59: {  	v3 =	vld [tilespmem:$0x30];
	_ =	sdelay $0x4  }
0x5a: {  	v59 =	vshll.u32 v3, $0x1  }
0x5b: {  	v3 =	vand.u32 $0x7, v3;
	v4 =	vand.u32 $0xFFFFFFF0, v59  }
0x5c: {  	v3 =	vor.u32 v3, v4  }
0x5d: {  	v4 =	vperm.xlane v3, v0;
	_ =	sdelay $0x1  }
0x5e: {  	v3 =	vperm.xlane v3, v2;
	v4 =	vadd.s32 v1, v4;
	_ =	sdelay $0x1  }
0x5f: {  	v3 =	vadd.s32 v1, v3;
	_ =	sdelay $0x1  }
0x60: {  	s28 =	simm.s32 $0x3100  }
0x61: {  	[tilespmem:s28], [sflag:$0x3] =	stream.indirect_vreg.gather [hbm4b:s1+s3], $0x80, v4, vm0, $0xb8;
	[tilespmem:$0x10100] =	vst v63  }
0x62: {  	s29 =	simm.s32 $0x3900  }
0x63: {  	[tilespmem:s29], [sflag:$0x3] =	stream.indirect_vreg.gather [hbm4b:s1+s3], $0x80, v3, vm0, $0xb8;
	[tilespmem:$0x10100] =	vst v63  }
0x64: {  	v3 =	vld [tilespmem:$0x40];
	_ =	sdelay $0x4  }
0x65: {  	v60 =	vshll.u32 v3, $0x1  }
0x66: {  	v3 =	vand.u32 $0x7, v3;
	v4 =	vand.u32 $0xFFFFFFF0, v60  }
0x67: {  	v3 =	vor.u32 v3, v4  }
0x68: {  	v4 =	vperm.xlane v3, v0;
	_ =	sdelay $0x1  }
0x69: {  	v3 =	vperm.xlane v3, v2;
	v4 =	vadd.s32 v1, v4;
	_ =	sdelay $0x1  }
0x6a: {  	v3 =	vadd.s32 v1, v3;
	_ =	sdelay $0x1  }
0x6b: {  	s28 =	simm.s32 $0x4100  }
0x6c: {  	[tilespmem:s28], [sflag:$0x3] =	stream.indirect_vreg.gather [hbm4b:s1+s3], $0x80, v4, vm0, $0xb8;
	[tilespmem:$0x10100] =	vst v63  }
0x6d: {  	s29 =	simm.s32 $0x4900  }
0x6e: {  	[tilespmem:s29], [sflag:$0x3] =	stream.indirect_vreg.gather [hbm4b:s1+s3], $0x80, v3, vm0, $0xb8;
	[tilespmem:$0x10100] =	vst v63  }
0x6f: {  	v3 =	vld [tilespmem:$0x50];
	_ =	sdelay $0x4  }
0x70: {  	v61 =	vshll.u32 v3, $0x1  }
0x71: {  	v3 =	vand.u32 $0x7, v3;
	v4 =	vand.u32 $0xFFFFFFF0, v61  }
0x72: {  	v3 =	vor.u32 v3, v4  }
0x73: {  	v4 =	vperm.xlane v3, v0;
	_ =	sdelay $0x1  }
0x74: {  	v3 =	vperm.xlane v3, v2;
	v4 =	vadd.s32 v1, v4;
	_ =	sdelay $0x1  }
0x75: {  	v3 =	vadd.s32 v1, v3;
	_ =	sdelay $0x1  }
0x76: {  	s28 =	simm.s32 $0x5100  }
0x77: {  	[tilespmem:s28], [sflag:$0x3] =	stream.indirect_vreg.gather [hbm4b:s1+s3], $0x80, v4, vm0, $0xb8;
	[tilespmem:$0x10100] =	vst v63  }
0x78: {  	s29 =	simm.s32 $0x5900  }
0x79: {  	[tilespmem:s29], [sflag:$0x3] =	stream.indirect_vreg.gather [hbm4b:s1+s3], $0x80, v3, vm0, $0xb8;
	[tilespmem:$0x10100] =	vst v63  }
0x7a: {  	v3 =	vld [tilespmem:$0x60];
	_ =	sdelay $0x4  }
0x7b: {  	v62 =	vshll.u32 v3, $0x1  }
0x7c: {  	v3 =	vand.u32 $0x7, v3;
	v4 =	vand.u32 $0xFFFFFFF0, v62  }
0x7d: {  	v3 =	vor.u32 v3, v4  }
0x7e: {  	v4 =	vperm.xlane v3, v0;
	_ =	sdelay $0x1  }
0x7f: {  	v3 =	vperm.xlane v3, v2;
	v4 =	vadd.s32 v1, v4;
	_ =	sdelay $0x1  }
0x80: {  	v3 =	vadd.s32 v1, v3;
	_ =	sdelay $0x1  }
0x81: {  	s28 =	simm.s32 $0x6100  }
0x82: {  	[tilespmem:s28], [sflag:$0x3] =	stream.indirect_vreg.gather [hbm4b:s1+s3], $0x80, v4, vm0, $0xb8;
	[tilespmem:$0x10100] =	vst v63  }
0x83: {  	s29 =	simm.s32 $0x6900  }
0x84: {  	[tilespmem:s29], [sflag:$0x3] =	stream.indirect_vreg.gather [hbm4b:s1+s3], $0x80, v3, vm0, $0xb8;
	[tilespmem:$0x10100] =	vst v63  }
0x85: {  	v3 =	vld [tilespmem:$0x70];
	_ =	sdelay $0x4  }
0x86: {  	v63 =	vshll.u32 v3, $0x1  }
0x87: {  	v3 =	vand.u32 $0x7, v3;
	v4 =	vand.u32 $0xFFFFFFF0, v63  }
0x88: {  	v3 =	vor.u32 v3, v4  }
0x89: {  	v4 =	vperm.xlane v3, v0;
	_ =	sdelay $0x1  }
0x8a: {  	v3 =	vperm.xlane v3, v2;
	v4 =	vadd.s32 v1, v4;
	_ =	sdelay $0x1  }
0x8b: {  	v3 =	vadd.s32 v1, v3;
	_ =	sdelay $0x1  }
0x8c: {  	s28 =	simm.s32 $0x7100  }
0x8d: {  	[tilespmem:s28], [sflag:$0x3] =	stream.indirect_vreg.gather [hbm4b:s1+s3], $0x80, v4, vm0, $0xb8;
	[tilespmem:$0x10100] =	vst v63  }
0x8e: {  	s29 =	simm.s32 $0x7900  }
0x8f: {  	[tilespmem:s29], [sflag:$0x3] =	stream.indirect_vreg.gather [hbm4b:s1+s3], $0x80, v3, vm0, $0xb8;
	[tilespmem:$0x10100] =	vst v63  }
.LBB2_4:
0x90: {  	s26 =	sadd.s32 $0xFFFFFFE0, s25  }
0x91: {  	p1 =	sne.s32 s24, $0x0;
	p2 =	slt.s32 s26, $0x271  }
0x92: {  	p1 =	por !p1, !p2  }
0x93: {  	p1 =	por !p1, !p1  }
0x94: {  	s26 =	simm.s32 @p1 $0x4  }
0x95: {  	_ =	swait.ge @p1 [sflag:s26], $0x8000  }
0x96: {  	s28 =	sadd.s32 @p1 $0xFFFE0000, s22;
	[sflag:s26] =	ssyncset.done @p1 $0x0  }
0x97: {  	[sflag:s26] =	ssyncadd.s32 @p1 $0xFFFF8000;
	s26 =	sand.u32 @p1 $0x1FFFF000, s28  }
0x98: {  	s29 =	simm.s32 @p1 $0x8100;
	s28 =	simm.s32 @p1 $0x0;
	s26 =	sadd.s32 @p1 s5, s26  }
0x99: {  	[hbm4b:s26+s28] =	stream.linear.scatter @p1 [tilespmem:s29], [sflag:$0x6], $0x8000, $0x38;
	[tilespmem:$0x10100] =	vst v63  }
0x9a: {  	s29 =	sadd.s32 $0x20, s25  }
0x9b: {  	p2 =	sgt.u32 s29, $0x270  }
0x9c: {  	s26 =	simm.s32 @!p2 $0x0;
	s28 =	simm.s32 @!p2 $0x80  }
0x9d: {  	[tilespmem:s28], [sflag:$0x2] =	stream.linear.gather @!p2 [hbm4b:s21+s26], $0x80, $0x38;
	[tilespmem:$0x10100] =	vst v63  }
.Ltmp5:
0x9e: {  	_ = 	snop;
	(pc) =	sbr.rel @p2 .LBB2_6-.Ltmp5, $4  }
0x9f: {  	s26 =	simm.s32 @p1 $0x6  }
0xa0: {  	_ =	swait.ge @p1 [sflag:s26], $0x8000  }
0xa1: {  	[sflag:s26] =	ssyncset.done @p1 $0x0  }
0xa2: {  	[sflag:s26] =	ssyncadd.s32 @p1 $0xFFFF8000  }
0xa3: {  	_ =	swait.ge [sflag:s30], $0x80  }
0xa4: {  	[sflag:s30] =	ssyncset.done $0x0  }
0xa5: {  	[sflag:s30] =	ssyncadd.s32 $0xFFFFFF80  }
0xa6: {  	v3 =	vld [tilespmem:$0x80];
	_ =	sdelay $0x4  }
0xa7: {  	v4 =	vshll.u32 v3, $0x1  }
0xa8: {  	v3 =	vand.u32 $0x7, v3;
	v4 =	vand.u32 $0xFFFFFFF0, v4  }
0xa9: {  	v3 =	vor.u32 v3, v4  }
0xaa: {  	v4 =	vperm.xlane v3, v0;
	_ =	sdelay $0x1  }
0xab: {  	v3 =	vperm.xlane v3, v2;
	v4 =	vadd.s32 v1, v4;
	_ =	sdelay $0x1  }
0xac: {  	v3 =	vadd.s32 v1, v3;
	_ =	sdelay $0x2  }
0xad: {  	[tilespmem:s31], [sflag:$0x4] =	stream.indirect_vreg.gather [hbm4b:s1+s3], $0x80, v4, vm0, $0xb8;
	[tilespmem:$0x10100] =	vst v63  }
0xae: {  	_ = 	snop  }
0xaf: {  	[tilespmem:s0], [sflag:$0x4] =	stream.indirect_vreg.gather [hbm4b:s1+s3], $0x80, v3, vm0, $0xb8;
	[tilespmem:$0x10100] =	vst v63  }
0xb0: {  	v3 =	vld [tilespmem:$0x90];
	_ =	sdelay $0x4  }
0xb1: {  	v57 =	vshll.u32 v3, $0x1  }
0xb2: {  	v3 =	vand.u32 $0x7, v3;
	v4 =	vand.u32 $0xFFFFFFF0, v57  }
0xb3: {  	v3 =	vor.u32 v3, v4  }
0xb4: {  	v4 =	vperm.xlane v3, v0;
	_ =	sdelay $0x1  }
0xb5: {  	v3 =	vperm.xlane v3, v2;
	v4 =	vadd.s32 v1, v4;
	_ =	sdelay $0x1  }
0xb6: {  	v3 =	vadd.s32 v1, v3;
	_ =	sdelay $0x2  }
0xb7: {  	[tilespmem:s2], [sflag:$0x4] =	stream.indirect_vreg.gather [hbm4b:s1+s3], $0x80, v4, vm0, $0xb8;
	[tilespmem:$0x10100] =	vst v63  }
0xb8: {  	_ = 	snop  }
0xb9: {  	[tilespmem:s6], [sflag:$0x4] =	stream.indirect_vreg.gather [hbm4b:s1+s3], $0x80, v3, vm0, $0xb8;
	[tilespmem:$0x10100] =	vst v63  }
0xba: {  	v3 =	vld [tilespmem:$0xA0];
	_ =	sdelay $0x4  }
0xbb: {  	v58 =	vshll.u32 v3, $0x1  }
0xbc: {  	v3 =	vand.u32 $0x7, v3;
	v4 =	vand.u32 $0xFFFFFFF0, v58  }
0xbd: {  	v3 =	vor.u32 v3, v4  }
0xbe: {  	v4 =	vperm.xlane v3, v0;
	_ =	sdelay $0x1  }
0xbf: {  	v3 =	vperm.xlane v3, v2;
	v4 =	vadd.s32 v1, v4;
	_ =	sdelay $0x1  }
0xc0: {  	v3 =	vadd.s32 v1, v3;
	_ =	sdelay $0x2  }
0xc1: {  	[tilespmem:s7], [sflag:$0x4] =	stream.indirect_vreg.gather [hbm4b:s1+s3], $0x80, v4, vm0, $0xb8;
	[tilespmem:$0x10100] =	vst v63  }
0xc2: {  	_ = 	snop  }
0xc3: {  	[tilespmem:s9], [sflag:$0x4] =	stream.indirect_vreg.gather [hbm4b:s1+s3], $0x80, v3, vm0, $0xb8;
	[tilespmem:$0x10100] =	vst v63  }
0xc4: {  	v3 =	vld [tilespmem:$0xB0];
	_ =	sdelay $0x4  }
0xc5: {  	v59 =	vshll.u32 v3, $0x1  }
0xc6: {  	v3 =	vand.u32 $0x7, v3;
	v4 =	vand.u32 $0xFFFFFFF0, v59  }
0xc7: {  	v3 =	vor.u32 v3, v4  }
0xc8: {  	v4 =	vperm.xlane v3, v0;
	_ =	sdelay $0x1  }
0xc9: {  	v3 =	vperm.xlane v3, v2;
	v4 =	vadd.s32 v1, v4;
	_ =	sdelay $0x1  }
0xca: {  	v3 =	vadd.s32 v1, v3;
	_ =	sdelay $0x2  }
0xcb: {  	[tilespmem:s10], [sflag:$0x4] =	stream.indirect_vreg.gather [hbm4b:s1+s3], $0x80, v4, vm0, $0xb8;
	[tilespmem:$0x10100] =	vst v63  }
0xcc: {  	_ = 	snop  }
0xcd: {  	[tilespmem:s11], [sflag:$0x4] =	stream.indirect_vreg.gather [hbm4b:s1+s3], $0x80, v3, vm0, $0xb8;
	[tilespmem:$0x10100] =	vst v63  }
0xce: {  	v3 =	vld [tilespmem:$0xC0];
	_ =	sdelay $0x4  }
0xcf: {  	v60 =	vshll.u32 v3, $0x1  }
0xd0: {  	v3 =	vand.u32 $0x7, v3;
	v4 =	vand.u32 $0xFFFFFFF0, v60  }
0xd1: {  	v3 =	vor.u32 v3, v4  }
0xd2: {  	v4 =	vperm.xlane v3, v0;
	_ =	sdelay $0x1  }
0xd3: {  	v3 =	vperm.xlane v3, v2;
	v4 =	vadd.s32 v1, v4;
	_ =	sdelay $0x1  }
0xd4: {  	v3 =	vadd.s32 v1, v3;
	_ =	sdelay $0x2  }
0xd5: {  	[tilespmem:s13], [sflag:$0x4] =	stream.indirect_vreg.gather [hbm4b:s1+s3], $0x80, v4, vm0, $0xb8;
	[tilespmem:$0x10100] =	vst v63  }
0xd6: {  	_ = 	snop  }
0xd7: {  	[tilespmem:s14], [sflag:$0x4] =	stream.indirect_vreg.gather [hbm4b:s1+s3], $0x80, v3, vm0, $0xb8;
	[tilespmem:$0x10100] =	vst v63  }
0xd8: {  	v3 =	vld [tilespmem:$0xD0];
	_ =	sdelay $0x4  }
0xd9: {  	v61 =	vshll.u32 v3, $0x1  }
0xda: {  	v3 =	vand.u32 $0x7, v3;
	v4 =	vand.u32 $0xFFFFFFF0, v61  }
0xdb: {  	v3 =	vor.u32 v3, v4  }
0xdc: {  	v4 =	vperm.xlane v3, v0;
	_ =	sdelay $0x1  }
0xdd: {  	v3 =	vperm.xlane v3, v2;
	v4 =	vadd.s32 v1, v4;
	_ =	sdelay $0x1  }
0xde: {  	v3 =	vadd.s32 v1, v3;
	_ =	sdelay $0x2  }
0xdf: {  	[tilespmem:s15], [sflag:$0x4] =	stream.indirect_vreg.gather [hbm4b:s1+s3], $0x80, v4, vm0, $0xb8;
	[tilespmem:$0x10100] =	vst v63  }
0xe0: {  	_ = 	snop  }
0xe1: {  	[tilespmem:s16], [sflag:$0x4] =	stream.indirect_vreg.gather [hbm4b:s1+s3], $0x80, v3, vm0, $0xb8;
	[tilespmem:$0x10100] =	vst v63  }
0xe2: {  	v3 =	vld [tilespmem:$0xE0];
	_ =	sdelay $0x4  }
0xe3: {  	v62 =	vshll.u32 v3, $0x1  }
0xe4: {  	v3 =	vand.u32 $0x7, v3;
	v4 =	vand.u32 $0xFFFFFFF0, v62  }
0xe5: {  	v3 =	vor.u32 v3, v4  }
0xe6: {  	v4 =	vperm.xlane v3, v0;
	_ =	sdelay $0x1  }
0xe7: {  	v3 =	vperm.xlane v3, v2;
	v4 =	vadd.s32 v1, v4;
	_ =	sdelay $0x1  }
0xe8: {  	v3 =	vadd.s32 v1, v3;
	_ =	sdelay $0x2  }
0xe9: {  	[tilespmem:s17], [sflag:$0x4] =	stream.indirect_vreg.gather [hbm4b:s1+s3], $0x80, v4, vm0, $0xb8;
	[tilespmem:$0x10100] =	vst v63  }
0xea: {  	_ = 	snop  }
0xeb: {  	[tilespmem:s18], [sflag:$0x4] =	stream.indirect_vreg.gather [hbm4b:s1+s3], $0x80, v3, vm0, $0xb8;
	[tilespmem:$0x10100] =	vst v63  }
0xec: {  	v3 =	vld [tilespmem:$0xF0];
	_ =	sdelay $0x4  }
0xed: {  	v63 =	vshll.u32 v3, $0x1  }
0xee: {  	v3 =	vand.u32 $0x7, v3;
	v4 =	vand.u32 $0xFFFFFFF0, v63  }
0xef: {  	v3 =	vor.u32 v3, v4  }
0xf0: {  	v4 =	vperm.xlane v3, v0;
	_ =	sdelay $0x1  }
0xf1: {  	v3 =	vperm.xlane v3, v2;
	v4 =	vadd.s32 v1, v4;
	_ =	sdelay $0x1  }
0xf2: {  	v3 =	vadd.s32 v1, v3  }
.Ltmp6:
0xf3: {  	_ = 	snop;
	(pc) =	sbr.rel .LBB2_6-.Ltmp6, $4  }
0xf4: {  	_ = 	snop  }
0xf5: {  	[tilespmem:s19], [sflag:$0x4] =	stream.indirect_vreg.gather [hbm4b:s1+s3], $0x80, v4, vm0, $0xb8;
	[tilespmem:$0x10100] =	vst v63  }
0xf6: {  	_ = 	snop  }
0xf7: {  	[tilespmem:s20], [sflag:$0x4] =	stream.indirect_vreg.gather [hbm4b:s1+s3], $0x80, v3, vm0, $0xb8;
	[tilespmem:$0x10100] =	vst v63  }
.LBB2_8:
0xf8: {  	_ =	sfence.sel $0x180000  }
0xf9: {  	[bflag:$0x0] =	sbarrier.arrive $0xFFFF  }
0xfa: {  	_ =	strace $0x9000004A  }
0xfb: {  	s0 =	stileid.u32;
	[bflag:$0x2] =	sbarrier.arrive $0xFFFF  }
0xfc: {  	p0 =	sne.s32 s0, $0x0;
	s0 =	rddreg [dreg:$0x2]  }
0xfd: {  	s0 =	sadd.s32 @!p0 $0x100000, s0  }
0xfe: {  	[sflag:s0] =	ssyncadd.tile.s32 @!p0 $0x1;
	_ =	shalt  }
.Lfunc_end2:
_tile_overlayer_lowered:
.L_overlay_start_2:
0xff: {  	(tag) =	ssettag $0x2  }
0x100: {  	s0 =	rddreg [dreg:$0x0];
	s2 =	stileid.u32  }
0x101: {  	s1 =	rddreg [dreg:$0x1];
	p0 =	sne.s32 s2, $0x0  }
0x102: {  	s3 =	rddreg [dreg:$0x2];
	[bflag:$0x3] =	sbarrier.arrive $0xFFFF;
	s2 =	simm.s32 @!p0 $0x1C07  }
0x103: {  	[timem:s3], [sflag:s2] =	dma.local @!p0 [hbm:s0], s1  }
0x104: {  	s0 =	simm.s32 @!p0 $0x7  }
0x105: {  	_ =	swait.ge @!p0 [sflag:s0], s1  }
0x106: {  	s1 =	ssub.s32 @!p0 $0x0, s1;
	[sflag:s0] =	ssyncset.done @!p0 $0x0  }
0x107: {  	[sflag:s0] =	ssyncadd.s32 @!p0 s1  }
0x108: {  	[bflag:$0x3] =	sbarrier.arrive $0xFFFF  }
0x109: {  	_ =	shalt  }

// kernel: kernel.14.cloned.1.call-start
scs
__scs_entry_jumppad:
0x0: {  	(pc) =	sbr.rel $0x88, $3  }
0x1: {  	(tag) =	ssettag $0x0;
	lr =	simm.s32 $0x1  }
0x2: {  	[smem:$0x3F96] =	sst lr;
	_ =	strace $0xD0000000  }
0x3: {  	_ = 	snop  }
0x4: {  	_ = 	snop  }
0x5: {  	_ = 	snop  }
0x6: {  	_ = 	snop  }
0x7: {  	_ = 	snop  }
__scs_overlays_trampoline_lowered:
0x8: {  	[smem:$0x3FA5] =	sst s0  }
0x9: {  	[smem:$0x3FA6] =	sst s1  }
0xa: {  	[smem:$0x3FA7] =	sst s2  }
0xb: {  	[smem:$0x3FA8] =	sst s3  }
0xc: {  	[smem:$0x3FA9] =	sst s4  }
0xd: {  	[smem:$0x3FAA] =	sst s5  }
0xe: {  	[smem:$0x3FAB] =	sst s6  }
0xf: {  	[smem:$0x3FAC] =	sst s7  }
0x10: {  	[smem:$0x3FAD] =	sst s8  }
0x11: {  	[smem:$0x3FAE] =	sst s9;
	s0 =	simm.s32 @!p0 $0x0  }
0x12: {  	s1 =	sld [smem:$0x3F94];
	s0 =	simm.s32 @p0 $0x1  }
0x13: {  	[smem:$0x3FAF] =	sst s0;
	s0 =	simm.s32 @!p1 $0x0  }
0x14: {  	s2 =	sld [smem:$0x3F93];
	s0 =	simm.s32 @p1 $0x1  }
0x15: {  	[smem:$0x3FB0] =	sst s0;
	s0 =	simm.s32 @!p2 $0x0  }
0x16: {  	s3 =	sld [smem:$0x3FDB];
	s0 =	simm.s32 @p2 $0x1  }
0x17: {  	s4 =	simm.s32 $0x1BF5;
	[smem:$0x3FB2] =	sst s0  }
0x18: {  	s0 =	sld [smem:$0x3F95];
	_ =	swait.ge [sflag:s4], $0x0  }
0x19: {  	s7 =	sld [smem:$0x3F96]  }
0x1a: {  	s8 =	sadd.s32 $0xFFFFE003, lr  }
0x1b: {  	s9 =	sadd.s32 $0xFFFFFEF7, lr;
	s5 =	simm.s32 $0xFFFFFFFF;
	p2 =	slt.u32 s8, $0xFFFFF086  }
0x1c: {  	p1 =	slt.u32 s9, $0xF7A;
	s5 =	simm.s32 @!p2 $0x0  }
0x1d: {  	s5 =	simm.s32 @p1 $0x1;
	p0 =	seq.s32 s7, s2  }
0x1e: {  	s7 =	smul.u32 @!p0 $0xF7A, s2;
	p2 =	seq.s32 @!p0 s5, $0x0  }
0x1f: {  	s9 =	smul.u32 $0xF7A, s1;
	s8 =	simm.s32 @!p0 $0x1BF5;
	p2 =	por !p2, p0  }
0x20: {  	[sflag:s8] =	ssyncset.s32 @!p0 $0xFFFFF086;
	s6 =	sadd.s32 @!p0 s3, s7;
	s7 =	simm.s32 @!p0 $0x108  }
0x21: {  	s3 =	sadd.s32 s3, s9;
	s6 =	sadd.s32 @!p0 $0x88, s6;
	s7 =	simm.s32 @p2 $0x1082  }
0x22: {  	[simem:s7], [sflag:s8] =	dma.local @!p0 [hbm:s6], $0xF7A  }
0x23: {  	s9 =	sor.u32 $0xD0000000, s2;
	s6 =	simm.s32 $0x108;
	_ =	swait.ge @!p0 [sflag:s8], $0x0  }
0x24: {  	s3 =	sadd.s32 $0x88, s3;
	s6 =	simm.s32 @!p1 $0x1082;
	[sflag:s4] =	ssyncset.s32 $0xFFFFF086  }
0x25: {  	[simem:s6], [sflag:s4] =	dma.local [hbm:s3], $0xF7A  }
0x26: {  	[smem:$0x3F96] =	sst s1;
	(tag) =	ssettag s2;
	_ =	strace s9  }
0x27: {  	s1 =	sld [smem:$0x3FA6]  }
0x28: {  	s2 =	sld [smem:$0x3FA7]  }
0x29: {  	s4 =	sld [smem:$0x3FA9]  }
0x2a: {  	p0 =	seq.s32 s5, $0x0;
	s5 =	sld [smem:$0x3FAA]  }
0x2b: {  	s6 =	sld [smem:$0x3FAB]  }
0x2c: {  	s7 =	sld [smem:$0x3FAC]  }
0x2d: {  	s3 =	simm.s32 $0x108;
	s8 =	sld [smem:$0x3FAD]  }
0x2e: {  	s3 =	simm.s32 @!p0 $0x1082;
	s9 =	sld [smem:$0x3FAE]  }
0x2f: {  	lr =	sadd.s32 s0, s3;
	s0 =	sld [smem:$0x3FA5]  }
0x30: {  	s3 =	sld [smem:$0x3FA8]  }
0x31: {  	[smem:$0x3FB1] =	sst s10  }
0x32: {  	s10 =	sld [smem:$0x3FAF];
	_ =	sdelay $0x3  }
0x33: {  	p0 =	seq.s32 s10, $0x1;
	s10 =	sld [smem:$0x3FB1];
	_ =	sdelay $0x3  }
0x34: {  	[smem:$0x3FB1] =	sst s10  }
0x35: {  	s10 =	sld [smem:$0x3FB0];
	_ =	sdelay $0x3  }
0x36: {  	p1 =	seq.s32 s10, $0x1;
	s10 =	sld [smem:$0x3FB1];
	_ =	sdelay $0x3  }
0x37: {  	[smem:$0x3FB1] =	sst s10  }
0x38: {  	s10 =	sld [smem:$0x3FB2]  }
0x39: {  	_ = 	snop;
	(pc) =	sbr.ind lr, $3  }
0x3a: {  	_ = 	snop  }
0x3b: {  	_ = 	snop  }
0x3c: {  	p2 =	seq.s32 s10, $0x1;
	s10 =	sld [smem:$0x3FB1]  }
0x3d: {  	_ =	shalt  }
0x3e: {  	_ =	shalt  }
0x3f: {  	_ =	shalt  }
0x40: {  	_ =	shalt  }
0x41: {  	_ =	shalt  }
0x42: {  	_ =	shalt  }
0x43: {  	_ =	shalt  }
0x44: {  	_ =	shalt  }
0x45: {  	_ =	shalt  }
0x46: {  	_ =	shalt  }
0x47: {  	_ =	shalt  }
0x48: {  	_ =	shalt  }
0x49: {  	_ =	shalt  }
0x4a: {  	_ =	shalt  }
0x4b: {  	_ =	shalt  }
0x4c: {  	_ =	shalt  }
0x4d: {  	_ =	shalt  }
0x4e: {  	_ =	shalt  }
0x4f: {  	_ =	shalt  }
0x50: {  	_ =	shalt  }
0x51: {  	_ =	shalt  }
0x52: {  	_ =	shalt  }
0x53: {  	_ =	shalt  }
0x54: {  	_ =	shalt  }
0x55: {  	_ =	shalt  }
0x56: {  	_ =	shalt  }
0x57: {  	_ =	shalt  }
0x58: {  	_ =	shalt  }
0x59: {  	_ =	shalt  }
0x5a: {  	_ =	shalt  }
0x5b: {  	_ =	shalt  }
0x5c: {  	_ =	shalt  }
0x5d: {  	_ =	shalt  }
0x5e: {  	_ =	shalt  }
0x5f: {  	_ =	shalt  }
0x60: {  	_ =	shalt  }
0x61: {  	_ =	shalt  }
0x62: {  	_ =	shalt  }
0x63: {  	_ =	shalt  }
0x64: {  	_ =	shalt  }
0x65: {  	_ =	shalt  }
0x66: {  	_ =	shalt  }
0x67: {  	_ =	shalt  }
0x68: {  	_ =	shalt  }
0x69: {  	_ =	shalt  }
0x6a: {  	_ =	shalt  }
0x6b: {  	_ =	shalt  }
0x6c: {  	_ =	shalt  }
0x6d: {  	_ =	shalt  }
0x6e: {  	_ =	shalt  }
0x6f: {  	_ =	shalt  }
0x70: {  	_ =	shalt  }
0x71: {  	_ =	shalt  }
0x72: {  	_ =	shalt  }
0x73: {  	_ =	shalt  }
0x74: {  	_ =	shalt  }
0x75: {  	_ =	shalt  }
0x76: {  	_ =	shalt  }
0x77: {  	_ =	shalt  }
0x78: {  	_ =	shalt  }
0x79: {  	_ =	shalt  }
0x7a: {  	_ =	shalt  }
0x7b: {  	_ =	shalt  }
0x7c: {  	_ =	shalt  }
0x7d: {  	_ =	shalt  }
0x7e: {  	_ =	shalt  }
0x7f: {  	_ =	shalt  }
0x80: {  	_ =	shalt  }
0x81: {  	_ =	shalt  }
0x82: {  	_ =	shalt  }
0x83: {  	_ =	shalt  }
0x84: {  	_ =	shalt  }
0x85: {  	_ =	shalt  }
0x86: {  	_ =	shalt  }
0x87: {  	_ =	shalt  }
.Lfunc_end0:
.L_simem_size_0:
called_computation.1_lowered:
.L_overlay_start_0:
0x88: {  	s2 =	sld [smem:$0x3FD9]  }
0x89: {  	s3 =	sld [smem:$0x3FFE];
	_ =	sdelay $0x1  }
0x8a: {  	s1 =	srdreg.scid  }
0x8b: {  	s0 =	sand.u32 $0x1, s1  }
0x8c: {  	s17 =	sshll.u32 s0, $0xA;
	s2 =	sadd.s32 s3, s2  }
0x8d: {  	s2 =	sadd.s32 s2, s17  }
0x8e: {  	[smem:$0x3FBD] =	sst s2  }
0x8f: {  	_ = 	snop  }
0x90: {  	s2 =	sld [smem:$0x3FC9];
	(tm) =	ssettm $0x1  }
0x91: {  	s18 =	sld [smem:$0x3FFB];
	_ =	sdelay $0x3  }
0x92: {  	_ =	strace s18  }
0x93: {  	s3 =	sld [smem:$0x3FFC];
	_ =	sdelay $0x3  }
0x94: {  	_ =	strace s3  }
0x95: {  	s3 =	sld [smem:$0x3FFD];
	_ =	sdelay $0x3  }
0x96: {  	_ =	strace s3  }
0x97: {  	_ =	strace $0x8FFFFFFF  }
0x98: {  	s19 =	sld [smem:$0x3FDB];
	_ =	sdelay $0x1  }
0x99: {  	s4 =	simm.s32 $_scs_section_size  }
0x9a: {  	s5 =	simm.s32 $_size__tile_overlayer_lowered;
	s6 =	simm.s32 $_tile_overlayer_lowered  }
0x9b: {  	s22 =	simm.s32 $0x1BFF;
	s21 =	sshll.u32 s6, $0x1;
	s3 =	sadd.s32 s4, s19  }
0x9c: {  	s7 =	simm.s32 $0x0;
	s20 =	sshll.u32 s5, $0x1;
	s5 =	sadd.s32 s21, s3  }
0x9d: {  	[timem:s7], [sflag:s22] =	dma.local [hbm:s5], s20  }
0x9e: {  	_ =	swait.ge [sflag:s22], s20  }
0x9f: {  	s4 =	ssub.s32 $0x0, s20;
	[sflag:s22] =	ssyncset.done $0x0  }
0xa0: {  	[sflag:s22] =	ssyncadd.s32 s4;
	_ =	sdelay $0x1  }
0xa1: {  	s23 =	simm.s32 $0x1B8B  }
0xa2: {  	_ =	swait.ge [sflag:s23], $0x1  }
0xa3: {  	[sflag:s23] =	ssyncset.done $0x0  }
0xa4: {  	s25 =	simm.s32 $0x1B8E;
	s24 =	sld [smem:$0x3FFE];
	[sflag:s23] =	ssyncadd.s32 $0xFFFFFFFF  }
0xa5: {  	s26 =	simm.s32 $execute0_lowered;
	[smem:$0x3FD2] =	sst s25  }
0xa6: {  	s5 =	sshll.u32 s26, $0x1;
	_ =	strace $0x80000046;
	[dreg:$0x1] =	wrdreg $0xFFFFFFFF  }
0xa7: {  	s28 =	simm.s32 $_size_execute0_lowered;
	s3 =	sadd.s32 s3, s5;
	[dreg:$0x0] =	wrdreg $0x0  }
0xa8: {  	s5 =	sshll.u32 s28, $0x1;
	[dreg:$0x2] =	wrdreg s3  }
0xa9: {  	[dreg:$0x3] =	wrdreg s5  }
0xaa: {  	[dreg:$0x4] =	wrdreg $0xC0  }
0xab: {  	_ =	task [dreg:s7], $0x5FFFF  }
0xac: {  	[dreg:$0x1] =	wrdreg $0xFFFFFFFF  }
0xad: {  	[dreg:$0x0] =	wrdreg $0x60  }
0xae: {  	[dreg:$0x2] =	wrdreg s2  }
0xaf: {  	[dreg:$0x3] =	wrdreg s24  }
0xb0: {  	[dreg:$0x4] =	wrdreg $0x9  }
0xb1: {  	_ =	task.clear_ibuf [dreg:s7], $0x5FFFF;
	_ =	strace $0x90000046  }
0xb2: {  	s29 =	simm.s32 $0x9;
	_ =	strace $0x80000048  }
0xb3: {  	_ =	swait.ge [sflag:s29], $0x1  }
0xb4: {  	[sflag:s29] =	ssyncadd.s32 $0xFFFFFFFF  }
0xb5: {  	_ =	strace $0x90000048  }
0xb6: {  	_ =	sfence  }
0xb7: {  	s30 =	sld [smem:$0x0];
	_ =	sdelay $0x2  }
0xb8: {  	s31 =	sshll.u32 s1, $0xD;
	s1 =	sshrl.u32 s1, $0x2  }
0xb9: {  	s3 =	sand.u32 $0x4000, s31;
	s1 =	sadd.s32 s1, s30  }
0xba: {  	s0 =	sor.u32 s3, s0;
	s1 =	sshll.u32 s1, $0x11  }
0xbb: {  	s0 =	sor.u32 s1, s0  }
0xbc: {  	s0 =	sadd.s32 $0x8F2B, s0  }
0xbd: {  	[sflag:s0] =	ssyncadd.remote.s32 $0x1  }
0xbe: {  	_ =	sfence.sel $0xFFFF  }
0xbf: {  	[dreg:$0x0] =	wrdreg $0xFFFFFFFF;
	(pc) =	sbr.abs _section_cstart, $3  }
0xc0: {  	[dreg:$0x1] =	wrdreg $0xFFFFFFFF  }
0xc1: {  	_ =	task.clear_ibuf [dreg:s7], $0x2FFFF;
	_ =	strace $0x9FFFFFFF  }
0xc2: {  	(tm) =	ssettm $0x7FFFFFFF  }
0xc3: {  	_ =	shalt  }
tec
execute0_lowered:
.L_overlay_start_1:
0x0: {  	(tag) =	ssettag $0x1  }
0x1: {  	s1 =	rddreg [dreg:$0x0]  }
0x2: {  	s0 =	rddreg [dreg:$0x1]  }
0x3: {  	s2 =	srdreg.scid;
	s3 =	simm.s32 $0x0;
	s11 =	stileid.u32  }
0x4: {  	s12 =	simm.s32 $0x1;
	s30 =	simm.s32 $0x2;
	s31 =	simm.s32 $0x8100  }
0x5: {  	s13 =	simm.s32 $0xC100;
	s14 =	simm.s32 $0xC900;
	s15 =	simm.s32 $0xD100  }
0x6: {  	s16 =	simm.s32 $0xD900;
	s17 =	simm.s32 $0xE100;
	s18 =	simm.s32 $0xE900  }
0x7: {  	s19 =	simm.s32 $0xF100;
	s20 =	simm.s32 $0xF900;
	s2 =	sand.u32 $0x1, s2  }
0x8: {  	[smem:$0x7FF] =	sst s3;
	s4 =	sshll.u32 s11, $0x1;
	s7 =	sadd.s32 $0x3A00, s0  }
0x9: {  	s25 =	sshll.u32 s11, $0x5;
	s26 =	sshll.u32 s11, $0xD;
	s11 =	simm.s32 $0xB900  }
0xa: {  	s5 =	ssub.s32 $0x2, s2;
	_ =	strace $0x80000047;
	s4 =	sor.u32 s2, s4  }
0xb: {  	s10 =	sshll.u32 s2, $0x4;
	s2 =	sshll.u32 s2, $0xC;
	s6 =	sshrl.u32 s5, $0x1  }
0xc: {  	s9 =	sshll.u32 s4, $0x4;
	s8 =	ssub.s32 $0x2B1, s4;
	s28 =	sor.u32 s2, s26  }
0xd: {  	s2 =	simm.s32 $0x9100;
	s6 =	ssub.s32 s5, s6;
	s5 =	sadd.s32 $0x6200, s0  }
0xe: {  	s22 =	sadd.s32 s7, s9;
	s24 =	sor.u32 $0x400, s9;
	[dreg:$0x6] =	wrdreg s28  }
0xf: {  	s9 =	sor.u32 $0x200, s9;
	[dreg:$0x3] =	wrdreg s22;
	s23 =	smax.u32 s6, $0x1  }
0x10: {  	s0 =	sand.u32 $0x580, s24;
	s6 =	sor.u32 s10, s25;
	s9 =	sand.u32 $0x380, s9  }
.Ltmp0:
0x11: {  	s10 =	simm.s32 $0xB100;
	s22 =	simm.s32 $0x0;
	(pc) =	sbr.rel .LBB2_1-.Ltmp0, $4  }
0x12: {  	[dreg:$0x4] =	wrdreg s23;
	s0 =	sadd.s32 s0, s7;
	s6 =	sand.u32 $0x70, s6  }
0x13: {  	v2 =	vlaneseq.u32;
	s29 =	sadd.s32 s9, s7;
	s7 =	simm.s32 $0xA100;
	s0 =	sadd.s32 s6, s0  }
0x14: {  	vm0 =	vmmov $0xffff;
	v1 =	vshrl.u32 v2, $0x3;
	s9 =	simm.s32 $0xA900;
	[dreg:$0x5] =	wrdreg s0;
	s0 =	sadd.s32 s6, s29  }
0x15: {  	v0 =	vand.u32 $0x7, v2;
	v2 =	vor.u32 $0x8, v2;
	v1 =	vmul.u32 $0x8, v1;
	s6 =	simm.s32 $0x9900;
	[dreg:$0x7] =	wrdreg s0;
	s0 =	simm.s32 $0x8900  }
.LBB2_7:
0x16: {  	s22 =	rddreg [dreg:$0x8]  }
0x17: {  	s21 =	rddreg [dreg:$0x4];
	s22 =	sadd.s32 $0x1, s22  }
0x18: {  	p0 =	sne.s32 s22, s21  }
.Ltmp1:
0x19: {  	_ = 	snop;
	(pc) =	sbr.rel @!p0 .LBB2_8-.Ltmp1, $1  }
0x1a: {  	_ =	sdelay $0x3  }
.LBB2_1:
0x1b: {  	[dreg:$0x8] =	wrdreg s22  }
.Ltmp2:
0x1c: {  	s21 =	rddreg [dreg:$0x3];
	(pc) =	sbr.rel .LBB2_2-.Ltmp2, $4  }
0x1d: {  	s22 =	rddreg [dreg:$0x6]  }
0x1e: {  	s23 =	rddreg [dreg:$0x5]  }
0x1f: {  	[tilespmem:s3], [sflag:$0x1] =	stream.linear.gather [hbm4b:s21+s3], $0x80, $0x38;
	[tilespmem:$0x10100] =	vst v63  }
0x20: {  	s24 =	simm.s32 $0x0;
	s21 =	rddreg [dreg:$0x7]  }
.LBB2_6:
0x21: {  	s26 =	simm.s32 @!p0 $0x3  }
0x22: {  	_ =	swait.ge @!p0 [sflag:s26], $0x8000  }
0x23: {  	s28 =	simm.s32 @!p0 $0x0;
	s29 =	simm.s32 @!p0 $0x100;
	[sflag:s26] =	ssyncset.done @!p0 $0x0  }
0x24: {  	s25 =	sadd.s32 $0x40, s25;
	[sflag:s26] =	ssyncadd.s32 @!p0 $0xFFFF8000;
	s26 =	sadd.s32 @!p0 s22, s5  }
0x25: {  	[hbm4b:s26+s28] =	stream.linear.scatter @!p0 [tilespmem:s29], [sflag:$0x5], $0x8000, $0x38;
	[tilespmem:$0x10100] =	vst v63  }
0x26: {  	p0 =	sgt.u32 s25, $0x270  }
0x27: {  	s24 =	sadd.s32 $0x40, s24;
	s25 =	simm.s32 @!p0 $0x0  }
0x28: {  	[tilespmem:s25], [sflag:$0x1] =	stream.linear.gather @!p0 [hbm4b:s23+s25], $0x80, $0x38;
	[tilespmem:$0x10100] =	vst v63  }
0x29: {  	p0 =	sne.s32 s24, $0x300  }
.Ltmp3:
0x2a: {  	_ = 	snop;
	(pc) =	sbr.rel @!p0 .LBB2_7-.Ltmp3, $2  }
0x2b: {  	_ =	sdelay $0x2  }
0x2c: {  	s21 =	sadd.s32 $0x400, s21;
	s22 =	sadd.s32 $0x40000, s22;
	s23 =	sadd.s32 $0x400, s23  }
.LBB2_2:
0x2d: {  	p0 =	seq.s32 s24, $0x0  }
0x2e: {  	s25 =	sadd.s32 s24, s4;
	p1 =	sge.u32 @!p0 s24, s8  }
0x2f: {  	p1 =	por p1, p0;
	p0 =	sgt.u32 s25, $0x270  }
.Ltmp4:
0x30: {  	_ = 	snop;
	(pc) =	sbr.rel @p0 .LBB2_4-.Ltmp4, $4  }
0x31: {  	s26 =	simm.s32 @!p1 $0x5  }
0x32: {  	_ =	swait.ge @!p1 [sflag:s26], $0x8000  }
0x33: {  	[sflag:s26] =	ssyncset.done @!p1 $0x0  }
0x34: {  	[sflag:s26] =	ssyncadd.s32 @!p1 $0xFFFF8000  }
0x35: {  	_ =	swait.ge [sflag:s12], $0x80  }
0x36: {  	[sflag:s12] =	ssyncset.done $0x0  }
0x37: {  	[sflag:s12] =	ssyncadd.s32 $0xFFFFFF80  }
0x38: {  	v3 =	vld [tilespmem:$0x0];
	_ =	sdelay $0x4  }
0x39: {  	v4 =	vshll.u32 v3, $0x1  }
0x3a: {  	v3 =	vand.u32 $0x7, v3;
	v4 =	vand.u32 $0xFFFFFFF0, v4  }
0x3b: {  	v3 =	vor.u32 v3, v4  }
0x3c: {  	v4 =	vperm.xlane v3, v0;
	_ =	sdelay $0x1  }
0x3d: {  	v3 =	vperm.xlane v3, v2;
	v4 =	vadd.s32 v1, v4;
	_ =	sdelay $0x1  }
0x3e: {  	v3 =	vadd.s32 v1, v3;
	_ =	sdelay $0x1  }
0x3f: {  	s26 =	simm.s32 $0x100  }
0x40: {  	[tilespmem:s26], [sflag:$0x3] =	stream.indirect_vreg.gather [hbm4b:s1+s3], $0x80, v4, vm0, $0xb8;
	[tilespmem:$0x10100] =	vst v63  }
0x41: {  	s29 =	simm.s32 $0x900  }
0x42: {  	[tilespmem:s29], [sflag:$0x3] =	stream.indirect_vreg.gather [hbm4b:s1+s3], $0x80, v3, vm0, $0xb8;
	[tilespmem:$0x10100] =	vst v63  }
0x43: {  	v3 =	vld [tilespmem:$0x10];
	_ =	sdelay $0x4  }
0x44: {  	v57 =	vshll.u32 v3, $0x1  }
0x45: {  	v3 =	vand.u32 $0x7, v3;
	v4 =	vand.u32 $0xFFFFFFF0, v57  }
0x46: {  	v3 =	vor.u32 v3, v4  }
0x47: {  	v4 =	vperm.xlane v3, v0;
	_ =	sdelay $0x1  }
0x48: {  	v3 =	vperm.xlane v3, v2;
	v4 =	vadd.s32 v1, v4;
	_ =	sdelay $0x1  }
0x49: {  	v3 =	vadd.s32 v1, v3;
	_ =	sdelay $0x1  }
0x4a: {  	s28 =	simm.s32 $0x1100  }
0x4b: {  	[tilespmem:s28], [sflag:$0x3] =	stream.indirect_vreg.gather [hbm4b:s1+s3], $0x80, v4, vm0, $0xb8;
	[tilespmem:$0x10100] =	vst v63  }
0x4c: {  	s29 =	simm.s32 $0x1900  }
0x4d: {  	[tilespmem:s29], [sflag:$0x3] =	stream.indirect_vreg.gather [hbm4b:s1+s3], $0x80, v3, vm0, $0xb8;
	[tilespmem:$0x10100] =	vst v63  }
0x4e: {  	v3 =	vld [tilespmem:$0x20];
	_ =	sdelay $0x4  }
0x4f: {  	v58 =	vshll.u32 v3, $0x1  }
0x50: {  	v3 =	vand.u32 $0x7, v3;
	v4 =	vand.u32 $0xFFFFFFF0, v58  }
0x51: {  	v3 =	vor.u32 v3, v4  }
0x52: {  	v4 =	vperm.xlane v3, v0;
	_ =	sdelay $0x1  }
0x53: {  	v3 =	vperm.xlane v3, v2;
	v4 =	vadd.s32 v1, v4;
	_ =	sdelay $0x1  }
0x54: {  	v3 =	vadd.s32 v1, v3;
	_ =	sdelay $0x1  }
0x55: {  	s28 =	simm.s32 $0x2100  }
0x56: {  	[tilespmem:s28], [sflag:$0x3] =	stream.indirect_vreg.gather [hbm4b:s1+s3], $0x80, v4, vm0, $0xb8;
	[tilespmem:$0x10100] =	vst v63  }
0x57: {  	s29 =	simm.s32 $0x2900  }
0x58: {  	[tilespmem:s29], [sflag:$0x3] =	stream.indirect_vreg.gather [hbm4b:s1+s3], $0x80, v3, vm0, $0xb8;
	[tilespmem:$0x10100] =	vst v63  }
0x59: {  	v3 =	vld [tilespmem:$0x30];
	_ =	sdelay $0x4  }
0x5a: {  	v59 =	vshll.u32 v3, $0x1  }
0x5b: {  	v3 =	vand.u32 $0x7, v3;
	v4 =	vand.u32 $0xFFFFFFF0, v59  }
0x5c: {  	v3 =	vor.u32 v3, v4  }
0x5d: {  	v4 =	vperm.xlane v3, v0;
	_ =	sdelay $0x1  }
0x5e: {  	v3 =	vperm.xlane v3, v2;
	v4 =	vadd.s32 v1, v4;
	_ =	sdelay $0x1  }
0x5f: {  	v3 =	vadd.s32 v1, v3;
	_ =	sdelay $0x1  }
0x60: {  	s28 =	simm.s32 $0x3100  }
0x61: {  	[tilespmem:s28], [sflag:$0x3] =	stream.indirect_vreg.gather [hbm4b:s1+s3], $0x80, v4, vm0, $0xb8;
	[tilespmem:$0x10100] =	vst v63  }
0x62: {  	s29 =	simm.s32 $0x3900  }
0x63: {  	[tilespmem:s29], [sflag:$0x3] =	stream.indirect_vreg.gather [hbm4b:s1+s3], $0x80, v3, vm0, $0xb8;
	[tilespmem:$0x10100] =	vst v63  }
0x64: {  	v3 =	vld [tilespmem:$0x40];
	_ =	sdelay $0x4  }
0x65: {  	v60 =	vshll.u32 v3, $0x1  }
0x66: {  	v3 =	vand.u32 $0x7, v3;
	v4 =	vand.u32 $0xFFFFFFF0, v60  }
0x67: {  	v3 =	vor.u32 v3, v4  }
0x68: {  	v4 =	vperm.xlane v3, v0;
	_ =	sdelay $0x1  }
0x69: {  	v3 =	vperm.xlane v3, v2;
	v4 =	vadd.s32 v1, v4;
	_ =	sdelay $0x1  }
0x6a: {  	v3 =	vadd.s32 v1, v3;
	_ =	sdelay $0x1  }
0x6b: {  	s28 =	simm.s32 $0x4100  }
0x6c: {  	[tilespmem:s28], [sflag:$0x3] =	stream.indirect_vreg.gather [hbm4b:s1+s3], $0x80, v4, vm0, $0xb8;
	[tilespmem:$0x10100] =	vst v63  }
0x6d: {  	s29 =	simm.s32 $0x4900  }
0x6e: {  	[tilespmem:s29], [sflag:$0x3] =	stream.indirect_vreg.gather [hbm4b:s1+s3], $0x80, v3, vm0, $0xb8;
	[tilespmem:$0x10100] =	vst v63  }
0x6f: {  	v3 =	vld [tilespmem:$0x50];
	_ =	sdelay $0x4  }
0x70: {  	v61 =	vshll.u32 v3, $0x1  }
0x71: {  	v3 =	vand.u32 $0x7, v3;
	v4 =	vand.u32 $0xFFFFFFF0, v61  }
0x72: {  	v3 =	vor.u32 v3, v4  }
0x73: {  	v4 =	vperm.xlane v3, v0;
	_ =	sdelay $0x1  }
0x74: {  	v3 =	vperm.xlane v3, v2;
	v4 =	vadd.s32 v1, v4;
	_ =	sdelay $0x1  }
0x75: {  	v3 =	vadd.s32 v1, v3;
	_ =	sdelay $0x1  }
0x76: {  	s28 =	simm.s32 $0x5100  }
0x77: {  	[tilespmem:s28], [sflag:$0x3] =	stream.indirect_vreg.gather [hbm4b:s1+s3], $0x80, v4, vm0, $0xb8;
	[tilespmem:$0x10100] =	vst v63  }
0x78: {  	s29 =	simm.s32 $0x5900  }
0x79: {  	[tilespmem:s29], [sflag:$0x3] =	stream.indirect_vreg.gather [hbm4b:s1+s3], $0x80, v3, vm0, $0xb8;
	[tilespmem:$0x10100] =	vst v63  }
0x7a: {  	v3 =	vld [tilespmem:$0x60];
	_ =	sdelay $0x4  }
0x7b: {  	v62 =	vshll.u32 v3, $0x1  }
0x7c: {  	v3 =	vand.u32 $0x7, v3;
	v4 =	vand.u32 $0xFFFFFFF0, v62  }
0x7d: {  	v3 =	vor.u32 v3, v4  }
0x7e: {  	v4 =	vperm.xlane v3, v0;
	_ =	sdelay $0x1  }
0x7f: {  	v3 =	vperm.xlane v3, v2;
	v4 =	vadd.s32 v1, v4;
	_ =	sdelay $0x1  }
0x80: {  	v3 =	vadd.s32 v1, v3;
	_ =	sdelay $0x1  }
0x81: {  	s28 =	simm.s32 $0x6100  }
0x82: {  	[tilespmem:s28], [sflag:$0x3] =	stream.indirect_vreg.gather [hbm4b:s1+s3], $0x80, v4, vm0, $0xb8;
	[tilespmem:$0x10100] =	vst v63  }
0x83: {  	s29 =	simm.s32 $0x6900  }
0x84: {  	[tilespmem:s29], [sflag:$0x3] =	stream.indirect_vreg.gather [hbm4b:s1+s3], $0x80, v3, vm0, $0xb8;
	[tilespmem:$0x10100] =	vst v63  }
0x85: {  	v3 =	vld [tilespmem:$0x70];
	_ =	sdelay $0x4  }
0x86: {  	v63 =	vshll.u32 v3, $0x1  }
0x87: {  	v3 =	vand.u32 $0x7, v3;
	v4 =	vand.u32 $0xFFFFFFF0, v63  }
0x88: {  	v3 =	vor.u32 v3, v4  }
0x89: {  	v4 =	vperm.xlane v3, v0;
	_ =	sdelay $0x1  }
0x8a: {  	v3 =	vperm.xlane v3, v2;
	v4 =	vadd.s32 v1, v4;
	_ =	sdelay $0x1  }
0x8b: {  	v3 =	vadd.s32 v1, v3;
	_ =	sdelay $0x1  }
0x8c: {  	s28 =	simm.s32 $0x7100  }
0x8d: {  	[tilespmem:s28], [sflag:$0x3] =	stream.indirect_vreg.gather [hbm4b:s1+s3], $0x80, v4, vm0, $0xb8;
	[tilespmem:$0x10100] =	vst v63  }
0x8e: {  	s29 =	simm.s32 $0x7900  }
0x8f: {  	[tilespmem:s29], [sflag:$0x3] =	stream.indirect_vreg.gather [hbm4b:s1+s3], $0x80, v3, vm0, $0xb8;
	[tilespmem:$0x10100] =	vst v63  }
.LBB2_4:
0x90: {  	s26 =	sadd.s32 $0xFFFFFFE0, s25  }
0x91: {  	p1 =	sne.s32 s24, $0x0;
	p2 =	slt.s32 s26, $0x271  }
0x92: {  	p1 =	por !p1, !p2  }
0x93: {  	p1 =	por !p1, !p1  }
0x94: {  	s26 =	simm.s32 @p1 $0x4  }
0x95: {  	_ =	swait.ge @p1 [sflag:s26], $0x8000  }
0x96: {  	s28 =	sadd.s32 @p1 $0xFFFE0000, s22;
	[sflag:s26] =	ssyncset.done @p1 $0x0  }
0x97: {  	[sflag:s26] =	ssyncadd.s32 @p1 $0xFFFF8000;
	s26 =	sand.u32 @p1 $0x1FFFF000, s28  }
0x98: {  	s29 =	simm.s32 @p1 $0x8100;
	s28 =	simm.s32 @p1 $0x0;
	s26 =	sadd.s32 @p1 s5, s26  }
0x99: {  	[hbm4b:s26+s28] =	stream.linear.scatter @p1 [tilespmem:s29], [sflag:$0x6], $0x8000, $0x38;
	[tilespmem:$0x10100] =	vst v63  }
0x9a: {  	s29 =	sadd.s32 $0x20, s25  }
0x9b: {  	p2 =	sgt.u32 s29, $0x270  }
0x9c: {  	s26 =	simm.s32 @!p2 $0x0;
	s28 =	simm.s32 @!p2 $0x80  }
0x9d: {  	[tilespmem:s28], [sflag:$0x2] =	stream.linear.gather @!p2 [hbm4b:s21+s26], $0x80, $0x38;
	[tilespmem:$0x10100] =	vst v63  }
.Ltmp5:
0x9e: {  	_ = 	snop;
	(pc) =	sbr.rel @p2 .LBB2_6-.Ltmp5, $4  }
0x9f: {  	s26 =	simm.s32 @p1 $0x6  }
0xa0: {  	_ =	swait.ge @p1 [sflag:s26], $0x8000  }
0xa1: {  	[sflag:s26] =	ssyncset.done @p1 $0x0  }
0xa2: {  	[sflag:s26] =	ssyncadd.s32 @p1 $0xFFFF8000  }
0xa3: {  	_ =	swait.ge [sflag:s30], $0x80  }
0xa4: {  	[sflag:s30] =	ssyncset.done $0x0  }
0xa5: {  	[sflag:s30] =	ssyncadd.s32 $0xFFFFFF80  }
0xa6: {  	v3 =	vld [tilespmem:$0x80];
	_ =	sdelay $0x4  }
0xa7: {  	v4 =	vshll.u32 v3, $0x1  }
0xa8: {  	v3 =	vand.u32 $0x7, v3;
	v4 =	vand.u32 $0xFFFFFFF0, v4  }
0xa9: {  	v3 =	vor.u32 v3, v4  }
0xaa: {  	v4 =	vperm.xlane v3, v0;
	_ =	sdelay $0x1  }
0xab: {  	v3 =	vperm.xlane v3, v2;
	v4 =	vadd.s32 v1, v4;
	_ =	sdelay $0x1  }
0xac: {  	v3 =	vadd.s32 v1, v3;
	_ =	sdelay $0x2  }
0xad: {  	[tilespmem:s31], [sflag:$0x4] =	stream.indirect_vreg.gather [hbm4b:s1+s3], $0x80, v4, vm0, $0xb8;
	[tilespmem:$0x10100] =	vst v63  }
0xae: {  	_ = 	snop  }
0xaf: {  	[tilespmem:s0], [sflag:$0x4] =	stream.indirect_vreg.gather [hbm4b:s1+s3], $0x80, v3, vm0, $0xb8;
	[tilespmem:$0x10100] =	vst v63  }
0xb0: {  	v3 =	vld [tilespmem:$0x90];
	_ =	sdelay $0x4  }
0xb1: {  	v57 =	vshll.u32 v3, $0x1  }
0xb2: {  	v3 =	vand.u32 $0x7, v3;
	v4 =	vand.u32 $0xFFFFFFF0, v57  }
0xb3: {  	v3 =	vor.u32 v3, v4  }
0xb4: {  	v4 =	vperm.xlane v3, v0;
	_ =	sdelay $0x1  }
0xb5: {  	v3 =	vperm.xlane v3, v2;
	v4 =	vadd.s32 v1, v4;
	_ =	sdelay $0x1  }
0xb6: {  	v3 =	vadd.s32 v1, v3;
	_ =	sdelay $0x2  }
0xb7: {  	[tilespmem:s2], [sflag:$0x4] =	stream.indirect_vreg.gather [hbm4b:s1+s3], $0x80, v4, vm0, $0xb8;
	[tilespmem:$0x10100] =	vst v63  }
0xb8: {  	_ = 	snop  }
0xb9: {  	[tilespmem:s6], [sflag:$0x4] =	stream.indirect_vreg.gather [hbm4b:s1+s3], $0x80, v3, vm0, $0xb8;
	[tilespmem:$0x10100] =	vst v63  }
0xba: {  	v3 =	vld [tilespmem:$0xA0];
	_ =	sdelay $0x4  }
0xbb: {  	v58 =	vshll.u32 v3, $0x1  }
0xbc: {  	v3 =	vand.u32 $0x7, v3;
	v4 =	vand.u32 $0xFFFFFFF0, v58  }
0xbd: {  	v3 =	vor.u32 v3, v4  }
0xbe: {  	v4 =	vperm.xlane v3, v0;
	_ =	sdelay $0x1  }
0xbf: {  	v3 =	vperm.xlane v3, v2;
	v4 =	vadd.s32 v1, v4;
	_ =	sdelay $0x1  }
0xc0: {  	v3 =	vadd.s32 v1, v3;
	_ =	sdelay $0x2  }
0xc1: {  	[tilespmem:s7], [sflag:$0x4] =	stream.indirect_vreg.gather [hbm4b:s1+s3], $0x80, v4, vm0, $0xb8;
	[tilespmem:$0x10100] =	vst v63  }
0xc2: {  	_ = 	snop  }
0xc3: {  	[tilespmem:s9], [sflag:$0x4] =	stream.indirect_vreg.gather [hbm4b:s1+s3], $0x80, v3, vm0, $0xb8;
	[tilespmem:$0x10100] =	vst v63  }
0xc4: {  	v3 =	vld [tilespmem:$0xB0];
	_ =	sdelay $0x4  }
0xc5: {  	v59 =	vshll.u32 v3, $0x1  }
0xc6: {  	v3 =	vand.u32 $0x7, v3;
	v4 =	vand.u32 $0xFFFFFFF0, v59  }
0xc7: {  	v3 =	vor.u32 v3, v4  }
0xc8: {  	v4 =	vperm.xlane v3, v0;
	_ =	sdelay $0x1  }
0xc9: {  	v3 =	vperm.xlane v3, v2;
	v4 =	vadd.s32 v1, v4;
	_ =	sdelay $0x1  }
0xca: {  	v3 =	vadd.s32 v1, v3;
	_ =	sdelay $0x2  }
0xcb: {  	[tilespmem:s10], [sflag:$0x4] =	stream.indirect_vreg.gather [hbm4b:s1+s3], $0x80, v4, vm0, $0xb8;
	[tilespmem:$0x10100] =	vst v63  }
0xcc: {  	_ = 	snop  }
0xcd: {  	[tilespmem:s11], [sflag:$0x4] =	stream.indirect_vreg.gather [hbm4b:s1+s3], $0x80, v3, vm0, $0xb8;
	[tilespmem:$0x10100] =	vst v63  }
0xce: {  	v3 =	vld [tilespmem:$0xC0];
	_ =	sdelay $0x4  }
0xcf: {  	v60 =	vshll.u32 v3, $0x1  }
0xd0: {  	v3 =	vand.u32 $0x7, v3;
	v4 =	vand.u32 $0xFFFFFFF0, v60  }
0xd1: {  	v3 =	vor.u32 v3, v4  }
0xd2: {  	v4 =	vperm.xlane v3, v0;
	_ =	sdelay $0x1  }
0xd3: {  	v3 =	vperm.xlane v3, v2;
	v4 =	vadd.s32 v1, v4;
	_ =	sdelay $0x1  }
0xd4: {  	v3 =	vadd.s32 v1, v3;
	_ =	sdelay $0x2  }
0xd5: {  	[tilespmem:s13], [sflag:$0x4] =	stream.indirect_vreg.gather [hbm4b:s1+s3], $0x80, v4, vm0, $0xb8;
	[tilespmem:$0x10100] =	vst v63  }
0xd6: {  	_ = 	snop  }
0xd7: {  	[tilespmem:s14], [sflag:$0x4] =	stream.indirect_vreg.gather [hbm4b:s1+s3], $0x80, v3, vm0, $0xb8;
	[tilespmem:$0x10100] =	vst v63  }
0xd8: {  	v3 =	vld [tilespmem:$0xD0];
	_ =	sdelay $0x4  }
0xd9: {  	v61 =	vshll.u32 v3, $0x1  }
0xda: {  	v3 =	vand.u32 $0x7, v3;
	v4 =	vand.u32 $0xFFFFFFF0, v61  }
0xdb: {  	v3 =	vor.u32 v3, v4  }
0xdc: {  	v4 =	vperm.xlane v3, v0;
	_ =	sdelay $0x1  }
0xdd: {  	v3 =	vperm.xlane v3, v2;
	v4 =	vadd.s32 v1, v4;
	_ =	sdelay $0x1  }
0xde: {  	v3 =	vadd.s32 v1, v3;
	_ =	sdelay $0x2  }
0xdf: {  	[tilespmem:s15], [sflag:$0x4] =	stream.indirect_vreg.gather [hbm4b:s1+s3], $0x80, v4, vm0, $0xb8;
	[tilespmem:$0x10100] =	vst v63  }
0xe0: {  	_ = 	snop  }
0xe1: {  	[tilespmem:s16], [sflag:$0x4] =	stream.indirect_vreg.gather [hbm4b:s1+s3], $0x80, v3, vm0, $0xb8;
	[tilespmem:$0x10100] =	vst v63  }
0xe2: {  	v3 =	vld [tilespmem:$0xE0];
	_ =	sdelay $0x4  }
0xe3: {  	v62 =	vshll.u32 v3, $0x1  }
0xe4: {  	v3 =	vand.u32 $0x7, v3;
	v4 =	vand.u32 $0xFFFFFFF0, v62  }
0xe5: {  	v3 =	vor.u32 v3, v4  }
0xe6: {  	v4 =	vperm.xlane v3, v0;
	_ =	sdelay $0x1  }
0xe7: {  	v3 =	vperm.xlane v3, v2;
	v4 =	vadd.s32 v1, v4;
	_ =	sdelay $0x1  }
0xe8: {  	v3 =	vadd.s32 v1, v3;
	_ =	sdelay $0x2  }
0xe9: {  	[tilespmem:s17], [sflag:$0x4] =	stream.indirect_vreg.gather [hbm4b:s1+s3], $0x80, v4, vm0, $0xb8;
	[tilespmem:$0x10100] =	vst v63  }
0xea: {  	_ = 	snop  }
0xeb: {  	[tilespmem:s18], [sflag:$0x4] =	stream.indirect_vreg.gather [hbm4b:s1+s3], $0x80, v3, vm0, $0xb8;
	[tilespmem:$0x10100] =	vst v63  }
0xec: {  	v3 =	vld [tilespmem:$0xF0];
	_ =	sdelay $0x4  }
0xed: {  	v63 =	vshll.u32 v3, $0x1  }
0xee: {  	v3 =	vand.u32 $0x7, v3;
	v4 =	vand.u32 $0xFFFFFFF0, v63  }
0xef: {  	v3 =	vor.u32 v3, v4  }
0xf0: {  	v4 =	vperm.xlane v3, v0;
	_ =	sdelay $0x1  }
0xf1: {  	v3 =	vperm.xlane v3, v2;
	v4 =	vadd.s32 v1, v4;
	_ =	sdelay $0x1  }
0xf2: {  	v3 =	vadd.s32 v1, v3  }
.Ltmp6:
0xf3: {  	_ = 	snop;
	(pc) =	sbr.rel .LBB2_6-.Ltmp6, $4  }
0xf4: {  	_ = 	snop  }
0xf5: {  	[tilespmem:s19], [sflag:$0x4] =	stream.indirect_vreg.gather [hbm4b:s1+s3], $0x80, v4, vm0, $0xb8;
	[tilespmem:$0x10100] =	vst v63  }
0xf6: {  	_ = 	snop  }
0xf7: {  	[tilespmem:s20], [sflag:$0x4] =	stream.indirect_vreg.gather [hbm4b:s1+s3], $0x80, v3, vm0, $0xb8;
	[tilespmem:$0x10100] =	vst v63  }
.LBB2_8:
0xf8: {  	_ =	sfence.sel $0x180000  }
0xf9: {  	[bflag:$0x0] =	sbarrier.arrive $0xFFFF  }
0xfa: {  	_ =	strace $0x90000047  }
0xfb: {  	s0 =	stileid.u32;
	[bflag:$0x2] =	sbarrier.arrive $0xFFFF  }
0xfc: {  	p0 =	sne.s32 s0, $0x0;
	s0 =	rddreg [dreg:$0x2]  }
0xfd: {  	s0 =	sadd.s32 @!p0 $0x100000, s0  }
0xfe: {  	[sflag:s0] =	ssyncadd.tile.s32 @!p0 $0x1;
	_ =	shalt  }
.Lfunc_end2:
_tile_overlayer_lowered:
.L_overlay_start_2:
0xff: {  	(tag) =	ssettag $0x2  }
0x100: {  	s0 =	rddreg [dreg:$0x0];
	s2 =	stileid.u32  }
0x101: {  	s1 =	rddreg [dreg:$0x1];
	p0 =	sne.s32 s2, $0x0  }
0x102: {  	s3 =	rddreg [dreg:$0x2];
	[bflag:$0x3] =	sbarrier.arrive $0xFFFF;
	s2 =	simm.s32 @!p0 $0x1C07  }
0x103: {  	[timem:s3], [sflag:s2] =	dma.local @!p0 [hbm:s0], s1  }
0x104: {  	s0 =	simm.s32 @!p0 $0x7  }
0x105: {  	_ =	swait.ge @!p0 [sflag:s0], s1  }
0x106: {  	s1 =	ssub.s32 @!p0 $0x0, s1;
	[sflag:s0] =	ssyncset.done @!p0 $0x0  }
0x107: {  	[sflag:s0] =	ssyncadd.s32 @!p0 s1  }
0x108: {  	[bflag:$0x3] =	sbarrier.arrive $0xFFFF  }
0x109: {  	_ =	shalt  }

// kernel: kernel.17.cloned.1.call-start
scs
__scs_entry_jumppad:
0x0: {  	(pc) =	sbr.rel $0x88, $3  }
0x1: {  	(tag) =	ssettag $0x0;
	lr =	simm.s32 $0x1  }
0x2: {  	[smem:$0x3F96] =	sst lr;
	_ =	strace $0xD0000000  }
0x3: {  	_ = 	snop  }
0x4: {  	_ = 	snop  }
0x5: {  	_ = 	snop  }
0x6: {  	_ = 	snop  }
0x7: {  	_ = 	snop  }
__scs_overlays_trampoline_lowered:
0x8: {  	[smem:$0x3FA5] =	sst s0  }
0x9: {  	[smem:$0x3FA6] =	sst s1  }
0xa: {  	[smem:$0x3FA7] =	sst s2  }
0xb: {  	[smem:$0x3FA8] =	sst s3  }
0xc: {  	[smem:$0x3FA9] =	sst s4  }
0xd: {  	[smem:$0x3FAA] =	sst s5  }
0xe: {  	[smem:$0x3FAB] =	sst s6  }
0xf: {  	[smem:$0x3FAC] =	sst s7  }
0x10: {  	[smem:$0x3FAD] =	sst s8  }
0x11: {  	[smem:$0x3FAE] =	sst s9;
	s0 =	simm.s32 @!p0 $0x0  }
0x12: {  	s1 =	sld [smem:$0x3F94];
	s0 =	simm.s32 @p0 $0x1  }
0x13: {  	[smem:$0x3FAF] =	sst s0;
	s0 =	simm.s32 @!p1 $0x0  }
0x14: {  	s2 =	sld [smem:$0x3F93];
	s0 =	simm.s32 @p1 $0x1  }
0x15: {  	[smem:$0x3FB0] =	sst s0;
	s0 =	simm.s32 @!p2 $0x0  }
0x16: {  	s3 =	sld [smem:$0x3FDB];
	s0 =	simm.s32 @p2 $0x1  }
0x17: {  	s4 =	simm.s32 $0x1BF5;
	[smem:$0x3FB2] =	sst s0  }
0x18: {  	s0 =	sld [smem:$0x3F95];
	_ =	swait.ge [sflag:s4], $0x0  }
0x19: {  	s7 =	sld [smem:$0x3F96]  }
0x1a: {  	s8 =	sadd.s32 $0xFFFFE003, lr  }
0x1b: {  	s9 =	sadd.s32 $0xFFFFFEF7, lr;
	s5 =	simm.s32 $0xFFFFFFFF;
	p2 =	slt.u32 s8, $0xFFFFF086  }
0x1c: {  	p1 =	slt.u32 s9, $0xF7A;
	s5 =	simm.s32 @!p2 $0x0  }
0x1d: {  	s5 =	simm.s32 @p1 $0x1;
	p0 =	seq.s32 s7, s2  }
0x1e: {  	s7 =	smul.u32 @!p0 $0xF7A, s2;
	p2 =	seq.s32 @!p0 s5, $0x0  }
0x1f: {  	s9 =	smul.u32 $0xF7A, s1;
	s8 =	simm.s32 @!p0 $0x1BF5;
	p2 =	por !p2, p0  }
0x20: {  	[sflag:s8] =	ssyncset.s32 @!p0 $0xFFFFF086;
	s6 =	sadd.s32 @!p0 s3, s7;
	s7 =	simm.s32 @!p0 $0x108  }
0x21: {  	s3 =	sadd.s32 s3, s9;
	s6 =	sadd.s32 @!p0 $0x88, s6;
	s7 =	simm.s32 @p2 $0x1082  }
0x22: {  	[simem:s7], [sflag:s8] =	dma.local @!p0 [hbm:s6], $0xF7A  }
0x23: {  	s9 =	sor.u32 $0xD0000000, s2;
	s6 =	simm.s32 $0x108;
	_ =	swait.ge @!p0 [sflag:s8], $0x0  }
0x24: {  	s3 =	sadd.s32 $0x88, s3;
	s6 =	simm.s32 @!p1 $0x1082;
	[sflag:s4] =	ssyncset.s32 $0xFFFFF086  }
0x25: {  	[simem:s6], [sflag:s4] =	dma.local [hbm:s3], $0xF7A  }
0x26: {  	[smem:$0x3F96] =	sst s1;
	(tag) =	ssettag s2;
	_ =	strace s9  }
0x27: {  	s1 =	sld [smem:$0x3FA6]  }
0x28: {  	s2 =	sld [smem:$0x3FA7]  }
0x29: {  	s4 =	sld [smem:$0x3FA9]  }
0x2a: {  	p0 =	seq.s32 s5, $0x0;
	s5 =	sld [smem:$0x3FAA]  }
0x2b: {  	s6 =	sld [smem:$0x3FAB]  }
0x2c: {  	s7 =	sld [smem:$0x3FAC]  }
0x2d: {  	s3 =	simm.s32 $0x108;
	s8 =	sld [smem:$0x3FAD]  }
0x2e: {  	s3 =	simm.s32 @!p0 $0x1082;
	s9 =	sld [smem:$0x3FAE]  }
0x2f: {  	lr =	sadd.s32 s0, s3;
	s0 =	sld [smem:$0x3FA5]  }
0x30: {  	s3 =	sld [smem:$0x3FA8]  }
0x31: {  	[smem:$0x3FB1] =	sst s10  }
0x32: {  	s10 =	sld [smem:$0x3FAF];
	_ =	sdelay $0x3  }
0x33: {  	p0 =	seq.s32 s10, $0x1;
	s10 =	sld [smem:$0x3FB1];
	_ =	sdelay $0x3  }
0x34: {  	[smem:$0x3FB1] =	sst s10  }
0x35: {  	s10 =	sld [smem:$0x3FB0];
	_ =	sdelay $0x3  }
0x36: {  	p1 =	seq.s32 s10, $0x1;
	s10 =	sld [smem:$0x3FB1];
	_ =	sdelay $0x3  }
0x37: {  	[smem:$0x3FB1] =	sst s10  }
0x38: {  	s10 =	sld [smem:$0x3FB2]  }
0x39: {  	_ = 	snop;
	(pc) =	sbr.ind lr, $3  }
0x3a: {  	_ = 	snop  }
0x3b: {  	_ = 	snop  }
0x3c: {  	p2 =	seq.s32 s10, $0x1;
	s10 =	sld [smem:$0x3FB1]  }
0x3d: {  	_ =	shalt  }
0x3e: {  	_ =	shalt  }
0x3f: {  	_ =	shalt  }
0x40: {  	_ =	shalt  }
0x41: {  	_ =	shalt  }
0x42: {  	_ =	shalt  }
0x43: {  	_ =	shalt  }
0x44: {  	_ =	shalt  }
0x45: {  	_ =	shalt  }
0x46: {  	_ =	shalt  }
0x47: {  	_ =	shalt  }
0x48: {  	_ =	shalt  }
0x49: {  	_ =	shalt  }
0x4a: {  	_ =	shalt  }
0x4b: {  	_ =	shalt  }
0x4c: {  	_ =	shalt  }
0x4d: {  	_ =	shalt  }
0x4e: {  	_ =	shalt  }
0x4f: {  	_ =	shalt  }
0x50: {  	_ =	shalt  }
0x51: {  	_ =	shalt  }
0x52: {  	_ =	shalt  }
0x53: {  	_ =	shalt  }
0x54: {  	_ =	shalt  }
0x55: {  	_ =	shalt  }
0x56: {  	_ =	shalt  }
0x57: {  	_ =	shalt  }
0x58: {  	_ =	shalt  }
0x59: {  	_ =	shalt  }
0x5a: {  	_ =	shalt  }
0x5b: {  	_ =	shalt  }
0x5c: {  	_ =	shalt  }
0x5d: {  	_ =	shalt  }
0x5e: {  	_ =	shalt  }
0x5f: {  	_ =	shalt  }
0x60: {  	_ =	shalt  }
0x61: {  	_ =	shalt  }
0x62: {  	_ =	shalt  }
0x63: {  	_ =	shalt  }
0x64: {  	_ =	shalt  }
0x65: {  	_ =	shalt  }
0x66: {  	_ =	shalt  }
0x67: {  	_ =	shalt  }
0x68: {  	_ =	shalt  }
0x69: {  	_ =	shalt  }
0x6a: {  	_ =	shalt  }
0x6b: {  	_ =	shalt  }
0x6c: {  	_ =	shalt  }
0x6d: {  	_ =	shalt  }
0x6e: {  	_ =	shalt  }
0x6f: {  	_ =	shalt  }
0x70: {  	_ =	shalt  }
0x71: {  	_ =	shalt  }
0x72: {  	_ =	shalt  }
0x73: {  	_ =	shalt  }
0x74: {  	_ =	shalt  }
0x75: {  	_ =	shalt  }
0x76: {  	_ =	shalt  }
0x77: {  	_ =	shalt  }
0x78: {  	_ =	shalt  }
0x79: {  	_ =	shalt  }
0x7a: {  	_ =	shalt  }
0x7b: {  	_ =	shalt  }
0x7c: {  	_ =	shalt  }
0x7d: {  	_ =	shalt  }
0x7e: {  	_ =	shalt  }
0x7f: {  	_ =	shalt  }
0x80: {  	_ =	shalt  }
0x81: {  	_ =	shalt  }
0x82: {  	_ =	shalt  }
0x83: {  	_ =	shalt  }
0x84: {  	_ =	shalt  }
0x85: {  	_ =	shalt  }
0x86: {  	_ =	shalt  }
0x87: {  	_ =	shalt  }
.Lfunc_end0:
.L_simem_size_0:
called_computation.2_lowered:
.L_overlay_start_0:
0x88: {  	s2 =	sld [smem:$0x3FD9]  }
0x89: {  	s3 =	sld [smem:$0x3FFE];
	_ =	sdelay $0x1  }
0x8a: {  	s1 =	srdreg.scid  }
0x8b: {  	s0 =	sand.u32 $0x1, s1  }
0x8c: {  	s17 =	sshll.u32 s0, $0xA;
	s2 =	sadd.s32 s3, s2  }
0x8d: {  	s2 =	sadd.s32 s2, s17  }
0x8e: {  	[smem:$0x3FBD] =	sst s2  }
0x8f: {  	_ = 	snop  }
0x90: {  	s18 =	sld [smem:$0x3FD0];
	(tm) =	ssettm $0x1  }
0x91: {  	s19 =	sld [smem:$0x3FFB];
	_ =	sdelay $0x3  }
0x92: {  	_ =	strace s19  }
0x93: {  	s2 =	sld [smem:$0x3FFC];
	_ =	sdelay $0x3  }
0x94: {  	_ =	strace s2  }
0x95: {  	s2 =	sld [smem:$0x3FFD];
	_ =	sdelay $0x3  }
0x96: {  	_ =	strace s2  }
0x97: {  	_ =	strace $0x8FFFFFFF  }
0x98: {  	s20 =	sld [smem:$0x3FDB];
	_ =	sdelay $0x1  }
0x99: {  	s4 =	simm.s32 $_scs_section_size  }
0x9a: {  	s5 =	simm.s32 $_size__tile_overlayer_lowered;
	s6 =	simm.s32 $_tile_overlayer_lowered  }
0x9b: {  	s7 =	simm.s32 $0x1BFF;
	s21 =	sshll.u32 s6, $0x1;
	s4 =	sadd.s32 s4, s20  }
0x9c: {  	s22 =	simm.s32 $0x0;
	s5 =	sshll.u32 s5, $0x1;
	s6 =	sadd.s32 s21, s4  }
0x9d: {  	[timem:s22], [sflag:s7] =	dma.local [hbm:s6], s5  }
0x9e: {  	_ =	swait.ge [sflag:s7], s5  }
0x9f: {  	s5 =	ssub.s32 $0x0, s5;
	[sflag:s7] =	ssyncset.done $0x0  }
0xa0: {  	[sflag:s7] =	ssyncadd.s32 s5;
	_ =	sdelay $0x1  }
0xa1: {  	s23 =	simm.s32 $0x1B8B  }
0xa2: {  	_ =	swait.ge [sflag:s23], $0x1  }
0xa3: {  	[sflag:s23] =	ssyncset.done $0x0  }
0xa4: {  	[sflag:s23] =	ssyncadd.s32 $0xFFFFFFFF  }
0xa5: {  	s5 =	sld [smem:$0x0]  }
0xa6: {  	s6 =	sand.u32 $0xFFFFFFFE, s1  }
0xa7: {  	p0 =	sne.s32 s1, s6  }
0xa8: {  	s6 =	sshll.u32 @p0 s6, $0xE  }
0xa9: {  	s6 =	sadd.s32 @p0 $0x11B8D, s6;
	s7 =	sshll.u32 @p0 s5, $0x11  }
0xaa: {  	s6 =	sor.u32 @p0 s7, s6  }
0xab: {  	[sflag:s6] =	ssyncadd.remote.s32 @p0 $0x1;
	_ =	sdelay $0x1  }
0xac: {  	s6 =	simm.s32 @p0 $0x1B8D  }
0xad: {  	_ =	swait.eq @p0 [sflag:s6], $0x1  }
0xae: {  	[sflag:s6] =	ssyncadd.s32 @p0 $0xFFFFFFFF  }
0xaf: {  	s7 =	sshll.u32 @!p0 s1, $0xE  }
0xb0: {  	s7 =	sor.u32 @!p0 $0x4000, s7;
	s6 =	simm.s32 @!p0 $0x1B8D  }
0xb1: {  	s5 =	sshll.u32 @!p0 s5, $0x11;
	s7 =	sadd.s32 @!p0 $0x11B8D, s7;
	_ =	swait.eq @!p0 [sflag:s6], $0x1  }
0xb2: {  	s5 =	sor.u32 @!p0 s5, s7;
	[sflag:s6] =	ssyncadd.s32 @!p0 $0xFFFFFFFF  }
0xb3: {  	s25 =	simm.s32 $0x1B8E;
	s24 =	sld [smem:$0x3FFE];
	[sflag:s5] =	ssyncadd.remote.s32 @!p0 $0x1  }
0xb4: {  	s26 =	simm.s32 $execute0_lowered;
	[smem:$0x3FD2] =	sst s25  }
0xb5: {  	s6 =	sshll.u32 s26, $0x1;
	_ =	strace $0x80000055;
	[dreg:$0x1] =	wrdreg $0xFFFFFFFF  }
0xb6: {  	s28 =	simm.s32 $_size_execute0_lowered;
	s4 =	sadd.s32 s4, s6;
	[dreg:$0x0] =	wrdreg $0x0  }
0xb7: {  	s6 =	sshll.u32 s28, $0x1;
	[dreg:$0x2] =	wrdreg s4  }
0xb8: {  	[dreg:$0x3] =	wrdreg s6  }
0xb9: {  	[dreg:$0x4] =	wrdreg $0xC0  }
0xba: {  	_ =	task [dreg:s22], $0x5FFFF  }
0xbb: {  	[dreg:$0x1] =	wrdreg $0xFFFFFFFF  }
0xbc: {  	[dreg:$0x0] =	wrdreg $0x60  }
0xbd: {  	[dreg:$0x2] =	wrdreg s24  }
0xbe: {  	[dreg:$0x3] =	wrdreg s18  }
0xbf: {  	[dreg:$0x4] =	wrdreg $0x81000  }
0xc0: {  	[dreg:$0x5] =	wrdreg $0xB  }
0xc1: {  	_ =	task.clear_ibuf [dreg:s22], $0x6FFFF;
	_ =	strace $0x90000055  }
0xc2: {  	s29 =	simm.s32 $0xB;
	_ =	strace $0x80000057  }
0xc3: {  	_ =	swait.ge [sflag:s29], $0x1  }
0xc4: {  	[sflag:s29] =	ssyncadd.s32 $0xFFFFFFFF  }
0xc5: {  	_ =	strace $0x90000057  }
0xc6: {  	_ =	sfence  }
0xc7: {  	s30 =	sld [smem:$0x0];
	_ =	sdelay $0x2  }
0xc8: {  	s31 =	sshll.u32 s1, $0xD;
	s1 =	sshrl.u32 s1, $0x2  }
0xc9: {  	s4 =	sand.u32 $0x4000, s31;
	s1 =	sadd.s32 s1, s30  }
0xca: {  	s0 =	sor.u32 s4, s0;
	s1 =	sshll.u32 s1, $0x11  }
0xcb: {  	s0 =	sor.u32 s1, s0  }
0xcc: {  	s0 =	sadd.s32 $0x8F2B, s0  }
0xcd: {  	[sflag:s0] =	ssyncadd.remote.s32 $0x1  }
0xce: {  	_ =	sfence.sel $0xFFFF  }
0xcf: {  	[dreg:$0x0] =	wrdreg $0xFFFFFFFF;
	(pc) =	sbr.abs _section_cstart, $3  }
0xd0: {  	[dreg:$0x1] =	wrdreg $0xFFFFFFFF  }
0xd1: {  	_ =	task.clear_ibuf [dreg:s22], $0x2FFFF;
	_ =	strace $0x9FFFFFFF  }
0xd2: {  	(tm) =	ssettm $0x7FFFFFFF  }
0xd3: {  	_ =	shalt  }
tec
execute0_lowered:
.L_overlay_start_1:
0x0: {  	(tag) =	ssettag $0x1  }
0x1: {  	s0 =	rddreg [dreg:$0x0]  }
0x2: {  	s1 =	rddreg [dreg:$0x1]  }
0x3: {  	s2 =	rddreg [dreg:$0x2];
	s3 =	simm.s32 $0x0  }
0x4: {  	s5 =	srdreg.scid;
	s29 =	simm.s32 $0x100;
	s30 =	simm.s32 $0x1  }
0x5: {  	s31 =	simm.s32 $0x80;
	[smem:$0x7FF] =	sst s3;
	s4 =	sadd.s32 $0xB0A200, s0  }
0x6: {  	s0 =	sadd.s32 $0x279A00, s0;
	s6 =	sand.u32 $0x1, s5;
	s5 =	stileid.u32  }
0x7: {  	_ =	strace $0x80000056;
	s7 =	ssub.s32 $0x2, s6;
	s8 =	smul.u32 $0x9C4000, s6  }
0x8: {  	s10 =	sshll.u32 s5, $0x4;
	s11 =	sshll.u32 s5, $0xE;
	s12 =	smul.u32 $0xA000, s5  }
0x9: {  	s13 =	sor.u32 $0x10, s5;
	s14 =	sor.u32 $0x20, s5;
	s17 =	smul.u32 $0x5000, s5  }
0xa: {  	s6 =	sshll.u32 s6, $0xA;
	s19 =	sor.u32 $0x70, s5;
	s16 =	smul.u32 $0xA000, s13  }
0xb: {  	p2 =	sgt.u32 s5, $0xC;
	p1 =	sne.s32 s5, $0x0;
	s14 =	smul.u32 $0xA000, s14  }
0xc: {  	s9 =	sshrl.u32 s7, $0x1;
	s20 =	sadd.s32 s0, s10;
	s13 =	smul.u32 $0x5000, s13  }
0xd: {  	s15 =	sand.u32 $0x70, s10;
	s26 =	smul.u32 $0xA000, s19;
	p0 =	sgt.u32 s19, $0x7C  }
0xe: {  	s7 =	ssub.s32 s7, s9;
	[dreg:$0x4] =	wrdreg s20;
	s9 =	sadd.s32 s11, s8  }
0xf: {  	s21 =	sadd.s32 s0, s15;
	s28 =	sshrl.u32 s12, $0x2;
	s8 =	sshrl.u32 s8, $0x3  }
0x10: {  	s11 =	sshrl.u32 s9, $0x3;
	s7 =	smax.u32 s7, $0x1;
	s22 =	sadd.s32 s28, s2  }
0x11: {  	s12 =	sshrl.u32 s16, $0x2;
	s14 =	sshrl.u32 s14, $0x2;
	s28 =	sor.u32 $0x100, s10  }
0x12: {  	s10 =	sor.u32 $0x200, s10;
	s8 =	sadd.s32 s4, s8;
	s11 =	sadd.s32 s4, s11  }
0x13: {  	[dreg:$0x6] =	wrdreg s7;
	s23 =	sadd.s32 s12, s2;
	s16 =	sadd.s32 s14, s2  }
0x14: {  	s18 =	sadd.s32 $0x78000, s22;
	s24 =	sadd.s32 $0xA0000, s22;
	s25 =	sadd.s32 $0xC8000, s22  }
0x15: {  	s7 =	sor.u32 s6, s17;
	s6 =	sor.u32 s6, s13;
	[dreg:$0x5] =	wrdreg s11  }
0x16: {  	s14 =	sshrl.u32 s26, $0x2;
	s13 =	sand.u32 $0x180, s28;
	[dreg:$0x7] =	wrdreg s16  }
0x17: {  	s10 =	sand.u32 $0x280, s10;
	s17 =	sadd.s32 $0x138000, s8;
	[dreg:$0x8] =	wrdreg s18  }
0x18: {  	s28 =	sadd.s32 $0xF0000, s22;
	s8 =	simm.s32 $0x2;
	[dreg:$0x9] =	wrdreg s24  }
0x19: {  	s12 =	simm.s32 $0x5;
	[dreg:$0xa] =	wrdreg s25;
	s14 =	sadd.s32 s14, s2  }
0x1a: {  	s13 =	sadd.s32 s13, s0;
	s0 =	sadd.s32 s10, s0;
	s6 =	sshrl.u32 s6, $0x3  }
0x1b: {  	s16 =	sadd.s32 $0x2700, s21;
	[dreg:$0xf] =	wrdreg s17;
	s18 =	sadd.s32 $0x40000, s9  }
0x1c: {  	s19 =	sadd.s32 $0xF0000, s7;
	s24 =	sadd.s32 $0x80000, s9;
	[dreg:$0x14] =	wrdreg s28  }
0x1d: {  	s26 =	sadd.s32 $0xA0000, s7;
	s11 =	simm.s32 $0x4;
	[dreg:$0xb] =	wrdreg s14  }
0x1e: {  	s14 =	sshrl.u32 s7, $0x3;
	s6 =	sadd.s32 s1, s6;
	[dreg:$0xe] =	wrdreg s16  }
0x1f: {  	s20 =	sadd.s32 s15, s13;
	s21 =	sadd.s32 s15, s0;
	[dreg:$0x11] =	wrdreg s24  }
0x20: {  	s0 =	sshrl.u32 s18, $0x3;
	s25 =	sshrl.u32 s19, $0x3;
	[dreg:$0x12] =	wrdreg s26  }
0x21: {  	s19 =	sadd.s32 $0x50000, s22;
	s10 =	sadd.s32 s1, s14;
	[dreg:$0xd] =	wrdreg s6  }
0x22: {  	s7 =	simm.s32 $0x6;
	s0 =	sadd.s32 s0, s4;
	[dreg:$0xc] =	wrdreg s10  }
0x23: {  	s15 =	simm.s32 $0x0;
	[dreg:$0x10] =	wrdreg s0;
	s0 =	sadd.s32 s25, s1  }
0x24: {  	v0 =	vimm.f32 $0.0e+00;
	s6 =	simm.s32 $0x3;
	[dreg:$0x13] =	wrdreg s0;
	s0 =	simm.s32 $0x4100  }
.LBB2_1:
0x25: {  	s13 =	simm.s32 $0x0;
	s14 =	simm.s32 $0x200  }
.LBB2_2:
0x26: {  	p3 =	sne.s32 s14, $0x9E00;
	[tilespmem:s13+$0x170] =	vst v0  }
0x27: {  	[tilespmem:s13+$0x100] =	vst v0  }
0x28: {  	[tilespmem:s13+$0x110] =	vst v0  }
.Ltmp0:
0x29: {  	[tilespmem:s13+$0x120] =	vst v0;
	(pc) =	sbr.rel @p3 .LBB2_2-.Ltmp0, $4  }
0x2a: {  	[tilespmem:s13+$0x130] =	vst v0  }
0x2b: {  	[tilespmem:s13+$0x140] =	vst v0  }
0x2c: {  	[tilespmem:s13+$0x150] =	vst v0  }
0x2d: {  	[tilespmem:s13+$0x160] =	vst v0;
	s13 =	sshra.s32 s14, $0x2;
	s14 =	sadd.s32 $0x200, s14  }
0x2e: {  	[tilespmem:s13+$0x170] =	vst v0  }
0x2f: {  	[tilespmem:s13+$0x100] =	vst v0  }
0x30: {  	[tilespmem:s13+$0x110] =	vst v0  }
0x31: {  	[tilespmem:s13+$0x120] =	vst v0  }
0x32: {  	[tilespmem:s13+$0x130] =	vst v0  }
0x33: {  	[tilespmem:s13+$0x140] =	vst v0  }
0x34: {  	[tilespmem:s13+$0x150] =	vst v0  }
0x35: {  	[tilespmem:s13+$0x160] =	vst v0  }
0x36: {  	[spmem:s22] =	stream.linear.scatter [tilespmem:s29], [sflag:$0x1], $0x2800, $0x38;
	[tilespmem:$0x1B980] =	vst v63  }
0x37: {  	_ = 	snop  }
0x38: {  	[spmem:s23] =	stream.linear.scatter [tilespmem:s29], [sflag:$0x1], $0x2800, $0x38;
	[tilespmem:$0x1B980] =	vst v63  }
0x39: {  	s9 =	rddreg [dreg:$0x7]  }
0x3a: {  	[spmem:s9] =	stream.linear.scatter [tilespmem:s29], [sflag:$0x1], $0x2800, $0x38;
	[tilespmem:$0x1B980] =	vst v63  }
0x3b: {  	s26 =	rddreg [dreg:$0x8]  }
0x3c: {  	[spmem:s26] =	stream.linear.scatter [tilespmem:s29], [sflag:$0x1], $0x2800, $0x38;
	[tilespmem:$0x1B980] =	vst v63  }
0x3d: {  	s28 =	rddreg [dreg:$0x9]  }
0x3e: {  	[spmem:s28] =	stream.linear.scatter [tilespmem:s29], [sflag:$0x1], $0x2800, $0x38;
	[tilespmem:$0x1B980] =	vst v63  }
0x3f: {  	s10 =	rddreg [dreg:$0xa]  }
0x40: {  	[spmem:s10] =	stream.linear.scatter [tilespmem:s29], [sflag:$0x1], $0x2800, $0x38;
	[tilespmem:$0x1B980] =	vst v63  }
0x41: {  	s13 =	rddreg [dreg:$0x14]  }
0x42: {  	[spmem:s13] =	stream.linear.scatter [tilespmem:s29], [sflag:$0x1], $0x2800, $0x38;
	[tilespmem:$0x1B980] =	vst v63  }
0x43: {  	s9 =	simm.s32 @!p0 $0x100;
	s10 =	rddreg [dreg:$0xb]  }
0x44: {  	[spmem:s10] =	stream.linear.scatter @!p0 [tilespmem:s9], [sflag:$0x1], $0x2800, $0x38;
	[tilespmem:$0x1B980] =	vst v63  }
0x45: {  	_ =	swait.ge [sflag:s30], $0x2800  }
0x46: {  	[sflag:s30] =	ssyncset.done $0x0  }
0x47: {  	[sflag:s30] =	ssyncadd.s32 $0xFFFFD800  }
0x48: {  	_ =	swait.ge [sflag:s30], $0x2800  }
0x49: {  	[sflag:s30] =	ssyncset.done $0x0  }
0x4a: {  	[sflag:s30] =	ssyncadd.s32 $0xFFFFD800  }
0x4b: {  	_ =	swait.ge [sflag:s30], $0x2800  }
0x4c: {  	[sflag:s30] =	ssyncset.done $0x0  }
0x4d: {  	[sflag:s30] =	ssyncadd.s32 $0xFFFFD800  }
0x4e: {  	_ =	swait.ge [sflag:s30], $0x2800  }
0x4f: {  	[sflag:s30] =	ssyncset.done $0x0  }
0x50: {  	[sflag:s30] =	ssyncadd.s32 $0xFFFFD800  }
0x51: {  	_ =	swait.ge [sflag:s30], $0x2800  }
0x52: {  	[sflag:s30] =	ssyncset.done $0x0  }
0x53: {  	[sflag:s30] =	ssyncadd.s32 $0xFFFFD800  }
0x54: {  	_ =	swait.ge [sflag:s30], $0x2800  }
0x55: {  	[sflag:s30] =	ssyncset.done $0x0  }
0x56: {  	[sflag:s30] =	ssyncadd.s32 $0xFFFFD800  }
0x57: {  	_ =	swait.ge [sflag:s30], $0x2800  }
0x58: {  	[sflag:s30] =	ssyncset.done $0x0  }
0x59: {  	s9 =	simm.s32 @!p2 $0x1;
	[sflag:s30] =	ssyncadd.s32 $0xFFFFD800  }
0x5a: {  	_ =	swait.ge @!p2 [sflag:s9], $0x2800  }
0x5b: {  	[sflag:s9] =	ssyncset.done @!p2 $0x0  }
0x5c: {  	[sflag:s9] =	ssyncadd.s32 @!p2 $0xFFFFD800  }
0x5d: {  	[bflag:$0x0] =	sbarrier.arrive $0xFFFF  }
0x5e: {  	s14 =	simm.s32 $0x0;
	s16 =	rddreg [dreg:$0x4]  }
0x5f: {  	[tilespmem:s14], [sflag:$0x1] =	stream.linear.gather [hbm4b:s16+s14], $0x80, $0x38;
	[tilespmem:$0x1B980] =	vst v63  }
0x60: {  	s17 =	rddreg [dreg:$0x5]  }
0x61: {  	[tilespmem:s29], [sflag:$0x3] =	stream.linear.gather [hbm4b:s17+s14], $0x4000, $0x38;
	[tilespmem:$0x1B980] =	vst v63  }
0x62: {  	s18 =	sadd.s32 $0x0, s20  }
0x63: {  	[tilespmem:s31], [sflag:$0x2] =	stream.linear.gather [hbm4b:s18+s3], $0x80, $0x38;
	[tilespmem:$0x1B980] =	vst v63  }
0x64: {  	s24 =	rddreg [dreg:$0x10]  }
0x65: {  	[tilespmem:s0], [sflag:$0x4] =	stream.linear.gather [hbm4b:s24+s3], $0x4000, $0x38;
	[tilespmem:$0x1B980] =	vst v63  }
0x66: {  	_ =	swait.ge [sflag:s30], $0x80  }
0x67: {  	[sflag:s30] =	ssyncset.done $0x0  }
0x68: {  	[sflag:s30] =	ssyncadd.s32 $0xFFFFFF80  }
0x69: {  	_ =	swait.ge [sflag:s6], $0x4000  }
0x6a: {  	[sflag:s6] =	ssyncset.done $0x0  }
0x6b: {  	[sflag:s6] =	ssyncadd.s32 $0xFFFFC000  }
0x6c: {  	[spmem:s2] =	stream.indirect.scatter.add.f32 [tilespmem:s29], [sflag:$0x6], $0x80, s3, s31, $0xb8;
	[tilespmem:$0x1B980] =	vst v63  }
0x6d: {  	_ =	swait.ge [sflag:s7], $0x4000  }
0x6e: {  	[sflag:s7] =	ssyncset.done $0x0;
	s14 =	rddreg [dreg:$0x11]  }
0x6f: {  	s25 =	sadd.s32 $0x0, s21;
	[sflag:s7] =	ssyncadd.s32 $0xFFFFC000;
	s26 =	sshrl.u32 s14, $0x3  }
0x70: {  	[tilespmem:s3], [sflag:$0x1] =	stream.linear.gather [hbm4b:s25+s3], $0x80, $0x38;
	[tilespmem:$0x1B980] =	vst v63  }
0x71: {  	s28 =	sadd.s32 s4, s26  }
0x72: {  	[tilespmem:s29], [sflag:$0x3] =	stream.linear.gather [hbm4b:s28+s3], $0x4000, $0x38;
	[tilespmem:$0x1B980] =	vst v63  }
0x73: {  	_ =	swait.ge [sflag:s8], $0x80  }
0x74: {  	[sflag:s8] =	ssyncset.done $0x0  }
0x75: {  	[sflag:s8] =	ssyncadd.s32 $0xFFFFFF80  }
0x76: {  	_ =	swait.ge [sflag:s11], $0x4000  }
0x77: {  	[sflag:s11] =	ssyncset.done $0x0  }
0x78: {  	[sflag:s11] =	ssyncadd.s32 $0xFFFFC000  }
0x79: {  	[spmem:s2] =	stream.indirect.scatter.add.f32 [tilespmem:s0], [sflag:$0x5], $0x80, s31, s31, $0xb8;
	[tilespmem:$0x1B980] =	vst v63  }
0x7a: {  	s10 =	simm.s32 $0x400;
	s17 =	simm.s32 $0x200;
	_ =	swait.ge [sflag:s12], $0x4000  }
0x7b: {  	s18 =	sadd.s32 $0x10000, s24;
	s16 =	sadd.s32 $0x80000, s14;
	[sflag:s12] =	ssyncset.done $0x0  }
.LBB2_4:
0x7c: {  	s9 =	sadd.s32 s17, s20  }
0x7d: {  	[sflag:s12] =	ssyncadd.s32 $0xFFFFC000;
	s13 =	smov.u32 s10;
	s14 =	sadd.s32 $0x200, s10  }
0x7e: {  	[tilespmem:s31], [sflag:$0x2] =	stream.linear.gather [hbm4b:s9+s3], $0x80, $0x38;
	[tilespmem:$0x1B980] =	vst v63  }
0x7f: {  	p3 =	sne.s32 s10, $0x2400  }
0x80: {  	[tilespmem:s0], [sflag:$0x4] =	stream.linear.gather [hbm4b:s18+s3], $0x4000, $0x38;
	[tilespmem:$0x1B980] =	vst v63  }
0x81: {  	_ =	swait.ge [sflag:s30], $0x80  }
0x82: {  	[sflag:s30] =	ssyncset.done $0x0  }
0x83: {  	[sflag:s30] =	ssyncadd.s32 $0xFFFFFF80  }
0x84: {  	_ =	swait.ge [sflag:s6], $0x4000  }
0x85: {  	[sflag:s6] =	ssyncset.done $0x0  }
0x86: {  	[sflag:s6] =	ssyncadd.s32 $0xFFFFC000  }
0x87: {  	[spmem:s2] =	stream.indirect.scatter.add.f32 [tilespmem:s29], [sflag:$0x6], $0x80, s3, s31, $0xb8;
	[tilespmem:$0x1B980] =	vst v63  }
0x88: {  	_ =	swait.ge [sflag:s7], $0x4000  }
0x89: {  	[sflag:s7] =	ssyncset.done $0x0  }
0x8a: {  	s10 =	sshrl.u32 s16, $0x3;
	s9 =	sadd.s32 s17, s21;
	[sflag:s7] =	ssyncadd.s32 $0xFFFFC000  }
0x8b: {  	[tilespmem:s3], [sflag:$0x1] =	stream.linear.gather [hbm4b:s9+s3], $0x80, $0x38;
	[tilespmem:$0x1B980] =	vst v63  }
0x8c: {  	s17 =	smov.u32 s13;
	s9 =	sadd.s32 s4, s10  }
0x8d: {  	[tilespmem:s29], [sflag:$0x3] =	stream.linear.gather [hbm4b:s9+s3], $0x4000, $0x38;
	[tilespmem:$0x1B980] =	vst v63  }
0x8e: {  	_ =	swait.ge [sflag:s8], $0x80  }
0x8f: {  	[sflag:s8] =	ssyncset.done $0x0  }
0x90: {  	[sflag:s8] =	ssyncadd.s32 $0xFFFFFF80  }
0x91: {  	_ =	swait.ge [sflag:s11], $0x4000  }
.Ltmp1:
0x92: {  	[sflag:s11] =	ssyncset.done $0x0;
	(pc) =	sbr.rel @p3 .LBB2_4-.Ltmp1, $4  }
0x93: {  	[sflag:s11] =	ssyncadd.s32 $0xFFFFC000  }
0x94: {  	[spmem:s2] =	stream.indirect.scatter.add.f32 [tilespmem:s0], [sflag:$0x5], $0x80, s31, s31, $0xb8;
	[tilespmem:$0x1B980] =	vst v63  }
0x95: {  	s16 =	sadd.s32 $0x80000, s16;
	_ =	swait.ge [sflag:s12], $0x4000  }
0x96: {  	s18 =	sadd.s32 $0x10000, s18;
	s10 =	smov.u32 s14;
	[sflag:s12] =	ssyncset.done $0x0  }
0x97: {  	s9 =	sadd.s32 s17, s20;
	[sflag:s12] =	ssyncadd.s32 $0xFFFFC000  }
0x98: {  	[tilespmem:s31], [sflag:$0x2] =	stream.linear.gather [hbm4b:s9+s3], $0x80, $0x38;
	[tilespmem:$0x1B980] =	vst v63  }
0x99: {  	_ = 	snop  }
0x9a: {  	[tilespmem:s0], [sflag:$0x4] =	stream.linear.gather [hbm4b:s18+s3], $0x4000, $0x38;
	[tilespmem:$0x1B980] =	vst v63  }
0x9b: {  	_ =	swait.ge [sflag:s30], $0x80  }
0x9c: {  	[sflag:s30] =	ssyncset.done $0x0  }
0x9d: {  	[sflag:s30] =	ssyncadd.s32 $0xFFFFFF80  }
0x9e: {  	_ =	swait.ge [sflag:s6], $0x4000  }
0x9f: {  	[sflag:s6] =	ssyncset.done $0x0  }
0xa0: {  	[sflag:s6] =	ssyncadd.s32 $0xFFFFC000  }
0xa1: {  	[spmem:s2] =	stream.indirect.scatter.add.f32 [tilespmem:s29], [sflag:$0x6], $0x80, s3, s31, $0xb8;
	[tilespmem:$0x1B980] =	vst v63  }
0xa2: {  	_ =	swait.ge [sflag:s7], $0x4000  }
0xa3: {  	[sflag:s7] =	ssyncset.done $0x0  }
0xa4: {  	s26 =	sadd.s32 s17, s21;
	s10 =	sshrl.u32 s16, $0x3;
	[sflag:s7] =	ssyncadd.s32 $0xFFFFC000  }
0xa5: {  	[tilespmem:s3], [sflag:$0x1] =	stream.linear.gather [hbm4b:s26+s3], $0x80, $0x38;
	[tilespmem:$0x1B980] =	vst v63  }
0xa6: {  	s13 =	sadd.s32 s4, s10  }
0xa7: {  	[tilespmem:s29], [sflag:$0x3] =	stream.linear.gather [hbm4b:s13+s3], $0x4000, $0x38;
	[tilespmem:$0x1B980] =	vst v63  }
0xa8: {  	_ =	swait.ge [sflag:s8], $0x80  }
0xa9: {  	[sflag:s8] =	ssyncset.done $0x0  }
0xaa: {  	[sflag:s8] =	ssyncadd.s32 $0xFFFFFF80  }
0xab: {  	_ =	swait.ge [sflag:s11], $0x4000  }
0xac: {  	[sflag:s11] =	ssyncset.done $0x0  }
0xad: {  	[sflag:s11] =	ssyncadd.s32 $0xFFFFC000  }
0xae: {  	[spmem:s2] =	stream.indirect.scatter.add.f32 [tilespmem:s0], [sflag:$0x5], $0x80, s31, s31, $0xb8;
	[tilespmem:$0x1B980] =	vst v63  }
0xaf: {  	_ =	swait.ge [sflag:s12], $0x4000  }
0xb0: {  	s9 =	simm.s32 @!p1 $0x0;
	[sflag:s12] =	ssyncset.done $0x0  }
0xb1: {  	s10 =	simm.s32 @!p1 $0x80;
	s13 =	rddreg [dreg:$0xe];
	[sflag:s12] =	ssyncadd.s32 $0xFFFFC000  }
0xb2: {  	[tilespmem:s10], [sflag:$0x2] =	stream.linear.gather @!p1 [hbm4b:s13+s9], $0x80, $0x38;
	[tilespmem:$0x1B980] =	vst v63  }
0xb3: {  	s14 =	rddreg [dreg:$0xf];
	s13 =	simm.s32 @!p1 $0x4100  }
0xb4: {  	[tilespmem:s13], [sflag:$0x4] =	stream.linear.gather @!p1 [hbm4b:s14+s9], $0x4000, $0x38;
	[tilespmem:$0x1B980] =	vst v63  }
0xb5: {  	_ =	swait.ge [sflag:s30], $0x80  }
0xb6: {  	[sflag:s30] =	ssyncset.done $0x0  }
0xb7: {  	[sflag:s30] =	ssyncadd.s32 $0xFFFFFF80  }
0xb8: {  	_ =	swait.ge [sflag:s6], $0x4000  }
0xb9: {  	[sflag:s6] =	ssyncset.done $0x0  }
0xba: {  	[sflag:s6] =	ssyncadd.s32 $0xFFFFC000  }
0xbb: {  	[spmem:s2] =	stream.indirect.scatter.add.f32 [tilespmem:s29], [sflag:$0x6], $0x80, s3, s31, $0xb8;
	[tilespmem:$0x1B980] =	vst v63  }
0xbc: {  	_ =	swait.ge [sflag:s7], $0x4000  }
0xbd: {  	[sflag:s7] =	ssyncset.done $0x0  }
0xbe: {  	s9 =	simm.s32 @!p1 $0x2;
	[sflag:s7] =	ssyncadd.s32 $0xFFFFC000  }
0xbf: {  	_ =	swait.ge @!p1 [sflag:s9], $0x80  }
0xc0: {  	[sflag:s9] =	ssyncset.done @!p1 $0x0  }
0xc1: {  	[sflag:s9] =	ssyncadd.s32 @!p1 $0xFFFFFF80;
	s9 =	simm.s32 @!p1 $0x4  }
0xc2: {  	_ =	swait.ge @!p1 [sflag:s9], $0x4000  }
0xc3: {  	[sflag:s9] =	ssyncset.done @!p1 $0x0  }
0xc4: {  	[sflag:s9] =	ssyncadd.s32 @!p1 $0xFFFFC000;
	s9 =	simm.s32 @!p1 $0x5  }
0xc5: {  	[spmem:s2] =	stream.indirect.scatter.add.f32 @!p1 [tilespmem:s13], [sflag:$0x5], $0x80, s10, s10, $0xb8;
	[tilespmem:$0x1B980] =	vst v63  }
0xc6: {  	_ =	swait.ge @!p1 [sflag:s9], $0x4000  }
0xc7: {  	[sflag:s9] =	ssyncset.done @!p1 $0x0  }
0xc8: {  	[sflag:s9] =	ssyncadd.s32 @!p1 $0xFFFFC000  }
0xc9: {  	[bflag:$0x0] =	sbarrier.arrive $0xFFFF  }
0xca: {  	[tilespmem:s29], [sflag:$0x5] =	stream.linear.gather [spmem:s22], $0x2800, $0x38;
	[tilespmem:$0x1B980] =	vst v63  }
0xcb: {  	_ =	swait.ge [sflag:s12], $0x2800  }
0xcc: {  	s16 =	simm.s32 $0x400;
	[sflag:s12] =	ssyncset.done $0x0  }
0xcd: {  	s17 =	simm.s32 $0x800;
	s14 =	rddreg [dreg:$0xc];
	[sflag:s12] =	ssyncadd.s32 $0xFFFFD800  }
0xce: {  	[hbm4b:s14+s16] =	stream.strided.scatter [tilespmem:s29], [sflag:$0x3], $0x2800, s17, s16, $0x38;
	[tilespmem:$0x1B980] =	vst v63  }
0xcf: {  	_ = 	snop  }
0xd0: {  	[tilespmem:s0], [sflag:$0x5] =	stream.linear.gather [spmem:s23], $0x2800, $0x38;
	[tilespmem:$0x1B980] =	vst v63  }
0xd1: {  	s24 =	smov.u32 s22;
	_ =	swait.ge [sflag:s12], $0x2800  }
0xd2: {  	s26 =	smov.u32 s23;
	s22 =	sadd.s32 $0x0, s5;
	[sflag:s12] =	ssyncset.done $0x0  }
0xd3: {  	s25 =	sadd.s32 $0x10, s22;
	s18 =	rddreg [dreg:$0xd];
	[sflag:s12] =	ssyncadd.s32 $0xFFFFD800  }
0xd4: {  	[hbm4b:s18+s16] =	stream.strided.scatter [tilespmem:s0], [sflag:$0x4], $0x2800, s17, s16, $0x38;
	[tilespmem:$0x1B980] =	vst v63  }
0xd5: {  	s9 =	sadd.s32 $0x30, s22;
	s23 =	sadd.s32 $0x20, s22;
	_ =	swait.ge [sflag:s6], $0x2800  }
0xd6: {  	p5 =	sgt.u32 s25, $0x7C;
	p3 =	sgt.u32 s23, $0x7C;
	[sflag:s6] =	ssyncset.done $0x0  }
0xd7: {  	s13 =	simm.s32 @!p3 $0x100;
	s14 =	simm.s32 @!p3 $0x5;
	[sflag:s6] =	ssyncadd.s32 $0xFFFFD800  }
0xd8: {  	[tilespmem:s13], [sflag:$0x5] =	stream.linear.gather @!p3 [spmem:s19], $0x2800, $0x38;
	[tilespmem:$0x1B980] =	vst v63  }
0xd9: {  	s10 =	simm.s32 @!p3 $0x400;
	s18 =	rddreg [dreg:$0x12];
	_ =	swait.ge @!p3 [sflag:s14], $0x2800  }
0xda: {  	s17 =	simm.s32 @!p3 $0x800;
	s16 =	sshrl.u32 @!p3 s18, $0x3;
	[sflag:s14] =	ssyncset.done @!p3 $0x0  }
0xdb: {  	s16 =	sadd.s32 @!p3 s1, s16;
	[sflag:s14] =	ssyncadd.s32 @!p3 $0xFFFFD800;
	s14 =	simm.s32 @!p5 $0x4  }
0xdc: {  	[hbm4b:s16+s10] =	stream.strided.scatter @!p3 [tilespmem:s13], [sflag:$0x3], $0x2800, s17, s10, $0x38;
	[tilespmem:$0x1B980] =	vst v63  }
0xdd: {  	p4 =	sgt.u32 s9, $0x7C;
	_ =	swait.ge @!p5 [sflag:s14], $0x2800  }
0xde: {  	s9 =	sadd.s32 @!p4 $0x28000, s19;
	[sflag:s14] =	ssyncset.done @!p5 $0x0  }
0xdf: {  	s13 =	simm.s32 @!p4 $0x4100;
	[sflag:s14] =	ssyncadd.s32 @!p5 $0xFFFFD800;
	s14 =	simm.s32 @!p4 $0x5  }
0xe0: {  	[tilespmem:s13], [sflag:$0x5] =	stream.linear.gather @!p4 [spmem:s9], $0x2800, $0x38;
	[tilespmem:$0x1B980] =	vst v63  }
0xe1: {  	s28 =	smov.u32 s19;
	s16 =	simm.s32 $0x20;
	_ =	swait.ge @!p4 [sflag:s14], $0x2800  }
0xe2: {  	s17 =	sadd.s32 $0xA0000, s18;
	s10 =	simm.s32 @!p4 $0x400;
	s25 =	rddreg [dreg:$0x13]  }
0xe3: {  	s9 =	simm.s32 @!p4 $0x800;
	[sflag:s14] =	ssyncset.done @!p4 $0x0;
	s18 =	sadd.s32 $0x14000, s25  }
.LBB2_6:
0xe4: {  	[sflag:s14] =	ssyncadd.s32 @!p4 $0xFFFFD800  }
0xe5: {  	s28 =	sadd.s32 $0x50000, s28;
	s14 =	smov.u32 s16;
	s16 =	sadd.s32 $0x20, s16  }
0xe6: {  	[hbm4b:s25+s10] =	stream.strided.scatter @!p4 [tilespmem:s13], [sflag:$0x4], $0x2800, s9, s10, $0x38;
	[tilespmem:$0x1B980] =	vst v63  }
0xe7: {  	s9 =	sadd.s32 s14, s5;
	p3 =	sne.s32 s16, $0x80;
	s25 =	smov.u32 s18  }
0xe8: {  	s10 =	sadd.s32 $0x20, s9;
	s13 =	sadd.s32 $0x10, s9;
	_ =	swait.ge [sflag:s6], $0x2800  }
0xe9: {  	s9 =	sadd.s32 $0x30, s9;
	p4 =	sgt.u32 s10, $0x7C;
	[sflag:s6] =	ssyncset.done $0x0  }
0xea: {  	s10 =	simm.s32 @!p4 $0x100;
	s14 =	simm.s32 @!p4 $0x5;
	s22 =	sshrl.u32 @!p4 s17, $0x3  }
0xeb: {  	s22 =	sadd.s32 @!p4 s1, s22;
	[sflag:s6] =	ssyncadd.s32 $0xFFFFD800  }
0xec: {  	[tilespmem:s10], [sflag:$0x5] =	stream.linear.gather @!p4 [spmem:s28], $0x2800, $0x38;
	[tilespmem:$0x1B980] =	vst v63  }
0xed: {  	p5 =	sgt.u32 s13, $0x7C;
	_ =	swait.ge @!p4 [sflag:s14], $0x2800  }
0xee: {  	s13 =	simm.s32 @!p4 $0x400;
	s23 =	simm.s32 @!p4 $0x800;
	[sflag:s14] =	ssyncset.done @!p4 $0x0  }
0xef: {  	[sflag:s14] =	ssyncadd.s32 @!p4 $0xFFFFD800;
	s14 =	simm.s32 @!p5 $0x4  }
0xf0: {  	[hbm4b:s22+s13] =	stream.strided.scatter @!p4 [tilespmem:s10], [sflag:$0x3], $0x2800, s23, s13, $0x38;
	[tilespmem:$0x1B980] =	vst v63  }
0xf1: {  	p4 =	sgt.u32 s9, $0x7C  }
0xf2: {  	_ =	swait.ge @!p5 [sflag:s14], $0x2800;
	s9 =	sadd.s32 @!p4 $0x28000, s28  }
.Ltmp2:
0xf3: {  	s13 =	simm.s32 @!p4 $0x4100;
	[sflag:s14] =	ssyncset.done @!p5 $0x0;
	(pc) =	sbr.rel @p3 .LBB2_6-.Ltmp2, $4  }
0xf4: {  	[sflag:s14] =	ssyncadd.s32 @!p5 $0xFFFFD800;
	s14 =	simm.s32 @!p4 $0x5  }
0xf5: {  	[tilespmem:s13], [sflag:$0x5] =	stream.linear.gather @!p4 [spmem:s9], $0x2800, $0x38;
	[tilespmem:$0x1B980] =	vst v63  }
0xf6: {  	s18 =	sadd.s32 $0x14000, s18;
	s17 =	sadd.s32 $0xA0000, s17;
	_ =	swait.ge @!p4 [sflag:s14], $0x2800  }
0xf7: {  	s10 =	simm.s32 @!p4 $0x400;
	s9 =	simm.s32 @!p4 $0x800;
	[sflag:s14] =	ssyncset.done @!p4 $0x0  }
0xf8: {  	s15 =	sadd.s32 $0x1, s15;
	s28 =	rddreg [dreg:$0x6]  }
0xf9: {  	p3 =	sne.s32 s15, s28  }
.Ltmp3:
0xfa: {  	_ = 	snop;
	(pc) =	sbr.rel @p3 .LBB2_1-.Ltmp3, $3  }
0xfb: {  	_ =	sdelay $0x1  }
0xfc: {  	[sflag:s14] =	ssyncadd.s32 @!p4 $0xFFFFD800;
	s22 =	smov.u32 s24;
	s23 =	smov.u32 s26  }
0xfd: {  	[hbm4b:s25+s10] =	stream.strided.scatter @!p4 [tilespmem:s13], [sflag:$0x4], $0x2800, s9, s10, $0x38;
	[tilespmem:$0x1B980] =	vst v63  }
0xfe: {  	_ =	sfence.sel $0x180000  }
0xff: {  	[bflag:$0x0] =	sbarrier.arrive $0xFFFF  }
0x100: {  	_ =	strace $0x90000056  }
0x101: {  	[bflag:$0x2] =	sbarrier.arrive $0xFFFF  }
0x102: {  	s0 =	rddreg [dreg:$0x3]  }
0x103: {  	s0 =	sadd.s32 @!p1 $0x100000, s0  }
0x104: {  	[sflag:s0] =	ssyncadd.tile.s32 @!p1 $0x1;
	_ =	shalt  }
.Lfunc_end2:
_tile_overlayer_lowered:
.L_overlay_start_2:
0x105: {  	(tag) =	ssettag $0x2  }
0x106: {  	s0 =	rddreg [dreg:$0x0];
	s2 =	stileid.u32  }
0x107: {  	s1 =	rddreg [dreg:$0x1];
	p0 =	sne.s32 s2, $0x0  }
0x108: {  	s3 =	rddreg [dreg:$0x2];
	[bflag:$0x3] =	sbarrier.arrive $0xFFFF;
	s2 =	simm.s32 @!p0 $0x1C05  }
0x109: {  	[timem:s3], [sflag:s2] =	dma.local @!p0 [hbm:s0], s1  }
0x10a: {  	s0 =	simm.s32 @!p0 $0x5  }
0x10b: {  	_ =	swait.ge @!p0 [sflag:s0], s1  }
0x10c: {  	s1 =	ssub.s32 @!p0 $0x0, s1;
	[sflag:s0] =	ssyncset.done @!p0 $0x0  }
0x10d: {  	[sflag:s0] =	ssyncadd.s32 @!p0 s1  }
0x10e: {  	[bflag:$0x3] =	sbarrier.arrive $0xFFFF  }
0x10f: {  	_ =	shalt  }

// kernel: kernel.20.cloned.1.call-start
scs
__scs_entry_jumppad:
0x0: {  	(pc) =	sbr.rel $0x88, $3  }
0x1: {  	(tag) =	ssettag $0x0;
	lr =	simm.s32 $0x1  }
0x2: {  	[smem:$0x3F96] =	sst lr;
	_ =	strace $0xD0000000  }
0x3: {  	_ = 	snop  }
0x4: {  	_ = 	snop  }
0x5: {  	_ = 	snop  }
0x6: {  	_ = 	snop  }
0x7: {  	_ = 	snop  }
__scs_overlays_trampoline_lowered:
0x8: {  	[smem:$0x3FA5] =	sst s0  }
0x9: {  	[smem:$0x3FA6] =	sst s1  }
0xa: {  	[smem:$0x3FA7] =	sst s2  }
0xb: {  	[smem:$0x3FA8] =	sst s3  }
0xc: {  	[smem:$0x3FA9] =	sst s4  }
0xd: {  	[smem:$0x3FAA] =	sst s5  }
0xe: {  	[smem:$0x3FAB] =	sst s6  }
0xf: {  	[smem:$0x3FAC] =	sst s7  }
0x10: {  	[smem:$0x3FAD] =	sst s8  }
0x11: {  	[smem:$0x3FAE] =	sst s9;
	s0 =	simm.s32 @!p0 $0x0  }
0x12: {  	s1 =	sld [smem:$0x3F94];
	s0 =	simm.s32 @p0 $0x1  }
0x13: {  	[smem:$0x3FAF] =	sst s0;
	s0 =	simm.s32 @!p1 $0x0  }
0x14: {  	s2 =	sld [smem:$0x3F93];
	s0 =	simm.s32 @p1 $0x1  }
0x15: {  	[smem:$0x3FB0] =	sst s0;
	s0 =	simm.s32 @!p2 $0x0  }
0x16: {  	s3 =	sld [smem:$0x3FDB];
	s0 =	simm.s32 @p2 $0x1  }
0x17: {  	s4 =	simm.s32 $0x1BF5;
	[smem:$0x3FB2] =	sst s0  }
0x18: {  	s0 =	sld [smem:$0x3F95];
	_ =	swait.ge [sflag:s4], $0x0  }
0x19: {  	s7 =	sld [smem:$0x3F96]  }
0x1a: {  	s8 =	sadd.s32 $0xFFFFE003, lr  }
0x1b: {  	s9 =	sadd.s32 $0xFFFFFEF7, lr;
	s5 =	simm.s32 $0xFFFFFFFF;
	p2 =	slt.u32 s8, $0xFFFFF086  }
0x1c: {  	p1 =	slt.u32 s9, $0xF7A;
	s5 =	simm.s32 @!p2 $0x0  }
0x1d: {  	s5 =	simm.s32 @p1 $0x1;
	p0 =	seq.s32 s7, s2  }
0x1e: {  	s7 =	smul.u32 @!p0 $0xF7A, s2;
	p2 =	seq.s32 @!p0 s5, $0x0  }
0x1f: {  	s9 =	smul.u32 $0xF7A, s1;
	s8 =	simm.s32 @!p0 $0x1BF5;
	p2 =	por !p2, p0  }
0x20: {  	[sflag:s8] =	ssyncset.s32 @!p0 $0xFFFFF086;
	s6 =	sadd.s32 @!p0 s3, s7;
	s7 =	simm.s32 @!p0 $0x108  }
0x21: {  	s3 =	sadd.s32 s3, s9;
	s6 =	sadd.s32 @!p0 $0x88, s6;
	s7 =	simm.s32 @p2 $0x1082  }
0x22: {  	[simem:s7], [sflag:s8] =	dma.local @!p0 [hbm:s6], $0xF7A  }
0x23: {  	s9 =	sor.u32 $0xD0000000, s2;
	s6 =	simm.s32 $0x108;
	_ =	swait.ge @!p0 [sflag:s8], $0x0  }
0x24: {  	s3 =	sadd.s32 $0x88, s3;
	s6 =	simm.s32 @!p1 $0x1082;
	[sflag:s4] =	ssyncset.s32 $0xFFFFF086  }
0x25: {  	[simem:s6], [sflag:s4] =	dma.local [hbm:s3], $0xF7A  }
0x26: {  	[smem:$0x3F96] =	sst s1;
	(tag) =	ssettag s2;
	_ =	strace s9  }
0x27: {  	s1 =	sld [smem:$0x3FA6]  }
0x28: {  	s2 =	sld [smem:$0x3FA7]  }
0x29: {  	s4 =	sld [smem:$0x3FA9]  }
0x2a: {  	p0 =	seq.s32 s5, $0x0;
	s5 =	sld [smem:$0x3FAA]  }
0x2b: {  	s6 =	sld [smem:$0x3FAB]  }
0x2c: {  	s7 =	sld [smem:$0x3FAC]  }
0x2d: {  	s3 =	simm.s32 $0x108;
	s8 =	sld [smem:$0x3FAD]  }
0x2e: {  	s3 =	simm.s32 @!p0 $0x1082;
	s9 =	sld [smem:$0x3FAE]  }
0x2f: {  	lr =	sadd.s32 s0, s3;
	s0 =	sld [smem:$0x3FA5]  }
0x30: {  	s3 =	sld [smem:$0x3FA8]  }
0x31: {  	[smem:$0x3FB1] =	sst s10  }
0x32: {  	s10 =	sld [smem:$0x3FAF];
	_ =	sdelay $0x3  }
0x33: {  	p0 =	seq.s32 s10, $0x1;
	s10 =	sld [smem:$0x3FB1];
	_ =	sdelay $0x3  }
0x34: {  	[smem:$0x3FB1] =	sst s10  }
0x35: {  	s10 =	sld [smem:$0x3FB0];
	_ =	sdelay $0x3  }
0x36: {  	p1 =	seq.s32 s10, $0x1;
	s10 =	sld [smem:$0x3FB1];
	_ =	sdelay $0x3  }
0x37: {  	[smem:$0x3FB1] =	sst s10  }
0x38: {  	s10 =	sld [smem:$0x3FB2]  }
0x39: {  	_ = 	snop;
	(pc) =	sbr.ind lr, $3  }
0x3a: {  	_ = 	snop  }
0x3b: {  	_ = 	snop  }
0x3c: {  	p2 =	seq.s32 s10, $0x1;
	s10 =	sld [smem:$0x3FB1]  }
0x3d: {  	_ =	shalt  }
0x3e: {  	_ =	shalt  }
0x3f: {  	_ =	shalt  }
0x40: {  	_ =	shalt  }
0x41: {  	_ =	shalt  }
0x42: {  	_ =	shalt  }
0x43: {  	_ =	shalt  }
0x44: {  	_ =	shalt  }
0x45: {  	_ =	shalt  }
0x46: {  	_ =	shalt  }
0x47: {  	_ =	shalt  }
0x48: {  	_ =	shalt  }
0x49: {  	_ =	shalt  }
0x4a: {  	_ =	shalt  }
0x4b: {  	_ =	shalt  }
0x4c: {  	_ =	shalt  }
0x4d: {  	_ =	shalt  }
0x4e: {  	_ =	shalt  }
0x4f: {  	_ =	shalt  }
0x50: {  	_ =	shalt  }
0x51: {  	_ =	shalt  }
0x52: {  	_ =	shalt  }
0x53: {  	_ =	shalt  }
0x54: {  	_ =	shalt  }
0x55: {  	_ =	shalt  }
0x56: {  	_ =	shalt  }
0x57: {  	_ =	shalt  }
0x58: {  	_ =	shalt  }
0x59: {  	_ =	shalt  }
0x5a: {  	_ =	shalt  }
0x5b: {  	_ =	shalt  }
0x5c: {  	_ =	shalt  }
0x5d: {  	_ =	shalt  }
0x5e: {  	_ =	shalt  }
0x5f: {  	_ =	shalt  }
0x60: {  	_ =	shalt  }
0x61: {  	_ =	shalt  }
0x62: {  	_ =	shalt  }
0x63: {  	_ =	shalt  }
0x64: {  	_ =	shalt  }
0x65: {  	_ =	shalt  }
0x66: {  	_ =	shalt  }
0x67: {  	_ =	shalt  }
0x68: {  	_ =	shalt  }
0x69: {  	_ =	shalt  }
0x6a: {  	_ =	shalt  }
0x6b: {  	_ =	shalt  }
0x6c: {  	_ =	shalt  }
0x6d: {  	_ =	shalt  }
0x6e: {  	_ =	shalt  }
0x6f: {  	_ =	shalt  }
0x70: {  	_ =	shalt  }
0x71: {  	_ =	shalt  }
0x72: {  	_ =	shalt  }
0x73: {  	_ =	shalt  }
0x74: {  	_ =	shalt  }
0x75: {  	_ =	shalt  }
0x76: {  	_ =	shalt  }
0x77: {  	_ =	shalt  }
0x78: {  	_ =	shalt  }
0x79: {  	_ =	shalt  }
0x7a: {  	_ =	shalt  }
0x7b: {  	_ =	shalt  }
0x7c: {  	_ =	shalt  }
0x7d: {  	_ =	shalt  }
0x7e: {  	_ =	shalt  }
0x7f: {  	_ =	shalt  }
0x80: {  	_ =	shalt  }
0x81: {  	_ =	shalt  }
0x82: {  	_ =	shalt  }
0x83: {  	_ =	shalt  }
0x84: {  	_ =	shalt  }
0x85: {  	_ =	shalt  }
0x86: {  	_ =	shalt  }
0x87: {  	_ =	shalt  }
.Lfunc_end0:
.L_simem_size_0:
called_computation.3_lowered:
.L_overlay_start_0:
0x88: {  	s2 =	sld [smem:$0x3FD9]  }
0x89: {  	s3 =	sld [smem:$0x3FFE];
	_ =	sdelay $0x1  }
0x8a: {  	s1 =	srdreg.scid  }
0x8b: {  	s0 =	sand.u32 $0x1, s1  }
0x8c: {  	s17 =	sshll.u32 s0, $0xA;
	s2 =	sadd.s32 s3, s2  }
0x8d: {  	s2 =	sadd.s32 s2, s17  }
0x8e: {  	[smem:$0x3FBD] =	sst s2  }
0x8f: {  	_ = 	snop  }
0x90: {  	(tm) =	ssettm $0x1  }
0x91: {  	s18 =	sld [smem:$0x3FFB];
	_ =	sdelay $0x3  }
0x92: {  	_ =	strace s18  }
0x93: {  	s2 =	sld [smem:$0x3FFC];
	_ =	sdelay $0x3  }
0x94: {  	_ =	strace s2  }
0x95: {  	s2 =	sld [smem:$0x3FFD];
	_ =	sdelay $0x3  }
0x96: {  	_ =	strace s2  }
0x97: {  	_ =	strace $0x8FFFFFFF  }
0x98: {  	s19 =	sld [smem:$0x3FDB];
	_ =	sdelay $0x1  }
0x99: {  	s20 =	simm.s32 $_scs_section_size  }
0x9a: {  	s4 =	simm.s32 $_size__tile_overlayer_lowered;
	s5 =	simm.s32 $_tile_overlayer_lowered  }
0x9b: {  	s6 =	simm.s32 $0x1BFF;
	s21 =	sshll.u32 s5, $0x1;
	s3 =	sadd.s32 s20, s19  }
0x9c: {  	s22 =	simm.s32 $0x0;
	s4 =	sshll.u32 s4, $0x1;
	s5 =	sadd.s32 s21, s3  }
0x9d: {  	[timem:s22], [sflag:s6] =	dma.local [hbm:s5], s4  }
0x9e: {  	_ =	swait.ge [sflag:s6], s4  }
0x9f: {  	s4 =	ssub.s32 $0x0, s4;
	[sflag:s6] =	ssyncset.done $0x0  }
0xa0: {  	[sflag:s6] =	ssyncadd.s32 s4;
	_ =	sdelay $0x1  }
0xa1: {  	s23 =	simm.s32 $0x1B8B  }
0xa2: {  	_ =	swait.ge [sflag:s23], $0x1  }
0xa3: {  	[sflag:s23] =	ssyncset.done $0x0  }
0xa4: {  	[sflag:s23] =	ssyncadd.s32 $0xFFFFFFFF  }
0xa5: {  	s4 =	sld [smem:$0x0]  }
0xa6: {  	s5 =	sand.u32 $0xFFFFFFFE, s1  }
0xa7: {  	p0 =	sne.s32 s1, s5  }
0xa8: {  	s5 =	sshll.u32 @p0 s5, $0xE  }
0xa9: {  	s5 =	sadd.s32 @p0 $0x11B8D, s5;
	s6 =	sshll.u32 @p0 s4, $0x11  }
0xaa: {  	s5 =	sor.u32 @p0 s6, s5  }
0xab: {  	[sflag:s5] =	ssyncadd.remote.s32 @p0 $0x1;
	_ =	sdelay $0x1  }
0xac: {  	s5 =	simm.s32 @p0 $0x1B8D  }
0xad: {  	_ =	swait.eq @p0 [sflag:s5], $0x1  }
0xae: {  	[sflag:s5] =	ssyncadd.s32 @p0 $0xFFFFFFFF  }
0xaf: {  	s6 =	sshll.u32 @!p0 s1, $0xE  }
0xb0: {  	s6 =	sor.u32 @!p0 $0x4000, s6;
	s5 =	simm.s32 @!p0 $0x1B8D  }
0xb1: {  	s4 =	sshll.u32 @!p0 s4, $0x11;
	s6 =	sadd.s32 @!p0 $0x11B8D, s6;
	_ =	swait.eq @!p0 [sflag:s5], $0x1  }
0xb2: {  	s4 =	sor.u32 @!p0 s4, s6;
	[sflag:s5] =	ssyncadd.s32 @!p0 $0xFFFFFFFF  }
0xb3: {  	s25 =	simm.s32 $0x1B8E;
	s24 =	sld [smem:$0x3FFE];
	[sflag:s4] =	ssyncadd.remote.s32 @!p0 $0x1  }
0xb4: {  	s26 =	simm.s32 $execute0_lowered;
	[smem:$0x3FD2] =	sst s25  }
0xb5: {  	s5 =	sshll.u32 s26, $0x1;
	_ =	strace $0x80000052;
	[dreg:$0x1] =	wrdreg $0xFFFFFFFF  }
0xb6: {  	s28 =	simm.s32 $_size_execute0_lowered;
	s3 =	sadd.s32 s3, s5;
	[dreg:$0x0] =	wrdreg $0x0  }
0xb7: {  	s5 =	sshll.u32 s28, $0x1;
	[dreg:$0x2] =	wrdreg s3  }
0xb8: {  	[dreg:$0x3] =	wrdreg s5  }
0xb9: {  	[dreg:$0x4] =	wrdreg $0xC0  }
0xba: {  	_ =	task [dreg:s22], $0x5FFFF  }
0xbb: {  	[dreg:$0x1] =	wrdreg $0xFFFFFFFF  }
0xbc: {  	[dreg:$0x0] =	wrdreg $0x60  }
0xbd: {  	[dreg:$0x2] =	wrdreg s24  }
0xbe: {  	[dreg:$0x3] =	wrdreg $0x81000  }
0xbf: {  	[dreg:$0x4] =	wrdreg $0xC  }
0xc0: {  	_ =	task.clear_ibuf [dreg:s22], $0x5FFFF;
	_ =	strace $0x90000052  }
0xc1: {  	s29 =	simm.s32 $0xC;
	_ =	strace $0x80000054  }
0xc2: {  	_ =	swait.ge [sflag:s29], $0x1  }
0xc3: {  	[sflag:s29] =	ssyncadd.s32 $0xFFFFFFFF  }
0xc4: {  	_ =	strace $0x90000054  }
0xc5: {  	_ =	sfence  }
0xc6: {  	s30 =	sld [smem:$0x0];
	_ =	sdelay $0x2  }
0xc7: {  	s31 =	sshll.u32 s1, $0xD;
	s1 =	sshrl.u32 s1, $0x2  }
0xc8: {  	s4 =	sand.u32 $0x4000, s31;
	s1 =	sadd.s32 s1, s30  }
0xc9: {  	s0 =	sor.u32 s4, s0;
	s1 =	sshll.u32 s1, $0x11  }
0xca: {  	s0 =	sor.u32 s1, s0  }
0xcb: {  	s0 =	sadd.s32 $0x8F2B, s0  }
0xcc: {  	[sflag:s0] =	ssyncadd.remote.s32 $0x1  }
0xcd: {  	_ =	sfence.sel $0xFFFF  }
0xce: {  	[dreg:$0x0] =	wrdreg $0xFFFFFFFF;
	(pc) =	sbr.abs _section_cstart, $3  }
0xcf: {  	[dreg:$0x1] =	wrdreg $0xFFFFFFFF  }
0xd0: {  	_ =	task.clear_ibuf [dreg:s22], $0x2FFFF;
	_ =	strace $0x9FFFFFFF  }
0xd1: {  	(tm) =	ssettm $0x7FFFFFFF  }
tec
execute0_lowered:
.L_overlay_start_1:
0x0: {  	(tag) =	ssettag $0x1  }
0x1: {  	s0 =	rddreg [dreg:$0x0]  }
0x2: {  	s2 =	rddreg [dreg:$0x1];
	s4 =	srdreg.scid  }
0x3: {  	s1 =	stileid.u32;
	s3 =	simm.s32 $0x0;
	s28 =	simm.s32 $0x100  }
0x4: {  	s29 =	simm.s32 $0x1;
	s30 =	simm.s32 $0x5;
	s10 =	smul.u32 $0xA000, s1  }
0x5: {  	s6 =	sand.u32 $0x1, s4;
	s13 =	sor.u32 $0x10, s1;
	s20 =	smul.u32 $0x2800, s1  }
0x6: {  	s22 =	sshll.u32 s1, $0x1;
	s11 =	sor.u32 $0x20, s1;
	s14 =	smul.u32 $0xA000, s13  }
0x7: {  	s15 =	sor.u32 $0x70, s1;
	s7 =	sor.u32 s6, s22;
	s11 =	smul.u32 $0xA000, s11  }
0x8: {  	s5 =	ssub.s32 $0x2, s6;
	s8 =	ssub.s32 $0x272, s6;
	s6 =	smul.u32 $0x138800, s6  }
0x9: {  	[smem:$0x7FF] =	sst s3;
	s12 =	sadd.s32 $0x279A00, s0;
	s17 =	smul.u32 $0xA000, s15  }
0xa: {  	p1 =	sgt.u32 s1, $0xC;
	_ =	strace $0x80000053;
	s13 =	smul.u32 $0x2800, s13  }
0xb: {  	s22 =	sshll.u32 s1, $0x5;
	p0 =	sgt.u32 s15, $0x7C;
	s4 =	sshll.u32 s7, $0xB  }
0xc: {  	s23 =	sshrl.u32 s5, $0x1;
	s24 =	sshll.u32 s7, $0x4;
	s10 =	sshrl.u32 s10, $0x2  }
0xd: {  	s7 =	sand.u32 $0x7, s7;
	s9 =	sadd.s32 s4, s0;
	s4 =	sadd.s32 $0x1D8600, s0  }
0xe: {  	s0 =	ssub.s32 s5, s23;
	s5 =	sshrl.u32 s8, $0x1;
	s8 =	sadd.s32 s12, s24  }
0xf: {  	s10 =	sadd.s32 s10, s2;
	s26 =	sshrl.u32 s14, $0x2;
	s31 =	sshrl.u32 s11, $0x2  }
0x10: {  	s14 =	sadd.s32 s6, s20;
	s6 =	sadd.s32 s6, s13;
	s23 =	sor.u32 $0x200, s22  }
0x11: {  	s7 =	sshll.u32 s7, $0x4;
	[dreg:$0x3] =	wrdreg s8;
	s25 =	sadd.s32 $0x9FE00, s9  }
0x12: {  	s8 =	ssub.s32 s5, s1;
	s0 =	smax.u32 s0, $0x1;
	[dreg:$0x4] =	wrdreg s25  }
0x13: {  	s11 =	sadd.s32 s26, s2;
	s16 =	sadd.s32 s31, s2;
	[dreg:$0x5] =	wrdreg s0  }
0x14: {  	s18 =	sadd.s32 $0x78000, s10;
	s19 =	sadd.s32 $0xA0000, s10;
	[dreg:$0x6] =	wrdreg s16  }
0x15: {  	s21 =	sadd.s32 $0xF0000, s10;
	s24 =	sand.u32 $0x380, s23;
	[dreg:$0x7] =	wrdreg s18  }
0x16: {  	s26 =	sshrl.u32 s14, $0x3;
	s6 =	sshrl.u32 s6, $0x3;
	[dreg:$0x8] =	wrdreg s19  }
0x17: {  	s31 =	sadd.s32 $0x78000, s14;
	s16 =	sadd.s32 $0xC8000, s10;
	[dreg:$0xa] =	wrdreg s21  }
0x18: {  	s23 =	sadd.s32 $0xBFE00, s9;
	s13 =	sadd.s32 s4, s26;
	[dreg:$0x9] =	wrdreg s16  }
0x19: {  	s0 =	sshrl.u32 s17, $0x2;
	s6 =	sadd.s32 s4, s6;
	[dreg:$0xc] =	wrdreg s13  }
0x1a: {  	s26 =	sadd.s32 $0x50000, s10;
	s0 =	sadd.s32 s0, s2;
	[dreg:$0xd] =	wrdreg s6  }
0x1b: {  	s16 =	sor.u32 $0x400, s22;
	s22 =	sadd.s32 $0xAFE00, s9;
	[dreg:$0xb] =	wrdreg s0  }
0x1c: {  	s25 =	sand.u32 $0x580, s16;
	s0 =	sadd.s32 s24, s12;
	s24 =	sadd.s32 $0x50000, s14  }
0x1d: {  	s12 =	sadd.s32 s25, s12;
	s20 =	sadd.s32 s7, s0;
	s0 =	sshrl.u32 s31, $0x3  }
0x1e: {  	v0 =	vimm.f32 $0.0e+00;
	s21 =	sadd.s32 s7, s12;
	s25 =	sadd.s32 s0, s4;
	s0 =	simm.s32 $0x3  }
.LBB2_1:
0x1f: {  	s6 =	simm.s32 $0x0;
	s7 =	simm.s32 $0x200  }
.LBB2_2:
0x20: {  	p2 =	sne.s32 s7, $0x9E00;
	[tilespmem:s6+$0x170] =	vst v0  }
0x21: {  	[tilespmem:s6+$0x100] =	vst v0  }
0x22: {  	[tilespmem:s6+$0x110] =	vst v0  }
.Ltmp0:
0x23: {  	[tilespmem:s6+$0x120] =	vst v0;
	(pc) =	sbr.rel @p2 .LBB2_2-.Ltmp0, $4  }
0x24: {  	[tilespmem:s6+$0x130] =	vst v0  }
0x25: {  	[tilespmem:s6+$0x140] =	vst v0  }
0x26: {  	[tilespmem:s6+$0x150] =	vst v0  }
0x27: {  	[tilespmem:s6+$0x160] =	vst v0;
	s6 =	sshra.s32 s7, $0x2;
	s7 =	sadd.s32 $0x200, s7  }
0x28: {  	[tilespmem:s6+$0x170] =	vst v0  }
0x29: {  	[tilespmem:s6+$0x100] =	vst v0  }
0x2a: {  	[tilespmem:s6+$0x110] =	vst v0  }
0x2b: {  	[tilespmem:s6+$0x120] =	vst v0  }
0x2c: {  	[tilespmem:s6+$0x130] =	vst v0  }
0x2d: {  	[tilespmem:s6+$0x140] =	vst v0  }
0x2e: {  	[tilespmem:s6+$0x150] =	vst v0  }
0x2f: {  	[tilespmem:s6+$0x160] =	vst v0  }
0x30: {  	[spmem:s10] =	stream.linear.scatter [tilespmem:s28], [sflag:$0x1], $0x2800, $0x38;
	[tilespmem:$0x1B980] =	vst v63  }
0x31: {  	_ = 	snop  }
0x32: {  	[spmem:s11] =	stream.linear.scatter [tilespmem:s28], [sflag:$0x1], $0x2800, $0x38;
	[tilespmem:$0x1B980] =	vst v63  }
0x33: {  	s7 =	rddreg [dreg:$0x6]  }
0x34: {  	[spmem:s7] =	stream.linear.scatter [tilespmem:s28], [sflag:$0x1], $0x2800, $0x38;
	[tilespmem:$0x1B980] =	vst v63  }
0x35: {  	s9 =	rddreg [dreg:$0x7]  }
0x36: {  	[spmem:s9] =	stream.linear.scatter [tilespmem:s28], [sflag:$0x1], $0x2800, $0x38;
	[tilespmem:$0x1B980] =	vst v63  }
0x37: {  	s12 =	rddreg [dreg:$0x8]  }
0x38: {  	[spmem:s12] =	stream.linear.scatter [tilespmem:s28], [sflag:$0x1], $0x2800, $0x38;
	[tilespmem:$0x1B980] =	vst v63  }
0x39: {  	s13 =	rddreg [dreg:$0x9]  }
0x3a: {  	[spmem:s13] =	stream.linear.scatter [tilespmem:s28], [sflag:$0x1], $0x2800, $0x38;
	[tilespmem:$0x1B980] =	vst v63  }
0x3b: {  	s14 =	rddreg [dreg:$0xa]  }
0x3c: {  	[spmem:s14] =	stream.linear.scatter [tilespmem:s28], [sflag:$0x1], $0x2800, $0x38;
	[tilespmem:$0x1B980] =	vst v63  }
0x3d: {  	s6 =	simm.s32 @!p0 $0x100;
	s7 =	rddreg [dreg:$0xb]  }
0x3e: {  	[spmem:s7] =	stream.linear.scatter @!p0 [tilespmem:s6], [sflag:$0x1], $0x2800, $0x38;
	[tilespmem:$0x1B980] =	vst v63  }
0x3f: {  	_ =	swait.ge [sflag:s29], $0x2800  }
0x40: {  	[sflag:s29] =	ssyncset.done $0x0  }
0x41: {  	[sflag:s29] =	ssyncadd.s32 $0xFFFFD800  }
0x42: {  	_ =	swait.ge [sflag:s29], $0x2800  }
0x43: {  	[sflag:s29] =	ssyncset.done $0x0  }
0x44: {  	[sflag:s29] =	ssyncadd.s32 $0xFFFFD800  }
0x45: {  	_ =	swait.ge [sflag:s29], $0x2800  }
0x46: {  	[sflag:s29] =	ssyncset.done $0x0  }
0x47: {  	[sflag:s29] =	ssyncadd.s32 $0xFFFFD800  }
0x48: {  	_ =	swait.ge [sflag:s29], $0x2800  }
0x49: {  	[sflag:s29] =	ssyncset.done $0x0  }
0x4a: {  	[sflag:s29] =	ssyncadd.s32 $0xFFFFD800  }
0x4b: {  	_ =	swait.ge [sflag:s29], $0x2800  }
0x4c: {  	[sflag:s29] =	ssyncset.done $0x0  }
0x4d: {  	[sflag:s29] =	ssyncadd.s32 $0xFFFFD800  }
0x4e: {  	_ =	swait.ge [sflag:s29], $0x2800  }
0x4f: {  	[sflag:s29] =	ssyncset.done $0x0  }
0x50: {  	[sflag:s29] =	ssyncadd.s32 $0xFFFFD800  }
0x51: {  	_ =	swait.ge [sflag:s29], $0x2800  }
0x52: {  	[sflag:s29] =	ssyncset.done $0x0  }
0x53: {  	s6 =	simm.s32 @!p1 $0x1;
	[sflag:s29] =	ssyncadd.s32 $0xFFFFD800  }
0x54: {  	_ =	swait.ge @!p1 [sflag:s6], $0x2800  }
0x55: {  	[sflag:s6] =	ssyncset.done @!p1 $0x0  }
0x56: {  	[sflag:s6] =	ssyncadd.s32 @!p1 $0xFFFFD800  }
0x57: {  	s18 =	sadd.s32 $0x0, s1;
	[bflag:$0x0] =	sbarrier.arrive $0xFFFF  }
0x58: {  	s15 =	simm.s32 $0x0;
	s19 =	sadd.s32 $0x10, s18;
	s16 =	rddreg [dreg:$0x3]  }
0x59: {  	[tilespmem:s15], [sflag:$0x1] =	stream.linear.gather [hbm4b:s16+s15], $0x80, $0x38;
	[tilespmem:$0x1B980] =	vst v63  }
0x5a: {  	p3 =	sle.u32 s8, $0x0;
	p2 =	sge.u32 s19, s5;
	s17 =	rddreg [dreg:$0x4]  }
0x5b: {  	[tilespmem:s28], [sflag:$0x3] =	stream.linear.gather [hbm4b:s17+s15], $0x4000, $0x38;
	[tilespmem:$0x1B980] =	vst v63  }
0x5c: {  	s9 =	simm.s32 @!p2 $0x0;
	s12 =	simm.s32 @!p2 $0x80;
	s7 =	sadd.s32 @!p2 $0x0, s20  }
0x5d: {  	[tilespmem:s12], [sflag:$0x2] =	stream.linear.gather @!p2 [hbm4b:s7+s9], $0x80, $0x38;
	[tilespmem:$0x1B980] =	vst v63  }
0x5e: {  	s14 =	simm.s32 @!p2 $0x4100;
	p2 =	por p2, p2;
	s7 =	simm.s32 @!p3 $0x1  }
0x5f: {  	[tilespmem:s14], [sflag:$0x4] =	stream.linear.gather @!p2 [hbm4b:s22+s9], $0x4000, $0x38;
	[tilespmem:$0x1B980] =	vst v63  }
0x60: {  	_ =	swait.ge @!p3 [sflag:s7], $0x80  }
0x61: {  	[sflag:s7] =	ssyncset.done @!p3 $0x0  }
0x62: {  	[sflag:s7] =	ssyncadd.s32 @!p3 $0xFFFFFF80;
	s7 =	simm.s32 @!p3 $0x3  }
0x63: {  	_ =	swait.ge @!p3 [sflag:s7], $0x4000  }
0x64: {  	s13 =	simm.s32 @!p3 $0x6;
	s15 =	simm.s32 @!p3 $0x0;
	[sflag:s7] =	ssyncset.done @!p3 $0x0  }
0x65: {  	s9 =	simm.s32 @!p3 $0x100;
	[sflag:s7] =	ssyncadd.s32 @!p3 $0xFFFFC000;
	s7 =	simm.s32 @!p3 $0x80  }
0x66: {  	[spmem:s2] =	stream.indirect.scatter.add.f32 @!p3 [tilespmem:s9], [sflag:$0x6], $0x80, s15, s7, $0xb8;
	[tilespmem:$0x1B980] =	vst v63  }
0x67: {  	s6 =	sadd.s32 $0x20, s18;
	_ =	swait.ge @!p3 [sflag:s13], $0x4000  }
0x68: {  	p4 =	sge.u32 s6, s5;
	[sflag:s13] =	ssyncset.done @!p3 $0x0  }
0x69: {  	s6 =	sadd.s32 @!p4 $0x0, s21;
	s7 =	simm.s32 @!p4 $0x0;
	[sflag:s13] =	ssyncadd.s32 @!p3 $0xFFFFC000  }
0x6a: {  	[tilespmem:s7], [sflag:$0x1] =	stream.linear.gather @!p4 [hbm4b:s6+s7], $0x80, $0x38;
	[tilespmem:$0x1B980] =	vst v63  }
0x6b: {  	s9 =	simm.s32 @!p2 $0x2;
	s6 =	simm.s32 @!p4 $0x100  }
0x6c: {  	[tilespmem:s6], [sflag:$0x3] =	stream.linear.gather @!p4 [hbm4b:s23+s7], $0x4000, $0x38;
	[tilespmem:$0x1B980] =	vst v63  }
0x6d: {  	_ =	swait.ge @!p2 [sflag:s9], $0x80  }
0x6e: {  	[sflag:s9] =	ssyncset.done @!p2 $0x0  }
0x6f: {  	s31 =	sadd.s32 $0x20, s1;
	s15 =	simm.s32 @!p2 $0x4;
	[sflag:s9] =	ssyncadd.s32 @!p2 $0xFFFFFF80  }
0x70: {  	s18 =	sadd.s32 $0x10, s31;
	_ =	swait.ge @!p2 [sflag:s15], $0x4000  }
0x71: {  	s17 =	simm.s32 @!p2 $0x5;
	s13 =	simm.s32 $0x800;
	[sflag:s15] =	ssyncset.done @!p2 $0x0  }
0x72: {  	s7 =	simm.s32 $0x400;
	s6 =	sadd.s32 $0x20000, s23;
	[sflag:s15] =	ssyncadd.s32 @!p2 $0xFFFFC000  }
0x73: {  	[spmem:s2] =	stream.indirect.scatter.add.f32 @!p2 [tilespmem:s14], [sflag:$0x5], $0x80, s12, s12, $0xb8;
	[tilespmem:$0x1B980] =	vst v63  }
0x74: {  	s9 =	simm.s32 $0x20;
	s15 =	sadd.s32 $0x20, s31;
	s12 =	sadd.s32 $0x20000, s22  }
.LBB2_4:
0x75: {  	p5 =	sge.u32 s18, s5  }
0x76: {  	_ =	swait.ge @!p2 [sflag:s17], $0x4000;
	s18 =	smov.u32 s13;
	s13 =	sadd.s32 $0x400, s13  }
0x77: {  	s16 =	sadd.s32 @!p5 s7, s20;
	s19 =	simm.s32 @!p5 $0x0;
	[sflag:s17] =	ssyncset.done @!p2 $0x0  }
0x78: {  	p3 =	sne.s32 s13, $0x2C00;
	s14 =	simm.s32 @!p5 $0x80;
	[sflag:s17] =	ssyncadd.s32 @!p2 $0xFFFFC000  }
0x79: {  	[tilespmem:s14], [sflag:$0x2] =	stream.linear.gather @!p5 [hbm4b:s16+s19], $0x80, $0x38;
	[tilespmem:$0x1B980] =	vst v63  }
0x7a: {  	p4 =	sge.u32 s9, s8;
	p2 =	por p5, p5;
	s16 =	simm.s32 @!p5 $0x4100  }
0x7b: {  	[tilespmem:s16], [sflag:$0x4] =	stream.linear.gather @!p2 [hbm4b:s12+s19], $0x4000, $0x38;
	[tilespmem:$0x1B980] =	vst v63  }
0x7c: {  	s17 =	simm.s32 @!p4 $0x1  }
0x7d: {  	_ =	swait.ge @!p4 [sflag:s17], $0x80  }
0x7e: {  	[sflag:s17] =	ssyncset.done @!p4 $0x0  }
0x7f: {  	[sflag:s17] =	ssyncadd.s32 @!p4 $0xFFFFFF80;
	s17 =	simm.s32 @!p4 $0x3  }
0x80: {  	p5 =	sge.u32 s15, s5;
	_ =	swait.ge @!p4 [sflag:s17], $0x4000  }
0x81: {  	s15 =	simm.s32 @!p4 $0x100;
	s19 =	simm.s32 @!p4 $0x6;
	[sflag:s17] =	ssyncset.done @!p4 $0x0  }
0x82: {  	s31 =	simm.s32 @!p4 $0x0;
	[sflag:s17] =	ssyncadd.s32 @!p4 $0xFFFFC000;
	s17 =	simm.s32 @!p4 $0x80  }
0x83: {  	[spmem:s2] =	stream.indirect.scatter.add.f32 @!p4 [tilespmem:s15], [sflag:$0x6], $0x80, s31, s17, $0xb8;
	[tilespmem:$0x1B980] =	vst v63  }
0x84: {  	s15 =	sadd.s32 @!p5 s7, s21;
	s17 =	simm.s32 @!p5 $0x0;
	_ =	swait.ge @!p4 [sflag:s19], $0x4000  }
0x85: {  	s7 =	smov.u32 s18;
	[sflag:s19] =	ssyncset.done @!p4 $0x0  }
0x86: {  	[sflag:s19] =	ssyncadd.s32 @!p4 $0xFFFFC000  }
0x87: {  	[tilespmem:s17], [sflag:$0x1] =	stream.linear.gather @!p5 [hbm4b:s15+s17], $0x80, $0x38;
	[tilespmem:$0x1B980] =	vst v63  }
0x88: {  	s18 =	simm.s32 @!p2 $0x2;
	s15 =	simm.s32 @!p5 $0x100  }
0x89: {  	[tilespmem:s15], [sflag:$0x3] =	stream.linear.gather @!p5 [hbm4b:s6+s17], $0x4000, $0x38;
	[tilespmem:$0x1B980] =	vst v63  }
0x8a: {  	s19 =	simm.s32 @!p2 $0x4;
	_ =	swait.ge @!p2 [sflag:s18], $0x80  }
0x8b: {  	[sflag:s18] =	ssyncset.done @!p2 $0x0  }
.Ltmp1:
0x8c: {  	s6 =	sadd.s32 $0x20000, s6;
	[sflag:s18] =	ssyncadd.s32 @!p2 $0xFFFFFF80;
	(pc) =	sbr.rel @p3 .LBB2_4-.Ltmp1, $4  }
0x8d: {  	s9 =	sadd.s32 $0x20, s9;
	s17 =	simm.s32 @!p2 $0x5;
	_ =	swait.ge @!p2 [sflag:s19], $0x4000  }
0x8e: {  	s12 =	sadd.s32 $0x20000, s12;
	s15 =	sadd.s32 s9, s1;
	[sflag:s19] =	ssyncset.done @!p2 $0x0  }
0x8f: {  	s18 =	sadd.s32 $0x10, s15;
	s15 =	sadd.s32 $0x20, s15;
	[sflag:s19] =	ssyncadd.s32 @!p2 $0xFFFFC000  }
0x90: {  	[spmem:s2] =	stream.indirect.scatter.add.f32 @!p2 [tilespmem:s16], [sflag:$0x5], $0x80, s14, s14, $0xb8;
	[tilespmem:$0x1B980] =	vst v63  }
0x91: {  	p4 =	sge.u32 s18, s5;
	_ =	swait.ge @!p2 [sflag:s17], $0x4000  }
0x92: {  	p3 =	sge.u32 s9, s8;
	s13 =	sadd.s32 @!p4 s7, s20;
	[sflag:s17] =	ssyncset.done @!p2 $0x0  }
0x93: {  	s14 =	simm.s32 @!p4 $0x0;
	s16 =	simm.s32 @!p4 $0x80;
	[sflag:s17] =	ssyncadd.s32 @!p2 $0xFFFFC000  }
0x94: {  	[tilespmem:s16], [sflag:$0x2] =	stream.linear.gather @!p4 [hbm4b:s13+s14], $0x80, $0x38;
	[tilespmem:$0x1B980] =	vst v63  }
0x95: {  	s9 =	simm.s32 @!p3 $0x1;
	p2 =	por p4, p4;
	s13 =	simm.s32 @!p4 $0x4100  }
0x96: {  	[tilespmem:s13], [sflag:$0x4] =	stream.linear.gather @!p2 [hbm4b:s12+s14], $0x4000, $0x38;
	[tilespmem:$0x1B980] =	vst v63  }
0x97: {  	_ =	swait.ge @!p3 [sflag:s9], $0x80  }
0x98: {  	[sflag:s9] =	ssyncset.done @!p3 $0x0  }
0x99: {  	[sflag:s9] =	ssyncadd.s32 @!p3 $0xFFFFFF80;
	s9 =	simm.s32 @!p3 $0x3  }
0x9a: {  	_ =	swait.ge @!p3 [sflag:s9], $0x4000  }
0x9b: {  	s12 =	simm.s32 @!p3 $0x100;
	[sflag:s9] =	ssyncset.done @!p3 $0x0  }
0x9c: {  	s14 =	simm.s32 @!p3 $0x0;
	[sflag:s9] =	ssyncadd.s32 @!p3 $0xFFFFC000;
	s9 =	simm.s32 @!p3 $0x80  }
0x9d: {  	[spmem:s2] =	stream.indirect.scatter.add.f32 @!p3 [tilespmem:s12], [sflag:$0x6], $0x80, s14, s9, $0xb8;
	[tilespmem:$0x1B980] =	vst v63  }
0x9e: {  	s9 =	simm.s32 @!p3 $0x6  }
0x9f: {  	_ =	swait.ge @!p3 [sflag:s9], $0x4000  }
0xa0: {  	p4 =	sge.u32 s15, s5;
	[sflag:s9] =	ssyncset.done @!p3 $0x0  }
0xa1: {  	s7 =	sadd.s32 @!p4 s7, s21;
	s12 =	simm.s32 @!p4 $0x0;
	[sflag:s9] =	ssyncadd.s32 @!p3 $0xFFFFC000  }
0xa2: {  	[tilespmem:s12], [sflag:$0x1] =	stream.linear.gather @!p4 [hbm4b:s7+s12], $0x80, $0x38;
	[tilespmem:$0x1B980] =	vst v63  }
0xa3: {  	s9 =	simm.s32 @!p2 $0x2;
	s7 =	simm.s32 @!p4 $0x100  }
0xa4: {  	[tilespmem:s7], [sflag:$0x3] =	stream.linear.gather @!p4 [hbm4b:s6+s12], $0x4000, $0x38;
	[tilespmem:$0x1B980] =	vst v63  }
0xa5: {  	_ =	swait.ge @!p2 [sflag:s9], $0x80  }
0xa6: {  	[sflag:s9] =	ssyncset.done @!p2 $0x0  }
0xa7: {  	s6 =	simm.s32 @!p2 $0x4;
	[sflag:s9] =	ssyncadd.s32 @!p2 $0xFFFFFF80  }
0xa8: {  	_ =	swait.ge @!p2 [sflag:s6], $0x4000  }
0xa9: {  	[sflag:s6] =	ssyncset.done @!p2 $0x0  }
0xaa: {  	s7 =	simm.s32 @!p2 $0x5;
	[sflag:s6] =	ssyncadd.s32 @!p2 $0xFFFFC000  }
0xab: {  	[spmem:s2] =	stream.indirect.scatter.add.f32 @!p2 [tilespmem:s13], [sflag:$0x5], $0x80, s16, s16, $0xb8;
	[tilespmem:$0x1B980] =	vst v63  }
0xac: {  	_ =	swait.ge @!p2 [sflag:s7], $0x4000  }
0xad: {  	[sflag:s7] =	ssyncset.done @!p2 $0x0  }
0xae: {  	[sflag:s7] =	ssyncadd.s32 @!p2 $0xFFFFC000  }
0xaf: {  	[bflag:$0x0] =	sbarrier.arrive $0xFFFF  }
0xb0: {  	[tilespmem:s28], [sflag:$0x5] =	stream.linear.gather [spmem:s10], $0x2800, $0x38;
	[tilespmem:$0x1B980] =	vst v63  }
0xb1: {  	_ =	swait.ge [sflag:s30], $0x2800  }
0xb2: {  	[sflag:s30] =	ssyncset.done $0x0  }
0xb3: {  	s14 =	simm.s32 $0x0;
	s15 =	rddreg [dreg:$0xc];
	[sflag:s30] =	ssyncadd.s32 $0xFFFFD800  }
0xb4: {  	[hbm4b:s15+s14] =	stream.linear.scatter [tilespmem:s28], [sflag:$0x3], $0x2800, $0x38;
	[tilespmem:$0x1B980] =	vst v63  }
0xb5: {  	s16 =	simm.s32 $0x4100  }
0xb6: {  	[tilespmem:s16], [sflag:$0x5] =	stream.linear.gather [spmem:s11], $0x2800, $0x38;
	[tilespmem:$0x1B980] =	vst v63  }
0xb7: {  	_ =	swait.ge [sflag:s30], $0x2800  }
0xb8: {  	[sflag:s30] =	ssyncset.done $0x0  }
0xb9: {  	s18 =	sadd.s32 $0x0, s1;
	s17 =	rddreg [dreg:$0xd];
	[sflag:s30] =	ssyncadd.s32 $0xFFFFD800  }
0xba: {  	[hbm4b:s17+s14] =	stream.linear.scatter [tilespmem:s16], [sflag:$0x4], $0x2800, $0x38;
	[tilespmem:$0x1B980] =	vst v63  }
0xbb: {  	s19 =	sadd.s32 $0x20, s18;
	_ =	swait.ge [sflag:s0], $0x2800  }
0xbc: {  	p2 =	sgt.u32 s19, $0x7C;
	[sflag:s0] =	ssyncset.done $0x0  }
0xbd: {  	s7 =	simm.s32 @!p2 $0x100;
	s9 =	simm.s32 @!p2 $0x5;
	[sflag:s0] =	ssyncadd.s32 $0xFFFFD800  }
0xbe: {  	[tilespmem:s7], [sflag:$0x5] =	stream.linear.gather @!p2 [spmem:s26], $0x2800, $0x38;
	[tilespmem:$0x1B980] =	vst v63  }
0xbf: {  	s31 =	sadd.s32 $0x10, s18;
	_ =	swait.ge @!p2 [sflag:s9], $0x2800  }
0xc0: {  	p3 =	sgt.u32 s31, $0x7C;
	s12 =	sshrl.u32 @!p2 s24, $0x3;
	[sflag:s9] =	ssyncset.done @!p2 $0x0  }
0xc1: {  	s12 =	sadd.s32 @!p2 s4, s12;
	[sflag:s9] =	ssyncadd.s32 @!p2 $0xFFFFD800;
	s9 =	simm.s32 @!p2 $0x0  }
0xc2: {  	[hbm4b:s12+s9] =	stream.linear.scatter @!p2 [tilespmem:s7], [sflag:$0x3], $0x2800, $0x38;
	[tilespmem:$0x1B980] =	vst v63  }
0xc3: {  	s6 =	sadd.s32 $0x30, s18;
	s7 =	simm.s32 @!p3 $0x4  }
0xc4: {  	s13 =	smov.u32 s25;
	p2 =	sgt.u32 s6, $0x7C;
	_ =	swait.ge @!p3 [sflag:s7], $0x2800  }
0xc5: {  	s6 =	simm.s32 $0x20;
	s9 =	sadd.s32 @!p2 $0x28000, s26;
	[sflag:s7] =	ssyncset.done @!p3 $0x0  }
0xc6: {  	s14 =	simm.s32 @!p2 $0x4100;
	s15 =	simm.s32 @!p2 $0x5;
	[sflag:s7] =	ssyncadd.s32 @!p3 $0xFFFFD800  }
0xc7: {  	[tilespmem:s14], [sflag:$0x5] =	stream.linear.gather @!p2 [spmem:s9], $0x2800, $0x38;
	[tilespmem:$0x1B980] =	vst v63  }
0xc8: {  	s12 =	sadd.s32 $0x50000, s26;
	s16 =	simm.s32 @!p2 $0x0;
	_ =	swait.ge @!p2 [sflag:s15], $0x2800  }
0xc9: {  	s7 =	sadd.s32 $0x50000, s24;
	s9 =	sadd.s32 $0xA000, s25;
	[sflag:s15] =	ssyncset.done @!p2 $0x0  }
.LBB2_6:
0xca: {  	s17 =	sadd.s32 s6, s1;
	s6 =	sadd.s32 $0x20, s6;
	[sflag:s15] =	ssyncadd.s32 @!p2 $0xFFFFD800  }
0xcb: {  	[hbm4b:s13+s16] =	stream.linear.scatter @!p2 [tilespmem:s14], [sflag:$0x4], $0x2800, $0x38;
	[tilespmem:$0x1B980] =	vst v63  }
0xcc: {  	s13 =	sadd.s32 $0x20, s17;
	s14 =	sadd.s32 $0x10, s17;
	_ =	swait.ge [sflag:s0], $0x2800  }
0xcd: {  	s15 =	sadd.s32 $0x30, s17;
	p2 =	sgt.u32 s13, $0x7C;
	[sflag:s0] =	ssyncset.done $0x0  }
0xce: {  	s16 =	simm.s32 @!p2 $0x100;
	s17 =	simm.s32 @!p2 $0x5;
	[sflag:s0] =	ssyncadd.s32 $0xFFFFD800  }
0xcf: {  	[tilespmem:s16], [sflag:$0x5] =	stream.linear.gather @!p2 [spmem:s12], $0x2800, $0x38;
	[tilespmem:$0x1B980] =	vst v63  }
0xd0: {  	p3 =	sne.s32 s6, $0x80;
	s13 =	sshrl.u32 @!p2 s7, $0x3;
	_ =	swait.ge @!p2 [sflag:s17], $0x2800  }
0xd1: {  	s18 =	sadd.s32 @!p2 s4, s13;
	s13 =	smov.u32 s9;
	[sflag:s17] =	ssyncset.done @!p2 $0x0  }
0xd2: {  	p4 =	sgt.u32 s14, $0x7C;
	[sflag:s17] =	ssyncadd.s32 @!p2 $0xFFFFD800;
	s17 =	simm.s32 @!p2 $0x0  }
0xd3: {  	[hbm4b:s18+s17] =	stream.linear.scatter @!p2 [tilespmem:s16], [sflag:$0x3], $0x2800, $0x38;
	[tilespmem:$0x1B980] =	vst v63  }
0xd4: {  	s16 =	simm.s32 @!p4 $0x4;
	p2 =	sgt.u32 s15, $0x7C  }
0xd5: {  	s17 =	sadd.s32 @!p2 $0x28000, s12;
	_ =	swait.ge @!p4 [sflag:s16], $0x2800  }
.Ltmp2:
0xd6: {  	s14 =	simm.s32 @!p2 $0x4100;
	[sflag:s16] =	ssyncset.done @!p4 $0x0;
	(pc) =	sbr.rel @p3 .LBB2_6-.Ltmp2, $4  }
0xd7: {  	s15 =	simm.s32 @!p2 $0x5;
	[sflag:s16] =	ssyncadd.s32 @!p4 $0xFFFFD800  }
0xd8: {  	[tilespmem:s14], [sflag:$0x5] =	stream.linear.gather @!p2 [spmem:s17], $0x2800, $0x38;
	[tilespmem:$0x1B980] =	vst v63  }
0xd9: {  	s7 =	sadd.s32 $0x50000, s7;
	s9 =	sadd.s32 $0xA000, s9;
	_ =	swait.ge @!p2 [sflag:s15], $0x2800  }
0xda: {  	s12 =	sadd.s32 $0x50000, s12;
	s16 =	simm.s32 @!p2 $0x0;
	[sflag:s15] =	ssyncset.done @!p2 $0x0  }
0xdb: {  	[sflag:s15] =	ssyncadd.s32 @!p2 $0xFFFFD800;
	s3 =	sadd.s32 $0x1, s3;
	s6 =	rddreg [dreg:$0x5]  }
0xdc: {  	[hbm4b:s13+s16] =	stream.linear.scatter @!p2 [tilespmem:s14], [sflag:$0x4], $0x2800, $0x38;
	[tilespmem:$0x1B980] =	vst v63  }
0xdd: {  	p2 =	sne.s32 s3, s6  }
.Ltmp3:
0xde: {  	_ = 	snop;
	(pc) =	sbr.rel @p2 .LBB2_1-.Ltmp3, $1  }
0xdf: {  	_ =	sdelay $0x3  }
0xe0: {  	_ =	sfence.sel $0x180000  }
0xe1: {  	[bflag:$0x0] =	sbarrier.arrive $0xFFFF  }
0xe2: {  	_ =	strace $0x90000053  }
0xe3: {  	[bflag:$0x2] =	sbarrier.arrive $0xFFFF  }
0xe4: {  	p0 =	sne.s32 s1, $0x0;
	s0 =	rddreg [dreg:$0x2]  }
0xe5: {  	s0 =	sadd.s32 @!p0 $0x100000, s0  }
0xe6: {  	[sflag:s0] =	ssyncadd.tile.s32 @!p0 $0x1;
	_ =	shalt  }
.Lfunc_end2:
_tile_overlayer_lowered:
.L_overlay_start_2:
0xe7: {  	(tag) =	ssettag $0x2  }
0xe8: {  	s0 =	rddreg [dreg:$0x0];
	s2 =	stileid.u32  }
0xe9: {  	s1 =	rddreg [dreg:$0x1];
	p0 =	sne.s32 s2, $0x0  }
0xea: {  	s3 =	rddreg [dreg:$0x2];
	[bflag:$0x3] =	sbarrier.arrive $0xFFFF;
	s2 =	simm.s32 @!p0 $0x1C05  }
0xeb: {  	[timem:s3], [sflag:s2] =	dma.local @!p0 [hbm:s0], s1  }
0xec: {  	s0 =	simm.s32 @!p0 $0x5  }
0xed: {  	_ =	swait.ge @!p0 [sflag:s0], s1  }
0xee: {  	s1 =	ssub.s32 @!p0 $0x0, s1;
	[sflag:s0] =	ssyncset.done @!p0 $0x0  }
0xef: {  	[sflag:s0] =	ssyncadd.s32 @!p0 s1  }
0xf0: {  	[bflag:$0x3] =	sbarrier.arrive $0xFFFF  }
0xf1: {  	_ =	shalt  }

// kernel: kernel.23.cloned.1.call-start
scs
__scs_entry_jumppad:
0x0: {  	(pc) =	sbr.rel $0x88, $3  }
0x1: {  	(tag) =	ssettag $0x0;
	lr =	simm.s32 $0x1  }
0x2: {  	[smem:$0x3F96] =	sst lr;
	_ =	strace $0xD0000000  }
0x3: {  	_ = 	snop  }
0x4: {  	_ = 	snop  }
0x5: {  	_ = 	snop  }
0x6: {  	_ = 	snop  }
0x7: {  	_ = 	snop  }
__scs_overlays_trampoline_lowered:
0x8: {  	[smem:$0x3FA5] =	sst s0  }
0x9: {  	[smem:$0x3FA6] =	sst s1  }
0xa: {  	[smem:$0x3FA7] =	sst s2  }
0xb: {  	[smem:$0x3FA8] =	sst s3  }
0xc: {  	[smem:$0x3FA9] =	sst s4  }
0xd: {  	[smem:$0x3FAA] =	sst s5  }
0xe: {  	[smem:$0x3FAB] =	sst s6  }
0xf: {  	[smem:$0x3FAC] =	sst s7  }
0x10: {  	[smem:$0x3FAD] =	sst s8  }
0x11: {  	[smem:$0x3FAE] =	sst s9;
	s0 =	simm.s32 @!p0 $0x0  }
0x12: {  	s1 =	sld [smem:$0x3F94];
	s0 =	simm.s32 @p0 $0x1  }
0x13: {  	[smem:$0x3FAF] =	sst s0;
	s0 =	simm.s32 @!p1 $0x0  }
0x14: {  	s2 =	sld [smem:$0x3F93];
	s0 =	simm.s32 @p1 $0x1  }
0x15: {  	[smem:$0x3FB0] =	sst s0;
	s0 =	simm.s32 @!p2 $0x0  }
0x16: {  	s3 =	sld [smem:$0x3FDB];
	s0 =	simm.s32 @p2 $0x1  }
0x17: {  	s4 =	simm.s32 $0x1BF5;
	[smem:$0x3FB2] =	sst s0  }
0x18: {  	s0 =	sld [smem:$0x3F95];
	_ =	swait.ge [sflag:s4], $0x0  }
0x19: {  	s7 =	sld [smem:$0x3F96]  }
0x1a: {  	s8 =	sadd.s32 $0xFFFFE003, lr  }
0x1b: {  	s9 =	sadd.s32 $0xFFFFFEF7, lr;
	s5 =	simm.s32 $0xFFFFFFFF;
	p2 =	slt.u32 s8, $0xFFFFF086  }
0x1c: {  	p1 =	slt.u32 s9, $0xF7A;
	s5 =	simm.s32 @!p2 $0x0  }
0x1d: {  	s5 =	simm.s32 @p1 $0x1;
	p0 =	seq.s32 s7, s2  }
0x1e: {  	s7 =	smul.u32 @!p0 $0xF7A, s2;
	p2 =	seq.s32 @!p0 s5, $0x0  }
0x1f: {  	s9 =	smul.u32 $0xF7A, s1;
	s8 =	simm.s32 @!p0 $0x1BF5;
	p2 =	por !p2, p0  }
0x20: {  	[sflag:s8] =	ssyncset.s32 @!p0 $0xFFFFF086;
	s6 =	sadd.s32 @!p0 s3, s7;
	s7 =	simm.s32 @!p0 $0x108  }
0x21: {  	s3 =	sadd.s32 s3, s9;
	s6 =	sadd.s32 @!p0 $0x88, s6;
	s7 =	simm.s32 @p2 $0x1082  }
0x22: {  	[simem:s7], [sflag:s8] =	dma.local @!p0 [hbm:s6], $0xF7A  }
0x23: {  	s9 =	sor.u32 $0xD0000000, s2;
	s6 =	simm.s32 $0x108;
	_ =	swait.ge @!p0 [sflag:s8], $0x0  }
0x24: {  	s3 =	sadd.s32 $0x88, s3;
	s6 =	simm.s32 @!p1 $0x1082;
	[sflag:s4] =	ssyncset.s32 $0xFFFFF086  }
0x25: {  	[simem:s6], [sflag:s4] =	dma.local [hbm:s3], $0xF7A  }
0x26: {  	[smem:$0x3F96] =	sst s1;
	(tag) =	ssettag s2;
	_ =	strace s9  }
0x27: {  	s1 =	sld [smem:$0x3FA6]  }
0x28: {  	s2 =	sld [smem:$0x3FA7]  }
0x29: {  	s4 =	sld [smem:$0x3FA9]  }
0x2a: {  	p0 =	seq.s32 s5, $0x0;
	s5 =	sld [smem:$0x3FAA]  }
0x2b: {  	s6 =	sld [smem:$0x3FAB]  }
0x2c: {  	s7 =	sld [smem:$0x3FAC]  }
0x2d: {  	s3 =	simm.s32 $0x108;
	s8 =	sld [smem:$0x3FAD]  }
0x2e: {  	s3 =	simm.s32 @!p0 $0x1082;
	s9 =	sld [smem:$0x3FAE]  }
0x2f: {  	lr =	sadd.s32 s0, s3;
	s0 =	sld [smem:$0x3FA5]  }
0x30: {  	s3 =	sld [smem:$0x3FA8]  }
0x31: {  	[smem:$0x3FB1] =	sst s10  }
0x32: {  	s10 =	sld [smem:$0x3FAF];
	_ =	sdelay $0x3  }
0x33: {  	p0 =	seq.s32 s10, $0x1;
	s10 =	sld [smem:$0x3FB1];
	_ =	sdelay $0x3  }
0x34: {  	[smem:$0x3FB1] =	sst s10  }
0x35: {  	s10 =	sld [smem:$0x3FB0];
	_ =	sdelay $0x3  }
0x36: {  	p1 =	seq.s32 s10, $0x1;
	s10 =	sld [smem:$0x3FB1];
	_ =	sdelay $0x3  }
0x37: {  	[smem:$0x3FB1] =	sst s10  }
0x38: {  	s10 =	sld [smem:$0x3FB2]  }
0x39: {  	_ = 	snop;
	(pc) =	sbr.ind lr, $3  }
0x3a: {  	_ = 	snop  }
0x3b: {  	_ = 	snop  }
0x3c: {  	p2 =	seq.s32 s10, $0x1;
	s10 =	sld [smem:$0x3FB1]  }
0x3d: {  	_ =	shalt  }
0x3e: {  	_ =	shalt  }
0x3f: {  	_ =	shalt  }
0x40: {  	_ =	shalt  }
0x41: {  	_ =	shalt  }
0x42: {  	_ =	shalt  }
0x43: {  	_ =	shalt  }
0x44: {  	_ =	shalt  }
0x45: {  	_ =	shalt  }
0x46: {  	_ =	shalt  }
0x47: {  	_ =	shalt  }
0x48: {  	_ =	shalt  }
0x49: {  	_ =	shalt  }
0x4a: {  	_ =	shalt  }
0x4b: {  	_ =	shalt  }
0x4c: {  	_ =	shalt  }
0x4d: {  	_ =	shalt  }
0x4e: {  	_ =	shalt  }
0x4f: {  	_ =	shalt  }
0x50: {  	_ =	shalt  }
0x51: {  	_ =	shalt  }
0x52: {  	_ =	shalt  }
0x53: {  	_ =	shalt  }
0x54: {  	_ =	shalt  }
0x55: {  	_ =	shalt  }
0x56: {  	_ =	shalt  }
0x57: {  	_ =	shalt  }
0x58: {  	_ =	shalt  }
0x59: {  	_ =	shalt  }
0x5a: {  	_ =	shalt  }
0x5b: {  	_ =	shalt  }
0x5c: {  	_ =	shalt  }
0x5d: {  	_ =	shalt  }
0x5e: {  	_ =	shalt  }
0x5f: {  	_ =	shalt  }
0x60: {  	_ =	shalt  }
0x61: {  	_ =	shalt  }
0x62: {  	_ =	shalt  }
0x63: {  	_ =	shalt  }
0x64: {  	_ =	shalt  }
0x65: {  	_ =	shalt  }
0x66: {  	_ =	shalt  }
0x67: {  	_ =	shalt  }
0x68: {  	_ =	shalt  }
0x69: {  	_ =	shalt  }
0x6a: {  	_ =	shalt  }
0x6b: {  	_ =	shalt  }
0x6c: {  	_ =	shalt  }
0x6d: {  	_ =	shalt  }
0x6e: {  	_ =	shalt  }
0x6f: {  	_ =	shalt  }
0x70: {  	_ =	shalt  }
0x71: {  	_ =	shalt  }
0x72: {  	_ =	shalt  }
0x73: {  	_ =	shalt  }
0x74: {  	_ =	shalt  }
0x75: {  	_ =	shalt  }
0x76: {  	_ =	shalt  }
0x77: {  	_ =	shalt  }
0x78: {  	_ =	shalt  }
0x79: {  	_ =	shalt  }
0x7a: {  	_ =	shalt  }
0x7b: {  	_ =	shalt  }
0x7c: {  	_ =	shalt  }
0x7d: {  	_ =	shalt  }
0x7e: {  	_ =	shalt  }
0x7f: {  	_ =	shalt  }
0x80: {  	_ =	shalt  }
0x81: {  	_ =	shalt  }
0x82: {  	_ =	shalt  }
0x83: {  	_ =	shalt  }
0x84: {  	_ =	shalt  }
0x85: {  	_ =	shalt  }
0x86: {  	_ =	shalt  }
0x87: {  	_ =	shalt  }
.Lfunc_end0:
.L_simem_size_0:
called_computation.4_lowered:
.L_overlay_start_0:
0x88: {  	s2 =	sld [smem:$0x3FD9]  }
0x89: {  	s3 =	sld [smem:$0x3FFE];
	_ =	sdelay $0x1  }
0x8a: {  	s1 =	srdreg.scid  }
0x8b: {  	s0 =	sand.u32 $0x1, s1  }
0x8c: {  	s17 =	sshll.u32 s0, $0xA;
	s2 =	sadd.s32 s3, s2  }
0x8d: {  	s2 =	sadd.s32 s2, s17  }
0x8e: {  	[smem:$0x3FBD] =	sst s2  }
0x8f: {  	_ = 	snop  }
0x90: {  	(tm) =	ssettm $0x1  }
0x91: {  	s18 =	sld [smem:$0x3FFB];
	_ =	sdelay $0x3  }
0x92: {  	_ =	strace s18  }
0x93: {  	s2 =	sld [smem:$0x3FFC];
	_ =	sdelay $0x3  }
0x94: {  	_ =	strace s2  }
0x95: {  	s2 =	sld [smem:$0x3FFD];
	_ =	sdelay $0x3  }
0x96: {  	_ =	strace s2  }
0x97: {  	_ =	strace $0x8FFFFFFF  }
0x98: {  	s19 =	sld [smem:$0x3FDB];
	_ =	sdelay $0x1  }
0x99: {  	s20 =	simm.s32 $_scs_section_size  }
0x9a: {  	s4 =	simm.s32 $_size__tile_overlayer_lowered;
	s5 =	simm.s32 $_tile_overlayer_lowered  }
0x9b: {  	s6 =	simm.s32 $0x1BFF;
	s21 =	sshll.u32 s5, $0x1;
	s3 =	sadd.s32 s20, s19  }
0x9c: {  	s22 =	simm.s32 $0x0;
	s4 =	sshll.u32 s4, $0x1;
	s5 =	sadd.s32 s21, s3  }
0x9d: {  	[timem:s22], [sflag:s6] =	dma.local [hbm:s5], s4  }
0x9e: {  	_ =	swait.ge [sflag:s6], s4  }
0x9f: {  	s4 =	ssub.s32 $0x0, s4;
	[sflag:s6] =	ssyncset.done $0x0  }
0xa0: {  	[sflag:s6] =	ssyncadd.s32 s4;
	_ =	sdelay $0x1  }
0xa1: {  	s23 =	simm.s32 $0x1B8B  }
0xa2: {  	_ =	swait.ge [sflag:s23], $0x1  }
0xa3: {  	[sflag:s23] =	ssyncset.done $0x0  }
0xa4: {  	[sflag:s23] =	ssyncadd.s32 $0xFFFFFFFF  }
0xa5: {  	s4 =	sld [smem:$0x0]  }
0xa6: {  	s5 =	sand.u32 $0xFFFFFFFE, s1  }
0xa7: {  	p0 =	sne.s32 s1, s5  }
0xa8: {  	s5 =	sshll.u32 @p0 s5, $0xE  }
0xa9: {  	s5 =	sadd.s32 @p0 $0x11B8D, s5;
	s6 =	sshll.u32 @p0 s4, $0x11  }
0xaa: {  	s5 =	sor.u32 @p0 s6, s5  }
0xab: {  	[sflag:s5] =	ssyncadd.remote.s32 @p0 $0x1;
	_ =	sdelay $0x1  }
0xac: {  	s5 =	simm.s32 @p0 $0x1B8D  }
0xad: {  	_ =	swait.eq @p0 [sflag:s5], $0x1  }
0xae: {  	[sflag:s5] =	ssyncadd.s32 @p0 $0xFFFFFFFF  }
0xaf: {  	s6 =	sshll.u32 @!p0 s1, $0xE  }
0xb0: {  	s6 =	sor.u32 @!p0 $0x4000, s6;
	s5 =	simm.s32 @!p0 $0x1B8D  }
0xb1: {  	s4 =	sshll.u32 @!p0 s4, $0x11;
	s6 =	sadd.s32 @!p0 $0x11B8D, s6;
	_ =	swait.eq @!p0 [sflag:s5], $0x1  }
0xb2: {  	s4 =	sor.u32 @!p0 s4, s6;
	[sflag:s5] =	ssyncadd.s32 @!p0 $0xFFFFFFFF  }
0xb3: {  	s25 =	simm.s32 $0x1B8E;
	s24 =	sld [smem:$0x3FFE];
	[sflag:s4] =	ssyncadd.remote.s32 @!p0 $0x1  }
0xb4: {  	s26 =	simm.s32 $execute0_lowered;
	[smem:$0x3FD2] =	sst s25  }
0xb5: {  	s5 =	sshll.u32 s26, $0x1;
	_ =	strace $0x8000004C;
	[dreg:$0x1] =	wrdreg $0xFFFFFFFF  }
0xb6: {  	s28 =	simm.s32 $_size_execute0_lowered;
	s3 =	sadd.s32 s3, s5;
	[dreg:$0x0] =	wrdreg $0x0  }
0xb7: {  	s5 =	sshll.u32 s28, $0x1;
	[dreg:$0x2] =	wrdreg s3  }
0xb8: {  	[dreg:$0x3] =	wrdreg s5  }
0xb9: {  	[dreg:$0x4] =	wrdreg $0xC0  }
0xba: {  	_ =	task [dreg:s22], $0x5FFFF  }
0xbb: {  	[dreg:$0x1] =	wrdreg $0xFFFFFFFF  }
0xbc: {  	[dreg:$0x0] =	wrdreg $0x60  }
0xbd: {  	[dreg:$0x2] =	wrdreg s24  }
0xbe: {  	[dreg:$0x3] =	wrdreg $0x81000  }
0xbf: {  	[dreg:$0x4] =	wrdreg $0x9  }
0xc0: {  	_ =	task.clear_ibuf [dreg:s22], $0x5FFFF;
	_ =	strace $0x9000004C  }
0xc1: {  	s29 =	simm.s32 $0x9;
	_ =	strace $0x8000004E  }
0xc2: {  	_ =	swait.ge [sflag:s29], $0x1  }
0xc3: {  	[sflag:s29] =	ssyncadd.s32 $0xFFFFFFFF  }
0xc4: {  	_ =	strace $0x9000004E  }
0xc5: {  	_ =	sfence  }
0xc6: {  	s30 =	sld [smem:$0x0];
	_ =	sdelay $0x2  }
0xc7: {  	s31 =	sshll.u32 s1, $0xD;
	s1 =	sshrl.u32 s1, $0x2  }
0xc8: {  	s4 =	sand.u32 $0x4000, s31;
	s1 =	sadd.s32 s1, s30  }
0xc9: {  	s0 =	sor.u32 s4, s0;
	s1 =	sshll.u32 s1, $0x11  }
0xca: {  	s0 =	sor.u32 s1, s0  }
0xcb: {  	s0 =	sadd.s32 $0x8F2B, s0  }
0xcc: {  	[sflag:s0] =	ssyncadd.remote.s32 $0x1  }
0xcd: {  	_ =	sfence.sel $0xFFFF  }
0xce: {  	[dreg:$0x0] =	wrdreg $0xFFFFFFFF;
	(pc) =	sbr.abs _section_cstart, $3  }
0xcf: {  	[dreg:$0x1] =	wrdreg $0xFFFFFFFF  }
0xd0: {  	_ =	task.clear_ibuf [dreg:s22], $0x2FFFF;
	_ =	strace $0x9FFFFFFF  }
0xd1: {  	(tm) =	ssettm $0x7FFFFFFF  }
tec
execute0_lowered:
.L_overlay_start_1:
0x0: {  	(tag) =	ssettag $0x1  }
0x1: {  	s0 =	rddreg [dreg:$0x0]  }
0x2: {  	s1 =	rddreg [dreg:$0x1];
	s2 =	simm.s32 $0x0;
	s5 =	srdreg.scid  }
0x3: {  	s29 =	simm.s32 $0x100;
	s30 =	simm.s32 $0x1;
	[smem:$0x7FF] =	sst s2  }
0x4: {  	s31 =	simm.s32 $0x80;
	s3 =	sadd.s32 $0x760A00, s0;
	s6 =	sadd.s32 $0x75E200, s0  }
0x5: {  	s4 =	sadd.s32 $0x3A00, s0;
	s19 =	sand.u32 $0x1, s5;
	s5 =	stileid.u32  }
0x6: {  	_ =	strace $0x8000004D;
	s7 =	ssub.s32 $0x2, s19;
	s8 =	smul.u32 $0x9C4000, s19  }
0x7: {  	s10 =	sshll.u32 s5, $0x4;
	s11 =	sshll.u32 s5, $0xE;
	s12 =	smul.u32 $0xA000, s5  }
0x8: {  	s13 =	sor.u32 $0x10, s5;
	s14 =	sor.u32 $0x20, s5;
	s17 =	smul.u32 $0x5000, s5  }
0x9: {  	s0 =	sshll.u32 s19, $0xA;
	s19 =	sor.u32 $0x70, s5;
	s16 =	smul.u32 $0xA000, s13  }
0xa: {  	p2 =	sgt.u32 s5, $0xC;
	p1 =	sne.s32 s5, $0x0;
	s14 =	smul.u32 $0xA000, s14  }
0xb: {  	s9 =	sshrl.u32 s7, $0x1;
	s20 =	sadd.s32 s6, s10;
	s13 =	smul.u32 $0x5000, s13  }
0xc: {  	s15 =	sand.u32 $0x70, s10;
	s26 =	smul.u32 $0xA000, s19;
	p0 =	sgt.u32 s19, $0x7C  }
0xd: {  	s7 =	ssub.s32 s7, s9;
	[dreg:$0x3] =	wrdreg s20;
	s9 =	sadd.s32 s11, s8  }
0xe: {  	s21 =	sadd.s32 s6, s15;
	s28 =	sshrl.u32 s12, $0x2;
	s8 =	sshrl.u32 s8, $0x3  }
0xf: {  	s11 =	sshrl.u32 s9, $0x3;
	s7 =	smax.u32 s7, $0x1;
	s22 =	sadd.s32 s28, s1  }
0x10: {  	s12 =	sshrl.u32 s16, $0x2;
	s14 =	sshrl.u32 s14, $0x2;
	s28 =	sor.u32 $0x100, s10  }
0x11: {  	s10 =	sor.u32 $0x200, s10;
	s8 =	sadd.s32 s3, s8;
	s11 =	sadd.s32 s3, s11  }
0x12: {  	[dreg:$0x5] =	wrdreg s7;
	s23 =	sadd.s32 s12, s1;
	s16 =	sadd.s32 s14, s1  }
0x13: {  	s18 =	sadd.s32 $0x78000, s22;
	s24 =	sadd.s32 $0xA0000, s22;
	s25 =	sadd.s32 $0xC8000, s22  }
0x14: {  	s7 =	sor.u32 s0, s17;
	s0 =	sor.u32 s0, s13;
	[dreg:$0x4] =	wrdreg s11  }
0x15: {  	s14 =	sshrl.u32 s26, $0x2;
	s13 =	sand.u32 $0x180, s28;
	[dreg:$0x6] =	wrdreg s16  }
0x16: {  	s10 =	sand.u32 $0x280, s10;
	s17 =	sadd.s32 $0x138000, s8;
	[dreg:$0x7] =	wrdreg s18  }
0x17: {  	s28 =	sadd.s32 $0xF0000, s22;
	s8 =	simm.s32 $0x2;
	[dreg:$0x8] =	wrdreg s24  }
0x18: {  	s12 =	simm.s32 $0x5;
	[dreg:$0x9] =	wrdreg s25;
	s14 =	sadd.s32 s14, s1  }
0x19: {  	s13 =	sadd.s32 s13, s6;
	s6 =	sadd.s32 s10, s6;
	s0 =	sshrl.u32 s0, $0x3  }
0x1a: {  	s16 =	sadd.s32 $0x2700, s21;
	[dreg:$0xe] =	wrdreg s17;
	s18 =	sadd.s32 $0x40000, s9  }
0x1b: {  	s19 =	sadd.s32 $0xF0000, s7;
	s24 =	sadd.s32 $0x80000, s9;
	[dreg:$0x13] =	wrdreg s28  }
0x1c: {  	s26 =	sadd.s32 $0xA0000, s7;
	s11 =	simm.s32 $0x4;
	[dreg:$0xa] =	wrdreg s14  }
0x1d: {  	s14 =	sshrl.u32 s7, $0x3;
	s0 =	sadd.s32 s4, s0;
	[dreg:$0xd] =	wrdreg s16  }
0x1e: {  	s20 =	sadd.s32 s15, s13;
	s21 =	sadd.s32 s15, s6;
	[dreg:$0x10] =	wrdreg s24  }
0x1f: {  	s25 =	sshrl.u32 s19, $0x3;
	[dreg:$0x11] =	wrdreg s26;
	s19 =	sadd.s32 $0x50000, s22  }
0x20: {  	s10 =	sadd.s32 s4, s14;
	[dreg:$0xc] =	wrdreg s0;
	s0 =	sshrl.u32 s18, $0x3  }
0x21: {  	s6 =	simm.s32 $0x3;
	[dreg:$0xb] =	wrdreg s10;
	s0 =	sadd.s32 s0, s3  }
0x22: {  	s7 =	simm.s32 $0x6;
	[dreg:$0xf] =	wrdreg s0;
	s0 =	sadd.s32 s25, s4  }
0x23: {  	v0 =	vimm.f32 $0.0e+00;
	s15 =	simm.s32 $0x0;
	[dreg:$0x12] =	wrdreg s0;
	s0 =	simm.s32 $0x4100  }
.LBB2_1:
0x24: {  	s13 =	simm.s32 $0x0;
	s14 =	simm.s32 $0x200  }
.LBB2_2:
0x25: {  	p3 =	sne.s32 s14, $0x9E00;
	[tilespmem:s13+$0x170] =	vst v0  }
0x26: {  	[tilespmem:s13+$0x100] =	vst v0  }
0x27: {  	[tilespmem:s13+$0x110] =	vst v0  }
.Ltmp0:
0x28: {  	[tilespmem:s13+$0x120] =	vst v0;
	(pc) =	sbr.rel @p3 .LBB2_2-.Ltmp0, $4  }
0x29: {  	[tilespmem:s13+$0x130] =	vst v0  }
0x2a: {  	[tilespmem:s13+$0x140] =	vst v0  }
0x2b: {  	[tilespmem:s13+$0x150] =	vst v0  }
0x2c: {  	[tilespmem:s13+$0x160] =	vst v0;
	s13 =	sshra.s32 s14, $0x2;
	s14 =	sadd.s32 $0x200, s14  }
0x2d: {  	[tilespmem:s13+$0x170] =	vst v0  }
0x2e: {  	[tilespmem:s13+$0x100] =	vst v0  }
0x2f: {  	[tilespmem:s13+$0x110] =	vst v0  }
0x30: {  	[tilespmem:s13+$0x120] =	vst v0  }
0x31: {  	[tilespmem:s13+$0x130] =	vst v0  }
0x32: {  	[tilespmem:s13+$0x140] =	vst v0  }
0x33: {  	[tilespmem:s13+$0x150] =	vst v0  }
0x34: {  	[tilespmem:s13+$0x160] =	vst v0  }
0x35: {  	[spmem:s22] =	stream.linear.scatter [tilespmem:s29], [sflag:$0x1], $0x2800, $0x38;
	[tilespmem:$0x1B980] =	vst v63  }
0x36: {  	_ = 	snop  }
0x37: {  	[spmem:s23] =	stream.linear.scatter [tilespmem:s29], [sflag:$0x1], $0x2800, $0x38;
	[tilespmem:$0x1B980] =	vst v63  }
0x38: {  	s9 =	rddreg [dreg:$0x6]  }
0x39: {  	[spmem:s9] =	stream.linear.scatter [tilespmem:s29], [sflag:$0x1], $0x2800, $0x38;
	[tilespmem:$0x1B980] =	vst v63  }
0x3a: {  	s26 =	rddreg [dreg:$0x7]  }
0x3b: {  	[spmem:s26] =	stream.linear.scatter [tilespmem:s29], [sflag:$0x1], $0x2800, $0x38;
	[tilespmem:$0x1B980] =	vst v63  }
0x3c: {  	s28 =	rddreg [dreg:$0x8]  }
0x3d: {  	[spmem:s28] =	stream.linear.scatter [tilespmem:s29], [sflag:$0x1], $0x2800, $0x38;
	[tilespmem:$0x1B980] =	vst v63  }
0x3e: {  	s10 =	rddreg [dreg:$0x9]  }
0x3f: {  	[spmem:s10] =	stream.linear.scatter [tilespmem:s29], [sflag:$0x1], $0x2800, $0x38;
	[tilespmem:$0x1B980] =	vst v63  }
0x40: {  	s13 =	rddreg [dreg:$0x13]  }
0x41: {  	[spmem:s13] =	stream.linear.scatter [tilespmem:s29], [sflag:$0x1], $0x2800, $0x38;
	[tilespmem:$0x1B980] =	vst v63  }
0x42: {  	s9 =	simm.s32 @!p0 $0x100;
	s10 =	rddreg [dreg:$0xa]  }
0x43: {  	[spmem:s10] =	stream.linear.scatter @!p0 [tilespmem:s9], [sflag:$0x1], $0x2800, $0x38;
	[tilespmem:$0x1B980] =	vst v63  }
0x44: {  	_ =	swait.ge [sflag:s30], $0x2800  }
0x45: {  	[sflag:s30] =	ssyncset.done $0x0  }
0x46: {  	[sflag:s30] =	ssyncadd.s32 $0xFFFFD800  }
0x47: {  	_ =	swait.ge [sflag:s30], $0x2800  }
0x48: {  	[sflag:s30] =	ssyncset.done $0x0  }
0x49: {  	[sflag:s30] =	ssyncadd.s32 $0xFFFFD800  }
0x4a: {  	_ =	swait.ge [sflag:s30], $0x2800  }
0x4b: {  	[sflag:s30] =	ssyncset.done $0x0  }
0x4c: {  	[sflag:s30] =	ssyncadd.s32 $0xFFFFD800  }
0x4d: {  	_ =	swait.ge [sflag:s30], $0x2800  }
0x4e: {  	[sflag:s30] =	ssyncset.done $0x0  }
0x4f: {  	[sflag:s30] =	ssyncadd.s32 $0xFFFFD800  }
0x50: {  	_ =	swait.ge [sflag:s30], $0x2800  }
0x51: {  	[sflag:s30] =	ssyncset.done $0x0  }
0x52: {  	[sflag:s30] =	ssyncadd.s32 $0xFFFFD800  }
0x53: {  	_ =	swait.ge [sflag:s30], $0x2800  }
0x54: {  	[sflag:s30] =	ssyncset.done $0x0  }
0x55: {  	[sflag:s30] =	ssyncadd.s32 $0xFFFFD800  }
0x56: {  	_ =	swait.ge [sflag:s30], $0x2800  }
0x57: {  	[sflag:s30] =	ssyncset.done $0x0  }
0x58: {  	s9 =	simm.s32 @!p2 $0x1;
	[sflag:s30] =	ssyncadd.s32 $0xFFFFD800  }
0x59: {  	_ =	swait.ge @!p2 [sflag:s9], $0x2800  }
0x5a: {  	[sflag:s9] =	ssyncset.done @!p2 $0x0  }
0x5b: {  	[sflag:s9] =	ssyncadd.s32 @!p2 $0xFFFFD800  }
0x5c: {  	[bflag:$0x0] =	sbarrier.arrive $0xFFFF  }
0x5d: {  	s14 =	simm.s32 $0x0;
	s16 =	rddreg [dreg:$0x3]  }
0x5e: {  	[tilespmem:s14], [sflag:$0x1] =	stream.linear.gather [hbm4b:s16+s14], $0x80, $0x38;
	[tilespmem:$0x1B980] =	vst v63  }
0x5f: {  	s17 =	rddreg [dreg:$0x4]  }
0x60: {  	[tilespmem:s29], [sflag:$0x3] =	stream.linear.gather [hbm4b:s17+s14], $0x4000, $0x38;
	[tilespmem:$0x1B980] =	vst v63  }
0x61: {  	s18 =	sadd.s32 $0x0, s20  }
0x62: {  	[tilespmem:s31], [sflag:$0x2] =	stream.linear.gather [hbm4b:s18+s2], $0x80, $0x38;
	[tilespmem:$0x1B980] =	vst v63  }
0x63: {  	s24 =	rddreg [dreg:$0xf]  }
0x64: {  	[tilespmem:s0], [sflag:$0x4] =	stream.linear.gather [hbm4b:s24+s2], $0x4000, $0x38;
	[tilespmem:$0x1B980] =	vst v63  }
0x65: {  	_ =	swait.ge [sflag:s30], $0x80  }
0x66: {  	[sflag:s30] =	ssyncset.done $0x0  }
0x67: {  	[sflag:s30] =	ssyncadd.s32 $0xFFFFFF80  }
0x68: {  	_ =	swait.ge [sflag:s6], $0x4000  }
0x69: {  	[sflag:s6] =	ssyncset.done $0x0  }
0x6a: {  	[sflag:s6] =	ssyncadd.s32 $0xFFFFC000  }
0x6b: {  	[spmem:s1] =	stream.indirect.scatter.add.f32 [tilespmem:s29], [sflag:$0x6], $0x80, s2, s31, $0xb8;
	[tilespmem:$0x1B980] =	vst v63  }
0x6c: {  	_ =	swait.ge [sflag:s7], $0x4000  }
0x6d: {  	[sflag:s7] =	ssyncset.done $0x0;
	s14 =	rddreg [dreg:$0x10]  }
0x6e: {  	s25 =	sadd.s32 $0x0, s21;
	[sflag:s7] =	ssyncadd.s32 $0xFFFFC000;
	s26 =	sshrl.u32 s14, $0x3  }
0x6f: {  	[tilespmem:s2], [sflag:$0x1] =	stream.linear.gather [hbm4b:s25+s2], $0x80, $0x38;
	[tilespmem:$0x1B980] =	vst v63  }
0x70: {  	s28 =	sadd.s32 s3, s26  }
0x71: {  	[tilespmem:s29], [sflag:$0x3] =	stream.linear.gather [hbm4b:s28+s2], $0x4000, $0x38;
	[tilespmem:$0x1B980] =	vst v63  }
0x72: {  	_ =	swait.ge [sflag:s8], $0x80  }
0x73: {  	[sflag:s8] =	ssyncset.done $0x0  }
0x74: {  	[sflag:s8] =	ssyncadd.s32 $0xFFFFFF80  }
0x75: {  	_ =	swait.ge [sflag:s11], $0x4000  }
0x76: {  	[sflag:s11] =	ssyncset.done $0x0  }
0x77: {  	[sflag:s11] =	ssyncadd.s32 $0xFFFFC000  }
0x78: {  	[spmem:s1] =	stream.indirect.scatter.add.f32 [tilespmem:s0], [sflag:$0x5], $0x80, s31, s31, $0xb8;
	[tilespmem:$0x1B980] =	vst v63  }
0x79: {  	s10 =	simm.s32 $0x400;
	s17 =	simm.s32 $0x200;
	_ =	swait.ge [sflag:s12], $0x4000  }
0x7a: {  	s18 =	sadd.s32 $0x10000, s24;
	s16 =	sadd.s32 $0x80000, s14;
	[sflag:s12] =	ssyncset.done $0x0  }
.LBB2_4:
0x7b: {  	s9 =	sadd.s32 s17, s20  }
0x7c: {  	[sflag:s12] =	ssyncadd.s32 $0xFFFFC000;
	s13 =	smov.u32 s10;
	s14 =	sadd.s32 $0x200, s10  }
0x7d: {  	[tilespmem:s31], [sflag:$0x2] =	stream.linear.gather [hbm4b:s9+s2], $0x80, $0x38;
	[tilespmem:$0x1B980] =	vst v63  }
0x7e: {  	p3 =	sne.s32 s10, $0x2400  }
0x7f: {  	[tilespmem:s0], [sflag:$0x4] =	stream.linear.gather [hbm4b:s18+s2], $0x4000, $0x38;
	[tilespmem:$0x1B980] =	vst v63  }
0x80: {  	_ =	swait.ge [sflag:s30], $0x80  }
0x81: {  	[sflag:s30] =	ssyncset.done $0x0  }
0x82: {  	[sflag:s30] =	ssyncadd.s32 $0xFFFFFF80  }
0x83: {  	_ =	swait.ge [sflag:s6], $0x4000  }
0x84: {  	[sflag:s6] =	ssyncset.done $0x0  }
0x85: {  	[sflag:s6] =	ssyncadd.s32 $0xFFFFC000  }
0x86: {  	[spmem:s1] =	stream.indirect.scatter.add.f32 [tilespmem:s29], [sflag:$0x6], $0x80, s2, s31, $0xb8;
	[tilespmem:$0x1B980] =	vst v63  }
0x87: {  	_ =	swait.ge [sflag:s7], $0x4000  }
0x88: {  	[sflag:s7] =	ssyncset.done $0x0  }
0x89: {  	s10 =	sshrl.u32 s16, $0x3;
	s9 =	sadd.s32 s17, s21;
	[sflag:s7] =	ssyncadd.s32 $0xFFFFC000  }
0x8a: {  	[tilespmem:s2], [sflag:$0x1] =	stream.linear.gather [hbm4b:s9+s2], $0x80, $0x38;
	[tilespmem:$0x1B980] =	vst v63  }
0x8b: {  	s17 =	smov.u32 s13;
	s9 =	sadd.s32 s3, s10  }
0x8c: {  	[tilespmem:s29], [sflag:$0x3] =	stream.linear.gather [hbm4b:s9+s2], $0x4000, $0x38;
	[tilespmem:$0x1B980] =	vst v63  }
0x8d: {  	_ =	swait.ge [sflag:s8], $0x80  }
0x8e: {  	[sflag:s8] =	ssyncset.done $0x0  }
0x8f: {  	[sflag:s8] =	ssyncadd.s32 $0xFFFFFF80  }
0x90: {  	_ =	swait.ge [sflag:s11], $0x4000  }
.Ltmp1:
0x91: {  	[sflag:s11] =	ssyncset.done $0x0;
	(pc) =	sbr.rel @p3 .LBB2_4-.Ltmp1, $4  }
0x92: {  	[sflag:s11] =	ssyncadd.s32 $0xFFFFC000  }
0x93: {  	[spmem:s1] =	stream.indirect.scatter.add.f32 [tilespmem:s0], [sflag:$0x5], $0x80, s31, s31, $0xb8;
	[tilespmem:$0x1B980] =	vst v63  }
0x94: {  	s16 =	sadd.s32 $0x80000, s16;
	_ =	swait.ge [sflag:s12], $0x4000  }
0x95: {  	s18 =	sadd.s32 $0x10000, s18;
	s10 =	smov.u32 s14;
	[sflag:s12] =	ssyncset.done $0x0  }
0x96: {  	s9 =	sadd.s32 s17, s20;
	[sflag:s12] =	ssyncadd.s32 $0xFFFFC000  }
0x97: {  	[tilespmem:s31], [sflag:$0x2] =	stream.linear.gather [hbm4b:s9+s2], $0x80, $0x38;
	[tilespmem:$0x1B980] =	vst v63  }
0x98: {  	_ = 	snop  }
0x99: {  	[tilespmem:s0], [sflag:$0x4] =	stream.linear.gather [hbm4b:s18+s2], $0x4000, $0x38;
	[tilespmem:$0x1B980] =	vst v63  }
0x9a: {  	_ =	swait.ge [sflag:s30], $0x80  }
0x9b: {  	[sflag:s30] =	ssyncset.done $0x0  }
0x9c: {  	[sflag:s30] =	ssyncadd.s32 $0xFFFFFF80  }
0x9d: {  	_ =	swait.ge [sflag:s6], $0x4000  }
0x9e: {  	[sflag:s6] =	ssyncset.done $0x0  }
0x9f: {  	[sflag:s6] =	ssyncadd.s32 $0xFFFFC000  }
0xa0: {  	[spmem:s1] =	stream.indirect.scatter.add.f32 [tilespmem:s29], [sflag:$0x6], $0x80, s2, s31, $0xb8;
	[tilespmem:$0x1B980] =	vst v63  }
0xa1: {  	_ =	swait.ge [sflag:s7], $0x4000  }
0xa2: {  	[sflag:s7] =	ssyncset.done $0x0  }
0xa3: {  	s26 =	sadd.s32 s17, s21;
	s10 =	sshrl.u32 s16, $0x3;
	[sflag:s7] =	ssyncadd.s32 $0xFFFFC000  }
0xa4: {  	[tilespmem:s2], [sflag:$0x1] =	stream.linear.gather [hbm4b:s26+s2], $0x80, $0x38;
	[tilespmem:$0x1B980] =	vst v63  }
0xa5: {  	s13 =	sadd.s32 s3, s10  }
0xa6: {  	[tilespmem:s29], [sflag:$0x3] =	stream.linear.gather [hbm4b:s13+s2], $0x4000, $0x38;
	[tilespmem:$0x1B980] =	vst v63  }
0xa7: {  	_ =	swait.ge [sflag:s8], $0x80  }
0xa8: {  	[sflag:s8] =	ssyncset.done $0x0  }
0xa9: {  	[sflag:s8] =	ssyncadd.s32 $0xFFFFFF80  }
0xaa: {  	_ =	swait.ge [sflag:s11], $0x4000  }
0xab: {  	[sflag:s11] =	ssyncset.done $0x0  }
0xac: {  	[sflag:s11] =	ssyncadd.s32 $0xFFFFC000  }
0xad: {  	[spmem:s1] =	stream.indirect.scatter.add.f32 [tilespmem:s0], [sflag:$0x5], $0x80, s31, s31, $0xb8;
	[tilespmem:$0x1B980] =	vst v63  }
0xae: {  	_ =	swait.ge [sflag:s12], $0x4000  }
0xaf: {  	s9 =	simm.s32 @!p1 $0x0;
	[sflag:s12] =	ssyncset.done $0x0  }
0xb0: {  	s10 =	simm.s32 @!p1 $0x80;
	s13 =	rddreg [dreg:$0xd];
	[sflag:s12] =	ssyncadd.s32 $0xFFFFC000  }
0xb1: {  	[tilespmem:s10], [sflag:$0x2] =	stream.linear.gather @!p1 [hbm4b:s13+s9], $0x80, $0x38;
	[tilespmem:$0x1B980] =	vst v63  }
0xb2: {  	s14 =	rddreg [dreg:$0xe];
	s13 =	simm.s32 @!p1 $0x4100  }
0xb3: {  	[tilespmem:s13], [sflag:$0x4] =	stream.linear.gather @!p1 [hbm4b:s14+s9], $0x4000, $0x38;
	[tilespmem:$0x1B980] =	vst v63  }
0xb4: {  	_ =	swait.ge [sflag:s30], $0x80  }
0xb5: {  	[sflag:s30] =	ssyncset.done $0x0  }
0xb6: {  	[sflag:s30] =	ssyncadd.s32 $0xFFFFFF80  }
0xb7: {  	_ =	swait.ge [sflag:s6], $0x4000  }
0xb8: {  	[sflag:s6] =	ssyncset.done $0x0  }
0xb9: {  	[sflag:s6] =	ssyncadd.s32 $0xFFFFC000  }
0xba: {  	[spmem:s1] =	stream.indirect.scatter.add.f32 [tilespmem:s29], [sflag:$0x6], $0x80, s2, s31, $0xb8;
	[tilespmem:$0x1B980] =	vst v63  }
0xbb: {  	_ =	swait.ge [sflag:s7], $0x4000  }
0xbc: {  	[sflag:s7] =	ssyncset.done $0x0  }
0xbd: {  	s9 =	simm.s32 @!p1 $0x2;
	[sflag:s7] =	ssyncadd.s32 $0xFFFFC000  }
0xbe: {  	_ =	swait.ge @!p1 [sflag:s9], $0x80  }
0xbf: {  	[sflag:s9] =	ssyncset.done @!p1 $0x0  }
0xc0: {  	[sflag:s9] =	ssyncadd.s32 @!p1 $0xFFFFFF80;
	s9 =	simm.s32 @!p1 $0x4  }
0xc1: {  	_ =	swait.ge @!p1 [sflag:s9], $0x4000  }
0xc2: {  	[sflag:s9] =	ssyncset.done @!p1 $0x0  }
0xc3: {  	[sflag:s9] =	ssyncadd.s32 @!p1 $0xFFFFC000;
	s9 =	simm.s32 @!p1 $0x5  }
0xc4: {  	[spmem:s1] =	stream.indirect.scatter.add.f32 @!p1 [tilespmem:s13], [sflag:$0x5], $0x80, s10, s10, $0xb8;
	[tilespmem:$0x1B980] =	vst v63  }
0xc5: {  	_ =	swait.ge @!p1 [sflag:s9], $0x4000  }
0xc6: {  	[sflag:s9] =	ssyncset.done @!p1 $0x0  }
0xc7: {  	[sflag:s9] =	ssyncadd.s32 @!p1 $0xFFFFC000  }
0xc8: {  	[bflag:$0x0] =	sbarrier.arrive $0xFFFF  }
0xc9: {  	[tilespmem:s29], [sflag:$0x5] =	stream.linear.gather [spmem:s22], $0x2800, $0x38;
	[tilespmem:$0x1B980] =	vst v63  }
0xca: {  	_ =	swait.ge [sflag:s12], $0x2800  }
0xcb: {  	s16 =	simm.s32 $0x400;
	[sflag:s12] =	ssyncset.done $0x0  }
0xcc: {  	s17 =	simm.s32 $0x800;
	s14 =	rddreg [dreg:$0xb];
	[sflag:s12] =	ssyncadd.s32 $0xFFFFD800  }
0xcd: {  	[hbm4b:s14+s16] =	stream.strided.scatter [tilespmem:s29], [sflag:$0x3], $0x2800, s17, s16, $0x38;
	[tilespmem:$0x1B980] =	vst v63  }
0xce: {  	_ = 	snop  }
0xcf: {  	[tilespmem:s0], [sflag:$0x5] =	stream.linear.gather [spmem:s23], $0x2800, $0x38;
	[tilespmem:$0x1B980] =	vst v63  }
0xd0: {  	s24 =	smov.u32 s22;
	_ =	swait.ge [sflag:s12], $0x2800  }
0xd1: {  	s26 =	smov.u32 s23;
	s22 =	sadd.s32 $0x0, s5;
	[sflag:s12] =	ssyncset.done $0x0  }
0xd2: {  	s25 =	sadd.s32 $0x10, s22;
	s18 =	rddreg [dreg:$0xc];
	[sflag:s12] =	ssyncadd.s32 $0xFFFFD800  }
0xd3: {  	[hbm4b:s18+s16] =	stream.strided.scatter [tilespmem:s0], [sflag:$0x4], $0x2800, s17, s16, $0x38;
	[tilespmem:$0x1B980] =	vst v63  }
0xd4: {  	s9 =	sadd.s32 $0x30, s22;
	s23 =	sadd.s32 $0x20, s22;
	_ =	swait.ge [sflag:s6], $0x2800  }
0xd5: {  	p5 =	sgt.u32 s25, $0x7C;
	p3 =	sgt.u32 s23, $0x7C;
	[sflag:s6] =	ssyncset.done $0x0  }
0xd6: {  	s13 =	simm.s32 @!p3 $0x100;
	s14 =	simm.s32 @!p3 $0x5;
	[sflag:s6] =	ssyncadd.s32 $0xFFFFD800  }
0xd7: {  	[tilespmem:s13], [sflag:$0x5] =	stream.linear.gather @!p3 [spmem:s19], $0x2800, $0x38;
	[tilespmem:$0x1B980] =	vst v63  }
0xd8: {  	s10 =	simm.s32 @!p3 $0x400;
	s18 =	rddreg [dreg:$0x11];
	_ =	swait.ge @!p3 [sflag:s14], $0x2800  }
0xd9: {  	s17 =	simm.s32 @!p3 $0x800;
	s16 =	sshrl.u32 @!p3 s18, $0x3;
	[sflag:s14] =	ssyncset.done @!p3 $0x0  }
0xda: {  	s16 =	sadd.s32 @!p3 s4, s16;
	[sflag:s14] =	ssyncadd.s32 @!p3 $0xFFFFD800;
	s14 =	simm.s32 @!p5 $0x4  }
0xdb: {  	[hbm4b:s16+s10] =	stream.strided.scatter @!p3 [tilespmem:s13], [sflag:$0x3], $0x2800, s17, s10, $0x38;
	[tilespmem:$0x1B980] =	vst v63  }
0xdc: {  	p4 =	sgt.u32 s9, $0x7C;
	_ =	swait.ge @!p5 [sflag:s14], $0x2800  }
0xdd: {  	s9 =	sadd.s32 @!p4 $0x28000, s19;
	[sflag:s14] =	ssyncset.done @!p5 $0x0  }
0xde: {  	s13 =	simm.s32 @!p4 $0x4100;
	[sflag:s14] =	ssyncadd.s32 @!p5 $0xFFFFD800;
	s14 =	simm.s32 @!p4 $0x5  }
0xdf: {  	[tilespmem:s13], [sflag:$0x5] =	stream.linear.gather @!p4 [spmem:s9], $0x2800, $0x38;
	[tilespmem:$0x1B980] =	vst v63  }
0xe0: {  	s28 =	smov.u32 s19;
	s16 =	simm.s32 $0x20;
	_ =	swait.ge @!p4 [sflag:s14], $0x2800  }
0xe1: {  	s17 =	sadd.s32 $0xA0000, s18;
	s10 =	simm.s32 @!p4 $0x400;
	s25 =	rddreg [dreg:$0x12]  }
0xe2: {  	s9 =	simm.s32 @!p4 $0x800;
	[sflag:s14] =	ssyncset.done @!p4 $0x0;
	s18 =	sadd.s32 $0x14000, s25  }
.LBB2_6:
0xe3: {  	[sflag:s14] =	ssyncadd.s32 @!p4 $0xFFFFD800  }
0xe4: {  	s28 =	sadd.s32 $0x50000, s28;
	s14 =	smov.u32 s16;
	s16 =	sadd.s32 $0x20, s16  }
0xe5: {  	[hbm4b:s25+s10] =	stream.strided.scatter @!p4 [tilespmem:s13], [sflag:$0x4], $0x2800, s9, s10, $0x38;
	[tilespmem:$0x1B980] =	vst v63  }
0xe6: {  	s9 =	sadd.s32 s14, s5;
	p3 =	sne.s32 s16, $0x80;
	s25 =	smov.u32 s18  }
0xe7: {  	s10 =	sadd.s32 $0x20, s9;
	s13 =	sadd.s32 $0x10, s9;
	_ =	swait.ge [sflag:s6], $0x2800  }
0xe8: {  	s9 =	sadd.s32 $0x30, s9;
	p4 =	sgt.u32 s10, $0x7C;
	[sflag:s6] =	ssyncset.done $0x0  }
0xe9: {  	s10 =	simm.s32 @!p4 $0x100;
	s14 =	simm.s32 @!p4 $0x5;
	s22 =	sshrl.u32 @!p4 s17, $0x3  }
0xea: {  	s22 =	sadd.s32 @!p4 s4, s22;
	[sflag:s6] =	ssyncadd.s32 $0xFFFFD800  }
0xeb: {  	[tilespmem:s10], [sflag:$0x5] =	stream.linear.gather @!p4 [spmem:s28], $0x2800, $0x38;
	[tilespmem:$0x1B980] =	vst v63  }
0xec: {  	p5 =	sgt.u32 s13, $0x7C;
	_ =	swait.ge @!p4 [sflag:s14], $0x2800  }
0xed: {  	s13 =	simm.s32 @!p4 $0x400;
	s23 =	simm.s32 @!p4 $0x800;
	[sflag:s14] =	ssyncset.done @!p4 $0x0  }
0xee: {  	[sflag:s14] =	ssyncadd.s32 @!p4 $0xFFFFD800;
	s14 =	simm.s32 @!p5 $0x4  }
0xef: {  	[hbm4b:s22+s13] =	stream.strided.scatter @!p4 [tilespmem:s10], [sflag:$0x3], $0x2800, s23, s13, $0x38;
	[tilespmem:$0x1B980] =	vst v63  }
0xf0: {  	p4 =	sgt.u32 s9, $0x7C  }
0xf1: {  	_ =	swait.ge @!p5 [sflag:s14], $0x2800;
	s9 =	sadd.s32 @!p4 $0x28000, s28  }
.Ltmp2:
0xf2: {  	s13 =	simm.s32 @!p4 $0x4100;
	[sflag:s14] =	ssyncset.done @!p5 $0x0;
	(pc) =	sbr.rel @p3 .LBB2_6-.Ltmp2, $4  }
0xf3: {  	[sflag:s14] =	ssyncadd.s32 @!p5 $0xFFFFD800;
	s14 =	simm.s32 @!p4 $0x5  }
0xf4: {  	[tilespmem:s13], [sflag:$0x5] =	stream.linear.gather @!p4 [spmem:s9], $0x2800, $0x38;
	[tilespmem:$0x1B980] =	vst v63  }
0xf5: {  	s18 =	sadd.s32 $0x14000, s18;
	s17 =	sadd.s32 $0xA0000, s17;
	_ =	swait.ge @!p4 [sflag:s14], $0x2800  }
0xf6: {  	s10 =	simm.s32 @!p4 $0x400;
	s9 =	simm.s32 @!p4 $0x800;
	[sflag:s14] =	ssyncset.done @!p4 $0x0  }
0xf7: {  	s15 =	sadd.s32 $0x1, s15;
	s28 =	rddreg [dreg:$0x5]  }
0xf8: {  	p3 =	sne.s32 s15, s28  }
.Ltmp3:
0xf9: {  	_ = 	snop;
	(pc) =	sbr.rel @p3 .LBB2_1-.Ltmp3, $3  }
0xfa: {  	_ =	sdelay $0x1  }
0xfb: {  	[sflag:s14] =	ssyncadd.s32 @!p4 $0xFFFFD800;
	s22 =	smov.u32 s24;
	s23 =	smov.u32 s26  }
0xfc: {  	[hbm4b:s25+s10] =	stream.strided.scatter @!p4 [tilespmem:s13], [sflag:$0x4], $0x2800, s9, s10, $0x38;
	[tilespmem:$0x1B980] =	vst v63  }
0xfd: {  	_ =	sfence.sel $0x180000  }
0xfe: {  	[bflag:$0x0] =	sbarrier.arrive $0xFFFF  }
0xff: {  	_ =	strace $0x9000004D  }
0x100: {  	[bflag:$0x2] =	sbarrier.arrive $0xFFFF  }
0x101: {  	s0 =	rddreg [dreg:$0x2]  }
0x102: {  	s0 =	sadd.s32 @!p1 $0x100000, s0  }
0x103: {  	[sflag:s0] =	ssyncadd.tile.s32 @!p1 $0x1;
	_ =	shalt  }
.Lfunc_end2:
_tile_overlayer_lowered:
.L_overlay_start_2:
0x104: {  	(tag) =	ssettag $0x2  }
0x105: {  	s0 =	rddreg [dreg:$0x0];
	s2 =	stileid.u32  }
0x106: {  	s1 =	rddreg [dreg:$0x1];
	p0 =	sne.s32 s2, $0x0  }
0x107: {  	s3 =	rddreg [dreg:$0x2];
	[bflag:$0x3] =	sbarrier.arrive $0xFFFF;
	s2 =	simm.s32 @!p0 $0x1C05  }
0x108: {  	[timem:s3], [sflag:s2] =	dma.local @!p0 [hbm:s0], s1  }
0x109: {  	s0 =	simm.s32 @!p0 $0x5  }
0x10a: {  	_ =	swait.ge @!p0 [sflag:s0], s1  }
0x10b: {  	s1 =	ssub.s32 @!p0 $0x0, s1;
	[sflag:s0] =	ssyncset.done @!p0 $0x0  }
0x10c: {  	[sflag:s0] =	ssyncadd.s32 @!p0 s1  }
0x10d: {  	[bflag:$0x3] =	sbarrier.arrive $0xFFFF  }
0x10e: {  	_ =	shalt  }

// kernel: kernel.26.cloned.1.call-start
scs
__scs_entry_jumppad:
0x0: {  	(pc) =	sbr.rel $0x88, $3  }
0x1: {  	(tag) =	ssettag $0x0;
	lr =	simm.s32 $0x1  }
0x2: {  	[smem:$0x3F96] =	sst lr;
	_ =	strace $0xD0000000  }
0x3: {  	_ = 	snop  }
0x4: {  	_ = 	snop  }
0x5: {  	_ = 	snop  }
0x6: {  	_ = 	snop  }
0x7: {  	_ = 	snop  }
__scs_overlays_trampoline_lowered:
0x8: {  	[smem:$0x3FA5] =	sst s0  }
0x9: {  	[smem:$0x3FA6] =	sst s1  }
0xa: {  	[smem:$0x3FA7] =	sst s2  }
0xb: {  	[smem:$0x3FA8] =	sst s3  }
0xc: {  	[smem:$0x3FA9] =	sst s4  }
0xd: {  	[smem:$0x3FAA] =	sst s5  }
0xe: {  	[smem:$0x3FAB] =	sst s6  }
0xf: {  	[smem:$0x3FAC] =	sst s7  }
0x10: {  	[smem:$0x3FAD] =	sst s8  }
0x11: {  	[smem:$0x3FAE] =	sst s9;
	s0 =	simm.s32 @!p0 $0x0  }
0x12: {  	s1 =	sld [smem:$0x3F94];
	s0 =	simm.s32 @p0 $0x1  }
0x13: {  	[smem:$0x3FAF] =	sst s0;
	s0 =	simm.s32 @!p1 $0x0  }
0x14: {  	s2 =	sld [smem:$0x3F93];
	s0 =	simm.s32 @p1 $0x1  }
0x15: {  	[smem:$0x3FB0] =	sst s0;
	s0 =	simm.s32 @!p2 $0x0  }
0x16: {  	s3 =	sld [smem:$0x3FDB];
	s0 =	simm.s32 @p2 $0x1  }
0x17: {  	s4 =	simm.s32 $0x1BF5;
	[smem:$0x3FB2] =	sst s0  }
0x18: {  	s0 =	sld [smem:$0x3F95];
	_ =	swait.ge [sflag:s4], $0x0  }
0x19: {  	s7 =	sld [smem:$0x3F96]  }
0x1a: {  	s8 =	sadd.s32 $0xFFFFE003, lr  }
0x1b: {  	s9 =	sadd.s32 $0xFFFFFEF7, lr;
	s5 =	simm.s32 $0xFFFFFFFF;
	p2 =	slt.u32 s8, $0xFFFFF086  }
0x1c: {  	p1 =	slt.u32 s9, $0xF7A;
	s5 =	simm.s32 @!p2 $0x0  }
0x1d: {  	s5 =	simm.s32 @p1 $0x1;
	p0 =	seq.s32 s7, s2  }
0x1e: {  	s7 =	smul.u32 @!p0 $0xF7A, s2;
	p2 =	seq.s32 @!p0 s5, $0x0  }
0x1f: {  	s9 =	smul.u32 $0xF7A, s1;
	s8 =	simm.s32 @!p0 $0x1BF5;
	p2 =	por !p2, p0  }
0x20: {  	[sflag:s8] =	ssyncset.s32 @!p0 $0xFFFFF086;
	s6 =	sadd.s32 @!p0 s3, s7;
	s7 =	simm.s32 @!p0 $0x108  }
0x21: {  	s3 =	sadd.s32 s3, s9;
	s6 =	sadd.s32 @!p0 $0x88, s6;
	s7 =	simm.s32 @p2 $0x1082  }
0x22: {  	[simem:s7], [sflag:s8] =	dma.local @!p0 [hbm:s6], $0xF7A  }
0x23: {  	s9 =	sor.u32 $0xD0000000, s2;
	s6 =	simm.s32 $0x108;
	_ =	swait.ge @!p0 [sflag:s8], $0x0  }
0x24: {  	s3 =	sadd.s32 $0x88, s3;
	s6 =	simm.s32 @!p1 $0x1082;
	[sflag:s4] =	ssyncset.s32 $0xFFFFF086  }
0x25: {  	[simem:s6], [sflag:s4] =	dma.local [hbm:s3], $0xF7A  }
0x26: {  	[smem:$0x3F96] =	sst s1;
	(tag) =	ssettag s2;
	_ =	strace s9  }
0x27: {  	s1 =	sld [smem:$0x3FA6]  }
0x28: {  	s2 =	sld [smem:$0x3FA7]  }
0x29: {  	s4 =	sld [smem:$0x3FA9]  }
0x2a: {  	p0 =	seq.s32 s5, $0x0;
	s5 =	sld [smem:$0x3FAA]  }
0x2b: {  	s6 =	sld [smem:$0x3FAB]  }
0x2c: {  	s7 =	sld [smem:$0x3FAC]  }
0x2d: {  	s3 =	simm.s32 $0x108;
	s8 =	sld [smem:$0x3FAD]  }
0x2e: {  	s3 =	simm.s32 @!p0 $0x1082;
	s9 =	sld [smem:$0x3FAE]  }
0x2f: {  	lr =	sadd.s32 s0, s3;
	s0 =	sld [smem:$0x3FA5]  }
0x30: {  	s3 =	sld [smem:$0x3FA8]  }
0x31: {  	[smem:$0x3FB1] =	sst s10  }
0x32: {  	s10 =	sld [smem:$0x3FAF];
	_ =	sdelay $0x3  }
0x33: {  	p0 =	seq.s32 s10, $0x1;
	s10 =	sld [smem:$0x3FB1];
	_ =	sdelay $0x3  }
0x34: {  	[smem:$0x3FB1] =	sst s10  }
0x35: {  	s10 =	sld [smem:$0x3FB0];
	_ =	sdelay $0x3  }
0x36: {  	p1 =	seq.s32 s10, $0x1;
	s10 =	sld [smem:$0x3FB1];
	_ =	sdelay $0x3  }
0x37: {  	[smem:$0x3FB1] =	sst s10  }
0x38: {  	s10 =	sld [smem:$0x3FB2]  }
0x39: {  	_ = 	snop;
	(pc) =	sbr.ind lr, $3  }
0x3a: {  	_ = 	snop  }
0x3b: {  	_ = 	snop  }
0x3c: {  	p2 =	seq.s32 s10, $0x1;
	s10 =	sld [smem:$0x3FB1]  }
0x3d: {  	_ =	shalt  }
0x3e: {  	_ =	shalt  }
0x3f: {  	_ =	shalt  }
0x40: {  	_ =	shalt  }
0x41: {  	_ =	shalt  }
0x42: {  	_ =	shalt  }
0x43: {  	_ =	shalt  }
0x44: {  	_ =	shalt  }
0x45: {  	_ =	shalt  }
0x46: {  	_ =	shalt  }
0x47: {  	_ =	shalt  }
0x48: {  	_ =	shalt  }
0x49: {  	_ =	shalt  }
0x4a: {  	_ =	shalt  }
0x4b: {  	_ =	shalt  }
0x4c: {  	_ =	shalt  }
0x4d: {  	_ =	shalt  }
0x4e: {  	_ =	shalt  }
0x4f: {  	_ =	shalt  }
0x50: {  	_ =	shalt  }
0x51: {  	_ =	shalt  }
0x52: {  	_ =	shalt  }
0x53: {  	_ =	shalt  }
0x54: {  	_ =	shalt  }
0x55: {  	_ =	shalt  }
0x56: {  	_ =	shalt  }
0x57: {  	_ =	shalt  }
0x58: {  	_ =	shalt  }
0x59: {  	_ =	shalt  }
0x5a: {  	_ =	shalt  }
0x5b: {  	_ =	shalt  }
0x5c: {  	_ =	shalt  }
0x5d: {  	_ =	shalt  }
0x5e: {  	_ =	shalt  }
0x5f: {  	_ =	shalt  }
0x60: {  	_ =	shalt  }
0x61: {  	_ =	shalt  }
0x62: {  	_ =	shalt  }
0x63: {  	_ =	shalt  }
0x64: {  	_ =	shalt  }
0x65: {  	_ =	shalt  }
0x66: {  	_ =	shalt  }
0x67: {  	_ =	shalt  }
0x68: {  	_ =	shalt  }
0x69: {  	_ =	shalt  }
0x6a: {  	_ =	shalt  }
0x6b: {  	_ =	shalt  }
0x6c: {  	_ =	shalt  }
0x6d: {  	_ =	shalt  }
0x6e: {  	_ =	shalt  }
0x6f: {  	_ =	shalt  }
0x70: {  	_ =	shalt  }
0x71: {  	_ =	shalt  }
0x72: {  	_ =	shalt  }
0x73: {  	_ =	shalt  }
0x74: {  	_ =	shalt  }
0x75: {  	_ =	shalt  }
0x76: {  	_ =	shalt  }
0x77: {  	_ =	shalt  }
0x78: {  	_ =	shalt  }
0x79: {  	_ =	shalt  }
0x7a: {  	_ =	shalt  }
0x7b: {  	_ =	shalt  }
0x7c: {  	_ =	shalt  }
0x7d: {  	_ =	shalt  }
0x7e: {  	_ =	shalt  }
0x7f: {  	_ =	shalt  }
0x80: {  	_ =	shalt  }
0x81: {  	_ =	shalt  }
0x82: {  	_ =	shalt  }
0x83: {  	_ =	shalt  }
0x84: {  	_ =	shalt  }
0x85: {  	_ =	shalt  }
0x86: {  	_ =	shalt  }
0x87: {  	_ =	shalt  }
.Lfunc_end0:
.L_simem_size_0:
called_computation.5_lowered:
.L_overlay_start_0:
0x88: {  	s2 =	sld [smem:$0x3FD9]  }
0x89: {  	s3 =	sld [smem:$0x3FFE];
	_ =	sdelay $0x1  }
0x8a: {  	s1 =	srdreg.scid  }
0x8b: {  	s0 =	sand.u32 $0x1, s1  }
0x8c: {  	s17 =	sshll.u32 s0, $0xA;
	s2 =	sadd.s32 s3, s2  }
0x8d: {  	s2 =	sadd.s32 s2, s17  }
0x8e: {  	[smem:$0x3FBD] =	sst s2  }
0x8f: {  	_ = 	snop  }
0x90: {  	(tm) =	ssettm $0x1  }
0x91: {  	s18 =	sld [smem:$0x3FFB];
	_ =	sdelay $0x3  }
0x92: {  	_ =	strace s18  }
0x93: {  	s2 =	sld [smem:$0x3FFC];
	_ =	sdelay $0x3  }
0x94: {  	_ =	strace s2  }
0x95: {  	s2 =	sld [smem:$0x3FFD];
	_ =	sdelay $0x3  }
0x96: {  	_ =	strace s2  }
0x97: {  	_ =	strace $0x8FFFFFFF  }
0x98: {  	s19 =	sld [smem:$0x3FDB];
	_ =	sdelay $0x1  }
0x99: {  	s20 =	simm.s32 $_scs_section_size  }
0x9a: {  	s4 =	simm.s32 $_size__tile_overlayer_lowered;
	s5 =	simm.s32 $_tile_overlayer_lowered  }
0x9b: {  	s6 =	simm.s32 $0x1BFF;
	s21 =	sshll.u32 s5, $0x1;
	s3 =	sadd.s32 s20, s19  }
0x9c: {  	s22 =	simm.s32 $0x0;
	s4 =	sshll.u32 s4, $0x1;
	s5 =	sadd.s32 s21, s3  }
0x9d: {  	[timem:s22], [sflag:s6] =	dma.local [hbm:s5], s4  }
0x9e: {  	_ =	swait.ge [sflag:s6], s4  }
0x9f: {  	s4 =	ssub.s32 $0x0, s4;
	[sflag:s6] =	ssyncset.done $0x0  }
0xa0: {  	[sflag:s6] =	ssyncadd.s32 s4;
	_ =	sdelay $0x1  }
0xa1: {  	s23 =	simm.s32 $0x1B8B  }
0xa2: {  	_ =	swait.ge [sflag:s23], $0x1  }
0xa3: {  	[sflag:s23] =	ssyncset.done $0x0  }
0xa4: {  	[sflag:s23] =	ssyncadd.s32 $0xFFFFFFFF  }
0xa5: {  	s4 =	sld [smem:$0x0]  }
0xa6: {  	s5 =	sand.u32 $0xFFFFFFFE, s1  }
0xa7: {  	p0 =	sne.s32 s1, s5  }
0xa8: {  	s5 =	sshll.u32 @p0 s5, $0xE  }
0xa9: {  	s5 =	sadd.s32 @p0 $0x11B8D, s5;
	s6 =	sshll.u32 @p0 s4, $0x11  }
0xaa: {  	s5 =	sor.u32 @p0 s6, s5  }
0xab: {  	[sflag:s5] =	ssyncadd.remote.s32 @p0 $0x1;
	_ =	sdelay $0x1  }
0xac: {  	s5 =	simm.s32 @p0 $0x1B8D  }
0xad: {  	_ =	swait.eq @p0 [sflag:s5], $0x1  }
0xae: {  	[sflag:s5] =	ssyncadd.s32 @p0 $0xFFFFFFFF  }
0xaf: {  	s6 =	sshll.u32 @!p0 s1, $0xE  }
0xb0: {  	s6 =	sor.u32 @!p0 $0x4000, s6;
	s5 =	simm.s32 @!p0 $0x1B8D  }
0xb1: {  	s4 =	sshll.u32 @!p0 s4, $0x11;
	s6 =	sadd.s32 @!p0 $0x11B8D, s6;
	_ =	swait.eq @!p0 [sflag:s5], $0x1  }
0xb2: {  	s4 =	sor.u32 @!p0 s4, s6;
	[sflag:s5] =	ssyncadd.s32 @!p0 $0xFFFFFFFF  }
0xb3: {  	s25 =	simm.s32 $0x1B8E;
	s24 =	sld [smem:$0x3FFE];
	[sflag:s4] =	ssyncadd.remote.s32 @!p0 $0x1  }
0xb4: {  	s26 =	simm.s32 $execute0_lowered;
	[smem:$0x3FD2] =	sst s25  }
0xb5: {  	s5 =	sshll.u32 s26, $0x1;
	_ =	strace $0x8000004F;
	[dreg:$0x1] =	wrdreg $0xFFFFFFFF  }
0xb6: {  	s28 =	simm.s32 $_size_execute0_lowered;
	s3 =	sadd.s32 s3, s5;
	[dreg:$0x0] =	wrdreg $0x0  }
0xb7: {  	s5 =	sshll.u32 s28, $0x1;
	[dreg:$0x2] =	wrdreg s3  }
0xb8: {  	[dreg:$0x3] =	wrdreg s5  }
0xb9: {  	[dreg:$0x4] =	wrdreg $0xC0  }
0xba: {  	_ =	task [dreg:s22], $0x5FFFF  }
0xbb: {  	[dreg:$0x1] =	wrdreg $0xFFFFFFFF  }
0xbc: {  	[dreg:$0x0] =	wrdreg $0x60  }
0xbd: {  	[dreg:$0x2] =	wrdreg s24  }
0xbe: {  	[dreg:$0x3] =	wrdreg $0x81000  }
0xbf: {  	[dreg:$0x4] =	wrdreg $0xA  }
0xc0: {  	_ =	task.clear_ibuf [dreg:s22], $0x5FFFF;
	_ =	strace $0x9000004F  }
0xc1: {  	s29 =	simm.s32 $0xA;
	_ =	strace $0x80000051  }
0xc2: {  	_ =	swait.ge [sflag:s29], $0x1  }
0xc3: {  	[sflag:s29] =	ssyncadd.s32 $0xFFFFFFFF  }
0xc4: {  	_ =	strace $0x90000051  }
0xc5: {  	_ =	sfence  }
0xc6: {  	s30 =	sld [smem:$0x0];
	_ =	sdelay $0x2  }
0xc7: {  	s31 =	sshll.u32 s1, $0xD;
	s1 =	sshrl.u32 s1, $0x2  }
0xc8: {  	s4 =	sand.u32 $0x4000, s31;
	s1 =	sadd.s32 s1, s30  }
0xc9: {  	s0 =	sor.u32 s4, s0;
	s1 =	sshll.u32 s1, $0x11  }
0xca: {  	s0 =	sor.u32 s1, s0  }
0xcb: {  	s0 =	sadd.s32 $0x8F2B, s0  }
0xcc: {  	[sflag:s0] =	ssyncadd.remote.s32 $0x1  }
0xcd: {  	_ =	sfence.sel $0xFFFF  }
0xce: {  	[dreg:$0x0] =	wrdreg $0xFFFFFFFF;
	(pc) =	sbr.abs _section_cstart, $3  }
0xcf: {  	[dreg:$0x1] =	wrdreg $0xFFFFFFFF  }
0xd0: {  	_ =	task.clear_ibuf [dreg:s22], $0x2FFFF;
	_ =	strace $0x9FFFFFFF  }
0xd1: {  	(tm) =	ssettm $0x7FFFFFFF  }
tec
execute0_lowered:
.L_overlay_start_1:
0x0: {  	(tag) =	ssettag $0x1  }
0x1: {  	s0 =	rddreg [dreg:$0x0]  }
0x2: {  	s2 =	rddreg [dreg:$0x1];
	s4 =	srdreg.scid  }
0x3: {  	s1 =	stileid.u32;
	s3 =	simm.s32 $0x0;
	s28 =	simm.s32 $0x100  }
0x4: {  	s29 =	simm.s32 $0x1;
	s30 =	simm.s32 $0x5;
	s10 =	smul.u32 $0xA000, s1  }
0x5: {  	s6 =	sand.u32 $0x1, s4;
	s13 =	sor.u32 $0x10, s1;
	s20 =	smul.u32 $0x2800, s1  }
0x6: {  	s22 =	sshll.u32 s1, $0x1;
	s11 =	sor.u32 $0x20, s1;
	s14 =	smul.u32 $0xA000, s13  }
0x7: {  	s15 =	sor.u32 $0x70, s1;
	s7 =	sor.u32 s6, s22;
	s11 =	smul.u32 $0xA000, s11  }
0x8: {  	s5 =	ssub.s32 $0x2, s6;
	s8 =	ssub.s32 $0x272, s6;
	s6 =	smul.u32 $0x138800, s6  }
0x9: {  	[smem:$0x7FF] =	sst s3;
	s12 =	sadd.s32 $0x75E200, s0;
	s17 =	smul.u32 $0xA000, s15  }
0xa: {  	p1 =	sgt.u32 s1, $0xC;
	_ =	strace $0x80000050;
	s13 =	smul.u32 $0x2800, s13  }
0xb: {  	s22 =	sshll.u32 s1, $0x5;
	p0 =	sgt.u32 s15, $0x7C;
	s4 =	sshll.u32 s7, $0xB  }
0xc: {  	s23 =	sshrl.u32 s5, $0x1;
	s24 =	sshll.u32 s7, $0x4;
	s10 =	sshrl.u32 s10, $0x2  }
0xd: {  	s7 =	sand.u32 $0x7, s7;
	s9 =	sadd.s32 s4, s0;
	s4 =	sadd.s32 $0x51C00, s0  }
0xe: {  	s0 =	ssub.s32 s5, s23;
	s5 =	sshrl.u32 s8, $0x1;
	s8 =	sadd.s32 s12, s24  }
0xf: {  	s10 =	sadd.s32 s10, s2;
	s26 =	sshrl.u32 s14, $0x2;
	s31 =	sshrl.u32 s11, $0x2  }
0x10: {  	s14 =	sadd.s32 s6, s20;
	s6 =	sadd.s32 s6, s13;
	s23 =	sor.u32 $0x200, s22  }
0x11: {  	s7 =	sshll.u32 s7, $0x4;
	[dreg:$0x3] =	wrdreg s8;
	s25 =	sadd.s32 $0x9D1A00, s9  }
0x12: {  	s8 =	ssub.s32 s5, s1;
	s0 =	smax.u32 s0, $0x1;
	[dreg:$0x4] =	wrdreg s25  }
0x13: {  	s11 =	sadd.s32 s26, s2;
	s16 =	sadd.s32 s31, s2;
	[dreg:$0x5] =	wrdreg s0  }
0x14: {  	s18 =	sadd.s32 $0x78000, s10;
	s19 =	sadd.s32 $0xA0000, s10;
	[dreg:$0x6] =	wrdreg s16  }
0x15: {  	s21 =	sadd.s32 $0xF0000, s10;
	s24 =	sand.u32 $0x380, s23;
	[dreg:$0x7] =	wrdreg s18  }
0x16: {  	s26 =	sshrl.u32 s14, $0x3;
	s6 =	sshrl.u32 s6, $0x3;
	[dreg:$0x8] =	wrdreg s19  }
0x17: {  	s31 =	sadd.s32 $0x78000, s14;
	s16 =	sadd.s32 $0xC8000, s10;
	[dreg:$0xa] =	wrdreg s21  }
0x18: {  	s23 =	sadd.s32 $0x9F1A00, s9;
	s13 =	sadd.s32 s4, s26;
	[dreg:$0x9] =	wrdreg s16  }
0x19: {  	s0 =	sshrl.u32 s17, $0x2;
	s6 =	sadd.s32 s4, s6;
	[dreg:$0xc] =	wrdreg s13  }
0x1a: {  	s26 =	sadd.s32 $0x50000, s10;
	s0 =	sadd.s32 s0, s2;
	[dreg:$0xd] =	wrdreg s6  }
0x1b: {  	s16 =	sor.u32 $0x400, s22;
	s22 =	sadd.s32 $0x9E1A00, s9;
	[dreg:$0xb] =	wrdreg s0  }
0x1c: {  	s25 =	sand.u32 $0x580, s16;
	s0 =	sadd.s32 s24, s12;
	s24 =	sadd.s32 $0x50000, s14  }
0x1d: {  	s12 =	sadd.s32 s25, s12;
	s20 =	sadd.s32 s7, s0;
	s0 =	sshrl.u32 s31, $0x3  }
0x1e: {  	v0 =	vimm.f32 $0.0e+00;
	s21 =	sadd.s32 s7, s12;
	s25 =	sadd.s32 s0, s4;
	s0 =	simm.s32 $0x3  }
.LBB2_1:
0x1f: {  	s6 =	simm.s32 $0x0;
	s7 =	simm.s32 $0x200  }
.LBB2_2:
0x20: {  	p2 =	sne.s32 s7, $0x9E00;
	[tilespmem:s6+$0x170] =	vst v0  }
0x21: {  	[tilespmem:s6+$0x100] =	vst v0  }
0x22: {  	[tilespmem:s6+$0x110] =	vst v0  }
.Ltmp0:
0x23: {  	[tilespmem:s6+$0x120] =	vst v0;
	(pc) =	sbr.rel @p2 .LBB2_2-.Ltmp0, $4  }
0x24: {  	[tilespmem:s6+$0x130] =	vst v0  }
0x25: {  	[tilespmem:s6+$0x140] =	vst v0  }
0x26: {  	[tilespmem:s6+$0x150] =	vst v0  }
0x27: {  	[tilespmem:s6+$0x160] =	vst v0;
	s6 =	sshra.s32 s7, $0x2;
	s7 =	sadd.s32 $0x200, s7  }
0x28: {  	[tilespmem:s6+$0x170] =	vst v0  }
0x29: {  	[tilespmem:s6+$0x100] =	vst v0  }
0x2a: {  	[tilespmem:s6+$0x110] =	vst v0  }
0x2b: {  	[tilespmem:s6+$0x120] =	vst v0  }
0x2c: {  	[tilespmem:s6+$0x130] =	vst v0  }
0x2d: {  	[tilespmem:s6+$0x140] =	vst v0  }
0x2e: {  	[tilespmem:s6+$0x150] =	vst v0  }
0x2f: {  	[tilespmem:s6+$0x160] =	vst v0  }
0x30: {  	[spmem:s10] =	stream.linear.scatter [tilespmem:s28], [sflag:$0x1], $0x2800, $0x38;
	[tilespmem:$0x1B980] =	vst v63  }
0x31: {  	_ = 	snop  }
0x32: {  	[spmem:s11] =	stream.linear.scatter [tilespmem:s28], [sflag:$0x1], $0x2800, $0x38;
	[tilespmem:$0x1B980] =	vst v63  }
0x33: {  	s7 =	rddreg [dreg:$0x6]  }
0x34: {  	[spmem:s7] =	stream.linear.scatter [tilespmem:s28], [sflag:$0x1], $0x2800, $0x38;
	[tilespmem:$0x1B980] =	vst v63  }
0x35: {  	s9 =	rddreg [dreg:$0x7]  }
0x36: {  	[spmem:s9] =	stream.linear.scatter [tilespmem:s28], [sflag:$0x1], $0x2800, $0x38;
	[tilespmem:$0x1B980] =	vst v63  }
0x37: {  	s12 =	rddreg [dreg:$0x8]  }
0x38: {  	[spmem:s12] =	stream.linear.scatter [tilespmem:s28], [sflag:$0x1], $0x2800, $0x38;
	[tilespmem:$0x1B980] =	vst v63  }
0x39: {  	s13 =	rddreg [dreg:$0x9]  }
0x3a: {  	[spmem:s13] =	stream.linear.scatter [tilespmem:s28], [sflag:$0x1], $0x2800, $0x38;
	[tilespmem:$0x1B980] =	vst v63  }
0x3b: {  	s14 =	rddreg [dreg:$0xa]  }
0x3c: {  	[spmem:s14] =	stream.linear.scatter [tilespmem:s28], [sflag:$0x1], $0x2800, $0x38;
	[tilespmem:$0x1B980] =	vst v63  }
0x3d: {  	s6 =	simm.s32 @!p0 $0x100;
	s7 =	rddreg [dreg:$0xb]  }
0x3e: {  	[spmem:s7] =	stream.linear.scatter @!p0 [tilespmem:s6], [sflag:$0x1], $0x2800, $0x38;
	[tilespmem:$0x1B980] =	vst v63  }
0x3f: {  	_ =	swait.ge [sflag:s29], $0x2800  }
0x40: {  	[sflag:s29] =	ssyncset.done $0x0  }
0x41: {  	[sflag:s29] =	ssyncadd.s32 $0xFFFFD800  }
0x42: {  	_ =	swait.ge [sflag:s29], $0x2800  }
0x43: {  	[sflag:s29] =	ssyncset.done $0x0  }
0x44: {  	[sflag:s29] =	ssyncadd.s32 $0xFFFFD800  }
0x45: {  	_ =	swait.ge [sflag:s29], $0x2800  }
0x46: {  	[sflag:s29] =	ssyncset.done $0x0  }
0x47: {  	[sflag:s29] =	ssyncadd.s32 $0xFFFFD800  }
0x48: {  	_ =	swait.ge [sflag:s29], $0x2800  }
0x49: {  	[sflag:s29] =	ssyncset.done $0x0  }
0x4a: {  	[sflag:s29] =	ssyncadd.s32 $0xFFFFD800  }
0x4b: {  	_ =	swait.ge [sflag:s29], $0x2800  }
0x4c: {  	[sflag:s29] =	ssyncset.done $0x0  }
0x4d: {  	[sflag:s29] =	ssyncadd.s32 $0xFFFFD800  }
0x4e: {  	_ =	swait.ge [sflag:s29], $0x2800  }
0x4f: {  	[sflag:s29] =	ssyncset.done $0x0  }
0x50: {  	[sflag:s29] =	ssyncadd.s32 $0xFFFFD800  }
0x51: {  	_ =	swait.ge [sflag:s29], $0x2800  }
0x52: {  	[sflag:s29] =	ssyncset.done $0x0  }
0x53: {  	s6 =	simm.s32 @!p1 $0x1;
	[sflag:s29] =	ssyncadd.s32 $0xFFFFD800  }
0x54: {  	_ =	swait.ge @!p1 [sflag:s6], $0x2800  }
0x55: {  	[sflag:s6] =	ssyncset.done @!p1 $0x0  }
0x56: {  	[sflag:s6] =	ssyncadd.s32 @!p1 $0xFFFFD800  }
0x57: {  	s18 =	sadd.s32 $0x0, s1;
	[bflag:$0x0] =	sbarrier.arrive $0xFFFF  }
0x58: {  	s15 =	simm.s32 $0x0;
	s19 =	sadd.s32 $0x10, s18;
	s16 =	rddreg [dreg:$0x3]  }
0x59: {  	[tilespmem:s15], [sflag:$0x1] =	stream.linear.gather [hbm4b:s16+s15], $0x80, $0x38;
	[tilespmem:$0x1B980] =	vst v63  }
0x5a: {  	p3 =	sle.u32 s8, $0x0;
	p2 =	sge.u32 s19, s5;
	s17 =	rddreg [dreg:$0x4]  }
0x5b: {  	[tilespmem:s28], [sflag:$0x3] =	stream.linear.gather [hbm4b:s17+s15], $0x4000, $0x38;
	[tilespmem:$0x1B980] =	vst v63  }
0x5c: {  	s9 =	simm.s32 @!p2 $0x0;
	s12 =	simm.s32 @!p2 $0x80;
	s7 =	sadd.s32 @!p2 $0x0, s20  }
0x5d: {  	[tilespmem:s12], [sflag:$0x2] =	stream.linear.gather @!p2 [hbm4b:s7+s9], $0x80, $0x38;
	[tilespmem:$0x1B980] =	vst v63  }
0x5e: {  	s14 =	simm.s32 @!p2 $0x4100;
	p2 =	por p2, p2;
	s7 =	simm.s32 @!p3 $0x1  }
0x5f: {  	[tilespmem:s14], [sflag:$0x4] =	stream.linear.gather @!p2 [hbm4b:s22+s9], $0x4000, $0x38;
	[tilespmem:$0x1B980] =	vst v63  }
0x60: {  	_ =	swait.ge @!p3 [sflag:s7], $0x80  }
0x61: {  	[sflag:s7] =	ssyncset.done @!p3 $0x0  }
0x62: {  	[sflag:s7] =	ssyncadd.s32 @!p3 $0xFFFFFF80;
	s7 =	simm.s32 @!p3 $0x3  }
0x63: {  	_ =	swait.ge @!p3 [sflag:s7], $0x4000  }
0x64: {  	s13 =	simm.s32 @!p3 $0x6;
	s15 =	simm.s32 @!p3 $0x0;
	[sflag:s7] =	ssyncset.done @!p3 $0x0  }
0x65: {  	s9 =	simm.s32 @!p3 $0x100;
	[sflag:s7] =	ssyncadd.s32 @!p3 $0xFFFFC000;
	s7 =	simm.s32 @!p3 $0x80  }
0x66: {  	[spmem:s2] =	stream.indirect.scatter.add.f32 @!p3 [tilespmem:s9], [sflag:$0x6], $0x80, s15, s7, $0xb8;
	[tilespmem:$0x1B980] =	vst v63  }
0x67: {  	s6 =	sadd.s32 $0x20, s18;
	_ =	swait.ge @!p3 [sflag:s13], $0x4000  }
0x68: {  	p4 =	sge.u32 s6, s5;
	[sflag:s13] =	ssyncset.done @!p3 $0x0  }
0x69: {  	s6 =	sadd.s32 @!p4 $0x0, s21;
	s7 =	simm.s32 @!p4 $0x0;
	[sflag:s13] =	ssyncadd.s32 @!p3 $0xFFFFC000  }
0x6a: {  	[tilespmem:s7], [sflag:$0x1] =	stream.linear.gather @!p4 [hbm4b:s6+s7], $0x80, $0x38;
	[tilespmem:$0x1B980] =	vst v63  }
0x6b: {  	s9 =	simm.s32 @!p2 $0x2;
	s6 =	simm.s32 @!p4 $0x100  }
0x6c: {  	[tilespmem:s6], [sflag:$0x3] =	stream.linear.gather @!p4 [hbm4b:s23+s7], $0x4000, $0x38;
	[tilespmem:$0x1B980] =	vst v63  }
0x6d: {  	_ =	swait.ge @!p2 [sflag:s9], $0x80  }
0x6e: {  	[sflag:s9] =	ssyncset.done @!p2 $0x0  }
0x6f: {  	s31 =	sadd.s32 $0x20, s1;
	s15 =	simm.s32 @!p2 $0x4;
	[sflag:s9] =	ssyncadd.s32 @!p2 $0xFFFFFF80  }
0x70: {  	s18 =	sadd.s32 $0x10, s31;
	_ =	swait.ge @!p2 [sflag:s15], $0x4000  }
0x71: {  	s17 =	simm.s32 @!p2 $0x5;
	s13 =	simm.s32 $0x800;
	[sflag:s15] =	ssyncset.done @!p2 $0x0  }
0x72: {  	s7 =	simm.s32 $0x400;
	s6 =	sadd.s32 $0x20000, s23;
	[sflag:s15] =	ssyncadd.s32 @!p2 $0xFFFFC000  }
0x73: {  	[spmem:s2] =	stream.indirect.scatter.add.f32 @!p2 [tilespmem:s14], [sflag:$0x5], $0x80, s12, s12, $0xb8;
	[tilespmem:$0x1B980] =	vst v63  }
0x74: {  	s9 =	simm.s32 $0x20;
	s15 =	sadd.s32 $0x20, s31;
	s12 =	sadd.s32 $0x20000, s22  }
.LBB2_4:
0x75: {  	p5 =	sge.u32 s18, s5  }
0x76: {  	_ =	swait.ge @!p2 [sflag:s17], $0x4000;
	s18 =	smov.u32 s13;
	s13 =	sadd.s32 $0x400, s13  }
0x77: {  	s16 =	sadd.s32 @!p5 s7, s20;
	s19 =	simm.s32 @!p5 $0x0;
	[sflag:s17] =	ssyncset.done @!p2 $0x0  }
0x78: {  	p3 =	sne.s32 s13, $0x2C00;
	s14 =	simm.s32 @!p5 $0x80;
	[sflag:s17] =	ssyncadd.s32 @!p2 $0xFFFFC000  }
0x79: {  	[tilespmem:s14], [sflag:$0x2] =	stream.linear.gather @!p5 [hbm4b:s16+s19], $0x80, $0x38;
	[tilespmem:$0x1B980] =	vst v63  }
0x7a: {  	p4 =	sge.u32 s9, s8;
	p2 =	por p5, p5;
	s16 =	simm.s32 @!p5 $0x4100  }
0x7b: {  	[tilespmem:s16], [sflag:$0x4] =	stream.linear.gather @!p2 [hbm4b:s12+s19], $0x4000, $0x38;
	[tilespmem:$0x1B980] =	vst v63  }
0x7c: {  	s17 =	simm.s32 @!p4 $0x1  }
0x7d: {  	_ =	swait.ge @!p4 [sflag:s17], $0x80  }
0x7e: {  	[sflag:s17] =	ssyncset.done @!p4 $0x0  }
0x7f: {  	[sflag:s17] =	ssyncadd.s32 @!p4 $0xFFFFFF80;
	s17 =	simm.s32 @!p4 $0x3  }
0x80: {  	p5 =	sge.u32 s15, s5;
	_ =	swait.ge @!p4 [sflag:s17], $0x4000  }
0x81: {  	s15 =	simm.s32 @!p4 $0x100;
	s19 =	simm.s32 @!p4 $0x6;
	[sflag:s17] =	ssyncset.done @!p4 $0x0  }
0x82: {  	s31 =	simm.s32 @!p4 $0x0;
	[sflag:s17] =	ssyncadd.s32 @!p4 $0xFFFFC000;
	s17 =	simm.s32 @!p4 $0x80  }
0x83: {  	[spmem:s2] =	stream.indirect.scatter.add.f32 @!p4 [tilespmem:s15], [sflag:$0x6], $0x80, s31, s17, $0xb8;
	[tilespmem:$0x1B980] =	vst v63  }
0x84: {  	s15 =	sadd.s32 @!p5 s7, s21;
	s17 =	simm.s32 @!p5 $0x0;
	_ =	swait.ge @!p4 [sflag:s19], $0x4000  }
0x85: {  	s7 =	smov.u32 s18;
	[sflag:s19] =	ssyncset.done @!p4 $0x0  }
0x86: {  	[sflag:s19] =	ssyncadd.s32 @!p4 $0xFFFFC000  }
0x87: {  	[tilespmem:s17], [sflag:$0x1] =	stream.linear.gather @!p5 [hbm4b:s15+s17], $0x80, $0x38;
	[tilespmem:$0x1B980] =	vst v63  }
0x88: {  	s18 =	simm.s32 @!p2 $0x2;
	s15 =	simm.s32 @!p5 $0x100  }
0x89: {  	[tilespmem:s15], [sflag:$0x3] =	stream.linear.gather @!p5 [hbm4b:s6+s17], $0x4000, $0x38;
	[tilespmem:$0x1B980] =	vst v63  }
0x8a: {  	s19 =	simm.s32 @!p2 $0x4;
	_ =	swait.ge @!p2 [sflag:s18], $0x80  }
0x8b: {  	[sflag:s18] =	ssyncset.done @!p2 $0x0  }
.Ltmp1:
0x8c: {  	s6 =	sadd.s32 $0x20000, s6;
	[sflag:s18] =	ssyncadd.s32 @!p2 $0xFFFFFF80;
	(pc) =	sbr.rel @p3 .LBB2_4-.Ltmp1, $4  }
0x8d: {  	s9 =	sadd.s32 $0x20, s9;
	s17 =	simm.s32 @!p2 $0x5;
	_ =	swait.ge @!p2 [sflag:s19], $0x4000  }
0x8e: {  	s12 =	sadd.s32 $0x20000, s12;
	s15 =	sadd.s32 s9, s1;
	[sflag:s19] =	ssyncset.done @!p2 $0x0  }
0x8f: {  	s18 =	sadd.s32 $0x10, s15;
	s15 =	sadd.s32 $0x20, s15;
	[sflag:s19] =	ssyncadd.s32 @!p2 $0xFFFFC000  }
0x90: {  	[spmem:s2] =	stream.indirect.scatter.add.f32 @!p2 [tilespmem:s16], [sflag:$0x5], $0x80, s14, s14, $0xb8;
	[tilespmem:$0x1B980] =	vst v63  }
0x91: {  	p4 =	sge.u32 s18, s5;
	_ =	swait.ge @!p2 [sflag:s17], $0x4000  }
0x92: {  	p3 =	sge.u32 s9, s8;
	s13 =	sadd.s32 @!p4 s7, s20;
	[sflag:s17] =	ssyncset.done @!p2 $0x0  }
0x93: {  	s14 =	simm.s32 @!p4 $0x0;
	s16 =	simm.s32 @!p4 $0x80;
	[sflag:s17] =	ssyncadd.s32 @!p2 $0xFFFFC000  }
0x94: {  	[tilespmem:s16], [sflag:$0x2] =	stream.linear.gather @!p4 [hbm4b:s13+s14], $0x80, $0x38;
	[tilespmem:$0x1B980] =	vst v63  }
0x95: {  	s9 =	simm.s32 @!p3 $0x1;
	p2 =	por p4, p4;
	s13 =	simm.s32 @!p4 $0x4100  }
0x96: {  	[tilespmem:s13], [sflag:$0x4] =	stream.linear.gather @!p2 [hbm4b:s12+s14], $0x4000, $0x38;
	[tilespmem:$0x1B980] =	vst v63  }
0x97: {  	_ =	swait.ge @!p3 [sflag:s9], $0x80  }
0x98: {  	[sflag:s9] =	ssyncset.done @!p3 $0x0  }
0x99: {  	[sflag:s9] =	ssyncadd.s32 @!p3 $0xFFFFFF80;
	s9 =	simm.s32 @!p3 $0x3  }
0x9a: {  	_ =	swait.ge @!p3 [sflag:s9], $0x4000  }
0x9b: {  	s12 =	simm.s32 @!p3 $0x100;
	[sflag:s9] =	ssyncset.done @!p3 $0x0  }
0x9c: {  	s14 =	simm.s32 @!p3 $0x0;
	[sflag:s9] =	ssyncadd.s32 @!p3 $0xFFFFC000;
	s9 =	simm.s32 @!p3 $0x80  }
0x9d: {  	[spmem:s2] =	stream.indirect.scatter.add.f32 @!p3 [tilespmem:s12], [sflag:$0x6], $0x80, s14, s9, $0xb8;
	[tilespmem:$0x1B980] =	vst v63  }
0x9e: {  	s9 =	simm.s32 @!p3 $0x6  }
0x9f: {  	_ =	swait.ge @!p3 [sflag:s9], $0x4000  }
0xa0: {  	p4 =	sge.u32 s15, s5;
	[sflag:s9] =	ssyncset.done @!p3 $0x0  }
0xa1: {  	s7 =	sadd.s32 @!p4 s7, s21;
	s12 =	simm.s32 @!p4 $0x0;
	[sflag:s9] =	ssyncadd.s32 @!p3 $0xFFFFC000  }
0xa2: {  	[tilespmem:s12], [sflag:$0x1] =	stream.linear.gather @!p4 [hbm4b:s7+s12], $0x80, $0x38;
	[tilespmem:$0x1B980] =	vst v63  }
0xa3: {  	s9 =	simm.s32 @!p2 $0x2;
	s7 =	simm.s32 @!p4 $0x100  }
0xa4: {  	[tilespmem:s7], [sflag:$0x3] =	stream.linear.gather @!p4 [hbm4b:s6+s12], $0x4000, $0x38;
	[tilespmem:$0x1B980] =	vst v63  }
0xa5: {  	_ =	swait.ge @!p2 [sflag:s9], $0x80  }
0xa6: {  	[sflag:s9] =	ssyncset.done @!p2 $0x0  }
0xa7: {  	s6 =	simm.s32 @!p2 $0x4;
	[sflag:s9] =	ssyncadd.s32 @!p2 $0xFFFFFF80  }
0xa8: {  	_ =	swait.ge @!p2 [sflag:s6], $0x4000  }
0xa9: {  	[sflag:s6] =	ssyncset.done @!p2 $0x0  }
0xaa: {  	s7 =	simm.s32 @!p2 $0x5;
	[sflag:s6] =	ssyncadd.s32 @!p2 $0xFFFFC000  }
0xab: {  	[spmem:s2] =	stream.indirect.scatter.add.f32 @!p2 [tilespmem:s13], [sflag:$0x5], $0x80, s16, s16, $0xb8;
	[tilespmem:$0x1B980] =	vst v63  }
0xac: {  	_ =	swait.ge @!p2 [sflag:s7], $0x4000  }
0xad: {  	[sflag:s7] =	ssyncset.done @!p2 $0x0  }
0xae: {  	[sflag:s7] =	ssyncadd.s32 @!p2 $0xFFFFC000  }
0xaf: {  	[bflag:$0x0] =	sbarrier.arrive $0xFFFF  }
0xb0: {  	[tilespmem:s28], [sflag:$0x5] =	stream.linear.gather [spmem:s10], $0x2800, $0x38;
	[tilespmem:$0x1B980] =	vst v63  }
0xb1: {  	_ =	swait.ge [sflag:s30], $0x2800  }
0xb2: {  	[sflag:s30] =	ssyncset.done $0x0  }
0xb3: {  	s14 =	simm.s32 $0x0;
	s15 =	rddreg [dreg:$0xc];
	[sflag:s30] =	ssyncadd.s32 $0xFFFFD800  }
0xb4: {  	[hbm4b:s15+s14] =	stream.linear.scatter [tilespmem:s28], [sflag:$0x3], $0x2800, $0x38;
	[tilespmem:$0x1B980] =	vst v63  }
0xb5: {  	s16 =	simm.s32 $0x4100  }
0xb6: {  	[tilespmem:s16], [sflag:$0x5] =	stream.linear.gather [spmem:s11], $0x2800, $0x38;
	[tilespmem:$0x1B980] =	vst v63  }
0xb7: {  	_ =	swait.ge [sflag:s30], $0x2800  }
0xb8: {  	[sflag:s30] =	ssyncset.done $0x0  }
0xb9: {  	s18 =	sadd.s32 $0x0, s1;
	s17 =	rddreg [dreg:$0xd];
	[sflag:s30] =	ssyncadd.s32 $0xFFFFD800  }
0xba: {  	[hbm4b:s17+s14] =	stream.linear.scatter [tilespmem:s16], [sflag:$0x4], $0x2800, $0x38;
	[tilespmem:$0x1B980] =	vst v63  }
0xbb: {  	s19 =	sadd.s32 $0x20, s18;
	_ =	swait.ge [sflag:s0], $0x2800  }
0xbc: {  	p2 =	sgt.u32 s19, $0x7C;
	[sflag:s0] =	ssyncset.done $0x0  }
0xbd: {  	s7 =	simm.s32 @!p2 $0x100;
	s9 =	simm.s32 @!p2 $0x5;
	[sflag:s0] =	ssyncadd.s32 $0xFFFFD800  }
0xbe: {  	[tilespmem:s7], [sflag:$0x5] =	stream.linear.gather @!p2 [spmem:s26], $0x2800, $0x38;
	[tilespmem:$0x1B980] =	vst v63  }
0xbf: {  	s31 =	sadd.s32 $0x10, s18;
	_ =	swait.ge @!p2 [sflag:s9], $0x2800  }
0xc0: {  	p3 =	sgt.u32 s31, $0x7C;
	s12 =	sshrl.u32 @!p2 s24, $0x3;
	[sflag:s9] =	ssyncset.done @!p2 $0x0  }
0xc1: {  	s12 =	sadd.s32 @!p2 s4, s12;
	[sflag:s9] =	ssyncadd.s32 @!p2 $0xFFFFD800;
	s9 =	simm.s32 @!p2 $0x0  }
0xc2: {  	[hbm4b:s12+s9] =	stream.linear.scatter @!p2 [tilespmem:s7], [sflag:$0x3], $0x2800, $0x38;
	[tilespmem:$0x1B980] =	vst v63  }
0xc3: {  	s6 =	sadd.s32 $0x30, s18;
	s7 =	simm.s32 @!p3 $0x4  }
0xc4: {  	s13 =	smov.u32 s25;
	p2 =	sgt.u32 s6, $0x7C;
	_ =	swait.ge @!p3 [sflag:s7], $0x2800  }
0xc5: {  	s6 =	simm.s32 $0x20;
	s9 =	sadd.s32 @!p2 $0x28000, s26;
	[sflag:s7] =	ssyncset.done @!p3 $0x0  }
0xc6: {  	s14 =	simm.s32 @!p2 $0x4100;
	s15 =	simm.s32 @!p2 $0x5;
	[sflag:s7] =	ssyncadd.s32 @!p3 $0xFFFFD800  }
0xc7: {  	[tilespmem:s14], [sflag:$0x5] =	stream.linear.gather @!p2 [spmem:s9], $0x2800, $0x38;
	[tilespmem:$0x1B980] =	vst v63  }
0xc8: {  	s12 =	sadd.s32 $0x50000, s26;
	s16 =	simm.s32 @!p2 $0x0;
	_ =	swait.ge @!p2 [sflag:s15], $0x2800  }
0xc9: {  	s7 =	sadd.s32 $0x50000, s24;
	s9 =	sadd.s32 $0xA000, s25;
	[sflag:s15] =	ssyncset.done @!p2 $0x0  }
.LBB2_6:
0xca: {  	s17 =	sadd.s32 s6, s1;
	s6 =	sadd.s32 $0x20, s6;
	[sflag:s15] =	ssyncadd.s32 @!p2 $0xFFFFD800  }
0xcb: {  	[hbm4b:s13+s16] =	stream.linear.scatter @!p2 [tilespmem:s14], [sflag:$0x4], $0x2800, $0x38;
	[tilespmem:$0x1B980] =	vst v63  }
0xcc: {  	s13 =	sadd.s32 $0x20, s17;
	s14 =	sadd.s32 $0x10, s17;
	_ =	swait.ge [sflag:s0], $0x2800  }
0xcd: {  	s15 =	sadd.s32 $0x30, s17;
	p2 =	sgt.u32 s13, $0x7C;
	[sflag:s0] =	ssyncset.done $0x0  }
0xce: {  	s16 =	simm.s32 @!p2 $0x100;
	s17 =	simm.s32 @!p2 $0x5;
	[sflag:s0] =	ssyncadd.s32 $0xFFFFD800  }
0xcf: {  	[tilespmem:s16], [sflag:$0x5] =	stream.linear.gather @!p2 [spmem:s12], $0x2800, $0x38;
	[tilespmem:$0x1B980] =	vst v63  }
0xd0: {  	p3 =	sne.s32 s6, $0x80;
	s13 =	sshrl.u32 @!p2 s7, $0x3;
	_ =	swait.ge @!p2 [sflag:s17], $0x2800  }
0xd1: {  	s18 =	sadd.s32 @!p2 s4, s13;
	s13 =	smov.u32 s9;
	[sflag:s17] =	ssyncset.done @!p2 $0x0  }
0xd2: {  	p4 =	sgt.u32 s14, $0x7C;
	[sflag:s17] =	ssyncadd.s32 @!p2 $0xFFFFD800;
	s17 =	simm.s32 @!p2 $0x0  }
0xd3: {  	[hbm4b:s18+s17] =	stream.linear.scatter @!p2 [tilespmem:s16], [sflag:$0x3], $0x2800, $0x38;
	[tilespmem:$0x1B980] =	vst v63  }
0xd4: {  	s16 =	simm.s32 @!p4 $0x4;
	p2 =	sgt.u32 s15, $0x7C  }
0xd5: {  	s17 =	sadd.s32 @!p2 $0x28000, s12;
	_ =	swait.ge @!p4 [sflag:s16], $0x2800  }
.Ltmp2:
0xd6: {  	s14 =	simm.s32 @!p2 $0x4100;
	[sflag:s16] =	ssyncset.done @!p4 $0x0;
	(pc) =	sbr.rel @p3 .LBB2_6-.Ltmp2, $4  }
0xd7: {  	s15 =	simm.s32 @!p2 $0x5;
	[sflag:s16] =	ssyncadd.s32 @!p4 $0xFFFFD800  }
0xd8: {  	[tilespmem:s14], [sflag:$0x5] =	stream.linear.gather @!p2 [spmem:s17], $0x2800, $0x38;
	[tilespmem:$0x1B980] =	vst v63  }
0xd9: {  	s7 =	sadd.s32 $0x50000, s7;
	s9 =	sadd.s32 $0xA000, s9;
	_ =	swait.ge @!p2 [sflag:s15], $0x2800  }
0xda: {  	s12 =	sadd.s32 $0x50000, s12;
	s16 =	simm.s32 @!p2 $0x0;
	[sflag:s15] =	ssyncset.done @!p2 $0x0  }
0xdb: {  	[sflag:s15] =	ssyncadd.s32 @!p2 $0xFFFFD800;
	s3 =	sadd.s32 $0x1, s3;
	s6 =	rddreg [dreg:$0x5]  }
0xdc: {  	[hbm4b:s13+s16] =	stream.linear.scatter @!p2 [tilespmem:s14], [sflag:$0x4], $0x2800, $0x38;
	[tilespmem:$0x1B980] =	vst v63  }
0xdd: {  	p2 =	sne.s32 s3, s6  }
.Ltmp3:
0xde: {  	_ = 	snop;
	(pc) =	sbr.rel @p2 .LBB2_1-.Ltmp3, $1  }
0xdf: {  	_ =	sdelay $0x3  }
0xe0: {  	_ =	sfence.sel $0x180000  }
0xe1: {  	[bflag:$0x0] =	sbarrier.arrive $0xFFFF  }
0xe2: {  	_ =	strace $0x90000050  }
0xe3: {  	[bflag:$0x2] =	sbarrier.arrive $0xFFFF  }
0xe4: {  	p0 =	sne.s32 s1, $0x0;
	s0 =	rddreg [dreg:$0x2]  }
0xe5: {  	s0 =	sadd.s32 @!p0 $0x100000, s0  }
0xe6: {  	[sflag:s0] =	ssyncadd.tile.s32 @!p0 $0x1;
	_ =	shalt  }
.Lfunc_end2:
_tile_overlayer_lowered:
.L_overlay_start_2:
0xe7: {  	(tag) =	ssettag $0x2  }
0xe8: {  	s0 =	rddreg [dreg:$0x0];
	s2 =	stileid.u32  }
0xe9: {  	s1 =	rddreg [dreg:$0x1];
	p0 =	sne.s32 s2, $0x0  }
0xea: {  	s3 =	rddreg [dreg:$0x2];
	[bflag:$0x3] =	sbarrier.arrive $0xFFFF;
	s2 =	simm.s32 @!p0 $0x1C05  }
0xeb: {  	[timem:s3], [sflag:s2] =	dma.local @!p0 [hbm:s0], s1  }
0xec: {  	s0 =	simm.s32 @!p0 $0x5  }
0xed: {  	_ =	swait.ge @!p0 [sflag:s0], s1  }
0xee: {  	s1 =	ssub.s32 @!p0 $0x0, s1;
	[sflag:s0] =	ssyncset.done @!p0 $0x0  }
0xef: {  	[sflag:s0] =	ssyncadd.s32 @!p0 s1  }
0xf0: {  	[bflag:$0x3] =	sbarrier.arrive $0xFFFF  }
0xf1: {  	_ =	shalt  }

</sc_bundles>
